<compile_context>
chip_gen: v7x
topology: tpu7x:2x2x1
jax: 0.10.2.dev20260603
libtpu: 0.0.44.dev20260713+nightly
codegen_flags: <defaults>
</compile_context>

<pallas_src>
import functools

import jax
import jax.numpy as jnp
from jax import lax
from jax.experimental import pallas as pl
from jax.experimental.pallas import tpu as pltpu
from jax.experimental.pallas import tpu_sc as plsc

_KB, _KMIN, _KMAX = 32.0, 8.0, 128.0
_RADIUS = 0.05
_ROWBLK = 256

_NC, _NS = 2, 16
_NW = _NC * _NS
_CAP = 256
_CBUF = _CAP + 16
_K = 128



def _dist_kernel(pts_ref, ptsT_ref, s_ref, cnt_ref):
    acc = None
    for d in range(3):
        a = pts_ref[0, :, d:d + 1]
        b = ptsT_ref[0, d:d + 1, :]
        df = a - b
        acc = df * df if acc is None else acc + df * df
    s = acc + 1e-8
    cnt_ref[0, :, :] = jnp.sum((s < 0.0025).astype(jnp.float32), axis=1,
                               keepdims=True)
    s_ref[0, :, :] = jnp.where(acc == 0.0, jnp.inf, s)


def _post_kernel(cnt_ref, stop_ref, gamma_ref, mask_ref, dist_ref):
    n = cnt_ref.shape[1]
    cnt = cnt_ref[...]
    density = cnt / (n * _RADIUS ** 3 + 1e-8)
    mean_density = jnp.mean(density, axis=1, keepdims=True)
    gamma = 1.0 / (1.0 + jnp.exp(-gamma_ref[0, 0]))
    x = mean_density / (density + 1e-8)
    ratio = jnp.exp(gamma * jnp.log(x))
    k_values = jnp.clip(_KB * ratio, _KMIN, _KMAX).astype(jnp.int32)
    k_iota = jax.lax.broadcasted_iota(jnp.int32, mask_ref.shape, 2)
    mask_ref[...] = (k_iota < k_values).astype(jnp.int8)
    dist_ref[...] = jnp.sqrt(stop_ref[...])



def _vsort(v):
    return jnp.sort(v)


def _bitonic_merge_kv(K, V):
    n = len(K)
    if n == 1:
        k, v = plsc.sort_key_val(K[0], V[0])
        return [k], [v]
    h = n // 2
    lo_k, lo_v, hi_k, hi_v = [], [], [], []
    for i in range(h):
        m = K[i] <= K[i + h]
        lo_k.append(jnp.where(m, K[i], K[i + h]))
        lo_v.append(jnp.where(m, V[i], V[i + h]))
        hi_k.append(jnp.where(m, K[i + h], K[i]))
        hi_v.append(jnp.where(m, V[i + h], V[i]))
    a_k, a_v = _bitonic_merge_kv(lo_k, lo_v)
    b_k, b_v = _bitonic_merge_kv(hi_k, hi_v)
    return a_k + b_k, a_v + b_v


def _merge_runs_kv(a_k, a_v, b_k, b_v):
    br_k = [jnp.flip(b, 0) for b in reversed(b_k)]
    br_v = [jnp.flip(b, 0) for b in reversed(b_v)]
    return _bitonic_merge_kv(a_k + br_k, a_v + br_v)


def _sort_kv(keys, vals):
    runs = []
    for k, v in zip(keys, vals):
        sk, sv = plsc.sort_key_val(k, v)
        runs.append(([sk], [sv]))
    while len(runs) > 1:
        nxt = []
        for i in range(0, len(runs), 2):
            nxt.append(_merge_runs_kv(*runs[i], *runs[i + 1]))
        runs = nxt
    return runs[0]


def _sort_kv_lowhalf(keys, vals):
    runs = []
    for k, v in zip(keys, vals):
        sk, sv = plsc.sort_key_val(k, v)
        runs.append(([sk], [sv]))
    while len(runs) > 2:
        nxt = []
        for i in range(0, len(runs), 2):
            nxt.append(_merge_runs_kv(*runs[i], *runs[i + 1]))
        runs = nxt
    (a_k, a_v), (b_k, b_v) = runs
    br_k = [jnp.flip(b, 0) for b in reversed(b_k)]
    br_v = [jnp.flip(b, 0) for b in reversed(b_v)]
    lo_k, lo_v = [], []
    for i in range(len(a_k)):
        m = a_k[i] <= br_k[i]
        lo_k.append(jnp.where(m, a_k[i], br_k[i]))
        lo_v.append(jnp.where(m, a_v[i], br_v[i]))
    return _bitonic_merge_kv(lo_k, lo_v)


def _smallest32(vs):
    vs = [_vsort(v) for v in vs]
    runs = []
    for i in range(0, len(vs), 2):
        a, b = vs[i], vs[i + 1]
        fb = jnp.flip(b, 0)
        lo, hi = jnp.minimum(a, fb), jnp.maximum(a, fb)
        runs.append([_vsort(lo), _vsort(hi)])
    while len(runs) > 1:
        nxt = []
        for i in range(0, len(runs), 2):
            a0, a1 = runs[i]
            b0, b1 = runs[i + 1]
            fb0, fb1 = jnp.flip(b0, 0), jnp.flip(b1, 0)
            l0, l1 = jnp.minimum(a0, fb1), jnp.minimum(a1, fb0)
            m0, m1 = jnp.minimum(l0, l1), jnp.maximum(l0, l1)
            nxt.append([_vsort(m0), _vsort(m1)])
        runs = nxt
    return runs[0]



def _compress(srow_buf, ci, t, iota):
    pad16 = jnp.full((16,), 2048, jnp.int32)
    for q in range(_CBUF // 16):
        ci[pl.ds(q * 16, 16)] = pad16

    @plsc.parallel_loop(0, 2048 // 16, unroll=8,
                        carry=jnp.full((16,), -1, jnp.int32))
    def cnt16(j, acc):
        v = srow_buf[pl.ds(j * 16, 16)]
        m = v < t
        pos = plsc.cumsum(m.astype(jnp.int32)) + acc
        plsc.store_scatter(ci, [pos], iota + j * 16, mask=m)
        return acc + plsc.all_reduce_population_count(m)

    return jnp.max(cnt16) + 1


def _select_row(srow_buf, oidx, osel, ci, rl, iota):
    samples = [srow_buf[pl.ds(q * 128 + 56, 16)] for q in range(16)]
    s32 = _smallest32(samples)
    t0 = jnp.max(jnp.where(iota == 7, s32[1], -jnp.inf))

    cnt0 = _compress(srow_buf, ci, t0, iota)

    def cond(st):
        t, lo, hi, cnt, it = st
        bad = jnp.logical_or(cnt < _K, cnt > _CAP)
        return jnp.logical_and(bad, it < 24)

    def body(st):
        t, lo, hi, cnt, it = st
        lo2 = jnp.where(cnt < _K, t, lo)
        hi2 = jnp.where(cnt > _CAP, t, hi)
        t2 = jnp.where(
            hi2 == jnp.inf, t * 4.0,
            jnp.where(lo2 == 0.0, t * 0.25, 0.5 * (lo2 + hi2)))
        cnt2 = _compress(srow_buf, ci, t2, iota)
        return t2, lo2, hi2, cnt2, it + 1

    lax.while_loop(cond, body,
                   (t0, jnp.float32(0.0), jnp.float32(jnp.inf),
                    cnt0, jnp.int32(0)))

    vals = [ci[pl.ds(q * 16, 16)] for q in range(_CAP // 16)]
    keys = [plsc.load_gather(srow_buf, [v]) for v in vals]
    sk, sv = _sort_kv_lowhalf(keys, vals)
    for q in range(_K // 16):
        osel[rl, pl.ds(q * 16, 16)] = sk[q]
        oidx[rl, pl.ds(q * 16, 16)] = sv[q]


def _select_body(s_hbm, outi_hbm, outs_hbm, srow0, srow1, oidx, osel, ci,
                 sem0, sem1):
    wid = lax.axis_index("s") * _NC + lax.axis_index("c")
    base = wid * _K
    iota = lax.iota(jnp.int32, 16)
    inf16 = jnp.full((16,), jnp.inf, jnp.float32)
    srow0[pl.ds(2048, 16)] = inf16
    srow1[pl.ds(2048, 16)] = inf16

    pltpu.async_copy(s_hbm.at[base], srow0.at[pl.ds(0, 2048)], sem0)

    def row_pair(rp, carry):
        r0 = 2 * rp
        pltpu.make_async_copy(s_hbm.at[base],
                              srow0.at[pl.ds(0, 2048)], sem0).wait()
        pltpu.async_copy(s_hbm.at[base + r0 + 1],
                         srow1.at[pl.ds(0, 2048)], sem1)
        _select_row(srow0, oidx, osel, ci, r0, iota)
        pltpu.make_async_copy(s_hbm.at[base],
                              srow1.at[pl.ds(0, 2048)], sem1).wait()
        pltpu.async_copy(s_hbm.at[base + jnp.minimum(r0 + 2, _K - 1)],
                         srow0.at[pl.ds(0, 2048)], sem0)
        _select_row(srow1, oidx, osel, ci, r0 + 1, iota)
        return carry

    lax.fori_loop(0, _K // 2, row_pair, jnp.int32(0))
    pltpu.make_async_copy(s_hbm.at[base],
                          srow0.at[pl.ds(0, 2048)], sem0).wait()
    pltpu.sync_copy(oidx, outi_hbm.at[pl.ds(base, _K)])
    pltpu.sync_copy(osel, outs_hbm.at[pl.ds(base, _K)])


def _make_select(rows, n):
    mesh = plsc.VectorSubcoreMesh(core_axis_name="c", subcore_axis_name="s",
                                  num_cores=_NC, num_subcores=_NS)
    return pl.kernel(
        _select_body,
        out_type=[
            jax.ShapeDtypeStruct((rows, _K), jnp.int32),
            jax.ShapeDtypeStruct((rows, _K), jnp.float32),
        ],
        mesh=mesh,
        compiler_params=pltpu.CompilerParams(needs_layout_passes=False),
        scratch_types=[
            pltpu.VMEM((n + 16,), jnp.float32),
            pltpu.VMEM((n + 16,), jnp.float32),
            pltpu.VMEM((_K, _K), jnp.int32),
            pltpu.VMEM((_K, _K), jnp.float32),
            pltpu.VMEM((n + 16,), jnp.int32),
            pltpu.SemaphoreType.DMA,
            pltpu.SemaphoreType.DMA,
        ],
    )



def kernel(coords, times, features, gamma_param):
    del features
    B, N, _ = coords.shape
    pts = jnp.concatenate([coords, times[..., None]], axis=-1)
    ptsT = jnp.transpose(pts, (0, 2, 1))

    s, cnt = pl.pallas_call(
        _dist_kernel,
        grid=(B, N // _ROWBLK),
        in_specs=[
            pl.BlockSpec((1, _ROWBLK, 3), lambda b, r: (b, r, 0)),
            pl.BlockSpec((1, 3, N), lambda b, r: (b, 0, 0)),
        ],
        out_specs=[
            pl.BlockSpec((1, _ROWBLK, N), lambda b, r: (b, r, 0)),
            pl.BlockSpec((1, _ROWBLK, 1), lambda b, r: (b, r, 0)),
        ],
        out_shape=[
            jax.ShapeDtypeStruct((B, N, N), jnp.float32),
            jax.ShapeDtypeStruct((B, N, 1), jnp.float32),
        ],
    )(pts, ptsT)

    topi, tops = _make_select(B * N, N)(s.reshape(B * N, N))
    neighbor_indices = topi.reshape(B, N, _K)
    s_top = tops.reshape(B, N, _K)

    mask_i8, neighbor_distances = pl.pallas_call(
        _post_kernel,
        out_shape=[
            jax.ShapeDtypeStruct((B, N, _K), jnp.int8),
            jax.ShapeDtypeStruct((B, N, _K), jnp.float32),
        ],
    )(cnt, s_top, jnp.reshape(gamma_param, (1, 1)))

    return neighbor_indices, mask_i8.astype(bool), neighbor_distances

# --- scband reference (transcript-rebuilt; emitter-appended) ---
"""Pipeline reference for scband-adaptive-knn-35467839931084 (READ-ONLY COPY).

The authoritative reference and input builder live on the scoring server;
editing this copy changes nothing except your own understanding.
"""

import jax, jax.numpy as jnp
import numpy as np

K_BASE = 32
K_MIN = 8
K_MAX = 128
RADIUS = 0.05


def setup_inputs(seed: int = 0) -> dict:
    key = jax.random.key(seed)
    k1, k2, k3 = jax.random.split(key, 3)
    B, N, D = 2, 2048, 128
    coords = jax.random.uniform(k1, (B, N, 2), dtype=jnp.float32)
    times = jax.random.uniform(k2, (B, N), dtype=jnp.float32)
    features = jax.random.normal(k3, (B, N, D), dtype=jnp.float32)
    gamma_param = jnp.asarray(0.5, dtype=jnp.float32)
    return {"coords": coords, "times": times, "features": features, "gamma_param": gamma_param}


def reference(coords, times, features, gamma_param):
    B, N, _ = coords.shape
    # ---- local density estimation ----
    points = jnp.concatenate([coords, times[..., None]], axis=-1)  # [B, N, 3]
    diff = points[:, :, None, :] - points[:, None, :, :]           # [B, N, N, 3]
    distances = jnp.sqrt((diff ** 2).sum(axis=-1) + 1e-8)          # [B, N, N]
    neighbor_count = (distances < RADIUS).sum(axis=-1).astype(jnp.float32)
    density = neighbor_count / (N * RADIUS ** 3 + 1e-8)            # [B, N]
    # ---- adaptive k ----
    mean_density = density.mean(axis=-1, keepdims=True)
    gamma = jax.nn.sigmoid(gamma_param)
    ratio = (mean_density / (density + 1e-8)) ** gamma
    k_values = jnp.clip(K_BASE * ratio, K_MIN, K_MAX).astype(jnp.int32)  # [B, N]
    # ---- kNN via top-k over negated distances (diagonal masked to inf) ----
    k_max = min(K_MAX, N - 1)
    eye = jnp.eye(N, dtype=bool)[None]                             # [1, N, N]
    dm = jnp.where(eye, jnp.inf, distances)
    neg_vals, neighbor_indices = jax.lax.top_k(-dm, k_max)         # smallest k
    neighbor_distances = -neg_vals                                 # [B, N, k_max]
    k_range = jnp.arange(k_max)[None, None, :]
    neighbor_mask = k_range < k_values[..., None]                  # [B, N, k_max]
    return neighbor_indices, neighbor_mask, neighbor_distances

if __name__ == "__main__":
    import jax
    _d = setup_inputs()
    print(jax.jit(kernel)(*tuple(_d.values())))

</pallas_src>

<mosaic_0001>
#map = affine_map<(d0, d1) -> (0, 0)>
module attributes {stable_mosaic.version = 14 : i64} {
  func.func @_select_body(%arg0: i32, %arg1: i32, %arg2: memref<4096x2048xf32, #tpu.memory_space<hbm>>, %arg3: memref<4096x128xi32, #tpu.memory_space<hbm>>, %arg4: memref<4096x128xf32, #tpu.memory_space<hbm>>, %arg5: memref<2064xf32, #tpu.memory_space<vmem>>, %arg6: memref<2064xf32, #tpu.memory_space<vmem>>, %arg7: memref<128x128xi32, #tpu.memory_space<vmem>>, %arg8: memref<128x128xf32, #tpu.memory_space<vmem>>, %arg9: memref<2064xi32, #tpu.memory_space<vmem>>, %arg10: memref<!tpu.dma_semaphore, #tpu.memory_space<semaphore_mem>>, %arg11: memref<!tpu.dma_semaphore, #tpu.memory_space<semaphore_mem>>) attributes {dimension_semantics = [#tpu.dimension_semantics<core_parallel>, #tpu.dimension_semantics<subcore_parallel>], iteration_bounds = array<i64: 2, 16>, scalar_prefetch = 0 : i64, scratch_operands = 7 : i64, tpu.core_type = #tpu.core_type<sc_vector_subcore>, window_params = [{transform_indices = #map}, {transform_indices = #map}, {transform_indices = #map}]} {
    %mul3A = arith.constant 2 : i32
    %mul3A_0 = arith.muli %arg1, %mul3A : i32
    %add3A = arith.addi %mul3A_0, %arg0 : i32
    %mul3A_1 = arith.constant 128 : i32
    %mul3A_2 = arith.muli %add3A, %mul3A_1 : i32
    %iota3A = tpu.iota {dimensions = array<i32: 0>} : vector<16xi32>
    %broadcast_in_dim3A = arith.constant 0x7F800000 : f32
    %broadcast_in_dim3A_3 = vector.broadcast %broadcast_in_dim3A : f32 to vector<16xf32>
    %swap3A = arith.constant 2048 : index
    %swap3A_4 = tpu.vector_load %arg5[%swap3A] {strides = array<i32>} : memref<2064xf32, #tpu.memory_space<vmem>>, vector<16xf32>,
    tpu.vector_store %arg5[%swap3A], %broadcast_in_dim3A_3 {strides = array<i32>} : memref<2064xf32, #tpu.memory_space<vmem>>, vector<16xf32>,
    %swap3A_5 = arith.constant 2048 : index
    %swap3A_6 = tpu.vector_load %arg6[%swap3A_5] {strides = array<i32>} : memref<2064xf32, #tpu.memory_space<vmem>>, vector<16xf32>,
    tpu.vector_store %arg6[%swap3A_5], %broadcast_in_dim3A_3 {strides = array<i32>} : memref<2064xf32, #tpu.memory_space<vmem>>, vector<16xf32>,
    %dma_start3A = arith.constant 0 : i32
    %dma_start3A_7 = tpu.memref_slice %arg5[%dma_start3A] : memref<2064xf32, #tpu.memory_space<vmem>> -> memref<2048xf32, #tpu.memory_space<vmem>>
    %dma_start3A_8 = arith.constant 0 : i32
    %dma_start3A_9 = tpu.memref_slice %arg2[%mul3A_2, %dma_start3A_8] : memref<4096x2048xf32, #tpu.memory_space<hbm>> -> memref<1x2048xf32, #tpu.memory_space<hbm>>
    %dma_start3A_10 = tpu.memref_squeeze %dma_start3A_9 : memref<1x2048xf32, #tpu.memory_space<hbm>> -> memref<2048xf32, #tpu.memory_space<hbm>>
    %dma_start3A_11 = arith.constant 0 : i32
    %dma_start3A_12 = tpu.memref_slice %arg5[%dma_start3A_11] : memref<2064xf32, #tpu.memory_space<vmem>> -> memref<2048xf32, #tpu.memory_space<vmem>>
    %dma_start3A_13 = arith.constant 0 : i32
    %dma_start3A_14 = tpu.memref_slice %arg2[%mul3A_2, %dma_start3A_13] : memref<4096x2048xf32, #tpu.memory_space<hbm>> -> memref<1x2048xf32, #tpu.memory_space<hbm>>
    %dma_start3A_15 = tpu.memref_squeeze %dma_start3A_14 : memref<1x2048xf32, #tpu.memory_space<hbm>> -> memref<2048xf32, #tpu.memory_space<hbm>>
    tpu.enqueue_dma source(%dma_start3A_15 : memref<2048xf32, #tpu.memory_space<hbm>>) target(%dma_start3A_12 : memref<2048xf32, #tpu.memory_space<vmem>>) target_semaphore(%arg10 : memref<!tpu.dma_semaphore, #tpu.memory_space<semaphore_mem>>)
    %scan3A = arith.constant 0 : i32
    %scan3A_16 = arith.constant 0 : i32
    %scan3A_17 = arith.constant 64 : i32
    %scan3A_18 = arith.addi %scan3A_16, %scan3A_17 : i32
    %scan3A_19 = arith.constant 1 : i32
    scf.for %scan3A_30 = %scan3A_16 to %scan3A_18 step %scan3A_19  : i32 {
      %mul3A_31 = arith.constant 2 : i32
      %mul3A_32 = arith.muli %mul3A_31, %scan3A_30 : i32
      %dma_wait3A_33 = arith.constant 0 : i32
      %dma_wait3A_34 = tpu.memref_slice %arg5[%dma_wait3A_33] : memref<2064xf32, #tpu.memory_space<vmem>> -> memref<2048xf32, #tpu.memory_space<vmem>>
      %dma_wait3A_35 = arith.constant 0 : i32
      %dma_wait3A_36 = tpu.memref_slice %arg2[%mul3A_2, %dma_wait3A_35] : memref<4096x2048xf32, #tpu.memory_space<hbm>> -> memref<1x2048xf32, #tpu.memory_space<hbm>>
      %dma_wait3A_37 = tpu.memref_squeeze %dma_wait3A_36 : memref<1x2048xf32, #tpu.memory_space<hbm>> -> memref<2048xf32, #tpu.memory_space<hbm>>
      %dma_wait3A_38 = arith.constant 0 : i32
      %dma_wait3A_39 = tpu.memref_slice %arg5[%dma_wait3A_38] : memref<2064xf32, #tpu.memory_space<vmem>> -> memref<2048xf32, #tpu.memory_space<vmem>>
      %dma_wait3A_40 = arith.constant 0 : i32
      %dma_wait3A_41 = tpu.memref_slice %arg2[%mul3A_2, %dma_wait3A_40] : memref<4096x2048xf32, #tpu.memory_space<hbm>> -> memref<1x2048xf32, #tpu.memory_space<hbm>>
      %dma_wait3A_42 = tpu.memref_squeeze %dma_wait3A_41 : memref<1x2048xf32, #tpu.memory_space<hbm>> -> memref<2048xf32, #tpu.memory_space<hbm>>
      tpu.wait_dma2 semaphore(%arg10 : memref<!tpu.dma_semaphore, #tpu.memory_space<semaphore_mem>>) src(%dma_wait3A_42 : memref<2048xf32, #tpu.memory_space<hbm>>) dst(%dma_wait3A_39 : memref<2048xf32, #tpu.memory_space<vmem>>)
      %add3A_43 = arith.addi %mul3A_2, %mul3A_32 : i32
      %add3A_44 = arith.constant 1 : i32
      %add3A_45 = arith.addi %add3A_43, %add3A_44 : i32
      %dma_start3A_46 = arith.constant 0 : i32
      %dma_start3A_47 = tpu.memref_slice %arg6[%dma_start3A_46] : memref<2064xf32, #tpu.memory_space<vmem>> -> memref<2048xf32, #tpu.memory_space<vmem>>
      %dma_start3A_48 = arith.constant 0 : i32
      %dma_start3A_49 = tpu.memref_slice %arg2[%add3A_45, %dma_start3A_48] : memref<4096x2048xf32, #tpu.memory_space<hbm>> -> memref<1x2048xf32, #tpu.memory_space<hbm>>
      %dma_start3A_50 = tpu.memref_squeeze %dma_start3A_49 : memref<1x2048xf32, #tpu.memory_space<hbm>> -> memref<2048xf32, #tpu.memory_space<hbm>>
      %dma_start3A_51 = arith.constant 0 : i32
      %dma_start3A_52 = tpu.memref_slice %arg6[%dma_start3A_51] : memref<2064xf32, #tpu.memory_space<vmem>> -> memref<2048xf32, #tpu.memory_space<vmem>>
      %dma_start3A_53 = arith.constant 0 : i32
      %dma_start3A_54 = tpu.memref_slice %arg2[%add3A_45, %dma_start3A_53] : memref<4096x2048xf32, #tpu.memory_space<hbm>> -> memref<1x2048xf32, #tpu.memory_space<hbm>>
      %dma_start3A_55 = tpu.memref_squeeze %dma_start3A_54 : memref<1x2048xf32, #tpu.memory_space<hbm>> -> memref<2048xf32, #tpu.memory_space<hbm>>
      tpu.enqueue_dma source(%dma_start3A_55 : memref<2048xf32, #tpu.memory_space<hbm>>) target(%dma_start3A_52 : memref<2048xf32, #tpu.memory_space<vmem>>) target_semaphore(%arg11 : memref<!tpu.dma_semaphore, #tpu.memory_space<semaphore_mem>>)
      %get3A = arith.constant 56 : index
      %get3A_56 = tpu.vector_load %arg5[%get3A] {strides = array<i32>} : memref<2064xf32, #tpu.memory_space<vmem>>, vector<16xf32>,
      %get3A_57 = arith.constant 184 : index
      %get3A_58 = tpu.vector_load %arg5[%get3A_57] {strides = array<i32>} : memref<2064xf32, #tpu.memory_space<vmem>>, vector<16xf32>,
      %get3A_59 = arith.constant 312 : index
      %get3A_60 = tpu.vector_load %arg5[%get3A_59] {strides = array<i32>} : memref<2064xf32, #tpu.memory_space<vmem>>, vector<16xf32>,
      %get3A_61 = arith.constant 440 : index
      %get3A_62 = tpu.vector_load %arg5[%get3A_61] {strides = array<i32>} : memref<2064xf32, #tpu.memory_space<vmem>>, vector<16xf32>,
      %get3A_63 = arith.constant 568 : index
      %get3A_64 = tpu.vector_load %arg5[%get3A_63] {strides = array<i32>} : memref<2064xf32, #tpu.memory_space<vmem>>, vector<16xf32>,
      %get3A_65 = arith.constant 696 : index
      %get3A_66 = tpu.vector_load %arg5[%get3A_65] {strides = array<i32>} : memref<2064xf32, #tpu.memory_space<vmem>>, vector<16xf32>,
      %get3A_67 = arith.constant 824 : index
      %get3A_68 = tpu.vector_load %arg5[%get3A_67] {strides = array<i32>} : memref<2064xf32, #tpu.memory_space<vmem>>, vector<16xf32>,
      %get3A_69 = arith.constant 952 : index
      %get3A_70 = tpu.vector_load %arg5[%get3A_69] {strides = array<i32>} : memref<2064xf32, #tpu.memory_space<vmem>>, vector<16xf32>,
      %get3A_71 = arith.constant 1080 : index
      %get3A_72 = tpu.vector_load %arg5[%get3A_71] {strides = array<i32>} : memref<2064xf32, #tpu.memory_space<vmem>>, vector<16xf32>,
      %get3A_73 = arith.constant 1208 : index
      %get3A_74 = tpu.vector_load %arg5[%get3A_73] {strides = array<i32>} : memref<2064xf32, #tpu.memory_space<vmem>>, vector<16xf32>,
      %get3A_75 = arith.constant 1336 : index
      %get3A_76 = tpu.vector_load %arg5[%get3A_75] {strides = array<i32>} : memref<2064xf32, #tpu.memory_space<vmem>>, vector<16xf32>,
      %get3A_77 = arith.constant 1464 : index
      %get3A_78 = tpu.vector_load %arg5[%get3A_77] {strides = array<i32>} : memref<2064xf32, #tpu.memory_space<vmem>>, vector<16xf32>,
      %get3A_79 = arith.constant 1592 : index
      %get3A_80 = tpu.vector_load %arg5[%get3A_79] {strides = array<i32>} : memref<2064xf32, #tpu.memory_space<vmem>>, vector<16xf32>,
      %get3A_81 = arith.constant 1720 : index
      %get3A_82 = tpu.vector_load %arg5[%get3A_81] {strides = array<i32>} : memref<2064xf32, #tpu.memory_space<vmem>>, vector<16xf32>,
      %get3A_83 = arith.constant 1848 : index
      %get3A_84 = tpu.vector_load %arg5[%get3A_83] {strides = array<i32>} : memref<2064xf32, #tpu.memory_space<vmem>>, vector<16xf32>,
      %get3A_85 = arith.constant 1976 : index
      %get3A_86 = tpu.vector_load %arg5[%get3A_85] {strides = array<i32>} : memref<2064xf32, #tpu.memory_space<vmem>>, vector<16xf32>,
      %sort3A = arith.constant dense<true> : vector<16xi1>
      %sort3A_87, %sort3A_88, %sort3A_89 = tpu.sort %get3A_56, %get3A_56 masked %sort3A : (vector<16xf32>, vector<16xf32>, vector<16xi1>) -> (vector<16xi1>, vector<16xf32>, vector<16xf32>)
      %sort3A_90 = arith.constant dense<true> : vector<16xi1>
      %sort3A_91, %sort3A_92, %sort3A_93 = tpu.sort %get3A_58, %get3A_58 masked %sort3A_90 : (vector<16xf32>, vector<16xf32>, vector<16xi1>) -> (vector<16xi1>, vector<16xf32>, vector<16xf32>)
      %sort3A_94 = arith.constant dense<true> : vector<16xi1>
      %sort3A_95, %sort3A_96, %sort3A_97 = tpu.sort %get3A_60, %get3A_60 masked %sort3A_94 : (vector<16xf32>, vector<16xf32>, vector<16xi1>) -> (vector<16xi1>, vector<16xf32>, vector<16xf32>)
      %sort3A_98 = arith.constant dense<true> : vector<16xi1>
      %sort3A_99, %sort3A_100, %sort3A_101 = tpu.sort %get3A_62, %get3A_62 masked %sort3A_98 : (vector<16xf32>, vector<16xf32>, vector<16xi1>) -> (vector<16xi1>, vector<16xf32>, vector<16xf32>)
      %sort3A_102 = arith.constant dense<true> : vector<16xi1>
      %sort3A_103, %sort3A_104, %sort3A_105 = tpu.sort %get3A_64, %get3A_64 masked %sort3A_102 : (vector<16xf32>, vector<16xf32>, vector<16xi1>) -> (vector<16xi1>, vector<16xf32>, vector<16xf32>)
      %sort3A_106 = arith.constant dense<true> : vector<16xi1>
      %sort3A_107, %sort3A_108, %sort3A_109 = tpu.sort %get3A_66, %get3A_66 masked %sort3A_106 : (vector<16xf32>, vector<16xf32>, vector<16xi1>) -> (vector<16xi1>, vector<16xf32>, vector<16xf32>)
      %sort3A_110 = arith.constant dense<true> : vector<16xi1>
      %sort3A_111, %sort3A_112, %sort3A_113 = tpu.sort %get3A_68, %get3A_68 masked %sort3A_110 : (vector<16xf32>, vector<16xf32>, vector<16xi1>) -> (vector<16xi1>, vector<16xf32>, vector<16xf32>)
      %sort3A_114 = arith.constant dense<true> : vector<16xi1>
      %sort3A_115, %sort3A_116, %sort3A_117 = tpu.sort %get3A_70, %get3A_70 masked %sort3A_114 : (vector<16xf32>, vector<16xf32>, vector<16xi1>) -> (vector<16xi1>, vector<16xf32>, vector<16xf32>)
      %sort3A_118 = arith.constant dense<true> : vector<16xi1>
      %sort3A_119, %sort3A_120, %sort3A_121 = tpu.sort %get3A_72, %get3A_72 masked %sort3A_118 : (vector<16xf32>, vector<16xf32>, vector<16xi1>) -> (vector<16xi1>, vector<16xf32>, vector<16xf32>)
      %sort3A_122 = arith.constant dense<true> : vector<16xi1>
      %sort3A_123, %sort3A_124, %sort3A_125 = tpu.sort %get3A_74, %get3A_74 masked %sort3A_122 : (vector<16xf32>, vector<16xf32>, vector<16xi1>) -> (vector<16xi1>, vector<16xf32>, vector<16xf32>)
      %sort3A_126 = arith.constant dense<true> : vector<16xi1>
      %sort3A_127, %sort3A_128, %sort3A_129 = tpu.sort %get3A_76, %get3A_76 masked %sort3A_126 : (vector<16xf32>, vector<16xf32>, vector<16xi1>) -> (vector<16xi1>, vector<16xf32>, vector<16xf32>)
      %sort3A_130 = arith.constant dense<true> : vector<16xi1>
      %sort3A_131, %sort3A_132, %sort3A_133 = tpu.sort %get3A_78, %get3A_78 masked %sort3A_130 : (vector<16xf32>, vector<16xf32>, vector<16xi1>) -> (vector<16xi1>, vector<16xf32>, vector<16xf32>)
      %sort3A_134 = arith.constant dense<true> : vector<16xi1>
      %sort3A_135, %sort3A_136, %sort3A_137 = tpu.sort %get3A_80, %get3A_80 masked %sort3A_134 : (vector<16xf32>, vector<16xf32>, vector<16xi1>) -> (vector<16xi1>, vector<16xf32>, vector<16xf32>)
      %sort3A_138 = arith.constant dense<true> : vector<16xi1>
      %sort3A_139, %sort3A_140, %sort3A_141 = tpu.sort %get3A_82, %get3A_82 masked %sort3A_138 : (vector<16xf32>, vector<16xf32>, vector<16xi1>) -> (vector<16xi1>, vector<16xf32>, vector<16xf32>)
      %sort3A_142 = arith.constant dense<true> : vector<16xi1>
      %sort3A_143, %sort3A_144, %sort3A_145 = tpu.sort %get3A_84, %get3A_84 masked %sort3A_142 : (vector<16xf32>, vector<16xf32>, vector<16xi1>) -> (vector<16xi1>, vector<16xf32>, vector<16xf32>)
      %sort3A_146 = arith.constant dense<true> : vector<16xi1>
      %sort3A_147, %sort3A_148, %sort3A_149 = tpu.sort %get3A_86, %get3A_86 masked %sort3A_146 : (vector<16xf32>, vector<16xf32>, vector<16xi1>) -> (vector<16xi1>, vector<16xf32>, vector<16xf32>)
      %rev3A = arith.constant 15 : i32
      %rev3A_150 = vector.broadcast %rev3A : i32 to vector<16xi32>
      %rev3A_151 = tpu.iota {dimensions = array<i32: 0>} : vector<16xi32>
      %rev3A_152 = arith.subi %rev3A_150, %rev3A_151 : vector<16xi32>
      %rev3A_153 = tpu.dynamic_gather %sort3A_92[%rev3A_152] in [0] : vector<16xf32>, vector<16xi32> -> vector<16xf32>
      %min3A = arith.minimumf %sort3A_88, %rev3A_153 : vector<16xf32>
      %max3A = arith.maximumf %sort3A_88, %rev3A_153 : vector<16xf32>
      %sort3A_154 = arith.constant dense<true> : vector<16xi1>
      %sort3A_155, %sort3A_156, %sort3A_157 = tpu.sort %min3A, %min3A masked %sort3A_154 : (vector<16xf32>, vector<16xf32>, vector<16xi1>) -> (vector<16xi1>, vector<16xf32>, vector<16xf32>)
      %sort3A_158 = arith.constant dense<true> : vector<16xi1>
      %sort3A_159, %sort3A_160, %sort3A_161 = tpu.sort %max3A, %max3A masked %sort3A_158 : (vector<16xf32>, vector<16xf32>, vector<16xi1>) -> (vector<16xi1>, vector<16xf32>, vector<16xf32>)
      %rev3A_162 = arith.constant 15 : i32
      %rev3A_163 = vector.broadcast %rev3A_162 : i32 to vector<16xi32>
      %rev3A_164 = tpu.iota {dimensions = array<i32: 0>} : vector<16xi32>
      %rev3A_165 = arith.subi %rev3A_163, %rev3A_164 : vector<16xi32>
      %rev3A_166 = tpu.dynamic_gather %sort3A_100[%rev3A_165] in [0] : vector<16xf32>, vector<16xi32> -> vector<16xf32>
      %min3A_167 = arith.minimumf %sort3A_96, %rev3A_166 : vector<16xf32>
      %max3A_168 = arith.maximumf %sort3A_96, %rev3A_166 : vector<16xf32>
      %sort3A_169 = arith.constant dense<true> : vector<16xi1>
      %sort3A_170, %sort3A_171, %sort3A_172 = tpu.sort %min3A_167, %min3A_167 masked %sort3A_169 : (vector<16xf32>, vector<16xf32>, vector<16xi1>) -> (vector<16xi1>, vector<16xf32>, vector<16xf32>)
      %sort3A_173 = arith.constant dense<true> : vector<16xi1>
      %sort3A_174, %sort3A_175, %sort3A_176 = tpu.sort %max3A_168, %max3A_168 masked %sort3A_173 : (vector<16xf32>, vector<16xf32>, vector<16xi1>) -> (vector<16xi1>, vector<16xf32>, vector<16xf32>)
      %rev3A_177 = arith.constant 15 : i32
      %rev3A_178 = vector.broadcast %rev3A_177 : i32 to vector<16xi32>
      %rev3A_179 = tpu.iota {dimensions = array<i32: 0>} : vector<16xi32>
      %rev3A_180 = arith.subi %rev3A_178, %rev3A_179 : vector<16xi32>
      %rev3A_181 = tpu.dynamic_gather %sort3A_108[%rev3A_180] in [0] : vector<16xf32>, vector<16xi32> -> vector<16xf32>
      %min3A_182 = arith.minimumf %sort3A_104, %rev3A_181 : vector<16xf32>
      %max3A_183 = arith.maximumf %sort3A_104, %rev3A_181 : vector<16xf32>
      %sort3A_184 = arith.constant dense<true> : vector<16xi1>
      %sort3A_185, %sort3A_186, %sort3A_187 = tpu.sort %min3A_182, %min3A_182 masked %sort3A_184 : (vector<16xf32>, vector<16xf32>, vector<16xi1>) -> (vector<16xi1>, vector<16xf32>, vector<16xf32>)
      %sort3A_188 = arith.constant dense<true> : vector<16xi1>
      %sort3A_189, %sort3A_190, %sort3A_191 = tpu.sort %max3A_183, %max3A_183 masked %sort3A_188 : (vector<16xf32>, vector<16xf32>, vector<16xi1>) -> (vector<16xi1>, vector<16xf32>, vector<16xf32>)
      %rev3A_192 = arith.constant 15 : i32
      %rev3A_193 = vector.broadcast %rev3A_192 : i32 to vector<16xi32>
      %rev3A_194 = tpu.iota {dimensions = array<i32: 0>} : vector<16xi32>
      %rev3A_195 = arith.subi %rev3A_193, %rev3A_194 : vector<16xi32>
      %rev3A_196 = tpu.dynamic_gather %sort3A_116[%rev3A_195] in [0] : vector<16xf32>, vector<16xi32> -> vector<16xf32>
      %min3A_197 = arith.minimumf %sort3A_112, %rev3A_196 : vector<16xf32>
      %max3A_198 = arith.maximumf %sort3A_112, %rev3A_196 : vector<16xf32>
      %sort3A_199 = arith.constant dense<true> : vector<16xi1>
      %sort3A_200, %sort3A_201, %sort3A_202 = tpu.sort %min3A_197, %min3A_197 masked %sort3A_199 : (vector<16xf32>, vector<16xf32>, vector<16xi1>) -> (vector<16xi1>, vector<16xf32>, vector<16xf32>)
      %sort3A_203 = arith.constant dense<true> : vector<16xi1>
      %sort3A_204, %sort3A_205, %sort3A_206 = tpu.sort %max3A_198, %max3A_198 masked %sort3A_203 : (vector<16xf32>, vector<16xf32>, vector<16xi1>) -> (vector<16xi1>, vector<16xf32>, vector<16xf32>)
      %rev3A_207 = arith.constant 15 : i32
      %rev3A_208 = vector.broadcast %rev3A_207 : i32 to vector<16xi32>
      %rev3A_209 = tpu.iota {dimensions = array<i32: 0>} : vector<16xi32>
      %rev3A_210 = arith.subi %rev3A_208, %rev3A_209 : vector<16xi32>
      %rev3A_211 = tpu.dynamic_gather %sort3A_124[%rev3A_210] in [0] : vector<16xf32>, vector<16xi32> -> vector<16xf32>
      %min3A_212 = arith.minimumf %sort3A_120, %rev3A_211 : vector<16xf32>
      %max3A_213 = arith.maximumf %sort3A_120, %rev3A_211 : vector<16xf32>
      %sort3A_214 = arith.constant dense<true> : vector<16xi1>
      %sort3A_215, %sort3A_216, %sort3A_217 = tpu.sort %min3A_212, %min3A_212 masked %sort3A_214 : (vector<16xf32>, vector<16xf32>, vector<16xi1>) -> (vector<16xi1>, vector<16xf32>, vector<16xf32>)
      %sort3A_218 = arith.constant dense<true> : vector<16xi1>
      %sort3A_219, %sort3A_220, %sort3A_221 = tpu.sort %max3A_213, %max3A_213 masked %sort3A_218 : (vector<16xf32>, vector<16xf32>, vector<16xi1>) -> (vector<16xi1>, vector<16xf32>, vector<16xf32>)
      %rev3A_222 = arith.constant 15 : i32
      %rev3A_223 = vector.broadcast %rev3A_222 : i32 to vector<16xi32>
      %rev3A_224 = tpu.iota {dimensions = array<i32: 0>} : vector<16xi32>
      %rev3A_225 = arith.subi %rev3A_223, %rev3A_224 : vector<16xi32>
      %rev3A_226 = tpu.dynamic_gather %sort3A_132[%rev3A_225] in [0] : vector<16xf32>, vector<16xi32> -> vector<16xf32>
      %min3A_227 = arith.minimumf %sort3A_128, %rev3A_226 : vector<16xf32>
      %max3A_228 = arith.maximumf %sort3A_128, %rev3A_226 : vector<16xf32>
      %sort3A_229 = arith.constant dense<true> : vector<16xi1>
      %sort3A_230, %sort3A_231, %sort3A_232 = tpu.sort %min3A_227, %min3A_227 masked %sort3A_229 : (vector<16xf32>, vector<16xf32>, vector<16xi1>) -> (vector<16xi1>, vector<16xf32>, vector<16xf32>)
      %sort3A_233 = arith.constant dense<true> : vector<16xi1>
      %sort3A_234, %sort3A_235, %sort3A_236 = tpu.sort %max3A_228, %max3A_228 masked %sort3A_233 : (vector<16xf32>, vector<16xf32>, vector<16xi1>) -> (vector<16xi1>, vector<16xf32>, vector<16xf32>)
      %rev3A_237 = arith.constant 15 : i32
      %rev3A_238 = vector.broadcast %rev3A_237 : i32 to vector<16xi32>
      %rev3A_239 = tpu.iota {dimensions = array<i32: 0>} : vector<16xi32>
      %rev3A_240 = arith.subi %rev3A_238, %rev3A_239 : vector<16xi32>
      %rev3A_241 = tpu.dynamic_gather %sort3A_140[%rev3A_240] in [0] : vector<16xf32>, vector<16xi32> -> vector<16xf32>
      %min3A_242 = arith.minimumf %sort3A_136, %rev3A_241 : vector<16xf32>
      %max3A_243 = arith.maximumf %sort3A_136, %rev3A_241 : vector<16xf32>
      %sort3A_244 = arith.constant dense<true> : vector<16xi1>
      %sort3A_245, %sort3A_246, %sort3A_247 = tpu.sort %min3A_242, %min3A_242 masked %sort3A_244 : (vector<16xf32>, vector<16xf32>, vector<16xi1>) -> (vector<16xi1>, vector<16xf32>, vector<16xf32>)
      %sort3A_248 = arith.constant dense<true> : vector<16xi1>
      %sort3A_249, %sort3A_250, %sort3A_251 = tpu.sort %max3A_243, %max3A_243 masked %sort3A_248 : (vector<16xf32>, vector<16xf32>, vector<16xi1>) -> (vector<16xi1>, vector<16xf32>, vector<16xf32>)
      %rev3A_252 = arith.constant 15 : i32
      %rev3A_253 = vector.broadcast %rev3A_252 : i32 to vector<16xi32>
      %rev3A_254 = tpu.iota {dimensions = array<i32: 0>} : vector<16xi32>
      %rev3A_255 = arith.subi %rev3A_253, %rev3A_254 : vector<16xi32>
      %rev3A_256 = tpu.dynamic_gather %sort3A_148[%rev3A_255] in [0] : vector<16xf32>, vector<16xi32> -> vector<16xf32>
      %min3A_257 = arith.minimumf %sort3A_144, %rev3A_256 : vector<16xf32>
      %max3A_258 = arith.maximumf %sort3A_144, %rev3A_256 : vector<16xf32>
      %sort3A_259 = arith.constant dense<true> : vector<16xi1>
      %sort3A_260, %sort3A_261, %sort3A_262 = tpu.sort %min3A_257, %min3A_257 masked %sort3A_259 : (vector<16xf32>, vector<16xf32>, vector<16xi1>) -> (vector<16xi1>, vector<16xf32>, vector<16xf32>)
      %sort3A_263 = arith.constant dense<true> : vector<16xi1>
      %sort3A_264, %sort3A_265, %sort3A_266 = tpu.sort %max3A_258, %max3A_258 masked %sort3A_263 : (vector<16xf32>, vector<16xf32>, vector<16xi1>) -> (vector<16xi1>, vector<16xf32>, vector<16xf32>)
      %rev3A_267 = arith.constant 15 : i32
      %rev3A_268 = vector.broadcast %rev3A_267 : i32 to vector<16xi32>
      %rev3A_269 = tpu.iota {dimensions = array<i32: 0>} : vector<16xi32>
      %rev3A_270 = arith.subi %rev3A_268, %rev3A_269 : vector<16xi32>
      %rev3A_271 = tpu.dynamic_gather %sort3A_171[%rev3A_270] in [0] : vector<16xf32>, vector<16xi32> -> vector<16xf32>
      %rev3A_272 = arith.constant 15 : i32
      %rev3A_273 = vector.broadcast %rev3A_272 : i32 to vector<16xi32>
      %rev3A_274 = tpu.iota {dimensions = array<i32: 0>} : vector<16xi32>
      %rev3A_275 = arith.subi %rev3A_273, %rev3A_274 : vector<16xi32>
      %rev3A_276 = tpu.dynamic_gather %sort3A_175[%rev3A_275] in [0] : vector<16xf32>, vector<16xi32> -> vector<16xf32>
      %min3A_277 = arith.minimumf %sort3A_156, %rev3A_276 : vector<16xf32>
      %min3A_278 = arith.minimumf %sort3A_160, %rev3A_271 : vector<16xf32>
      %min3A_279 = arith.minimumf %min3A_277, %min3A_278 : vector<16xf32>
      %max3A_280 = arith.maximumf %min3A_277, %min3A_278 : vector<16xf32>
      %sort3A_281 = arith.constant dense<true> : vector<16xi1>
      %sort3A_282, %sort3A_283, %sort3A_284 = tpu.sort %min3A_279, %min3A_279 masked %sort3A_281 : (vector<16xf32>, vector<16xf32>, vector<16xi1>) -> (vector<16xi1>, vector<16xf32>, vector<16xf32>)
      %sort3A_285 = arith.constant dense<true> : vector<16xi1>
      %sort3A_286, %sort3A_287, %sort3A_288 = tpu.sort %max3A_280, %max3A_280 masked %sort3A_285 : (vector<16xf32>, vector<16xf32>, vector<16xi1>) -> (vector<16xi1>, vector<16xf32>, vector<16xf32>)
      %rev3A_289 = arith.constant 15 : i32
      %rev3A_290 = vector.broadcast %rev3A_289 : i32 to vector<16xi32>
      %rev3A_291 = tpu.iota {dimensions = array<i32: 0>} : vector<16xi32>
      %rev3A_292 = arith.subi %rev3A_290, %rev3A_291 : vector<16xi32>
      %rev3A_293 = tpu.dynamic_gather %sort3A_201[%rev3A_292] in [0] : vector<16xf32>, vector<16xi32> -> vector<16xf32>
      %rev3A_294 = arith.constant 15 : i32
      %rev3A_295 = vector.broadcast %rev3A_294 : i32 to vector<16xi32>
      %rev3A_296 = tpu.iota {dimensions = array<i32: 0>} : vector<16xi32>
      %rev3A_297 = arith.subi %rev3A_295, %rev3A_296 : vector<16xi32>
      %rev3A_298 = tpu.dynamic_gather %sort3A_205[%rev3A_297] in [0] : vector<16xf32>, vector<16xi32> -> vector<16xf32>
      %min3A_299 = arith.minimumf %sort3A_186, %rev3A_298 : vector<16xf32>
      %min3A_300 = arith.minimumf %sort3A_190, %rev3A_293 : vector<16xf32>
      %min3A_301 = arith.minimumf %min3A_299, %min3A_300 : vector<16xf32>
      %max3A_302 = arith.maximumf %min3A_299, %min3A_300 : vector<16xf32>
      %sort3A_303 = arith.constant dense<true> : vector<16xi1>
      %sort3A_304, %sort3A_305, %sort3A_306 = tpu.sort %min3A_301, %min3A_301 masked %sort3A_303 : (vector<16xf32>, vector<16xf32>, vector<16xi1>) -> (vector<16xi1>, vector<16xf32>, vector<16xf32>)
      %sort3A_307 = arith.constant dense<true> : vector<16xi1>
      %sort3A_308, %sort3A_309, %sort3A_310 = tpu.sort %max3A_302, %max3A_302 masked %sort3A_307 : (vector<16xf32>, vector<16xf32>, vector<16xi1>) -> (vector<16xi1>, vector<16xf32>, vector<16xf32>)
      %rev3A_311 = arith.constant 15 : i32
      %rev3A_312 = vector.broadcast %rev3A_311 : i32 to vector<16xi32>
      %rev3A_313 = tpu.iota {dimensions = array<i32: 0>} : vector<16xi32>
      %rev3A_314 = arith.subi %rev3A_312, %rev3A_313 : vector<16xi32>
      %rev3A_315 = tpu.dynamic_gather %sort3A_231[%rev3A_314] in [0] : vector<16xf32>, vector<16xi32> -> vector<16xf32>
      %rev3A_316 = arith.constant 15 : i32
      %rev3A_317 = vector.broadcast %rev3A_316 : i32 to vector<16xi32>
      %rev3A_318 = tpu.iota {dimensions = array<i32: 0>} : vector<16xi32>
      %rev3A_319 = arith.subi %rev3A_317, %rev3A_318 : vector<16xi32>
      %rev3A_320 = tpu.dynamic_gather %sort3A_235[%rev3A_319] in [0] : vector<16xf32>, vector<16xi32> -> vector<16xf32>
      %min3A_321 = arith.minimumf %sort3A_216, %rev3A_320 : vector<16xf32>
      %min3A_322 = arith.minimumf %sort3A_220, %rev3A_315 : vector<16xf32>
      %min3A_323 = arith.minimumf %min3A_321, %min3A_322 : vector<16xf32>
      %max3A_324 = arith.maximumf %min3A_321, %min3A_322 : vector<16xf32>
      %sort3A_325 = arith.constant dense<true> : vector<16xi1>
      %sort3A_326, %sort3A_327, %sort3A_328 = tpu.sort %min3A_323, %min3A_323 masked %sort3A_325 : (vector<16xf32>, vector<16xf32>, vector<16xi1>) -> (vector<16xi1>, vector<16xf32>, vector<16xf32>)
      %sort3A_329 = arith.constant dense<true> : vector<16xi1>
      %sort3A_330, %sort3A_331, %sort3A_332 = tpu.sort %max3A_324, %max3A_324 masked %sort3A_329 : (vector<16xf32>, vector<16xf32>, vector<16xi1>) -> (vector<16xi1>, vector<16xf32>, vector<16xf32>)
      %rev3A_333 = arith.constant 15 : i32
      %rev3A_334 = vector.broadcast %rev3A_333 : i32 to vector<16xi32>
      %rev3A_335 = tpu.iota {dimensions = array<i32: 0>} : vector<16xi32>
      %rev3A_336 = arith.subi %rev3A_334, %rev3A_335 : vector<16xi32>
      %rev3A_337 = tpu.dynamic_gather %sort3A_261[%rev3A_336] in [0] : vector<16xf32>, vector<16xi32> -> vector<16xf32>
      %rev3A_338 = arith.constant 15 : i32
      %rev3A_339 = vector.broadcast %rev3A_338 : i32 to vector<16xi32>
      %rev3A_340 = tpu.iota {dimensions = array<i32: 0>} : vector<16xi32>
      %rev3A_341 = arith.subi %rev3A_339, %rev3A_340 : vector<16xi32>
      %rev3A_342 = tpu.dynamic_gather %sort3A_265[%rev3A_341] in [0] : vector<16xf32>, vector<16xi32> -> vector<16xf32>
      %min3A_343 = arith.minimumf %sort3A_246, %rev3A_342 : vector<16xf32>
      %min3A_344 = arith.minimumf %sort3A_250, %rev3A_337 : vector<16xf32>
      %min3A_345 = arith.minimumf %min3A_343, %min3A_344 : vector<16xf32>
      %max3A_346 = arith.maximumf %min3A_343, %min3A_344 : vector<16xf32>
      %sort3A_347 = arith.constant dense<true> : vector<16xi1>
      %sort3A_348, %sort3A_349, %sort3A_350 = tpu.sort %min3A_345, %min3A_345 masked %sort3A_347 : (vector<16xf32>, vector<16xf32>, vector<16xi1>) -> (vector<16xi1>, vector<16xf32>, vector<16xf32>)
      %sort3A_351 = arith.constant dense<true> : vector<16xi1>
      %sort3A_352, %sort3A_353, %sort3A_354 = tpu.sort %max3A_346, %max3A_346 masked %sort3A_351 : (vector<16xf32>, vector<16xf32>, vector<16xi1>) -> (vector<16xi1>, vector<16xf32>, vector<16xf32>)
      %rev3A_355 = arith.constant 15 : i32
      %rev3A_356 = vector.broadcast %rev3A_355 : i32 to vector<16xi32>
      %rev3A_357 = tpu.iota {dimensions = array<i32: 0>} : vector<16xi32>
      %rev3A_358 = arith.subi %rev3A_356, %rev3A_357 : vector<16xi32>
      %rev3A_359 = tpu.dynamic_gather %sort3A_305[%rev3A_358] in [0] : vector<16xf32>, vector<16xi32> -> vector<16xf32>
      %rev3A_360 = arith.constant 15 : i32
      %rev3A_361 = vector.broadcast %rev3A_360 : i32 to vector<16xi32>
      %rev3A_362 = tpu.iota {dimensions = array<i32: 0>} : vector<16xi32>
      %rev3A_363 = arith.subi %rev3A_361, %rev3A_362 : vector<16xi32>
      %rev3A_364 = tpu.dynamic_gather %sort3A_309[%rev3A_363] in [0] : vector<16xf32>, vector<16xi32> -> vector<16xf32>
      %min3A_365 = arith.minimumf %sort3A_283, %rev3A_364 : vector<16xf32>
      %min3A_366 = arith.minimumf %sort3A_287, %rev3A_359 : vector<16xf32>
      %min3A_367 = arith.minimumf %min3A_365, %min3A_366 : vector<16xf32>
      %max3A_368 = arith.maximumf %min3A_365, %min3A_366 : vector<16xf32>
      %sort3A_369 = arith.constant dense<true> : vector<16xi1>
      %sort3A_370, %sort3A_371, %sort3A_372 = tpu.sort %min3A_367, %min3A_367 masked %sort3A_369 : (vector<16xf32>, vector<16xf32>, vector<16xi1>) -> (vector<16xi1>, vector<16xf32>, vector<16xf32>)
      %sort3A_373 = arith.constant dense<true> : vector<16xi1>
      %sort3A_374, %sort3A_375, %sort3A_376 = tpu.sort %max3A_368, %max3A_368 masked %sort3A_373 : (vector<16xf32>, vector<16xf32>, vector<16xi1>) -> (vector<16xi1>, vector<16xf32>, vector<16xf32>)
      %rev3A_377 = arith.constant 15 : i32
      %rev3A_378 = vector.broadcast %rev3A_377 : i32 to vector<16xi32>
      %rev3A_379 = tpu.iota {dimensions = array<i32: 0>} : vector<16xi32>
      %rev3A_380 = arith.subi %rev3A_378, %rev3A_379 : vector<16xi32>
      %rev3A_381 = tpu.dynamic_gather %sort3A_349[%rev3A_380] in [0] : vector<16xf32>, vector<16xi32> -> vector<16xf32>
      %rev3A_382 = arith.constant 15 : i32
      %rev3A_383 = vector.broadcast %rev3A_382 : i32 to vector<16xi32>
      %rev3A_384 = tpu.iota {dimensions = array<i32: 0>} : vector<16xi32>
      %rev3A_385 = arith.subi %rev3A_383, %rev3A_384 : vector<16xi32>
      %rev3A_386 = tpu.dynamic_gather %sort3A_353[%rev3A_385] in [0] : vector<16xf32>, vector<16xi32> -> vector<16xf32>
      %min3A_387 = arith.minimumf %sort3A_327, %rev3A_386 : vector<16xf32>
      %min3A_388 = arith.minimumf %sort3A_331, %rev3A_381 : vector<16xf32>
      %min3A_389 = arith.minimumf %min3A_387, %min3A_388 : vector<16xf32>
      %max3A_390 = arith.maximumf %min3A_387, %min3A_388 : vector<16xf32>
      %sort3A_391 = arith.constant dense<true> : vector<16xi1>
      %sort3A_392, %sort3A_393, %sort3A_394 = tpu.sort %min3A_389, %min3A_389 masked %sort3A_391 : (vector<16xf32>, vector<16xf32>, vector<16xi1>) -> (vector<16xi1>, vector<16xf32>, vector<16xf32>)
      %sort3A_395 = arith.constant dense<true> : vector<16xi1>
      %sort3A_396, %sort3A_397, %sort3A_398 = tpu.sort %max3A_390, %max3A_390 masked %sort3A_395 : (vector<16xf32>, vector<16xf32>, vector<16xi1>) -> (vector<16xi1>, vector<16xf32>, vector<16xf32>)
      %rev3A_399 = arith.constant 15 : i32
      %rev3A_400 = vector.broadcast %rev3A_399 : i32 to vector<16xi32>
      %rev3A_401 = tpu.iota {dimensions = array<i32: 0>} : vector<16xi32>
      %rev3A_402 = arith.subi %rev3A_400, %rev3A_401 : vector<16xi32>
      %rev3A_403 = tpu.dynamic_gather %sort3A_393[%rev3A_402] in [0] : vector<16xf32>, vector<16xi32> -> vector<16xf32>
      %rev3A_404 = arith.constant 15 : i32
      %rev3A_405 = vector.broadcast %rev3A_404 : i32 to vector<16xi32>
      %rev3A_406 = tpu.iota {dimensions = array<i32: 0>} : vector<16xi32>
      %rev3A_407 = arith.subi %rev3A_405, %rev3A_406 : vector<16xi32>
      %rev3A_408 = tpu.dynamic_gather %sort3A_397[%rev3A_407] in [0] : vector<16xf32>, vector<16xi32> -> vector<16xf32>
      %min3A_409 = arith.minimumf %sort3A_371, %rev3A_408 : vector<16xf32>
      %min3A_410 = arith.minimumf %sort3A_375, %rev3A_403 : vector<16xf32>
      %min3A_411 = arith.minimumf %min3A_409, %min3A_410 : vector<16xf32>
      %max3A_412 = arith.maximumf %min3A_409, %min3A_410 : vector<16xf32>
      %sort3A_413 = arith.constant dense<true> : vector<16xi1>
      %sort3A_414, %sort3A_415, %sort3A_416 = tpu.sort %min3A_411, %min3A_411 masked %sort3A_413 : (vector<16xf32>, vector<16xf32>, vector<16xi1>) -> (vector<16xi1>, vector<16xf32>, vector<16xf32>)
      %sort3A_417 = arith.constant dense<true> : vector<16xi1>
      %sort3A_418, %sort3A_419, %sort3A_420 = tpu.sort %max3A_412, %max3A_412 masked %sort3A_417 : (vector<16xf32>, vector<16xf32>, vector<16xi1>) -> (vector<16xi1>, vector<16xf32>, vector<16xf32>)
      %eq3A = arith.constant 7 : i32
      %eq3A_421 = vector.broadcast %eq3A : i32 to vector<16xi32>
      %eq3A_422 = arith.cmpi eq, %iota3A, %eq3A_421 : vector<16xi32>
      %jit3A = arith.constant 0xFF800000 : f32
      %broadcast_in_dim3A_423 = vector.broadcast %jit3A : f32 to vector<16xf32>
      %select_n3A = arith.select %eq3A_422, %sort3A_419, %broadcast_in_dim3A_423 : vector<16xi1>, vector<16xf32>
      %reduce_max3A = arith.constant true
      %reduce_max3A_424 = vector.broadcast %reduce_max3A : i1 to vector<16xi1>
      %reduce_max3A_425 = tpu.scan <max>, %select_n3A masked %reduce_max3A_424 : vector<16xf32>, vector<16xi1> -> vector<16xf32>
      %reduce_max3A_426 = vector.extract %reduce_max3A_425[15] : f32 from vector<16xf32>
      %broadcast_in_dim3A_427 = arith.constant 2048 : i32
      %broadcast_in_dim3A_428 = vector.broadcast %broadcast_in_dim3A_427 : i32 to vector<16xi32>
      %swap3A_429 = arith.constant 0 : index
      %swap3A_430 = tpu.vector_load %arg9[%swap3A_429] {strides = array<i32>} : memref<2064xi32, #tpu.memory_space<vmem>>, vector<16xi32>,
      tpu.vector_store %arg9[%swap3A_429], %broadcast_in_dim3A_428 {strides = array<i32>} : memref<2064xi32, #tpu.memory_space<vmem>>, vector<16xi32>,
      %swap3A_431 = arith.constant 16 : index
      %swap3A_432 = tpu.vector_load %arg9[%swap3A_431] {strides = array<i32>} : memref<2064xi32, #tpu.memory_space<vmem>>, vector<16xi32>,
      tpu.vector_store %arg9[%swap3A_431], %broadcast_in_dim3A_428 {strides = array<i32>} : memref<2064xi32, #tpu.memory_space<vmem>>, vector<16xi32>,
      %swap3A_433 = arith.constant 32 : index
      %swap3A_434 = tpu.vector_load %arg9[%swap3A_433] {strides = array<i32>} : memref<2064xi32, #tpu.memory_space<vmem>>, vector<16xi32>,
      tpu.vector_store %arg9[%swap3A_433], %broadcast_in_dim3A_428 {strides = array<i32>} : memref<2064xi32, #tpu.memory_space<vmem>>, vector<16xi32>,
      %swap3A_435 = arith.constant 48 : index
      %swap3A_436 = tpu.vector_load %arg9[%swap3A_435] {strides = array<i32>} : memref<2064xi32, #tpu.memory_space<vmem>>, vector<16xi32>,
      tpu.vector_store %arg9[%swap3A_435], %broadcast_in_dim3A_428 {strides = array<i32>} : memref<2064xi32, #tpu.memory_space<vmem>>, vector<16xi32>,
      %swap3A_437 = arith.constant 64 : index
      %swap3A_438 = tpu.vector_load %arg9[%swap3A_437] {strides = array<i32>} : memref<2064xi32, #tpu.memory_space<vmem>>, vector<16xi32>,
      tpu.vector_store %arg9[%swap3A_437], %broadcast_in_dim3A_428 {strides = array<i32>} : memref<2064xi32, #tpu.memory_space<vmem>>, vector<16xi32>,
      %swap3A_439 = arith.constant 80 : index
      %swap3A_440 = tpu.vector_load %arg9[%swap3A_439] {strides = array<i32>} : memref<2064xi32, #tpu.memory_space<vmem>>, vector<16xi32>,
      tpu.vector_store %arg9[%swap3A_439], %broadcast_in_dim3A_428 {strides = array<i32>} : memref<2064xi32, #tpu.memory_space<vmem>>, vector<16xi32>,
      %swap3A_441 = arith.constant 96 : index
      %swap3A_442 = tpu.vector_load %arg9[%swap3A_441] {strides = array<i32>} : memref<2064xi32, #tpu.memory_space<vmem>>, vector<16xi32>,
      tpu.vector_store %arg9[%swap3A_441], %broadcast_in_dim3A_428 {strides = array<i32>} : memref<2064xi32, #tpu.memory_space<vmem>>, vector<16xi32>,
      %swap3A_443 = arith.constant 112 : index
      %swap3A_444 = tpu.vector_load %arg9[%swap3A_443] {strides = array<i32>} : memref<2064xi32, #tpu.memory_space<vmem>>, vector<16xi32>,
      tpu.vector_store %arg9[%swap3A_443], %broadcast_in_dim3A_428 {strides = array<i32>} : memref<2064xi32, #tpu.memory_space<vmem>>, vector<16xi32>,
      %swap3A_445 = arith.constant 128 : index
      %swap3A_446 = tpu.vector_load %arg9[%swap3A_445] {strides = array<i32>} : memref<2064xi32, #tpu.memory_space<vmem>>, vector<16xi32>,
      tpu.vector_store %arg9[%swap3A_445], %broadcast_in_dim3A_428 {strides = array<i32>} : memref<2064xi32, #tpu.memory_space<vmem>>, vector<16xi32>,
      %swap3A_447 = arith.constant 144 : index
      %swap3A_448 = tpu.vector_load %arg9[%swap3A_447] {strides = array<i32>} : memref<2064xi32, #tpu.memory_space<vmem>>, vector<16xi32>,
      tpu.vector_store %arg9[%swap3A_447], %broadcast_in_dim3A_428 {strides = array<i32>} : memref<2064xi32, #tpu.memory_space<vmem>>, vector<16xi32>,
      %swap3A_449 = arith.constant 160 : index
      %swap3A_450 = tpu.vector_load %arg9[%swap3A_449] {strides = array<i32>} : memref<2064xi32, #tpu.memory_space<vmem>>, vector<16xi32>,
      tpu.vector_store %arg9[%swap3A_449], %broadcast_in_dim3A_428 {strides = array<i32>} : memref<2064xi32, #tpu.memory_space<vmem>>, vector<16xi32>,
      %swap3A_451 = arith.constant 176 : index
      %swap3A_452 = tpu.vector_load %arg9[%swap3A_451] {strides = array<i32>} : memref<2064xi32, #tpu.memory_space<vmem>>, vector<16xi32>,
      tpu.vector_store %arg9[%swap3A_451], %broadcast_in_dim3A_428 {strides = array<i32>} : memref<2064xi32, #tpu.memory_space<vmem>>, vector<16xi32>,
      %swap3A_453 = arith.constant 192 : index
      %swap3A_454 = tpu.vector_load %arg9[%swap3A_453] {strides = array<i32>} : memref<2064xi32, #tpu.memory_space<vmem>>, vector<16xi32>,
      tpu.vector_store %arg9[%swap3A_453], %broadcast_in_dim3A_428 {strides = array<i32>} : memref<2064xi32, #tpu.memory_space<vmem>>, vector<16xi32>,
      %swap3A_455 = arith.constant 208 : index
      %swap3A_456 = tpu.vector_load %arg9[%swap3A_455] {strides = array<i32>} : memref<2064xi32, #tpu.memory_space<vmem>>, vector<16xi32>,
      tpu.vector_store %arg9[%swap3A_455], %broadcast_in_dim3A_428 {strides = array<i32>} : memref<2064xi32, #tpu.memory_space<vmem>>, vector<16xi32>,
      %swap3A_457 = arith.constant 224 : index
      %swap3A_458 = tpu.vector_load %arg9[%swap3A_457] {strides = array<i32>} : memref<2064xi32, #tpu.memory_space<vmem>>, vector<16xi32>,
      tpu.vector_store %arg9[%swap3A_457], %broadcast_in_dim3A_428 {strides = array<i32>} : memref<2064xi32, #tpu.memory_space<vmem>>, vector<16xi32>,
      %swap3A_459 = arith.constant 240 : index
      %swap3A_460 = tpu.vector_load %arg9[%swap3A_459] {strides = array<i32>} : memref<2064xi32, #tpu.memory_space<vmem>>, vector<16xi32>,
      tpu.vector_store %arg9[%swap3A_459], %broadcast_in_dim3A_428 {strides = array<i32>} : memref<2064xi32, #tpu.memory_space<vmem>>, vector<16xi32>,
      %swap3A_461 = arith.constant 256 : index
      %swap3A_462 = tpu.vector_load %arg9[%swap3A_461] {strides = array<i32>} : memref<2064xi32, #tpu.memory_space<vmem>>, vector<16xi32>,
      tpu.vector_store %arg9[%swap3A_461], %broadcast_in_dim3A_428 {strides = array<i32>} : memref<2064xi32, #tpu.memory_space<vmem>>, vector<16xi32>,
      %broadcast_in_dim3A_463 = arith.constant -1 : i32
      %broadcast_in_dim3A_464 = vector.broadcast %broadcast_in_dim3A_463 : i32 to vector<16xi32>
      %parallel_loop3A = arith.constant 0 : i32
      %parallel_loop3A_465 = arith.constant 128 : i32
      %parallel_loop3A_466 = arith.constant 1 : i32
      %parallel_loop3A_467 = scf.for %parallel_loop3A_2997 = %parallel_loop3A to %parallel_loop3A_465 step %parallel_loop3A_466 iter_args(%parallel_loop3A_2998 = %broadcast_in_dim3A_464) -> (vector<16xi32>)  : i32 {
        %parallel_loop3A_2999 = arith.constant 16 : i32
        %parallel_loop3A_3000 = arith.muli %parallel_loop3A_2997, %parallel_loop3A_2999 : i32
        %parallel_loop3A_3001 = arith.index_cast %parallel_loop3A_3000 : i32 to index
        %parallel_loop3A_3002 = tpu.vector_load %arg5[%parallel_loop3A_3001] {strides = array<i32>} : memref<2064xf32, #tpu.memory_space<vmem>>, vector<16xf32>,
        %parallel_loop3A_3003 = vector.broadcast %reduce_max3A_426 : f32 to vector<16xf32>
        %parallel_loop3A_3004 = arith.cmpf olt, %parallel_loop3A_3002, %parallel_loop3A_3003 : vector<16xf32>
        %parallel_loop3A_3005 = arith.extui %parallel_loop3A_3004 : vector<16xi1> to vector<16xi32>
        %parallel_loop3A_3006 = arith.constant true
        %parallel_loop3A_3007 = vector.broadcast %parallel_loop3A_3006 : i1 to vector<16xi1>
        %parallel_loop3A_3008 = tpu.scan <sum>, %parallel_loop3A_3005 masked %parallel_loop3A_3007 : vector<16xi32>, vector<16xi1> -> vector<16xi32>
        %parallel_loop3A_3009 = arith.addi %parallel_loop3A_3008, %parallel_loop3A_2998 : vector<16xi32>
        %parallel_loop3A_3010 = arith.constant 16 : i32
        %parallel_loop3A_3011 = arith.muli %parallel_loop3A_2997, %parallel_loop3A_3010 : i32
        %parallel_loop3A_3012 = vector.broadcast %parallel_loop3A_3011 : i32 to vector<16xi32>
        %parallel_loop3A_3013 = arith.addi %iota3A, %parallel_loop3A_3012 : vector<16xi32>
        tpu.vector_store_idx %arg9[%parallel_loop3A_3009], %parallel_loop3A_3013 masked %parallel_loop3A_3004 : memref<2064xi32, #tpu.memory_space<vmem>>[vector<16xi32>], vector<16xi32>, vector<16xi1>
        %parallel_loop3A_3014 = tpu.all_reduce %parallel_loop3A_3004 {dim = 0 : i64, kind = #tpu.reduction_kind<sum>} : vector<16xi1> -> vector<16xi32>
        %parallel_loop3A_3015 = arith.addi %parallel_loop3A_2998, %parallel_loop3A_3014 : vector<16xi32>
        scf.yield %parallel_loop3A_3015 : vector<16xi32>
      } {sc.loop_unroll_factor = 8 : i64, sc.parallel_access}
      %reduce_max3A_468 = arith.constant true
      %reduce_max3A_469 = vector.broadcast %reduce_max3A_468 : i1 to vector<16xi1>
      %reduce_max3A_470 = arith.constant -2147483648 : i32
      %reduce_max3A_471 = vector.broadcast %reduce_max3A_470 : i32 to vector<16xi32>
      %reduce_max3A_472 = arith.xori %parallel_loop3A_467, %reduce_max3A_471 : vector<16xi32>
      %reduce_max3A_473 = tpu.scan <max>, %reduce_max3A_472 masked %reduce_max3A_469 : vector<16xi32>, vector<16xi1> -> vector<16xi32>
      %reduce_max3A_474 = arith.xori %reduce_max3A_473, %reduce_max3A_471 : vector<16xi32>
      %reduce_max3A_475 = vector.extract %reduce_max3A_474[15] : i32 from vector<16xi32>
      %add3A_476 = arith.constant 1 : i32
      %add3A_477 = arith.addi %reduce_max3A_475, %add3A_476 : i32
      %while3A = arith.constant 0.000000e+00 : f32
      %while3A_478 = arith.constant 0x7F800000 : f32
      %while3A_479 = arith.constant 0 : i32
      %while3A_480:5 = scf.while (%while3A_2997 = %reduce_max3A_426, %while3A_2998 = %while3A, %while3A_2999 = %while3A_478, %while3A_3000 = %add3A_477, %while3A_3001 = %while3A_479) : (f32, f32, f32, i32, i32) -> (f32, f32, f32, i32, i32) {
        %lt3A = arith.constant 128 : i32
        %lt3A_3002 = arith.cmpi slt, %while3A_3000, %lt3A : i32
        %gt3A = arith.constant 256 : i32
        %gt3A_3003 = arith.cmpi sgt, %while3A_3000, %gt3A : i32
        %or3A = arith.ori %lt3A_3002, %gt3A_3003 : i1
        %lt3A_3004 = arith.constant 24 : i32
        %lt3A_3005 = arith.cmpi slt, %while3A_3001, %lt3A_3004 : i32
        %and3A = arith.andi %or3A, %lt3A_3005 : i1
        scf.condition(%and3A) %while3A_2997, %while3A_2998, %while3A_2999, %while3A_3000, %while3A_3001 : f32, f32, f32, i32, i32
      } do {
      ^bb0(%while3A_2997: f32, %while3A_2998: f32, %while3A_2999: f32, %while3A_3000: i32, %while3A_3001: i32):
        %lt3A = arith.constant 128 : i32
        %lt3A_3002 = arith.cmpi slt, %while3A_3000, %lt3A : i32
        %select_n3A_3003 = arith.select %lt3A_3002, %while3A_2997, %while3A_2998 : f32
        %gt3A = arith.constant 256 : i32
        %gt3A_3004 = arith.cmpi sgt, %while3A_3000, %gt3A : i32
        %select_n3A_3005 = arith.select %gt3A_3004, %while3A_2997, %while3A_2999 : f32
        %eq3A_3006 = arith.constant 0x7F800000 : f32
        %eq3A_3007 = arith.cmpf oeq, %select_n3A_3005, %eq3A_3006 : f32
        %mul3A_3008 = arith.constant 4.000000e+00 : f32
        %mul3A_3009 = arith.mulf %while3A_2997, %mul3A_3008 : f32
        %eq3A_3010 = arith.constant 0.000000e+00 : f32
        %eq3A_3011 = arith.cmpf oeq, %select_n3A_3003, %eq3A_3010 : f32
        %mul3A_3012 = arith.constant 2.500000e-01 : f32
        %mul3A_3013 = arith.mulf %while3A_2997, %mul3A_3012 : f32
        %add3A_3014 = arith.addf %select_n3A_3003, %select_n3A_3005 : f32
        %mul3A_3015 = arith.constant 5.000000e-01 : f32
        %mul3A_3016 = arith.mulf %mul3A_3015, %add3A_3014 : f32
        %select_n3A_3017 = arith.select %eq3A_3011, %mul3A_3013, %mul3A_3016 : f32
        %select_n3A_3018 = arith.select %eq3A_3007, %mul3A_3009, %select_n3A_3017 : f32
        %broadcast_in_dim3A_3019 = arith.constant 2048 : i32
        %broadcast_in_dim3A_3020 = vector.broadcast %broadcast_in_dim3A_3019 : i32 to vector<16xi32>
        %swap3A_3021 = arith.constant 0 : index
        %swap3A_3022 = tpu.vector_load %arg9[%swap3A_3021] {strides = array<i32>} : memref<2064xi32, #tpu.memory_space<vmem>>, vector<16xi32>,
        tpu.vector_store %arg9[%swap3A_3021], %broadcast_in_dim3A_3020 {strides = array<i32>} : memref<2064xi32, #tpu.memory_space<vmem>>, vector<16xi32>,
        %swap3A_3023 = arith.constant 16 : index
        %swap3A_3024 = tpu.vector_load %arg9[%swap3A_3023] {strides = array<i32>} : memref<2064xi32, #tpu.memory_space<vmem>>, vector<16xi32>,
        tpu.vector_store %arg9[%swap3A_3023], %broadcast_in_dim3A_3020 {strides = array<i32>} : memref<2064xi32, #tpu.memory_space<vmem>>, vector<16xi32>,
        %swap3A_3025 = arith.constant 32 : index
        %swap3A_3026 = tpu.vector_load %arg9[%swap3A_3025] {strides = array<i32>} : memref<2064xi32, #tpu.memory_space<vmem>>, vector<16xi32>,
        tpu.vector_store %arg9[%swap3A_3025], %broadcast_in_dim3A_3020 {strides = array<i32>} : memref<2064xi32, #tpu.memory_space<vmem>>, vector<16xi32>,
        %swap3A_3027 = arith.constant 48 : index
        %swap3A_3028 = tpu.vector_load %arg9[%swap3A_3027] {strides = array<i32>} : memref<2064xi32, #tpu.memory_space<vmem>>, vector<16xi32>,
        tpu.vector_store %arg9[%swap3A_3027], %broadcast_in_dim3A_3020 {strides = array<i32>} : memref<2064xi32, #tpu.memory_space<vmem>>, vector<16xi32>,
        %swap3A_3029 = arith.constant 64 : index
        %swap3A_3030 = tpu.vector_load %arg9[%swap3A_3029] {strides = array<i32>} : memref<2064xi32, #tpu.memory_space<vmem>>, vector<16xi32>,
        tpu.vector_store %arg9[%swap3A_3029], %broadcast_in_dim3A_3020 {strides = array<i32>} : memref<2064xi32, #tpu.memory_space<vmem>>, vector<16xi32>,
        %swap3A_3031 = arith.constant 80 : index
        %swap3A_3032 = tpu.vector_load %arg9[%swap3A_3031] {strides = array<i32>} : memref<2064xi32, #tpu.memory_space<vmem>>, vector<16xi32>,
        tpu.vector_store %arg9[%swap3A_3031], %broadcast_in_dim3A_3020 {strides = array<i32>} : memref<2064xi32, #tpu.memory_space<vmem>>, vector<16xi32>,
        %swap3A_3033 = arith.constant 96 : index
        %swap3A_3034 = tpu.vector_load %arg9[%swap3A_3033] {strides = array<i32>} : memref<2064xi32, #tpu.memory_space<vmem>>, vector<16xi32>,
        tpu.vector_store %arg9[%swap3A_3033], %broadcast_in_dim3A_3020 {strides = array<i32>} : memref<2064xi32, #tpu.memory_space<vmem>>, vector<16xi32>,
        %swap3A_3035 = arith.constant 112 : index
        %swap3A_3036 = tpu.vector_load %arg9[%swap3A_3035] {strides = array<i32>} : memref<2064xi32, #tpu.memory_space<vmem>>, vector<16xi32>,
        tpu.vector_store %arg9[%swap3A_3035], %broadcast_in_dim3A_3020 {strides = array<i32>} : memref<2064xi32, #tpu.memory_space<vmem>>, vector<16xi32>,
        %swap3A_3037 = arith.constant 128 : index
        %swap3A_3038 = tpu.vector_load %arg9[%swap3A_3037] {strides = array<i32>} : memref<2064xi32, #tpu.memory_space<vmem>>, vector<16xi32>,
        tpu.vector_store %arg9[%swap3A_3037], %broadcast_in_dim3A_3020 {strides = array<i32>} : memref<2064xi32, #tpu.memory_space<vmem>>, vector<16xi32>,
        %swap3A_3039 = arith.constant 144 : index
        %swap3A_3040 = tpu.vector_load %arg9[%swap3A_3039] {strides = array<i32>} : memref<2064xi32, #tpu.memory_space<vmem>>, vector<16xi32>,
        tpu.vector_store %arg9[%swap3A_3039], %broadcast_in_dim3A_3020 {strides = array<i32>} : memref<2064xi32, #tpu.memory_space<vmem>>, vector<16xi32>,
        %swap3A_3041 = arith.constant 160 : index
        %swap3A_3042 = tpu.vector_load %arg9[%swap3A_3041] {strides = array<i32>} : memref<2064xi32, #tpu.memory_space<vmem>>, vector<16xi32>,
        tpu.vector_store %arg9[%swap3A_3041], %broadcast_in_dim3A_3020 {strides = array<i32>} : memref<2064xi32, #tpu.memory_space<vmem>>, vector<16xi32>,
        %swap3A_3043 = arith.constant 176 : index
        %swap3A_3044 = tpu.vector_load %arg9[%swap3A_3043] {strides = array<i32>} : memref<2064xi32, #tpu.memory_space<vmem>>, vector<16xi32>,
        tpu.vector_store %arg9[%swap3A_3043], %broadcast_in_dim3A_3020 {strides = array<i32>} : memref<2064xi32, #tpu.memory_space<vmem>>, vector<16xi32>,
        %swap3A_3045 = arith.constant 192 : index
        %swap3A_3046 = tpu.vector_load %arg9[%swap3A_3045] {strides = array<i32>} : memref<2064xi32, #tpu.memory_space<vmem>>, vector<16xi32>,
        tpu.vector_store %arg9[%swap3A_3045], %broadcast_in_dim3A_3020 {strides = array<i32>} : memref<2064xi32, #tpu.memory_space<vmem>>, vector<16xi32>,
        %swap3A_3047 = arith.constant 208 : index
        %swap3A_3048 = tpu.vector_load %arg9[%swap3A_3047] {strides = array<i32>} : memref<2064xi32, #tpu.memory_space<vmem>>, vector<16xi32>,
        tpu.vector_store %arg9[%swap3A_3047], %broadcast_in_dim3A_3020 {strides = array<i32>} : memref<2064xi32, #tpu.memory_space<vmem>>, vector<16xi32>,
        %swap3A_3049 = arith.constant 224 : index
        %swap3A_3050 = tpu.vector_load %arg9[%swap3A_3049] {strides = array<i32>} : memref<2064xi32, #tpu.memory_space<vmem>>, vector<16xi32>,
        tpu.vector_store %arg9[%swap3A_3049], %broadcast_in_dim3A_3020 {strides = array<i32>} : memref<2064xi32, #tpu.memory_space<vmem>>, vector<16xi32>,
        %swap3A_3051 = arith.constant 240 : index
        %swap3A_3052 = tpu.vector_load %arg9[%swap3A_3051] {strides = array<i32>} : memref<2064xi32, #tpu.memory_space<vmem>>, vector<16xi32>,
        tpu.vector_store %arg9[%swap3A_3051], %broadcast_in_dim3A_3020 {strides = array<i32>} : memref<2064xi32, #tpu.memory_space<vmem>>, vector<16xi32>,
        %swap3A_3053 = arith.constant 256 : index
        %swap3A_3054 = tpu.vector_load %arg9[%swap3A_3053] {strides = array<i32>} : memref<2064xi32, #tpu.memory_space<vmem>>, vector<16xi32>,
        tpu.vector_store %arg9[%swap3A_3053], %broadcast_in_dim3A_3020 {strides = array<i32>} : memref<2064xi32, #tpu.memory_space<vmem>>, vector<16xi32>,
        %broadcast_in_dim3A_3055 = arith.constant -1 : i32
        %broadcast_in_dim3A_3056 = vector.broadcast %broadcast_in_dim3A_3055 : i32 to vector<16xi32>
        %parallel_loop3A_3057 = arith.constant 0 : i32
        %parallel_loop3A_3058 = arith.constant 128 : i32
        %parallel_loop3A_3059 = arith.constant 1 : i32
        %parallel_loop3A_3060 = scf.for %parallel_loop3A_3073 = %parallel_loop3A_3057 to %parallel_loop3A_3058 step %parallel_loop3A_3059 iter_args(%parallel_loop3A_3074 = %broadcast_in_dim3A_3056) -> (vector<16xi32>)  : i32 {
          %parallel_loop3A_3075 = arith.constant 16 : i32
          %parallel_loop3A_3076 = arith.muli %parallel_loop3A_3073, %parallel_loop3A_3075 : i32
          %parallel_loop3A_3077 = arith.index_cast %parallel_loop3A_3076 : i32 to index
          %parallel_loop3A_3078 = tpu.vector_load %arg5[%parallel_loop3A_3077] {strides = array<i32>} : memref<2064xf32, #tpu.memory_space<vmem>>, vector<16xf32>,
          %parallel_loop3A_3079 = vector.broadcast %select_n3A_3018 : f32 to vector<16xf32>
          %parallel_loop3A_3080 = arith.cmpf olt, %parallel_loop3A_3078, %parallel_loop3A_3079 : vector<16xf32>
          %parallel_loop3A_3081 = arith.extui %parallel_loop3A_3080 : vector<16xi1> to vector<16xi32>
          %parallel_loop3A_3082 = arith.constant true
          %parallel_loop3A_3083 = vector.broadcast %parallel_loop3A_3082 : i1 to vector<16xi1>
          %parallel_loop3A_3084 = tpu.scan <sum>, %parallel_loop3A_3081 masked %parallel_loop3A_3083 : vector<16xi32>, vector<16xi1> -> vector<16xi32>
          %parallel_loop3A_3085 = arith.addi %parallel_loop3A_3084, %parallel_loop3A_3074 : vector<16xi32>
          %parallel_loop3A_3086 = arith.constant 16 : i32
          %parallel_loop3A_3087 = arith.muli %parallel_loop3A_3073, %parallel_loop3A_3086 : i32
          %parallel_loop3A_3088 = vector.broadcast %parallel_loop3A_3087 : i32 to vector<16xi32>
          %parallel_loop3A_3089 = arith.addi %iota3A, %parallel_loop3A_3088 : vector<16xi32>
          tpu.vector_store_idx %arg9[%parallel_loop3A_3085], %parallel_loop3A_3089 masked %parallel_loop3A_3080 : memref<2064xi32, #tpu.memory_space<vmem>>[vector<16xi32>], vector<16xi32>, vector<16xi1>
          %parallel_loop3A_3090 = tpu.all_reduce %parallel_loop3A_3080 {dim = 0 : i64, kind = #tpu.reduction_kind<sum>} : vector<16xi1> -> vector<16xi32>
          %parallel_loop3A_3091 = arith.addi %parallel_loop3A_3074, %parallel_loop3A_3090 : vector<16xi32>
          scf.yield %parallel_loop3A_3091 : vector<16xi32>
        } {sc.loop_unroll_factor = 8 : i64, sc.parallel_access}
        %reduce_max3A_3061 = arith.constant true
        %reduce_max3A_3062 = vector.broadcast %reduce_max3A_3061 : i1 to vector<16xi1>
        %reduce_max3A_3063 = arith.constant -2147483648 : i32
        %reduce_max3A_3064 = vector.broadcast %reduce_max3A_3063 : i32 to vector<16xi32>
        %reduce_max3A_3065 = arith.xori %parallel_loop3A_3060, %reduce_max3A_3064 : vector<16xi32>
        %reduce_max3A_3066 = tpu.scan <max>, %reduce_max3A_3065 masked %reduce_max3A_3062 : vector<16xi32>, vector<16xi1> -> vector<16xi32>
        %reduce_max3A_3067 = arith.xori %reduce_max3A_3066, %reduce_max3A_3064 : vector<16xi32>
        %reduce_max3A_3068 = vector.extract %reduce_max3A_3067[15] : i32 from vector<16xi32>
        %add3A_3069 = arith.constant 1 : i32
        %add3A_3070 = arith.addi %reduce_max3A_3068, %add3A_3069 : i32
        %add3A_3071 = arith.constant 1 : i32
        %add3A_3072 = arith.addi %while3A_3001, %add3A_3071 : i32
        scf.yield %select_n3A_3018, %select_n3A_3003, %select_n3A_3005, %add3A_3070, %add3A_3072 : f32, f32, f32, i32, i32
      }
      %get3A_481 = arith.constant 0 : index
      %get3A_482 = tpu.vector_load %arg9[%get3A_481] {strides = array<i32>} : memref<2064xi32, #tpu.memory_space<vmem>>, vector<16xi32>,
      %get3A_483 = arith.constant 16 : index
      %get3A_484 = tpu.vector_load %arg9[%get3A_483] {strides = array<i32>} : memref<2064xi32, #tpu.memory_space<vmem>>, vector<16xi32>,
      %get3A_485 = arith.constant 32 : index
      %get3A_486 = tpu.vector_load %arg9[%get3A_485] {strides = array<i32>} : memref<2064xi32, #tpu.memory_space<vmem>>, vector<16xi32>,
      %get3A_487 = arith.constant 48 : index
      %get3A_488 = tpu.vector_load %arg9[%get3A_487] {strides = array<i32>} : memref<2064xi32, #tpu.memory_space<vmem>>, vector<16xi32>,
      %get3A_489 = arith.constant 64 : index
      %get3A_490 = tpu.vector_load %arg9[%get3A_489] {strides = array<i32>} : memref<2064xi32, #tpu.memory_space<vmem>>, vector<16xi32>,
      %get3A_491 = arith.constant 80 : index
      %get3A_492 = tpu.vector_load %arg9[%get3A_491] {strides = array<i32>} : memref<2064xi32, #tpu.memory_space<vmem>>, vector<16xi32>,
      %get3A_493 = arith.constant 96 : index
      %get3A_494 = tpu.vector_load %arg9[%get3A_493] {strides = array<i32>} : memref<2064xi32, #tpu.memory_space<vmem>>, vector<16xi32>,
      %get3A_495 = arith.constant 112 : index
      %get3A_496 = tpu.vector_load %arg9[%get3A_495] {strides = array<i32>} : memref<2064xi32, #tpu.memory_space<vmem>>, vector<16xi32>,
      %get3A_497 = arith.constant 128 : index
      %get3A_498 = tpu.vector_load %arg9[%get3A_497] {strides = array<i32>} : memref<2064xi32, #tpu.memory_space<vmem>>, vector<16xi32>,
      %get3A_499 = arith.constant 144 : index
      %get3A_500 = tpu.vector_load %arg9[%get3A_499] {strides = array<i32>} : memref<2064xi32, #tpu.memory_space<vmem>>, vector<16xi32>,
      %get3A_501 = arith.constant 160 : index
      %get3A_502 = tpu.vector_load %arg9[%get3A_501] {strides = array<i32>} : memref<2064xi32, #tpu.memory_space<vmem>>, vector<16xi32>,
      %get3A_503 = arith.constant 176 : index
      %get3A_504 = tpu.vector_load %arg9[%get3A_503] {strides = array<i32>} : memref<2064xi32, #tpu.memory_space<vmem>>, vector<16xi32>,
      %get3A_505 = arith.constant 192 : index
      %get3A_506 = tpu.vector_load %arg9[%get3A_505] {strides = array<i32>} : memref<2064xi32, #tpu.memory_space<vmem>>, vector<16xi32>,
      %get3A_507 = arith.constant 208 : index
      %get3A_508 = tpu.vector_load %arg9[%get3A_507] {strides = array<i32>} : memref<2064xi32, #tpu.memory_space<vmem>>, vector<16xi32>,
      %get3A_509 = arith.constant 224 : index
      %get3A_510 = tpu.vector_load %arg9[%get3A_509] {strides = array<i32>} : memref<2064xi32, #tpu.memory_space<vmem>>, vector<16xi32>,
      %get3A_511 = arith.constant 240 : index
      %get3A_512 = tpu.vector_load %arg9[%get3A_511] {strides = array<i32>} : memref<2064xi32, #tpu.memory_space<vmem>>, vector<16xi32>,
      %gather3A = tpu.vector_load_idx %arg5[%get3A_482] : memref<2064xf32, #tpu.memory_space<vmem>>[vector<16xi32>], vector<16xf32>,
      %gather3A_513 = tpu.vector_load_idx %arg5[%get3A_484] : memref<2064xf32, #tpu.memory_space<vmem>>[vector<16xi32>], vector<16xf32>,
      %gather3A_514 = tpu.vector_load_idx %arg5[%get3A_486] : memref<2064xf32, #tpu.memory_space<vmem>>[vector<16xi32>], vector<16xf32>,
      %gather3A_515 = tpu.vector_load_idx %arg5[%get3A_488] : memref<2064xf32, #tpu.memory_space<vmem>>[vector<16xi32>], vector<16xf32>,
      %gather3A_516 = tpu.vector_load_idx %arg5[%get3A_490] : memref<2064xf32, #tpu.memory_space<vmem>>[vector<16xi32>], vector<16xf32>,
      %gather3A_517 = tpu.vector_load_idx %arg5[%get3A_492] : memref<2064xf32, #tpu.memory_space<vmem>>[vector<16xi32>], vector<16xf32>,
      %gather3A_518 = tpu.vector_load_idx %arg5[%get3A_494] : memref<2064xf32, #tpu.memory_space<vmem>>[vector<16xi32>], vector<16xf32>,
      %gather3A_519 = tpu.vector_load_idx %arg5[%get3A_496] : memref<2064xf32, #tpu.memory_space<vmem>>[vector<16xi32>], vector<16xf32>,
      %gather3A_520 = tpu.vector_load_idx %arg5[%get3A_498] : memref<2064xf32, #tpu.memory_space<vmem>>[vector<16xi32>], vector<16xf32>,
      %gather3A_521 = tpu.vector_load_idx %arg5[%get3A_500] : memref<2064xf32, #tpu.memory_space<vmem>>[vector<16xi32>], vector<16xf32>,
      %gather3A_522 = tpu.vector_load_idx %arg5[%get3A_502] : memref<2064xf32, #tpu.memory_space<vmem>>[vector<16xi32>], vector<16xf32>,
      %gather3A_523 = tpu.vector_load_idx %arg5[%get3A_504] : memref<2064xf32, #tpu.memory_space<vmem>>[vector<16xi32>], vector<16xf32>,
      %gather3A_524 = tpu.vector_load_idx %arg5[%get3A_506] : memref<2064xf32, #tpu.memory_space<vmem>>[vector<16xi32>], vector<16xf32>,
      %gather3A_525 = tpu.vector_load_idx %arg5[%get3A_508] : memref<2064xf32, #tpu.memory_space<vmem>>[vector<16xi32>], vector<16xf32>,
      %gather3A_526 = tpu.vector_load_idx %arg5[%get3A_510] : memref<2064xf32, #tpu.memory_space<vmem>>[vector<16xi32>], vector<16xf32>,
      %gather3A_527 = tpu.vector_load_idx %arg5[%get3A_512] : memref<2064xf32, #tpu.memory_space<vmem>>[vector<16xi32>], vector<16xf32>,
      %masked_sort3A = arith.constant dense<true> : vector<16xi1>
      %masked_sort3A_528, %masked_sort3A_529, %masked_sort3A_530 = tpu.sort %gather3A, %get3A_482 masked %masked_sort3A : (vector<16xf32>, vector<16xi32>, vector<16xi1>) -> (vector<16xi1>, vector<16xf32>, vector<16xi32>)
      %masked_sort3A_531 = arith.constant dense<true> : vector<16xi1>
      %masked_sort3A_532, %masked_sort3A_533, %masked_sort3A_534 = tpu.sort %gather3A_513, %get3A_484 masked %masked_sort3A_531 : (vector<16xf32>, vector<16xi32>, vector<16xi1>) -> (vector<16xi1>, vector<16xf32>, vector<16xi32>)
      %masked_sort3A_535 = arith.constant dense<true> : vector<16xi1>
      %masked_sort3A_536, %masked_sort3A_537, %masked_sort3A_538 = tpu.sort %gather3A_514, %get3A_486 masked %masked_sort3A_535 : (vector<16xf32>, vector<16xi32>, vector<16xi1>) -> (vector<16xi1>, vector<16xf32>, vector<16xi32>)
      %masked_sort3A_539 = arith.constant dense<true> : vector<16xi1>
      %masked_sort3A_540, %masked_sort3A_541, %masked_sort3A_542 = tpu.sort %gather3A_515, %get3A_488 masked %masked_sort3A_539 : (vector<16xf32>, vector<16xi32>, vector<16xi1>) -> (vector<16xi1>, vector<16xf32>, vector<16xi32>)
      %masked_sort3A_543 = arith.constant dense<true> : vector<16xi1>
      %masked_sort3A_544, %masked_sort3A_545, %masked_sort3A_546 = tpu.sort %gather3A_516, %get3A_490 masked %masked_sort3A_543 : (vector<16xf32>, vector<16xi32>, vector<16xi1>) -> (vector<16xi1>, vector<16xf32>, vector<16xi32>)
      %masked_sort3A_547 = arith.constant dense<true> : vector<16xi1>
      %masked_sort3A_548, %masked_sort3A_549, %masked_sort3A_550 = tpu.sort %gather3A_517, %get3A_492 masked %masked_sort3A_547 : (vector<16xf32>, vector<16xi32>, vector<16xi1>) -> (vector<16xi1>, vector<16xf32>, vector<16xi32>)
      %masked_sort3A_551 = arith.constant dense<true> : vector<16xi1>
      %masked_sort3A_552, %masked_sort3A_553, %masked_sort3A_554 = tpu.sort %gather3A_518, %get3A_494 masked %masked_sort3A_551 : (vector<16xf32>, vector<16xi32>, vector<16xi1>) -> (vector<16xi1>, vector<16xf32>, vector<16xi32>)
      %masked_sort3A_555 = arith.constant dense<true> : vector<16xi1>
      %masked_sort3A_556, %masked_sort3A_557, %masked_sort3A_558 = tpu.sort %gather3A_519, %get3A_496 masked %masked_sort3A_555 : (vector<16xf32>, vector<16xi32>, vector<16xi1>) -> (vector<16xi1>, vector<16xf32>, vector<16xi32>)
      %masked_sort3A_559 = arith.constant dense<true> : vector<16xi1>
      %masked_sort3A_560, %masked_sort3A_561, %masked_sort3A_562 = tpu.sort %gather3A_520, %get3A_498 masked %masked_sort3A_559 : (vector<16xf32>, vector<16xi32>, vector<16xi1>) -> (vector<16xi1>, vector<16xf32>, vector<16xi32>)
      %masked_sort3A_563 = arith.constant dense<true> : vector<16xi1>
      %masked_sort3A_564, %masked_sort3A_565, %masked_sort3A_566 = tpu.sort %gather3A_521, %get3A_500 masked %masked_sort3A_563 : (vector<16xf32>, vector<16xi32>, vector<16xi1>) -> (vector<16xi1>, vector<16xf32>, vector<16xi32>)
      %masked_sort3A_567 = arith.constant dense<true> : vector<16xi1>
      %masked_sort3A_568, %masked_sort3A_569, %masked_sort3A_570 = tpu.sort %gather3A_522, %get3A_502 masked %masked_sort3A_567 : (vector<16xf32>, vector<16xi32>, vector<16xi1>) -> (vector<16xi1>, vector<16xf32>, vector<16xi32>)
      %masked_sort3A_571 = arith.constant dense<true> : vector<16xi1>
      %masked_sort3A_572, %masked_sort3A_573, %masked_sort3A_574 = tpu.sort %gather3A_523, %get3A_504 masked %masked_sort3A_571 : (vector<16xf32>, vector<16xi32>, vector<16xi1>) -> (vector<16xi1>, vector<16xf32>, vector<16xi32>)
      %masked_sort3A_575 = arith.constant dense<true> : vector<16xi1>
      %masked_sort3A_576, %masked_sort3A_577, %masked_sort3A_578 = tpu.sort %gather3A_524, %get3A_506 masked %masked_sort3A_575 : (vector<16xf32>, vector<16xi32>, vector<16xi1>) -> (vector<16xi1>, vector<16xf32>, vector<16xi32>)
      %masked_sort3A_579 = arith.constant dense<true> : vector<16xi1>
      %masked_sort3A_580, %masked_sort3A_581, %masked_sort3A_582 = tpu.sort %gather3A_525, %get3A_508 masked %masked_sort3A_579 : (vector<16xf32>, vector<16xi32>, vector<16xi1>) -> (vector<16xi1>, vector<16xf32>, vector<16xi32>)
      %masked_sort3A_583 = arith.constant dense<true> : vector<16xi1>
      %masked_sort3A_584, %masked_sort3A_585, %masked_sort3A_586 = tpu.sort %gather3A_526, %get3A_510 masked %masked_sort3A_583 : (vector<16xf32>, vector<16xi32>, vector<16xi1>) -> (vector<16xi1>, vector<16xf32>, vector<16xi32>)
      %masked_sort3A_587 = arith.constant dense<true> : vector<16xi1>
      %masked_sort3A_588, %masked_sort3A_589, %masked_sort3A_590 = tpu.sort %gather3A_527, %get3A_512 masked %masked_sort3A_587 : (vector<16xf32>, vector<16xi32>, vector<16xi1>) -> (vector<16xi1>, vector<16xf32>, vector<16xi32>)
      %rev3A_591 = arith.constant 15 : i32
      %rev3A_592 = vector.broadcast %rev3A_591 : i32 to vector<16xi32>
      %rev3A_593 = tpu.iota {dimensions = array<i32: 0>} : vector<16xi32>
      %rev3A_594 = arith.subi %rev3A_592, %rev3A_593 : vector<16xi32>
      %rev3A_595 = tpu.dynamic_gather %masked_sort3A_533[%rev3A_594] in [0] : vector<16xf32>, vector<16xi32> -> vector<16xf32>
      %rev3A_596 = arith.constant 15 : i32
      %rev3A_597 = vector.broadcast %rev3A_596 : i32 to vector<16xi32>
      %rev3A_598 = tpu.iota {dimensions = array<i32: 0>} : vector<16xi32>
      %rev3A_599 = arith.subi %rev3A_597, %rev3A_598 : vector<16xi32>
      %rev3A_600 = tpu.dynamic_gather %masked_sort3A_534[%rev3A_599] in [0] : vector<16xi32>, vector<16xi32> -> vector<16xi32>
      %le3A = arith.cmpf ole, %masked_sort3A_529, %rev3A_595 : vector<16xf32>
      %select_n3A_601 = arith.select %le3A, %masked_sort3A_529, %rev3A_595 : vector<16xi1>, vector<16xf32>
      %select_n3A_602 = arith.select %le3A, %masked_sort3A_530, %rev3A_600 : vector<16xi1>, vector<16xi32>
      %select_n3A_603 = arith.select %le3A, %rev3A_595, %masked_sort3A_529 : vector<16xi1>, vector<16xf32>
      %select_n3A_604 = arith.select %le3A, %rev3A_600, %masked_sort3A_530 : vector<16xi1>, vector<16xi32>
      %masked_sort3A_605 = arith.constant dense<true> : vector<16xi1>
      %masked_sort3A_606, %masked_sort3A_607, %masked_sort3A_608 = tpu.sort %select_n3A_601, %select_n3A_602 masked %masked_sort3A_605 : (vector<16xf32>, vector<16xi32>, vector<16xi1>) -> (vector<16xi1>, vector<16xf32>, vector<16xi32>)
      %masked_sort3A_609 = arith.constant dense<true> : vector<16xi1>
      %masked_sort3A_610, %masked_sort3A_611, %masked_sort3A_612 = tpu.sort %select_n3A_603, %select_n3A_604 masked %masked_sort3A_609 : (vector<16xf32>, vector<16xi32>, vector<16xi1>) -> (vector<16xi1>, vector<16xf32>, vector<16xi32>)
      %rev3A_613 = arith.constant 15 : i32
      %rev3A_614 = vector.broadcast %rev3A_613 : i32 to vector<16xi32>
      %rev3A_615 = tpu.iota {dimensions = array<i32: 0>} : vector<16xi32>
      %rev3A_616 = arith.subi %rev3A_614, %rev3A_615 : vector<16xi32>
      %rev3A_617 = tpu.dynamic_gather %masked_sort3A_541[%rev3A_616] in [0] : vector<16xf32>, vector<16xi32> -> vector<16xf32>
      %rev3A_618 = arith.constant 15 : i32
      %rev3A_619 = vector.broadcast %rev3A_618 : i32 to vector<16xi32>
      %rev3A_620 = tpu.iota {dimensions = array<i32: 0>} : vector<16xi32>
      %rev3A_621 = arith.subi %rev3A_619, %rev3A_620 : vector<16xi32>
      %rev3A_622 = tpu.dynamic_gather %masked_sort3A_542[%rev3A_621] in [0] : vector<16xi32>, vector<16xi32> -> vector<16xi32>
      %le3A_623 = arith.cmpf ole, %masked_sort3A_537, %rev3A_617 : vector<16xf32>
      %select_n3A_624 = arith.select %le3A_623, %masked_sort3A_537, %rev3A_617 : vector<16xi1>, vector<16xf32>
      %select_n3A_625 = arith.select %le3A_623, %masked_sort3A_538, %rev3A_622 : vector<16xi1>, vector<16xi32>
      %select_n3A_626 = arith.select %le3A_623, %rev3A_617, %masked_sort3A_537 : vector<16xi1>, vector<16xf32>
      %select_n3A_627 = arith.select %le3A_623, %rev3A_622, %masked_sort3A_538 : vector<16xi1>, vector<16xi32>
      %masked_sort3A_628 = arith.constant dense<true> : vector<16xi1>
      %masked_sort3A_629, %masked_sort3A_630, %masked_sort3A_631 = tpu.sort %select_n3A_624, %select_n3A_625 masked %masked_sort3A_628 : (vector<16xf32>, vector<16xi32>, vector<16xi1>) -> (vector<16xi1>, vector<16xf32>, vector<16xi32>)
      %masked_sort3A_632 = arith.constant dense<true> : vector<16xi1>
      %masked_sort3A_633, %masked_sort3A_634, %masked_sort3A_635 = tpu.sort %select_n3A_626, %select_n3A_627 masked %masked_sort3A_632 : (vector<16xf32>, vector<16xi32>, vector<16xi1>) -> (vector<16xi1>, vector<16xf32>, vector<16xi32>)
      %rev3A_636 = arith.constant 15 : i32
      %rev3A_637 = vector.broadcast %rev3A_636 : i32 to vector<16xi32>
      %rev3A_638 = tpu.iota {dimensions = array<i32: 0>} : vector<16xi32>
      %rev3A_639 = arith.subi %rev3A_637, %rev3A_638 : vector<16xi32>
      %rev3A_640 = tpu.dynamic_gather %masked_sort3A_549[%rev3A_639] in [0] : vector<16xf32>, vector<16xi32> -> vector<16xf32>
      %rev3A_641 = arith.constant 15 : i32
      %rev3A_642 = vector.broadcast %rev3A_641 : i32 to vector<16xi32>
      %rev3A_643 = tpu.iota {dimensions = array<i32: 0>} : vector<16xi32>
      %rev3A_644 = arith.subi %rev3A_642, %rev3A_643 : vector<16xi32>
      %rev3A_645 = tpu.dynamic_gather %masked_sort3A_550[%rev3A_644] in [0] : vector<16xi32>, vector<16xi32> -> vector<16xi32>
      %le3A_646 = arith.cmpf ole, %masked_sort3A_545, %rev3A_640 : vector<16xf32>
      %select_n3A_647 = arith.select %le3A_646, %masked_sort3A_545, %rev3A_640 : vector<16xi1>, vector<16xf32>
      %select_n3A_648 = arith.select %le3A_646, %masked_sort3A_546, %rev3A_645 : vector<16xi1>, vector<16xi32>
      %select_n3A_649 = arith.select %le3A_646, %rev3A_640, %masked_sort3A_545 : vector<16xi1>, vector<16xf32>
      %select_n3A_650 = arith.select %le3A_646, %rev3A_645, %masked_sort3A_546 : vector<16xi1>, vector<16xi32>
      %masked_sort3A_651 = arith.constant dense<true> : vector<16xi1>
      %masked_sort3A_652, %masked_sort3A_653, %masked_sort3A_654 = tpu.sort %select_n3A_647, %select_n3A_648 masked %masked_sort3A_651 : (vector<16xf32>, vector<16xi32>, vector<16xi1>) -> (vector<16xi1>, vector<16xf32>, vector<16xi32>)
      %masked_sort3A_655 = arith.constant dense<true> : vector<16xi1>
      %masked_sort3A_656, %masked_sort3A_657, %masked_sort3A_658 = tpu.sort %select_n3A_649, %select_n3A_650 masked %masked_sort3A_655 : (vector<16xf32>, vector<16xi32>, vector<16xi1>) -> (vector<16xi1>, vector<16xf32>, vector<16xi32>)
      %rev3A_659 = arith.constant 15 : i32
      %rev3A_660 = vector.broadcast %rev3A_659 : i32 to vector<16xi32>
      %rev3A_661 = tpu.iota {dimensions = array<i32: 0>} : vector<16xi32>
      %rev3A_662 = arith.subi %rev3A_660, %rev3A_661 : vector<16xi32>
      %rev3A_663 = tpu.dynamic_gather %masked_sort3A_557[%rev3A_662] in [0] : vector<16xf32>, vector<16xi32> -> vector<16xf32>
      %rev3A_664 = arith.constant 15 : i32
      %rev3A_665 = vector.broadcast %rev3A_664 : i32 to vector<16xi32>
      %rev3A_666 = tpu.iota {dimensions = array<i32: 0>} : vector<16xi32>
      %rev3A_667 = arith.subi %rev3A_665, %rev3A_666 : vector<16xi32>
      %rev3A_668 = tpu.dynamic_gather %masked_sort3A_558[%rev3A_667] in [0] : vector<16xi32>, vector<16xi32> -> vector<16xi32>
      %le3A_669 = arith.cmpf ole, %masked_sort3A_553, %rev3A_663 : vector<16xf32>
      %select_n3A_670 = arith.select %le3A_669, %masked_sort3A_553, %rev3A_663 : vector<16xi1>, vector<16xf32>
      %select_n3A_671 = arith.select %le3A_669, %masked_sort3A_554, %rev3A_668 : vector<16xi1>, vector<16xi32>
      %select_n3A_672 = arith.select %le3A_669, %rev3A_663, %masked_sort3A_553 : vector<16xi1>, vector<16xf32>
      %select_n3A_673 = arith.select %le3A_669, %rev3A_668, %masked_sort3A_554 : vector<16xi1>, vector<16xi32>
      %masked_sort3A_674 = arith.constant dense<true> : vector<16xi1>
      %masked_sort3A_675, %masked_sort3A_676, %masked_sort3A_677 = tpu.sort %select_n3A_670, %select_n3A_671 masked %masked_sort3A_674 : (vector<16xf32>, vector<16xi32>, vector<16xi1>) -> (vector<16xi1>, vector<16xf32>, vector<16xi32>)
      %masked_sort3A_678 = arith.constant dense<true> : vector<16xi1>
      %masked_sort3A_679, %masked_sort3A_680, %masked_sort3A_681 = tpu.sort %select_n3A_672, %select_n3A_673 masked %masked_sort3A_678 : (vector<16xf32>, vector<16xi32>, vector<16xi1>) -> (vector<16xi1>, vector<16xf32>, vector<16xi32>)
      %rev3A_682 = arith.constant 15 : i32
      %rev3A_683 = vector.broadcast %rev3A_682 : i32 to vector<16xi32>
      %rev3A_684 = tpu.iota {dimensions = array<i32: 0>} : vector<16xi32>
      %rev3A_685 = arith.subi %rev3A_683, %rev3A_684 : vector<16xi32>
      %rev3A_686 = tpu.dynamic_gather %masked_sort3A_565[%rev3A_685] in [0] : vector<16xf32>, vector<16xi32> -> vector<16xf32>
      %rev3A_687 = arith.constant 15 : i32
      %rev3A_688 = vector.broadcast %rev3A_687 : i32 to vector<16xi32>
      %rev3A_689 = tpu.iota {dimensions = array<i32: 0>} : vector<16xi32>
      %rev3A_690 = arith.subi %rev3A_688, %rev3A_689 : vector<16xi32>
      %rev3A_691 = tpu.dynamic_gather %masked_sort3A_566[%rev3A_690] in [0] : vector<16xi32>, vector<16xi32> -> vector<16xi32>
      %le3A_692 = arith.cmpf ole, %masked_sort3A_561, %rev3A_686 : vector<16xf32>
      %select_n3A_693 = arith.select %le3A_692, %masked_sort3A_561, %rev3A_686 : vector<16xi1>, vector<16xf32>
      %select_n3A_694 = arith.select %le3A_692, %masked_sort3A_562, %rev3A_691 : vector<16xi1>, vector<16xi32>
      %select_n3A_695 = arith.select %le3A_692, %rev3A_686, %masked_sort3A_561 : vector<16xi1>, vector<16xf32>
      %select_n3A_696 = arith.select %le3A_692, %rev3A_691, %masked_sort3A_562 : vector<16xi1>, vector<16xi32>
      %masked_sort3A_697 = arith.constant dense<true> : vector<16xi1>
      %masked_sort3A_698, %masked_sort3A_699, %masked_sort3A_700 = tpu.sort %select_n3A_693, %select_n3A_694 masked %masked_sort3A_697 : (vector<16xf32>, vector<16xi32>, vector<16xi1>) -> (vector<16xi1>, vector<16xf32>, vector<16xi32>)
      %masked_sort3A_701 = arith.constant dense<true> : vector<16xi1>
      %masked_sort3A_702, %masked_sort3A_703, %masked_sort3A_704 = tpu.sort %select_n3A_695, %select_n3A_696 masked %masked_sort3A_701 : (vector<16xf32>, vector<16xi32>, vector<16xi1>) -> (vector<16xi1>, vector<16xf32>, vector<16xi32>)
      %rev3A_705 = arith.constant 15 : i32
      %rev3A_706 = vector.broadcast %rev3A_705 : i32 to vector<16xi32>
      %rev3A_707 = tpu.iota {dimensions = array<i32: 0>} : vector<16xi32>
      %rev3A_708 = arith.subi %rev3A_706, %rev3A_707 : vector<16xi32>
      %rev3A_709 = tpu.dynamic_gather %masked_sort3A_573[%rev3A_708] in [0] : vector<16xf32>, vector<16xi32> -> vector<16xf32>
      %rev3A_710 = arith.constant 15 : i32
      %rev3A_711 = vector.broadcast %rev3A_710 : i32 to vector<16xi32>
      %rev3A_712 = tpu.iota {dimensions = array<i32: 0>} : vector<16xi32>
      %rev3A_713 = arith.subi %rev3A_711, %rev3A_712 : vector<16xi32>
      %rev3A_714 = tpu.dynamic_gather %masked_sort3A_574[%rev3A_713] in [0] : vector<16xi32>, vector<16xi32> -> vector<16xi32>
      %le3A_715 = arith.cmpf ole, %masked_sort3A_569, %rev3A_709 : vector<16xf32>
      %select_n3A_716 = arith.select %le3A_715, %masked_sort3A_569, %rev3A_709 : vector<16xi1>, vector<16xf32>
      %select_n3A_717 = arith.select %le3A_715, %masked_sort3A_570, %rev3A_714 : vector<16xi1>, vector<16xi32>
      %select_n3A_718 = arith.select %le3A_715, %rev3A_709, %masked_sort3A_569 : vector<16xi1>, vector<16xf32>
      %select_n3A_719 = arith.select %le3A_715, %rev3A_714, %masked_sort3A_570 : vector<16xi1>, vector<16xi32>
      %masked_sort3A_720 = arith.constant dense<true> : vector<16xi1>
      %masked_sort3A_721, %masked_sort3A_722, %masked_sort3A_723 = tpu.sort %select_n3A_716, %select_n3A_717 masked %masked_sort3A_720 : (vector<16xf32>, vector<16xi32>, vector<16xi1>) -> (vector<16xi1>, vector<16xf32>, vector<16xi32>)
      %masked_sort3A_724 = arith.constant dense<true> : vector<16xi1>
      %masked_sort3A_725, %masked_sort3A_726, %masked_sort3A_727 = tpu.sort %select_n3A_718, %select_n3A_719 masked %masked_sort3A_724 : (vector<16xf32>, vector<16xi32>, vector<16xi1>) -> (vector<16xi1>, vector<16xf32>, vector<16xi32>)
      %rev3A_728 = arith.constant 15 : i32
      %rev3A_729 = vector.broadcast %rev3A_728 : i32 to vector<16xi32>
      %rev3A_730 = tpu.iota {dimensions = array<i32: 0>} : vector<16xi32>
      %rev3A_731 = arith.subi %rev3A_729, %rev3A_730 : vector<16xi32>
      %rev3A_732 = tpu.dynamic_gather %masked_sort3A_581[%rev3A_731] in [0] : vector<16xf32>, vector<16xi32> -> vector<16xf32>
      %rev3A_733 = arith.constant 15 : i32
      %rev3A_734 = vector.broadcast %rev3A_733 : i32 to vector<16xi32>
      %rev3A_735 = tpu.iota {dimensions = array<i32: 0>} : vector<16xi32>
      %rev3A_736 = arith.subi %rev3A_734, %rev3A_735 : vector<16xi32>
      %rev3A_737 = tpu.dynamic_gather %masked_sort3A_582[%rev3A_736] in [0] : vector<16xi32>, vector<16xi32> -> vector<16xi32>
      %le3A_738 = arith.cmpf ole, %masked_sort3A_577, %rev3A_732 : vector<16xf32>
      %select_n3A_739 = arith.select %le3A_738, %masked_sort3A_577, %rev3A_732 : vector<16xi1>, vector<16xf32>
      %select_n3A_740 = arith.select %le3A_738, %masked_sort3A_578, %rev3A_737 : vector<16xi1>, vector<16xi32>
      %select_n3A_741 = arith.select %le3A_738, %rev3A_732, %masked_sort3A_577 : vector<16xi1>, vector<16xf32>
      %select_n3A_742 = arith.select %le3A_738, %rev3A_737, %masked_sort3A_578 : vector<16xi1>, vector<16xi32>
      %masked_sort3A_743 = arith.constant dense<true> : vector<16xi1>
      %masked_sort3A_744, %masked_sort3A_745, %masked_sort3A_746 = tpu.sort %select_n3A_739, %select_n3A_740 masked %masked_sort3A_743 : (vector<16xf32>, vector<16xi32>, vector<16xi1>) -> (vector<16xi1>, vector<16xf32>, vector<16xi32>)
      %masked_sort3A_747 = arith.constant dense<true> : vector<16xi1>
      %masked_sort3A_748, %masked_sort3A_749, %masked_sort3A_750 = tpu.sort %select_n3A_741, %select_n3A_742 masked %masked_sort3A_747 : (vector<16xf32>, vector<16xi32>, vector<16xi1>) -> (vector<16xi1>, vector<16xf32>, vector<16xi32>)
      %rev3A_751 = arith.constant 15 : i32
      %rev3A_752 = vector.broadcast %rev3A_751 : i32 to vector<16xi32>
      %rev3A_753 = tpu.iota {dimensions = array<i32: 0>} : vector<16xi32>
      %rev3A_754 = arith.subi %rev3A_752, %rev3A_753 : vector<16xi32>
      %rev3A_755 = tpu.dynamic_gather %masked_sort3A_589[%rev3A_754] in [0] : vector<16xf32>, vector<16xi32> -> vector<16xf32>
      %rev3A_756 = arith.constant 15 : i32
      %rev3A_757 = vector.broadcast %rev3A_756 : i32 to vector<16xi32>
      %rev3A_758 = tpu.iota {dimensions = array<i32: 0>} : vector<16xi32>
      %rev3A_759 = arith.subi %rev3A_757, %rev3A_758 : vector<16xi32>
      %rev3A_760 = tpu.dynamic_gather %masked_sort3A_590[%rev3A_759] in [0] : vector<16xi32>, vector<16xi32> -> vector<16xi32>
      %le3A_761 = arith.cmpf ole, %masked_sort3A_585, %rev3A_755 : vector<16xf32>
      %select_n3A_762 = arith.select %le3A_761, %masked_sort3A_585, %rev3A_755 : vector<16xi1>, vector<16xf32>
      %select_n3A_763 = arith.select %le3A_761, %masked_sort3A_586, %rev3A_760 : vector<16xi1>, vector<16xi32>
      %select_n3A_764 = arith.select %le3A_761, %rev3A_755, %masked_sort3A_585 : vector<16xi1>, vector<16xf32>
      %select_n3A_765 = arith.select %le3A_761, %rev3A_760, %masked_sort3A_586 : vector<16xi1>, vector<16xi32>
      %masked_sort3A_766 = arith.constant dense<true> : vector<16xi1>
      %masked_sort3A_767, %masked_sort3A_768, %masked_sort3A_769 = tpu.sort %select_n3A_762, %select_n3A_763 masked %masked_sort3A_766 : (vector<16xf32>, vector<16xi32>, vector<16xi1>) -> (vector<16xi1>, vector<16xf32>, vector<16xi32>)
      %masked_sort3A_770 = arith.constant dense<true> : vector<16xi1>
      %masked_sort3A_771, %masked_sort3A_772, %masked_sort3A_773 = tpu.sort %select_n3A_764, %select_n3A_765 masked %masked_sort3A_770 : (vector<16xf32>, vector<16xi32>, vector<16xi1>) -> (vector<16xi1>, vector<16xf32>, vector<16xi32>)
      %rev3A_774 = arith.constant 15 : i32
      %rev3A_775 = vector.broadcast %rev3A_774 : i32 to vector<16xi32>
      %rev3A_776 = tpu.iota {dimensions = array<i32: 0>} : vector<16xi32>
      %rev3A_777 = arith.subi %rev3A_775, %rev3A_776 : vector<16xi32>
      %rev3A_778 = tpu.dynamic_gather %masked_sort3A_634[%rev3A_777] in [0] : vector<16xf32>, vector<16xi32> -> vector<16xf32>
      %rev3A_779 = arith.constant 15 : i32
      %rev3A_780 = vector.broadcast %rev3A_779 : i32 to vector<16xi32>
      %rev3A_781 = tpu.iota {dimensions = array<i32: 0>} : vector<16xi32>
      %rev3A_782 = arith.subi %rev3A_780, %rev3A_781 : vector<16xi32>
      %rev3A_783 = tpu.dynamic_gather %masked_sort3A_630[%rev3A_782] in [0] : vector<16xf32>, vector<16xi32> -> vector<16xf32>
      %rev3A_784 = arith.constant 15 : i32
      %rev3A_785 = vector.broadcast %rev3A_784 : i32 to vector<16xi32>
      %rev3A_786 = tpu.iota {dimensions = array<i32: 0>} : vector<16xi32>
      %rev3A_787 = arith.subi %rev3A_785, %rev3A_786 : vector<16xi32>
      %rev3A_788 = tpu.dynamic_gather %masked_sort3A_635[%rev3A_787] in [0] : vector<16xi32>, vector<16xi32> -> vector<16xi32>
      %rev3A_789 = arith.constant 15 : i32
      %rev3A_790 = vector.broadcast %rev3A_789 : i32 to vector<16xi32>
      %rev3A_791 = tpu.iota {dimensions = array<i32: 0>} : vector<16xi32>
      %rev3A_792 = arith.subi %rev3A_790, %rev3A_791 : vector<16xi32>
      %rev3A_793 = tpu.dynamic_gather %masked_sort3A_631[%rev3A_792] in [0] : vector<16xi32>, vector<16xi32> -> vector<16xi32>
      %le3A_794 = arith.cmpf ole, %masked_sort3A_607, %rev3A_778 : vector<16xf32>
      %select_n3A_795 = arith.select %le3A_794, %masked_sort3A_607, %rev3A_778 : vector<16xi1>, vector<16xf32>
      %select_n3A_796 = arith.select %le3A_794, %masked_sort3A_608, %rev3A_788 : vector<16xi1>, vector<16xi32>
      %select_n3A_797 = arith.select %le3A_794, %rev3A_778, %masked_sort3A_607 : vector<16xi1>, vector<16xf32>
      %select_n3A_798 = arith.select %le3A_794, %rev3A_788, %masked_sort3A_608 : vector<16xi1>, vector<16xi32>
      %le3A_799 = arith.cmpf ole, %masked_sort3A_611, %rev3A_783 : vector<16xf32>
      %select_n3A_800 = arith.select %le3A_799, %masked_sort3A_611, %rev3A_783 : vector<16xi1>, vector<16xf32>
      %select_n3A_801 = arith.select %le3A_799, %masked_sort3A_612, %rev3A_793 : vector<16xi1>, vector<16xi32>
      %select_n3A_802 = arith.select %le3A_799, %rev3A_783, %masked_sort3A_611 : vector<16xi1>, vector<16xf32>
      %select_n3A_803 = arith.select %le3A_799, %rev3A_793, %masked_sort3A_612 : vector<16xi1>, vector<16xi32>
      %le3A_804 = arith.cmpf ole, %select_n3A_795, %select_n3A_800 : vector<16xf32>
      %select_n3A_805 = arith.select %le3A_804, %select_n3A_795, %select_n3A_800 : vector<16xi1>, vector<16xf32>
      %select_n3A_806 = arith.select %le3A_804, %select_n3A_796, %select_n3A_801 : vector<16xi1>, vector<16xi32>
      %select_n3A_807 = arith.select %le3A_804, %select_n3A_800, %select_n3A_795 : vector<16xi1>, vector<16xf32>
      %select_n3A_808 = arith.select %le3A_804, %select_n3A_801, %select_n3A_796 : vector<16xi1>, vector<16xi32>
      %masked_sort3A_809 = arith.constant dense<true> : vector<16xi1>
      %masked_sort3A_810, %masked_sort3A_811, %masked_sort3A_812 = tpu.sort %select_n3A_805, %select_n3A_806 masked %masked_sort3A_809 : (vector<16xf32>, vector<16xi32>, vector<16xi1>) -> (vector<16xi1>, vector<16xf32>, vector<16xi32>)
      %masked_sort3A_813 = arith.constant dense<true> : vector<16xi1>
      %masked_sort3A_814, %masked_sort3A_815, %masked_sort3A_816 = tpu.sort %select_n3A_807, %select_n3A_808 masked %masked_sort3A_813 : (vector<16xf32>, vector<16xi32>, vector<16xi1>) -> (vector<16xi1>, vector<16xf32>, vector<16xi32>)
      %le3A_817 = arith.cmpf ole, %select_n3A_797, %select_n3A_802 : vector<16xf32>
      %select_n3A_818 = arith.select %le3A_817, %select_n3A_797, %select_n3A_802 : vector<16xi1>, vector<16xf32>
      %select_n3A_819 = arith.select %le3A_817, %select_n3A_798, %select_n3A_803 : vector<16xi1>, vector<16xi32>
      %select_n3A_820 = arith.select %le3A_817, %select_n3A_802, %select_n3A_797 : vector<16xi1>, vector<16xf32>
      %select_n3A_821 = arith.select %le3A_817, %select_n3A_803, %select_n3A_798 : vector<16xi1>, vector<16xi32>
      %masked_sort3A_822 = arith.constant dense<true> : vector<16xi1>
      %masked_sort3A_823, %masked_sort3A_824, %masked_sort3A_825 = tpu.sort %select_n3A_818, %select_n3A_819 masked %masked_sort3A_822 : (vector<16xf32>, vector<16xi32>, vector<16xi1>) -> (vector<16xi1>, vector<16xf32>, vector<16xi32>)
      %masked_sort3A_826 = arith.constant dense<true> : vector<16xi1>
      %masked_sort3A_827, %masked_sort3A_828, %masked_sort3A_829 = tpu.sort %select_n3A_820, %select_n3A_821 masked %masked_sort3A_826 : (vector<16xf32>, vector<16xi32>, vector<16xi1>) -> (vector<16xi1>, vector<16xf32>, vector<16xi32>)
      %rev3A_830 = arith.constant 15 : i32
      %rev3A_831 = vector.broadcast %rev3A_830 : i32 to vector<16xi32>
      %rev3A_832 = tpu.iota {dimensions = array<i32: 0>} : vector<16xi32>
      %rev3A_833 = arith.subi %rev3A_831, %rev3A_832 : vector<16xi32>
      %rev3A_834 = tpu.dynamic_gather %masked_sort3A_680[%rev3A_833] in [0] : vector<16xf32>, vector<16xi32> -> vector<16xf32>
      %rev3A_835 = arith.constant 15 : i32
      %rev3A_836 = vector.broadcast %rev3A_835 : i32 to vector<16xi32>
      %rev3A_837 = tpu.iota {dimensions = array<i32: 0>} : vector<16xi32>
      %rev3A_838 = arith.subi %rev3A_836, %rev3A_837 : vector<16xi32>
      %rev3A_839 = tpu.dynamic_gather %masked_sort3A_676[%rev3A_838] in [0] : vector<16xf32>, vector<16xi32> -> vector<16xf32>
      %rev3A_840 = arith.constant 15 : i32
      %rev3A_841 = vector.broadcast %rev3A_840 : i32 to vector<16xi32>
      %rev3A_842 = tpu.iota {dimensions = array<i32: 0>} : vector<16xi32>
      %rev3A_843 = arith.subi %rev3A_841, %rev3A_842 : vector<16xi32>
      %rev3A_844 = tpu.dynamic_gather %masked_sort3A_681[%rev3A_843] in [0] : vector<16xi32>, vector<16xi32> -> vector<16xi32>
      %rev3A_845 = arith.constant 15 : i32
      %rev3A_846 = vector.broadcast %rev3A_845 : i32 to vector<16xi32>
      %rev3A_847 = tpu.iota {dimensions = array<i32: 0>} : vector<16xi32>
      %rev3A_848 = arith.subi %rev3A_846, %rev3A_847 : vector<16xi32>
      %rev3A_849 = tpu.dynamic_gather %masked_sort3A_677[%rev3A_848] in [0] : vector<16xi32>, vector<16xi32> -> vector<16xi32>
      %le3A_850 = arith.cmpf ole, %masked_sort3A_653, %rev3A_834 : vector<16xf32>
      %select_n3A_851 = arith.select %le3A_850, %masked_sort3A_653, %rev3A_834 : vector<16xi1>, vector<16xf32>
      %select_n3A_852 = arith.select %le3A_850, %masked_sort3A_654, %rev3A_844 : vector<16xi1>, vector<16xi32>
      %select_n3A_853 = arith.select %le3A_850, %rev3A_834, %masked_sort3A_653 : vector<16xi1>, vector<16xf32>
      %select_n3A_854 = arith.select %le3A_850, %rev3A_844, %masked_sort3A_654 : vector<16xi1>, vector<16xi32>
      %le3A_855 = arith.cmpf ole, %masked_sort3A_657, %rev3A_839 : vector<16xf32>
      %select_n3A_856 = arith.select %le3A_855, %masked_sort3A_657, %rev3A_839 : vector<16xi1>, vector<16xf32>
      %select_n3A_857 = arith.select %le3A_855, %masked_sort3A_658, %rev3A_849 : vector<16xi1>, vector<16xi32>
      %select_n3A_858 = arith.select %le3A_855, %rev3A_839, %masked_sort3A_657 : vector<16xi1>, vector<16xf32>
      %select_n3A_859 = arith.select %le3A_855, %rev3A_849, %masked_sort3A_658 : vector<16xi1>, vector<16xi32>
      %le3A_860 = arith.cmpf ole, %select_n3A_851, %select_n3A_856 : vector<16xf32>
      %select_n3A_861 = arith.select %le3A_860, %select_n3A_851, %select_n3A_856 : vector<16xi1>, vector<16xf32>
      %select_n3A_862 = arith.select %le3A_860, %select_n3A_852, %select_n3A_857 : vector<16xi1>, vector<16xi32>
      %select_n3A_863 = arith.select %le3A_860, %select_n3A_856, %select_n3A_851 : vector<16xi1>, vector<16xf32>
      %select_n3A_864 = arith.select %le3A_860, %select_n3A_857, %select_n3A_852 : vector<16xi1>, vector<16xi32>
      %masked_sort3A_865 = arith.constant dense<true> : vector<16xi1>
      %masked_sort3A_866, %masked_sort3A_867, %masked_sort3A_868 = tpu.sort %select_n3A_861, %select_n3A_862 masked %masked_sort3A_865 : (vector<16xf32>, vector<16xi32>, vector<16xi1>) -> (vector<16xi1>, vector<16xf32>, vector<16xi32>)
      %masked_sort3A_869 = arith.constant dense<true> : vector<16xi1>
      %masked_sort3A_870, %masked_sort3A_871, %masked_sort3A_872 = tpu.sort %select_n3A_863, %select_n3A_864 masked %masked_sort3A_869 : (vector<16xf32>, vector<16xi32>, vector<16xi1>) -> (vector<16xi1>, vector<16xf32>, vector<16xi32>)
      %le3A_873 = arith.cmpf ole, %select_n3A_853, %select_n3A_858 : vector<16xf32>
      %select_n3A_874 = arith.select %le3A_873, %select_n3A_853, %select_n3A_858 : vector<16xi1>, vector<16xf32>
      %select_n3A_875 = arith.select %le3A_873, %select_n3A_854, %select_n3A_859 : vector<16xi1>, vector<16xi32>
      %select_n3A_876 = arith.select %le3A_873, %select_n3A_858, %select_n3A_853 : vector<16xi1>, vector<16xf32>
      %select_n3A_877 = arith.select %le3A_873, %select_n3A_859, %select_n3A_854 : vector<16xi1>, vector<16xi32>
      %masked_sort3A_878 = arith.constant dense<true> : vector<16xi1>
      %masked_sort3A_879, %masked_sort3A_880, %masked_sort3A_881 = tpu.sort %select_n3A_874, %select_n3A_875 masked %masked_sort3A_878 : (vector<16xf32>, vector<16xi32>, vector<16xi1>) -> (vector<16xi1>, vector<16xf32>, vector<16xi32>)
      %masked_sort3A_882 = arith.constant dense<true> : vector<16xi1>
      %masked_sort3A_883, %masked_sort3A_884, %masked_sort3A_885 = tpu.sort %select_n3A_876, %select_n3A_877 masked %masked_sort3A_882 : (vector<16xf32>, vector<16xi32>, vector<16xi1>) -> (vector<16xi1>, vector<16xf32>, vector<16xi32>)
      %rev3A_886 = arith.constant 15 : i32
      %rev3A_887 = vector.broadcast %rev3A_886 : i32 to vector<16xi32>
      %rev3A_888 = tpu.iota {dimensions = array<i32: 0>} : vector<16xi32>
      %rev3A_889 = arith.subi %rev3A_887, %rev3A_888 : vector<16xi32>
      %rev3A_890 = tpu.dynamic_gather %masked_sort3A_726[%rev3A_889] in [0] : vector<16xf32>, vector<16xi32> -> vector<16xf32>
      %rev3A_891 = arith.constant 15 : i32
      %rev3A_892 = vector.broadcast %rev3A_891 : i32 to vector<16xi32>
      %rev3A_893 = tpu.iota {dimensions = array<i32: 0>} : vector<16xi32>
      %rev3A_894 = arith.subi %rev3A_892, %rev3A_893 : vector<16xi32>
      %rev3A_895 = tpu.dynamic_gather %masked_sort3A_722[%rev3A_894] in [0] : vector<16xf32>, vector<16xi32> -> vector<16xf32>
      %rev3A_896 = arith.constant 15 : i32
      %rev3A_897 = vector.broadcast %rev3A_896 : i32 to vector<16xi32>
      %rev3A_898 = tpu.iota {dimensions = array<i32: 0>} : vector<16xi32>
      %rev3A_899 = arith.subi %rev3A_897, %rev3A_898 : vector<16xi32>
      %rev3A_900 = tpu.dynamic_gather %masked_sort3A_727[%rev3A_899] in [0] : vector<16xi32>, vector<16xi32> -> vector<16xi32>
      %rev3A_901 = arith.constant 15 : i32
      %rev3A_902 = vector.broadcast %rev3A_901 : i32 to vector<16xi32>
      %rev3A_903 = tpu.iota {dimensions = array<i32: 0>} : vector<16xi32>
      %rev3A_904 = arith.subi %rev3A_902, %rev3A_903 : vector<16xi32>
      %rev3A_905 = tpu.dynamic_gather %masked_sort3A_723[%rev3A_904] in [0] : vector<16xi32>, vector<16xi32> -> vector<16xi32>
      %le3A_906 = arith.cmpf ole, %masked_sort3A_699, %rev3A_890 : vector<16xf32>
      %select_n3A_907 = arith.select %le3A_906, %masked_sort3A_699, %rev3A_890 : vector<16xi1>, vector<16xf32>
      %select_n3A_908 = arith.select %le3A_906, %masked_sort3A_700, %rev3A_900 : vector<16xi1>, vector<16xi32>
      %select_n3A_909 = arith.select %le3A_906, %rev3A_890, %masked_sort3A_699 : vector<16xi1>, vector<16xf32>
      %select_n3A_910 = arith.select %le3A_906, %rev3A_900, %masked_sort3A_700 : vector<16xi1>, vector<16xi32>
      %le3A_911 = arith.cmpf ole, %masked_sort3A_703, %rev3A_895 : vector<16xf32>
      %select_n3A_912 = arith.select %le3A_911, %masked_sort3A_703, %rev3A_895 : vector<16xi1>, vector<16xf32>
      %select_n3A_913 = arith.select %le3A_911, %masked_sort3A_704, %rev3A_905 : vector<16xi1>, vector<16xi32>
      %select_n3A_914 = arith.select %le3A_911, %rev3A_895, %masked_sort3A_703 : vector<16xi1>, vector<16xf32>
      %select_n3A_915 = arith.select %le3A_911, %rev3A_905, %masked_sort3A_704 : vector<16xi1>, vector<16xi32>
      %le3A_916 = arith.cmpf ole, %select_n3A_907, %select_n3A_912 : vector<16xf32>
      %select_n3A_917 = arith.select %le3A_916, %select_n3A_907, %select_n3A_912 : vector<16xi1>, vector<16xf32>
      %select_n3A_918 = arith.select %le3A_916, %select_n3A_908, %select_n3A_913 : vector<16xi1>, vector<16xi32>
      %select_n3A_919 = arith.select %le3A_916, %select_n3A_912, %select_n3A_907 : vector<16xi1>, vector<16xf32>
      %select_n3A_920 = arith.select %le3A_916, %select_n3A_913, %select_n3A_908 : vector<16xi1>, vector<16xi32>
      %masked_sort3A_921 = arith.constant dense<true> : vector<16xi1>
      %masked_sort3A_922, %masked_sort3A_923, %masked_sort3A_924 = tpu.sort %select_n3A_917, %select_n3A_918 masked %masked_sort3A_921 : (vector<16xf32>, vector<16xi32>, vector<16xi1>) -> (vector<16xi1>, vector<16xf32>, vector<16xi32>)
      %masked_sort3A_925 = arith.constant dense<true> : vector<16xi1>
      %masked_sort3A_926, %masked_sort3A_927, %masked_sort3A_928 = tpu.sort %select_n3A_919, %select_n3A_920 masked %masked_sort3A_925 : (vector<16xf32>, vector<16xi32>, vector<16xi1>) -> (vector<16xi1>, vector<16xf32>, vector<16xi32>)
      %le3A_929 = arith.cmpf ole, %select_n3A_909, %select_n3A_914 : vector<16xf32>
      %select_n3A_930 = arith.select %le3A_929, %select_n3A_909, %select_n3A_914 : vector<16xi1>, vector<16xf32>
      %select_n3A_931 = arith.select %le3A_929, %select_n3A_910, %select_n3A_915 : vector<16xi1>, vector<16xi32>
      %select_n3A_932 = arith.select %le3A_929, %select_n3A_914, %select_n3A_909 : vector<16xi1>, vector<16xf32>
      %select_n3A_933 = arith.select %le3A_929, %select_n3A_915, %select_n3A_910 : vector<16xi1>, vector<16xi32>
      %masked_sort3A_934 = arith.constant dense<true> : vector<16xi1>
      %masked_sort3A_935, %masked_sort3A_936, %masked_sort3A_937 = tpu.sort %select_n3A_930, %select_n3A_931 masked %masked_sort3A_934 : (vector<16xf32>, vector<16xi32>, vector<16xi1>) -> (vector<16xi1>, vector<16xf32>, vector<16xi32>)
      %masked_sort3A_938 = arith.constant dense<true> : vector<16xi1>
      %masked_sort3A_939, %masked_sort3A_940, %masked_sort3A_941 = tpu.sort %select_n3A_932, %select_n3A_933 masked %masked_sort3A_938 : (vector<16xf32>, vector<16xi32>, vector<16xi1>) -> (vector<16xi1>, vector<16xf32>, vector<16xi32>)
      %rev3A_942 = arith.constant 15 : i32
      %rev3A_943 = vector.broadcast %rev3A_942 : i32 to vector<16xi32>
      %rev3A_944 = tpu.iota {dimensions = array<i32: 0>} : vector<16xi32>
      %rev3A_945 = arith.subi %rev3A_943, %rev3A_944 : vector<16xi32>
      %rev3A_946 = tpu.dynamic_gather %masked_sort3A_772[%rev3A_945] in [0] : vector<16xf32>, vector<16xi32> -> vector<16xf32>
      %rev3A_947 = arith.constant 15 : i32
      %rev3A_948 = vector.broadcast %rev3A_947 : i32 to vector<16xi32>
      %rev3A_949 = tpu.iota {dimensions = array<i32: 0>} : vector<16xi32>
      %rev3A_950 = arith.subi %rev3A_948, %rev3A_949 : vector<16xi32>
      %rev3A_951 = tpu.dynamic_gather %masked_sort3A_768[%rev3A_950] in [0] : vector<16xf32>, vector<16xi32> -> vector<16xf32>
      %rev3A_952 = arith.constant 15 : i32
      %rev3A_953 = vector.broadcast %rev3A_952 : i32 to vector<16xi32>
      %rev3A_954 = tpu.iota {dimensions = array<i32: 0>} : vector<16xi32>
      %rev3A_955 = arith.subi %rev3A_953, %rev3A_954 : vector<16xi32>
      %rev3A_956 = tpu.dynamic_gather %masked_sort3A_773[%rev3A_955] in [0] : vector<16xi32>, vector<16xi32> -> vector<16xi32>
      %rev3A_957 = arith.constant 15 : i32
      %rev3A_958 = vector.broadcast %rev3A_957 : i32 to vector<16xi32>
      %rev3A_959 = tpu.iota {dimensions = array<i32: 0>} : vector<16xi32>
      %rev3A_960 = arith.subi %rev3A_958, %rev3A_959 : vector<16xi32>
      %rev3A_961 = tpu.dynamic_gather %masked_sort3A_769[%rev3A_960] in [0] : vector<16xi32>, vector<16xi32> -> vector<16xi32>
      %le3A_962 = arith.cmpf ole, %masked_sort3A_745, %rev3A_946 : vector<16xf32>
      %select_n3A_963 = arith.select %le3A_962, %masked_sort3A_745, %rev3A_946 : vector<16xi1>, vector<16xf32>
      %select_n3A_964 = arith.select %le3A_962, %masked_sort3A_746, %rev3A_956 : vector<16xi1>, vector<16xi32>
      %select_n3A_965 = arith.select %le3A_962, %rev3A_946, %masked_sort3A_745 : vector<16xi1>, vector<16xf32>
      %select_n3A_966 = arith.select %le3A_962, %rev3A_956, %masked_sort3A_746 : vector<16xi1>, vector<16xi32>
      %le3A_967 = arith.cmpf ole, %masked_sort3A_749, %rev3A_951 : vector<16xf32>
      %select_n3A_968 = arith.select %le3A_967, %masked_sort3A_749, %rev3A_951 : vector<16xi1>, vector<16xf32>
      %select_n3A_969 = arith.select %le3A_967, %masked_sort3A_750, %rev3A_961 : vector<16xi1>, vector<16xi32>
      %select_n3A_970 = arith.select %le3A_967, %rev3A_951, %masked_sort3A_749 : vector<16xi1>, vector<16xf32>
      %select_n3A_971 = arith.select %le3A_967, %rev3A_961, %masked_sort3A_750 : vector<16xi1>, vector<16xi32>
      %le3A_972 = arith.cmpf ole, %select_n3A_963, %select_n3A_968 : vector<16xf32>
      %select_n3A_973 = arith.select %le3A_972, %select_n3A_963, %select_n3A_968 : vector<16xi1>, vector<16xf32>
      %select_n3A_974 = arith.select %le3A_972, %select_n3A_964, %select_n3A_969 : vector<16xi1>, vector<16xi32>
      %select_n3A_975 = arith.select %le3A_972, %select_n3A_968, %select_n3A_963 : vector<16xi1>, vector<16xf32>
      %select_n3A_976 = arith.select %le3A_972, %select_n3A_969, %select_n3A_964 : vector<16xi1>, vector<16xi32>
      %masked_sort3A_977 = arith.constant dense<true> : vector<16xi1>
      %masked_sort3A_978, %masked_sort3A_979, %masked_sort3A_980 = tpu.sort %select_n3A_973, %select_n3A_974 masked %masked_sort3A_977 : (vector<16xf32>, vector<16xi32>, vector<16xi1>) -> (vector<16xi1>, vector<16xf32>, vector<16xi32>)
      %masked_sort3A_981 = arith.constant dense<true> : vector<16xi1>
      %masked_sort3A_982, %masked_sort3A_983, %masked_sort3A_984 = tpu.sort %select_n3A_975, %select_n3A_976 masked %masked_sort3A_981 : (vector<16xf32>, vector<16xi32>, vector<16xi1>) -> (vector<16xi1>, vector<16xf32>, vector<16xi32>)
      %le3A_985 = arith.cmpf ole, %select_n3A_965, %select_n3A_970 : vector<16xf32>
      %select_n3A_986 = arith.select %le3A_985, %select_n3A_965, %select_n3A_970 : vector<16xi1>, vector<16xf32>
      %select_n3A_987 = arith.select %le3A_985, %select_n3A_966, %select_n3A_971 : vector<16xi1>, vector<16xi32>
      %select_n3A_988 = arith.select %le3A_985, %select_n3A_970, %select_n3A_965 : vector<16xi1>, vector<16xf32>
      %select_n3A_989 = arith.select %le3A_985, %select_n3A_971, %select_n3A_966 : vector<16xi1>, vector<16xi32>
      %masked_sort3A_990 = arith.constant dense<true> : vector<16xi1>
      %masked_sort3A_991, %masked_sort3A_992, %masked_sort3A_993 = tpu.sort %select_n3A_986, %select_n3A_987 masked %masked_sort3A_990 : (vector<16xf32>, vector<16xi32>, vector<16xi1>) -> (vector<16xi1>, vector<16xf32>, vector<16xi32>)
      %masked_sort3A_994 = arith.constant dense<true> : vector<16xi1>
      %masked_sort3A_995, %masked_sort3A_996, %masked_sort3A_997 = tpu.sort %select_n3A_988, %select_n3A_989 masked %masked_sort3A_994 : (vector<16xf32>, vector<16xi32>, vector<16xi1>) -> (vector<16xi1>, vector<16xf32>, vector<16xi32>)
      %rev3A_998 = arith.constant 15 : i32
      %rev3A_999 = vector.broadcast %rev3A_998 : i32 to vector<16xi32>
      %rev3A_1000 = tpu.iota {dimensions = array<i32: 0>} : vector<16xi32>
      %rev3A_1001 = arith.subi %rev3A_999, %rev3A_1000 : vector<16xi32>
      %rev3A_1002 = tpu.dynamic_gather %masked_sort3A_884[%rev3A_1001] in [0] : vector<16xf32>, vector<16xi32> -> vector<16xf32>
      %rev3A_1003 = arith.constant 15 : i32
      %rev3A_1004 = vector.broadcast %rev3A_1003 : i32 to vector<16xi32>
      %rev3A_1005 = tpu.iota {dimensions = array<i32: 0>} : vector<16xi32>
      %rev3A_1006 = arith.subi %rev3A_1004, %rev3A_1005 : vector<16xi32>
      %rev3A_1007 = tpu.dynamic_gather %masked_sort3A_880[%rev3A_1006] in [0] : vector<16xf32>, vector<16xi32> -> vector<16xf32>
      %rev3A_1008 = arith.constant 15 : i32
      %rev3A_1009 = vector.broadcast %rev3A_1008 : i32 to vector<16xi32>
      %rev3A_1010 = tpu.iota {dimensions = array<i32: 0>} : vector<16xi32>
      %rev3A_1011 = arith.subi %rev3A_1009, %rev3A_1010 : vector<16xi32>
      %rev3A_1012 = tpu.dynamic_gather %masked_sort3A_871[%rev3A_1011] in [0] : vector<16xf32>, vector<16xi32> -> vector<16xf32>
      %rev3A_1013 = arith.constant 15 : i32
      %rev3A_1014 = vector.broadcast %rev3A_1013 : i32 to vector<16xi32>
      %rev3A_1015 = tpu.iota {dimensions = array<i32: 0>} : vector<16xi32>
      %rev3A_1016 = arith.subi %rev3A_1014, %rev3A_1015 : vector<16xi32>
      %rev3A_1017 = tpu.dynamic_gather %masked_sort3A_867[%rev3A_1016] in [0] : vector<16xf32>, vector<16xi32> -> vector<16xf32>
      %rev3A_1018 = arith.constant 15 : i32
      %rev3A_1019 = vector.broadcast %rev3A_1018 : i32 to vector<16xi32>
      %rev3A_1020 = tpu.iota {dimensions = array<i32: 0>} : vector<16xi32>
      %rev3A_1021 = arith.subi %rev3A_1019, %rev3A_1020 : vector<16xi32>
      %rev3A_1022 = tpu.dynamic_gather %masked_sort3A_885[%rev3A_1021] in [0] : vector<16xi32>, vector<16xi32> -> vector<16xi32>
      %rev3A_1023 = arith.constant 15 : i32
      %rev3A_1024 = vector.broadcast %rev3A_1023 : i32 to vector<16xi32>
      %rev3A_1025 = tpu.iota {dimensions = array<i32: 0>} : vector<16xi32>
      %rev3A_1026 = arith.subi %rev3A_1024, %rev3A_1025 : vector<16xi32>
      %rev3A_1027 = tpu.dynamic_gather %masked_sort3A_881[%rev3A_1026] in [0] : vector<16xi32>, vector<16xi32> -> vector<16xi32>
      %rev3A_1028 = arith.constant 15 : i32
      %rev3A_1029 = vector.broadcast %rev3A_1028 : i32 to vector<16xi32>
      %rev3A_1030 = tpu.iota {dimensions = array<i32: 0>} : vector<16xi32>
      %rev3A_1031 = arith.subi %rev3A_1029, %rev3A_1030 : vector<16xi32>
      %rev3A_1032 = tpu.dynamic_gather %masked_sort3A_872[%rev3A_1031] in [0] : vector<16xi32>, vector<16xi32> -> vector<16xi32>
      %rev3A_1033 = arith.constant 15 : i32
      %rev3A_1034 = vector.broadcast %rev3A_1033 : i32 to vector<16xi32>
      %rev3A_1035 = tpu.iota {dimensions = array<i32: 0>} : vector<16xi32>
      %rev3A_1036 = arith.subi %rev3A_1034, %rev3A_1035 : vector<16xi32>
      %rev3A_1037 = tpu.dynamic_gather %masked_sort3A_868[%rev3A_1036] in [0] : vector<16xi32>, vector<16xi32> -> vector<16xi32>
      %le3A_1038 = arith.cmpf ole, %masked_sort3A_811, %rev3A_1002 : vector<16xf32>
      %select_n3A_1039 = arith.select %le3A_1038, %masked_sort3A_811, %rev3A_1002 : vector<16xi1>, vector<16xf32>
      %select_n3A_1040 = arith.select %le3A_1038, %masked_sort3A_812, %rev3A_1022 : vector<16xi1>, vector<16xi32>
      %select_n3A_1041 = arith.select %le3A_1038, %rev3A_1002, %masked_sort3A_811 : vector<16xi1>, vector<16xf32>
      %select_n3A_1042 = arith.select %le3A_1038, %rev3A_1022, %masked_sort3A_812 : vector<16xi1>, vector<16xi32>
      %le3A_1043 = arith.cmpf ole, %masked_sort3A_815, %rev3A_1007 : vector<16xf32>
      %select_n3A_1044 = arith.select %le3A_1043, %masked_sort3A_815, %rev3A_1007 : vector<16xi1>, vector<16xf32>
      %select_n3A_1045 = arith.select %le3A_1043, %masked_sort3A_816, %rev3A_1027 : vector<16xi1>, vector<16xi32>
      %select_n3A_1046 = arith.select %le3A_1043, %rev3A_1007, %masked_sort3A_815 : vector<16xi1>, vector<16xf32>
      %select_n3A_1047 = arith.select %le3A_1043, %rev3A_1027, %masked_sort3A_816 : vector<16xi1>, vector<16xi32>
      %le3A_1048 = arith.cmpf ole, %masked_sort3A_824, %rev3A_1012 : vector<16xf32>
      %select_n3A_1049 = arith.select %le3A_1048, %masked_sort3A_824, %rev3A_1012 : vector<16xi1>, vector<16xf32>
      %select_n3A_1050 = arith.select %le3A_1048, %masked_sort3A_825, %rev3A_1032 : vector<16xi1>, vector<16xi32>
      %select_n3A_1051 = arith.select %le3A_1048, %rev3A_1012, %masked_sort3A_824 : vector<16xi1>, vector<16xf32>
      %select_n3A_1052 = arith.select %le3A_1048, %rev3A_1032, %masked_sort3A_825 : vector<16xi1>, vector<16xi32>
      %le3A_1053 = arith.cmpf ole, %masked_sort3A_828, %rev3A_1017 : vector<16xf32>
      %select_n3A_1054 = arith.select %le3A_1053, %masked_sort3A_828, %rev3A_1017 : vector<16xi1>, vector<16xf32>
      %select_n3A_1055 = arith.select %le3A_1053, %masked_sort3A_829, %rev3A_1037 : vector<16xi1>, vector<16xi32>
      %select_n3A_1056 = arith.select %le3A_1053, %rev3A_1017, %masked_sort3A_828 : vector<16xi1>, vector<16xf32>
      %select_n3A_1057 = arith.select %le3A_1053, %rev3A_1037, %masked_sort3A_829 : vector<16xi1>, vector<16xi32>
      %le3A_1058 = arith.cmpf ole, %select_n3A_1039, %select_n3A_1049 : vector<16xf32>
      %select_n3A_1059 = arith.select %le3A_1058, %select_n3A_1039, %select_n3A_1049 : vector<16xi1>, vector<16xf32>
      %select_n3A_1060 = arith.select %le3A_1058, %select_n3A_1040, %select_n3A_1050 : vector<16xi1>, vector<16xi32>
      %select_n3A_1061 = arith.select %le3A_1058, %select_n3A_1049, %select_n3A_1039 : vector<16xi1>, vector<16xf32>
      %select_n3A_1062 = arith.select %le3A_1058, %select_n3A_1050, %select_n3A_1040 : vector<16xi1>, vector<16xi32>
      %le3A_1063 = arith.cmpf ole, %select_n3A_1044, %select_n3A_1054 : vector<16xf32>
      %select_n3A_1064 = arith.select %le3A_1063, %select_n3A_1044, %select_n3A_1054 : vector<16xi1>, vector<16xf32>
      %select_n3A_1065 = arith.select %le3A_1063, %select_n3A_1045, %select_n3A_1055 : vector<16xi1>, vector<16xi32>
      %select_n3A_1066 = arith.select %le3A_1063, %select_n3A_1054, %select_n3A_1044 : vector<16xi1>, vector<16xf32>
      %select_n3A_1067 = arith.select %le3A_1063, %select_n3A_1055, %select_n3A_1045 : vector<16xi1>, vector<16xi32>
      %le3A_1068 = arith.cmpf ole, %select_n3A_1059, %select_n3A_1064 : vector<16xf32>
      %select_n3A_1069 = arith.select %le3A_1068, %select_n3A_1059, %select_n3A_1064 : vector<16xi1>, vector<16xf32>
      %select_n3A_1070 = arith.select %le3A_1068, %select_n3A_1060, %select_n3A_1065 : vector<16xi1>, vector<16xi32>
      %select_n3A_1071 = arith.select %le3A_1068, %select_n3A_1064, %select_n3A_1059 : vector<16xi1>, vector<16xf32>
      %select_n3A_1072 = arith.select %le3A_1068, %select_n3A_1065, %select_n3A_1060 : vector<16xi1>, vector<16xi32>
      %masked_sort3A_1073 = arith.constant dense<true> : vector<16xi1>
      %masked_sort3A_1074, %masked_sort3A_1075, %masked_sort3A_1076 = tpu.sort %select_n3A_1069, %select_n3A_1070 masked %masked_sort3A_1073 : (vector<16xf32>, vector<16xi32>, vector<16xi1>) -> (vector<16xi1>, vector<16xf32>, vector<16xi32>)
      %masked_sort3A_1077 = arith.constant dense<true> : vector<16xi1>
      %masked_sort3A_1078, %masked_sort3A_1079, %masked_sort3A_1080 = tpu.sort %select_n3A_1071, %select_n3A_1072 masked %masked_sort3A_1077 : (vector<16xf32>, vector<16xi32>, vector<16xi1>) -> (vector<16xi1>, vector<16xf32>, vector<16xi32>)
      %le3A_1081 = arith.cmpf ole, %select_n3A_1061, %select_n3A_1066 : vector<16xf32>
      %select_n3A_1082 = arith.select %le3A_1081, %select_n3A_1061, %select_n3A_1066 : vector<16xi1>, vector<16xf32>
      %select_n3A_1083 = arith.select %le3A_1081, %select_n3A_1062, %select_n3A_1067 : vector<16xi1>, vector<16xi32>
      %select_n3A_1084 = arith.select %le3A_1081, %select_n3A_1066, %select_n3A_1061 : vector<16xi1>, vector<16xf32>
      %select_n3A_1085 = arith.select %le3A_1081, %select_n3A_1067, %select_n3A_1062 : vector<16xi1>, vector<16xi32>
      %masked_sort3A_1086 = arith.constant dense<true> : vector<16xi1>
      %masked_sort3A_1087, %masked_sort3A_1088, %masked_sort3A_1089 = tpu.sort %select_n3A_1082, %select_n3A_1083 masked %masked_sort3A_1086 : (vector<16xf32>, vector<16xi32>, vector<16xi1>) -> (vector<16xi1>, vector<16xf32>, vector<16xi32>)
      %masked_sort3A_1090 = arith.constant dense<true> : vector<16xi1>
      %masked_sort3A_1091, %masked_sort3A_1092, %masked_sort3A_1093 = tpu.sort %select_n3A_1084, %select_n3A_1085 masked %masked_sort3A_1090 : (vector<16xf32>, vector<16xi32>, vector<16xi1>) -> (vector<16xi1>, vector<16xf32>, vector<16xi32>)
      %le3A_1094 = arith.cmpf ole, %select_n3A_1041, %select_n3A_1051 : vector<16xf32>
      %select_n3A_1095 = arith.select %le3A_1094, %select_n3A_1041, %select_n3A_1051 : vector<16xi1>, vector<16xf32>
      %select_n3A_1096 = arith.select %le3A_1094, %select_n3A_1042, %select_n3A_1052 : vector<16xi1>, vector<16xi32>
      %select_n3A_1097 = arith.select %le3A_1094, %select_n3A_1051, %select_n3A_1041 : vector<16xi1>, vector<16xf32>
      %select_n3A_1098 = arith.select %le3A_1094, %select_n3A_1052, %select_n3A_1042 : vector<16xi1>, vector<16xi32>
      %le3A_1099 = arith.cmpf ole, %select_n3A_1046, %select_n3A_1056 : vector<16xf32>
      %select_n3A_1100 = arith.select %le3A_1099, %select_n3A_1046, %select_n3A_1056 : vector<16xi1>, vector<16xf32>
      %select_n3A_1101 = arith.select %le3A_1099, %select_n3A_1047, %select_n3A_1057 : vector<16xi1>, vector<16xi32>
      %select_n3A_1102 = arith.select %le3A_1099, %select_n3A_1056, %select_n3A_1046 : vector<16xi1>, vector<16xf32>
      %select_n3A_1103 = arith.select %le3A_1099, %select_n3A_1057, %select_n3A_1047 : vector<16xi1>, vector<16xi32>
      %le3A_1104 = arith.cmpf ole, %select_n3A_1095, %select_n3A_1100 : vector<16xf32>
      %select_n3A_1105 = arith.select %le3A_1104, %select_n3A_1095, %select_n3A_1100 : vector<16xi1>, vector<16xf32>
      %select_n3A_1106 = arith.select %le3A_1104, %select_n3A_1096, %select_n3A_1101 : vector<16xi1>, vector<16xi32>
      %select_n3A_1107 = arith.select %le3A_1104, %select_n3A_1100, %select_n3A_1095 : vector<16xi1>, vector<16xf32>
      %select_n3A_1108 = arith.select %le3A_1104, %select_n3A_1101, %select_n3A_1096 : vector<16xi1>, vector<16xi32>
      %masked_sort3A_1109 = arith.constant dense<true> : vector<16xi1>
      %masked_sort3A_1110, %masked_sort3A_1111, %masked_sort3A_1112 = tpu.sort %select_n3A_1105, %select_n3A_1106 masked %masked_sort3A_1109 : (vector<16xf32>, vector<16xi32>, vector<16xi1>) -> (vector<16xi1>, vector<16xf32>, vector<16xi32>)
      %masked_sort3A_1113 = arith.constant dense<true> : vector<16xi1>
      %masked_sort3A_1114, %masked_sort3A_1115, %masked_sort3A_1116 = tpu.sort %select_n3A_1107, %select_n3A_1108 masked %masked_sort3A_1113 : (vector<16xf32>, vector<16xi32>, vector<16xi1>) -> (vector<16xi1>, vector<16xf32>, vector<16xi32>)
      %le3A_1117 = arith.cmpf ole, %select_n3A_1097, %select_n3A_1102 : vector<16xf32>
      %select_n3A_1118 = arith.select %le3A_1117, %select_n3A_1097, %select_n3A_1102 : vector<16xi1>, vector<16xf32>
      %select_n3A_1119 = arith.select %le3A_1117, %select_n3A_1098, %select_n3A_1103 : vector<16xi1>, vector<16xi32>
      %select_n3A_1120 = arith.select %le3A_1117, %select_n3A_1102, %select_n3A_1097 : vector<16xi1>, vector<16xf32>
      %select_n3A_1121 = arith.select %le3A_1117, %select_n3A_1103, %select_n3A_1098 : vector<16xi1>, vector<16xi32>
      %masked_sort3A_1122 = arith.constant dense<true> : vector<16xi1>
      %masked_sort3A_1123, %masked_sort3A_1124, %masked_sort3A_1125 = tpu.sort %select_n3A_1118, %select_n3A_1119 masked %masked_sort3A_1122 : (vector<16xf32>, vector<16xi32>, vector<16xi1>) -> (vector<16xi1>, vector<16xf32>, vector<16xi32>)
      %masked_sort3A_1126 = arith.constant dense<true> : vector<16xi1>
      %masked_sort3A_1127, %masked_sort3A_1128, %masked_sort3A_1129 = tpu.sort %select_n3A_1120, %select_n3A_1121 masked %masked_sort3A_1126 : (vector<16xf32>, vector<16xi32>, vector<16xi1>) -> (vector<16xi1>, vector<16xf32>, vector<16xi32>)
      %rev3A_1130 = arith.constant 15 : i32
      %rev3A_1131 = vector.broadcast %rev3A_1130 : i32 to vector<16xi32>
      %rev3A_1132 = tpu.iota {dimensions = array<i32: 0>} : vector<16xi32>
      %rev3A_1133 = arith.subi %rev3A_1131, %rev3A_1132 : vector<16xi32>
      %rev3A_1134 = tpu.dynamic_gather %masked_sort3A_996[%rev3A_1133] in [0] : vector<16xf32>, vector<16xi32> -> vector<16xf32>
      %rev3A_1135 = arith.constant 15 : i32
      %rev3A_1136 = vector.broadcast %rev3A_1135 : i32 to vector<16xi32>
      %rev3A_1137 = tpu.iota {dimensions = array<i32: 0>} : vector<16xi32>
      %rev3A_1138 = arith.subi %rev3A_1136, %rev3A_1137 : vector<16xi32>
      %rev3A_1139 = tpu.dynamic_gather %masked_sort3A_992[%rev3A_1138] in [0] : vector<16xf32>, vector<16xi32> -> vector<16xf32>
      %rev3A_1140 = arith.constant 15 : i32
      %rev3A_1141 = vector.broadcast %rev3A_1140 : i32 to vector<16xi32>
      %rev3A_1142 = tpu.iota {dimensions = array<i32: 0>} : vector<16xi32>
      %rev3A_1143 = arith.subi %rev3A_1141, %rev3A_1142 : vector<16xi32>
      %rev3A_1144 = tpu.dynamic_gather %masked_sort3A_983[%rev3A_1143] in [0] : vector<16xf32>, vector<16xi32> -> vector<16xf32>
      %rev3A_1145 = arith.constant 15 : i32
      %rev3A_1146 = vector.broadcast %rev3A_1145 : i32 to vector<16xi32>
      %rev3A_1147 = tpu.iota {dimensions = array<i32: 0>} : vector<16xi32>
      %rev3A_1148 = arith.subi %rev3A_1146, %rev3A_1147 : vector<16xi32>
      %rev3A_1149 = tpu.dynamic_gather %masked_sort3A_979[%rev3A_1148] in [0] : vector<16xf32>, vector<16xi32> -> vector<16xf32>
      %rev3A_1150 = arith.constant 15 : i32
      %rev3A_1151 = vector.broadcast %rev3A_1150 : i32 to vector<16xi32>
      %rev3A_1152 = tpu.iota {dimensions = array<i32: 0>} : vector<16xi32>
      %rev3A_1153 = arith.subi %rev3A_1151, %rev3A_1152 : vector<16xi32>
      %rev3A_1154 = tpu.dynamic_gather %masked_sort3A_997[%rev3A_1153] in [0] : vector<16xi32>, vector<16xi32> -> vector<16xi32>
      %rev3A_1155 = arith.constant 15 : i32
      %rev3A_1156 = vector.broadcast %rev3A_1155 : i32 to vector<16xi32>
      %rev3A_1157 = tpu.iota {dimensions = array<i32: 0>} : vector<16xi32>
      %rev3A_1158 = arith.subi %rev3A_1156, %rev3A_1157 : vector<16xi32>
      %rev3A_1159 = tpu.dynamic_gather %masked_sort3A_993[%rev3A_1158] in [0] : vector<16xi32>, vector<16xi32> -> vector<16xi32>
      %rev3A_1160 = arith.constant 15 : i32
      %rev3A_1161 = vector.broadcast %rev3A_1160 : i32 to vector<16xi32>
      %rev3A_1162 = tpu.iota {dimensions = array<i32: 0>} : vector<16xi32>
      %rev3A_1163 = arith.subi %rev3A_1161, %rev3A_1162 : vector<16xi32>
      %rev3A_1164 = tpu.dynamic_gather %masked_sort3A_984[%rev3A_1163] in [0] : vector<16xi32>, vector<16xi32> -> vector<16xi32>
      %rev3A_1165 = arith.constant 15 : i32
      %rev3A_1166 = vector.broadcast %rev3A_1165 : i32 to vector<16xi32>
      %rev3A_1167 = tpu.iota {dimensions = array<i32: 0>} : vector<16xi32>
      %rev3A_1168 = arith.subi %rev3A_1166, %rev3A_1167 : vector<16xi32>
      %rev3A_1169 = tpu.dynamic_gather %masked_sort3A_980[%rev3A_1168] in [0] : vector<16xi32>, vector<16xi32> -> vector<16xi32>
      %le3A_1170 = arith.cmpf ole, %masked_sort3A_923, %rev3A_1134 : vector<16xf32>
      %select_n3A_1171 = arith.select %le3A_1170, %masked_sort3A_923, %rev3A_1134 : vector<16xi1>, vector<16xf32>
      %select_n3A_1172 = arith.select %le3A_1170, %masked_sort3A_924, %rev3A_1154 : vector<16xi1>, vector<16xi32>
      %select_n3A_1173 = arith.select %le3A_1170, %rev3A_1134, %masked_sort3A_923 : vector<16xi1>, vector<16xf32>
      %select_n3A_1174 = arith.select %le3A_1170, %rev3A_1154, %masked_sort3A_924 : vector<16xi1>, vector<16xi32>
      %le3A_1175 = arith.cmpf ole, %masked_sort3A_927, %rev3A_1139 : vector<16xf32>
      %select_n3A_1176 = arith.select %le3A_1175, %masked_sort3A_927, %rev3A_1139 : vector<16xi1>, vector<16xf32>
      %select_n3A_1177 = arith.select %le3A_1175, %masked_sort3A_928, %rev3A_1159 : vector<16xi1>, vector<16xi32>
      %select_n3A_1178 = arith.select %le3A_1175, %rev3A_1139, %masked_sort3A_927 : vector<16xi1>, vector<16xf32>
      %select_n3A_1179 = arith.select %le3A_1175, %rev3A_1159, %masked_sort3A_928 : vector<16xi1>, vector<16xi32>
      %le3A_1180 = arith.cmpf ole, %masked_sort3A_936, %rev3A_1144 : vector<16xf32>
      %select_n3A_1181 = arith.select %le3A_1180, %masked_sort3A_936, %rev3A_1144 : vector<16xi1>, vector<16xf32>
      %select_n3A_1182 = arith.select %le3A_1180, %masked_sort3A_937, %rev3A_1164 : vector<16xi1>, vector<16xi32>
      %select_n3A_1183 = arith.select %le3A_1180, %rev3A_1144, %masked_sort3A_936 : vector<16xi1>, vector<16xf32>
      %select_n3A_1184 = arith.select %le3A_1180, %rev3A_1164, %masked_sort3A_937 : vector<16xi1>, vector<16xi32>
      %le3A_1185 = arith.cmpf ole, %masked_sort3A_940, %rev3A_1149 : vector<16xf32>
      %select_n3A_1186 = arith.select %le3A_1185, %masked_sort3A_940, %rev3A_1149 : vector<16xi1>, vector<16xf32>
      %select_n3A_1187 = arith.select %le3A_1185, %masked_sort3A_941, %rev3A_1169 : vector<16xi1>, vector<16xi32>
      %select_n3A_1188 = arith.select %le3A_1185, %rev3A_1149, %masked_sort3A_940 : vector<16xi1>, vector<16xf32>
      %select_n3A_1189 = arith.select %le3A_1185, %rev3A_1169, %masked_sort3A_941 : vector<16xi1>, vector<16xi32>
      %le3A_1190 = arith.cmpf ole, %select_n3A_1171, %select_n3A_1181 : vector<16xf32>
      %select_n3A_1191 = arith.select %le3A_1190, %select_n3A_1171, %select_n3A_1181 : vector<16xi1>, vector<16xf32>
      %select_n3A_1192 = arith.select %le3A_1190, %select_n3A_1172, %select_n3A_1182 : vector<16xi1>, vector<16xi32>
      %select_n3A_1193 = arith.select %le3A_1190, %select_n3A_1181, %select_n3A_1171 : vector<16xi1>, vector<16xf32>
      %select_n3A_1194 = arith.select %le3A_1190, %select_n3A_1182, %select_n3A_1172 : vector<16xi1>, vector<16xi32>
      %le3A_1195 = arith.cmpf ole, %select_n3A_1176, %select_n3A_1186 : vector<16xf32>
      %select_n3A_1196 = arith.select %le3A_1195, %select_n3A_1176, %select_n3A_1186 : vector<16xi1>, vector<16xf32>
      %select_n3A_1197 = arith.select %le3A_1195, %select_n3A_1177, %select_n3A_1187 : vector<16xi1>, vector<16xi32>
      %select_n3A_1198 = arith.select %le3A_1195, %select_n3A_1186, %select_n3A_1176 : vector<16xi1>, vector<16xf32>
      %select_n3A_1199 = arith.select %le3A_1195, %select_n3A_1187, %select_n3A_1177 : vector<16xi1>, vector<16xi32>
      %le3A_1200 = arith.cmpf ole, %select_n3A_1191, %select_n3A_1196 : vector<16xf32>
      %select_n3A_1201 = arith.select %le3A_1200, %select_n3A_1191, %select_n3A_1196 : vector<16xi1>, vector<16xf32>
      %select_n3A_1202 = arith.select %le3A_1200, %select_n3A_1192, %select_n3A_1197 : vector<16xi1>, vector<16xi32>
      %select_n3A_1203 = arith.select %le3A_1200, %select_n3A_1196, %select_n3A_1191 : vector<16xi1>, vector<16xf32>
      %select_n3A_1204 = arith.select %le3A_1200, %select_n3A_1197, %select_n3A_1192 : vector<16xi1>, vector<16xi32>
      %masked_sort3A_1205 = arith.constant dense<true> : vector<16xi1>
      %masked_sort3A_1206, %masked_sort3A_1207, %masked_sort3A_1208 = tpu.sort %select_n3A_1201, %select_n3A_1202 masked %masked_sort3A_1205 : (vector<16xf32>, vector<16xi32>, vector<16xi1>) -> (vector<16xi1>, vector<16xf32>, vector<16xi32>)
      %masked_sort3A_1209 = arith.constant dense<true> : vector<16xi1>
      %masked_sort3A_1210, %masked_sort3A_1211, %masked_sort3A_1212 = tpu.sort %select_n3A_1203, %select_n3A_1204 masked %masked_sort3A_1209 : (vector<16xf32>, vector<16xi32>, vector<16xi1>) -> (vector<16xi1>, vector<16xf32>, vector<16xi32>)
      %le3A_1213 = arith.cmpf ole, %select_n3A_1193, %select_n3A_1198 : vector<16xf32>
      %select_n3A_1214 = arith.select %le3A_1213, %select_n3A_1193, %select_n3A_1198 : vector<16xi1>, vector<16xf32>
      %select_n3A_1215 = arith.select %le3A_1213, %select_n3A_1194, %select_n3A_1199 : vector<16xi1>, vector<16xi32>
      %select_n3A_1216 = arith.select %le3A_1213, %select_n3A_1198, %select_n3A_1193 : vector<16xi1>, vector<16xf32>
      %select_n3A_1217 = arith.select %le3A_1213, %select_n3A_1199, %select_n3A_1194 : vector<16xi1>, vector<16xi32>
      %masked_sort3A_1218 = arith.constant dense<true> : vector<16xi1>
      %masked_sort3A_1219, %masked_sort3A_1220, %masked_sort3A_1221 = tpu.sort %select_n3A_1214, %select_n3A_1215 masked %masked_sort3A_1218 : (vector<16xf32>, vector<16xi32>, vector<16xi1>) -> (vector<16xi1>, vector<16xf32>, vector<16xi32>)
      %masked_sort3A_1222 = arith.constant dense<true> : vector<16xi1>
      %masked_sort3A_1223, %masked_sort3A_1224, %masked_sort3A_1225 = tpu.sort %select_n3A_1216, %select_n3A_1217 masked %masked_sort3A_1222 : (vector<16xf32>, vector<16xi32>, vector<16xi1>) -> (vector<16xi1>, vector<16xf32>, vector<16xi32>)
      %le3A_1226 = arith.cmpf ole, %select_n3A_1173, %select_n3A_1183 : vector<16xf32>
      %select_n3A_1227 = arith.select %le3A_1226, %select_n3A_1173, %select_n3A_1183 : vector<16xi1>, vector<16xf32>
      %select_n3A_1228 = arith.select %le3A_1226, %select_n3A_1174, %select_n3A_1184 : vector<16xi1>, vector<16xi32>
      %select_n3A_1229 = arith.select %le3A_1226, %select_n3A_1183, %select_n3A_1173 : vector<16xi1>, vector<16xf32>
      %select_n3A_1230 = arith.select %le3A_1226, %select_n3A_1184, %select_n3A_1174 : vector<16xi1>, vector<16xi32>
      %le3A_1231 = arith.cmpf ole, %select_n3A_1178, %select_n3A_1188 : vector<16xf32>
      %select_n3A_1232 = arith.select %le3A_1231, %select_n3A_1178, %select_n3A_1188 : vector<16xi1>, vector<16xf32>
      %select_n3A_1233 = arith.select %le3A_1231, %select_n3A_1179, %select_n3A_1189 : vector<16xi1>, vector<16xi32>
      %select_n3A_1234 = arith.select %le3A_1231, %select_n3A_1188, %select_n3A_1178 : vector<16xi1>, vector<16xf32>
      %select_n3A_1235 = arith.select %le3A_1231, %select_n3A_1189, %select_n3A_1179 : vector<16xi1>, vector<16xi32>
      %le3A_1236 = arith.cmpf ole, %select_n3A_1227, %select_n3A_1232 : vector<16xf32>
      %select_n3A_1237 = arith.select %le3A_1236, %select_n3A_1227, %select_n3A_1232 : vector<16xi1>, vector<16xf32>
      %select_n3A_1238 = arith.select %le3A_1236, %select_n3A_1228, %select_n3A_1233 : vector<16xi1>, vector<16xi32>
      %select_n3A_1239 = arith.select %le3A_1236, %select_n3A_1232, %select_n3A_1227 : vector<16xi1>, vector<16xf32>
      %select_n3A_1240 = arith.select %le3A_1236, %select_n3A_1233, %select_n3A_1228 : vector<16xi1>, vector<16xi32>
      %masked_sort3A_1241 = arith.constant dense<true> : vector<16xi1>
      %masked_sort3A_1242, %masked_sort3A_1243, %masked_sort3A_1244 = tpu.sort %select_n3A_1237, %select_n3A_1238 masked %masked_sort3A_1241 : (vector<16xf32>, vector<16xi32>, vector<16xi1>) -> (vector<16xi1>, vector<16xf32>, vector<16xi32>)
      %masked_sort3A_1245 = arith.constant dense<true> : vector<16xi1>
      %masked_sort3A_1246, %masked_sort3A_1247, %masked_sort3A_1248 = tpu.sort %select_n3A_1239, %select_n3A_1240 masked %masked_sort3A_1245 : (vector<16xf32>, vector<16xi32>, vector<16xi1>) -> (vector<16xi1>, vector<16xf32>, vector<16xi32>)
      %le3A_1249 = arith.cmpf ole, %select_n3A_1229, %select_n3A_1234 : vector<16xf32>
      %select_n3A_1250 = arith.select %le3A_1249, %select_n3A_1229, %select_n3A_1234 : vector<16xi1>, vector<16xf32>
      %select_n3A_1251 = arith.select %le3A_1249, %select_n3A_1230, %select_n3A_1235 : vector<16xi1>, vector<16xi32>
      %select_n3A_1252 = arith.select %le3A_1249, %select_n3A_1234, %select_n3A_1229 : vector<16xi1>, vector<16xf32>
      %select_n3A_1253 = arith.select %le3A_1249, %select_n3A_1235, %select_n3A_1230 : vector<16xi1>, vector<16xi32>
      %masked_sort3A_1254 = arith.constant dense<true> : vector<16xi1>
      %masked_sort3A_1255, %masked_sort3A_1256, %masked_sort3A_1257 = tpu.sort %select_n3A_1250, %select_n3A_1251 masked %masked_sort3A_1254 : (vector<16xf32>, vector<16xi32>, vector<16xi1>) -> (vector<16xi1>, vector<16xf32>, vector<16xi32>)
      %masked_sort3A_1258 = arith.constant dense<true> : vector<16xi1>
      %masked_sort3A_1259, %masked_sort3A_1260, %masked_sort3A_1261 = tpu.sort %select_n3A_1252, %select_n3A_1253 masked %masked_sort3A_1258 : (vector<16xf32>, vector<16xi32>, vector<16xi1>) -> (vector<16xi1>, vector<16xf32>, vector<16xi32>)
      %rev3A_1262 = arith.constant 15 : i32
      %rev3A_1263 = vector.broadcast %rev3A_1262 : i32 to vector<16xi32>
      %rev3A_1264 = tpu.iota {dimensions = array<i32: 0>} : vector<16xi32>
      %rev3A_1265 = arith.subi %rev3A_1263, %rev3A_1264 : vector<16xi32>
      %rev3A_1266 = tpu.dynamic_gather %masked_sort3A_1260[%rev3A_1265] in [0] : vector<16xf32>, vector<16xi32> -> vector<16xf32>
      %rev3A_1267 = arith.constant 15 : i32
      %rev3A_1268 = vector.broadcast %rev3A_1267 : i32 to vector<16xi32>
      %rev3A_1269 = tpu.iota {dimensions = array<i32: 0>} : vector<16xi32>
      %rev3A_1270 = arith.subi %rev3A_1268, %rev3A_1269 : vector<16xi32>
      %rev3A_1271 = tpu.dynamic_gather %masked_sort3A_1256[%rev3A_1270] in [0] : vector<16xf32>, vector<16xi32> -> vector<16xf32>
      %rev3A_1272 = arith.constant 15 : i32
      %rev3A_1273 = vector.broadcast %rev3A_1272 : i32 to vector<16xi32>
      %rev3A_1274 = tpu.iota {dimensions = array<i32: 0>} : vector<16xi32>
      %rev3A_1275 = arith.subi %rev3A_1273, %rev3A_1274 : vector<16xi32>
      %rev3A_1276 = tpu.dynamic_gather %masked_sort3A_1247[%rev3A_1275] in [0] : vector<16xf32>, vector<16xi32> -> vector<16xf32>
      %rev3A_1277 = arith.constant 15 : i32
      %rev3A_1278 = vector.broadcast %rev3A_1277 : i32 to vector<16xi32>
      %rev3A_1279 = tpu.iota {dimensions = array<i32: 0>} : vector<16xi32>
      %rev3A_1280 = arith.subi %rev3A_1278, %rev3A_1279 : vector<16xi32>
      %rev3A_1281 = tpu.dynamic_gather %masked_sort3A_1243[%rev3A_1280] in [0] : vector<16xf32>, vector<16xi32> -> vector<16xf32>
      %rev3A_1282 = arith.constant 15 : i32
      %rev3A_1283 = vector.broadcast %rev3A_1282 : i32 to vector<16xi32>
      %rev3A_1284 = tpu.iota {dimensions = array<i32: 0>} : vector<16xi32>
      %rev3A_1285 = arith.subi %rev3A_1283, %rev3A_1284 : vector<16xi32>
      %rev3A_1286 = tpu.dynamic_gather %masked_sort3A_1224[%rev3A_1285] in [0] : vector<16xf32>, vector<16xi32> -> vector<16xf32>
      %rev3A_1287 = arith.constant 15 : i32
      %rev3A_1288 = vector.broadcast %rev3A_1287 : i32 to vector<16xi32>
      %rev3A_1289 = tpu.iota {dimensions = array<i32: 0>} : vector<16xi32>
      %rev3A_1290 = arith.subi %rev3A_1288, %rev3A_1289 : vector<16xi32>
      %rev3A_1291 = tpu.dynamic_gather %masked_sort3A_1220[%rev3A_1290] in [0] : vector<16xf32>, vector<16xi32> -> vector<16xf32>
      %rev3A_1292 = arith.constant 15 : i32
      %rev3A_1293 = vector.broadcast %rev3A_1292 : i32 to vector<16xi32>
      %rev3A_1294 = tpu.iota {dimensions = array<i32: 0>} : vector<16xi32>
      %rev3A_1295 = arith.subi %rev3A_1293, %rev3A_1294 : vector<16xi32>
      %rev3A_1296 = tpu.dynamic_gather %masked_sort3A_1211[%rev3A_1295] in [0] : vector<16xf32>, vector<16xi32> -> vector<16xf32>
      %rev3A_1297 = arith.constant 15 : i32
      %rev3A_1298 = vector.broadcast %rev3A_1297 : i32 to vector<16xi32>
      %rev3A_1299 = tpu.iota {dimensions = array<i32: 0>} : vector<16xi32>
      %rev3A_1300 = arith.subi %rev3A_1298, %rev3A_1299 : vector<16xi32>
      %rev3A_1301 = tpu.dynamic_gather %masked_sort3A_1207[%rev3A_1300] in [0] : vector<16xf32>, vector<16xi32> -> vector<16xf32>
      %rev3A_1302 = arith.constant 15 : i32
      %rev3A_1303 = vector.broadcast %rev3A_1302 : i32 to vector<16xi32>
      %rev3A_1304 = tpu.iota {dimensions = array<i32: 0>} : vector<16xi32>
      %rev3A_1305 = arith.subi %rev3A_1303, %rev3A_1304 : vector<16xi32>
      %rev3A_1306 = tpu.dynamic_gather %masked_sort3A_1261[%rev3A_1305] in [0] : vector<16xi32>, vector<16xi32> -> vector<16xi32>
      %rev3A_1307 = arith.constant 15 : i32
      %rev3A_1308 = vector.broadcast %rev3A_1307 : i32 to vector<16xi32>
      %rev3A_1309 = tpu.iota {dimensions = array<i32: 0>} : vector<16xi32>
      %rev3A_1310 = arith.subi %rev3A_1308, %rev3A_1309 : vector<16xi32>
      %rev3A_1311 = tpu.dynamic_gather %masked_sort3A_1257[%rev3A_1310] in [0] : vector<16xi32>, vector<16xi32> -> vector<16xi32>
      %rev3A_1312 = arith.constant 15 : i32
      %rev3A_1313 = vector.broadcast %rev3A_1312 : i32 to vector<16xi32>
      %rev3A_1314 = tpu.iota {dimensions = array<i32: 0>} : vector<16xi32>
      %rev3A_1315 = arith.subi %rev3A_1313, %rev3A_1314 : vector<16xi32>
      %rev3A_1316 = tpu.dynamic_gather %masked_sort3A_1248[%rev3A_1315] in [0] : vector<16xi32>, vector<16xi32> -> vector<16xi32>
      %rev3A_1317 = arith.constant 15 : i32
      %rev3A_1318 = vector.broadcast %rev3A_1317 : i32 to vector<16xi32>
      %rev3A_1319 = tpu.iota {dimensions = array<i32: 0>} : vector<16xi32>
      %rev3A_1320 = arith.subi %rev3A_1318, %rev3A_1319 : vector<16xi32>
      %rev3A_1321 = tpu.dynamic_gather %masked_sort3A_1244[%rev3A_1320] in [0] : vector<16xi32>, vector<16xi32> -> vector<16xi32>
      %rev3A_1322 = arith.constant 15 : i32
      %rev3A_1323 = vector.broadcast %rev3A_1322 : i32 to vector<16xi32>
      %rev3A_1324 = tpu.iota {dimensions = array<i32: 0>} : vector<16xi32>
      %rev3A_1325 = arith.subi %rev3A_1323, %rev3A_1324 : vector<16xi32>
      %rev3A_1326 = tpu.dynamic_gather %masked_sort3A_1225[%rev3A_1325] in [0] : vector<16xi32>, vector<16xi32> -> vector<16xi32>
      %rev3A_1327 = arith.constant 15 : i32
      %rev3A_1328 = vector.broadcast %rev3A_1327 : i32 to vector<16xi32>
      %rev3A_1329 = tpu.iota {dimensions = array<i32: 0>} : vector<16xi32>
      %rev3A_1330 = arith.subi %rev3A_1328, %rev3A_1329 : vector<16xi32>
      %rev3A_1331 = tpu.dynamic_gather %masked_sort3A_1221[%rev3A_1330] in [0] : vector<16xi32>, vector<16xi32> -> vector<16xi32>
      %rev3A_1332 = arith.constant 15 : i32
      %rev3A_1333 = vector.broadcast %rev3A_1332 : i32 to vector<16xi32>
      %rev3A_1334 = tpu.iota {dimensions = array<i32: 0>} : vector<16xi32>
      %rev3A_1335 = arith.subi %rev3A_1333, %rev3A_1334 : vector<16xi32>
      %rev3A_1336 = tpu.dynamic_gather %masked_sort3A_1212[%rev3A_1335] in [0] : vector<16xi32>, vector<16xi32> -> vector<16xi32>
      %rev3A_1337 = arith.constant 15 : i32
      %rev3A_1338 = vector.broadcast %rev3A_1337 : i32 to vector<16xi32>
      %rev3A_1339 = tpu.iota {dimensions = array<i32: 0>} : vector<16xi32>
      %rev3A_1340 = arith.subi %rev3A_1338, %rev3A_1339 : vector<16xi32>
      %rev3A_1341 = tpu.dynamic_gather %masked_sort3A_1208[%rev3A_1340] in [0] : vector<16xi32>, vector<16xi32> -> vector<16xi32>
      %le3A_1342 = arith.cmpf ole, %masked_sort3A_1075, %rev3A_1266 : vector<16xf32>
      %select_n3A_1343 = arith.select %le3A_1342, %masked_sort3A_1075, %rev3A_1266 : vector<16xi1>, vector<16xf32>
      %select_n3A_1344 = arith.select %le3A_1342, %masked_sort3A_1076, %rev3A_1306 : vector<16xi1>, vector<16xi32>
      %le3A_1345 = arith.cmpf ole, %masked_sort3A_1079, %rev3A_1271 : vector<16xf32>
      %select_n3A_1346 = arith.select %le3A_1345, %masked_sort3A_1079, %rev3A_1271 : vector<16xi1>, vector<16xf32>
      %select_n3A_1347 = arith.select %le3A_1345, %masked_sort3A_1080, %rev3A_1311 : vector<16xi1>, vector<16xi32>
      %le3A_1348 = arith.cmpf ole, %masked_sort3A_1088, %rev3A_1276 : vector<16xf32>
      %select_n3A_1349 = arith.select %le3A_1348, %masked_sort3A_1088, %rev3A_1276 : vector<16xi1>, vector<16xf32>
      %select_n3A_1350 = arith.select %le3A_1348, %masked_sort3A_1089, %rev3A_1316 : vector<16xi1>, vector<16xi32>
      %le3A_1351 = arith.cmpf ole, %masked_sort3A_1092, %rev3A_1281 : vector<16xf32>
      %select_n3A_1352 = arith.select %le3A_1351, %masked_sort3A_1092, %rev3A_1281 : vector<16xi1>, vector<16xf32>
      %select_n3A_1353 = arith.select %le3A_1351, %masked_sort3A_1093, %rev3A_1321 : vector<16xi1>, vector<16xi32>
      %le3A_1354 = arith.cmpf ole, %masked_sort3A_1111, %rev3A_1286 : vector<16xf32>
      %select_n3A_1355 = arith.select %le3A_1354, %masked_sort3A_1111, %rev3A_1286 : vector<16xi1>, vector<16xf32>
      %select_n3A_1356 = arith.select %le3A_1354, %masked_sort3A_1112, %rev3A_1326 : vector<16xi1>, vector<16xi32>
      %le3A_1357 = arith.cmpf ole, %masked_sort3A_1115, %rev3A_1291 : vector<16xf32>
      %select_n3A_1358 = arith.select %le3A_1357, %masked_sort3A_1115, %rev3A_1291 : vector<16xi1>, vector<16xf32>
      %select_n3A_1359 = arith.select %le3A_1357, %masked_sort3A_1116, %rev3A_1331 : vector<16xi1>, vector<16xi32>
      %le3A_1360 = arith.cmpf ole, %masked_sort3A_1124, %rev3A_1296 : vector<16xf32>
      %select_n3A_1361 = arith.select %le3A_1360, %masked_sort3A_1124, %rev3A_1296 : vector<16xi1>, vector<16xf32>
      %select_n3A_1362 = arith.select %le3A_1360, %masked_sort3A_1125, %rev3A_1336 : vector<16xi1>, vector<16xi32>
      %le3A_1363 = arith.cmpf ole, %masked_sort3A_1128, %rev3A_1301 : vector<16xf32>
      %select_n3A_1364 = arith.select %le3A_1363, %masked_sort3A_1128, %rev3A_1301 : vector<16xi1>, vector<16xf32>
      %select_n3A_1365 = arith.select %le3A_1363, %masked_sort3A_1129, %rev3A_1341 : vector<16xi1>, vector<16xi32>
      %le3A_1366 = arith.cmpf ole, %select_n3A_1343, %select_n3A_1355 : vector<16xf32>
      %select_n3A_1367 = arith.select %le3A_1366, %select_n3A_1343, %select_n3A_1355 : vector<16xi1>, vector<16xf32>
      %select_n3A_1368 = arith.select %le3A_1366, %select_n3A_1344, %select_n3A_1356 : vector<16xi1>, vector<16xi32>
      %select_n3A_1369 = arith.select %le3A_1366, %select_n3A_1355, %select_n3A_1343 : vector<16xi1>, vector<16xf32>
      %select_n3A_1370 = arith.select %le3A_1366, %select_n3A_1356, %select_n3A_1344 : vector<16xi1>, vector<16xi32>
      %le3A_1371 = arith.cmpf ole, %select_n3A_1346, %select_n3A_1358 : vector<16xf32>
      %select_n3A_1372 = arith.select %le3A_1371, %select_n3A_1346, %select_n3A_1358 : vector<16xi1>, vector<16xf32>
      %select_n3A_1373 = arith.select %le3A_1371, %select_n3A_1347, %select_n3A_1359 : vector<16xi1>, vector<16xi32>
      %select_n3A_1374 = arith.select %le3A_1371, %select_n3A_1358, %select_n3A_1346 : vector<16xi1>, vector<16xf32>
      %select_n3A_1375 = arith.select %le3A_1371, %select_n3A_1359, %select_n3A_1347 : vector<16xi1>, vector<16xi32>
      %le3A_1376 = arith.cmpf ole, %select_n3A_1349, %select_n3A_1361 : vector<16xf32>
      %select_n3A_1377 = arith.select %le3A_1376, %select_n3A_1349, %select_n3A_1361 : vector<16xi1>, vector<16xf32>
      %select_n3A_1378 = arith.select %le3A_1376, %select_n3A_1350, %select_n3A_1362 : vector<16xi1>, vector<16xi32>
      %select_n3A_1379 = arith.select %le3A_1376, %select_n3A_1361, %select_n3A_1349 : vector<16xi1>, vector<16xf32>
      %select_n3A_1380 = arith.select %le3A_1376, %select_n3A_1362, %select_n3A_1350 : vector<16xi1>, vector<16xi32>
      %le3A_1381 = arith.cmpf ole, %select_n3A_1352, %select_n3A_1364 : vector<16xf32>
      %select_n3A_1382 = arith.select %le3A_1381, %select_n3A_1352, %select_n3A_1364 : vector<16xi1>, vector<16xf32>
      %select_n3A_1383 = arith.select %le3A_1381, %select_n3A_1353, %select_n3A_1365 : vector<16xi1>, vector<16xi32>
      %select_n3A_1384 = arith.select %le3A_1381, %select_n3A_1364, %select_n3A_1352 : vector<16xi1>, vector<16xf32>
      %select_n3A_1385 = arith.select %le3A_1381, %select_n3A_1365, %select_n3A_1353 : vector<16xi1>, vector<16xi32>
      %le3A_1386 = arith.cmpf ole, %select_n3A_1367, %select_n3A_1377 : vector<16xf32>
      %select_n3A_1387 = arith.select %le3A_1386, %select_n3A_1367, %select_n3A_1377 : vector<16xi1>, vector<16xf32>
      %select_n3A_1388 = arith.select %le3A_1386, %select_n3A_1368, %select_n3A_1378 : vector<16xi1>, vector<16xi32>
      %select_n3A_1389 = arith.select %le3A_1386, %select_n3A_1377, %select_n3A_1367 : vector<16xi1>, vector<16xf32>
      %select_n3A_1390 = arith.select %le3A_1386, %select_n3A_1378, %select_n3A_1368 : vector<16xi1>, vector<16xi32>
      %le3A_1391 = arith.cmpf ole, %select_n3A_1372, %select_n3A_1382 : vector<16xf32>
      %select_n3A_1392 = arith.select %le3A_1391, %select_n3A_1372, %select_n3A_1382 : vector<16xi1>, vector<16xf32>
      %select_n3A_1393 = arith.select %le3A_1391, %select_n3A_1373, %select_n3A_1383 : vector<16xi1>, vector<16xi32>
      %select_n3A_1394 = arith.select %le3A_1391, %select_n3A_1382, %select_n3A_1372 : vector<16xi1>, vector<16xf32>
      %select_n3A_1395 = arith.select %le3A_1391, %select_n3A_1383, %select_n3A_1373 : vector<16xi1>, vector<16xi32>
      %le3A_1396 = arith.cmpf ole, %select_n3A_1387, %select_n3A_1392 : vector<16xf32>
      %select_n3A_1397 = arith.select %le3A_1396, %select_n3A_1387, %select_n3A_1392 : vector<16xi1>, vector<16xf32>
      %select_n3A_1398 = arith.select %le3A_1396, %select_n3A_1388, %select_n3A_1393 : vector<16xi1>, vector<16xi32>
      %select_n3A_1399 = arith.select %le3A_1396, %select_n3A_1392, %select_n3A_1387 : vector<16xi1>, vector<16xf32>
      %select_n3A_1400 = arith.select %le3A_1396, %select_n3A_1393, %select_n3A_1388 : vector<16xi1>, vector<16xi32>
      %masked_sort3A_1401 = arith.constant dense<true> : vector<16xi1>
      %masked_sort3A_1402, %masked_sort3A_1403, %masked_sort3A_1404 = tpu.sort %select_n3A_1397, %select_n3A_1398 masked %masked_sort3A_1401 : (vector<16xf32>, vector<16xi32>, vector<16xi1>) -> (vector<16xi1>, vector<16xf32>, vector<16xi32>)
      %masked_sort3A_1405 = arith.constant dense<true> : vector<16xi1>
      %masked_sort3A_1406, %masked_sort3A_1407, %masked_sort3A_1408 = tpu.sort %select_n3A_1399, %select_n3A_1400 masked %masked_sort3A_1405 : (vector<16xf32>, vector<16xi32>, vector<16xi1>) -> (vector<16xi1>, vector<16xf32>, vector<16xi32>)
      %le3A_1409 = arith.cmpf ole, %select_n3A_1389, %select_n3A_1394 : vector<16xf32>
      %select_n3A_1410 = arith.select %le3A_1409, %select_n3A_1389, %select_n3A_1394 : vector<16xi1>, vector<16xf32>
      %select_n3A_1411 = arith.select %le3A_1409, %select_n3A_1390, %select_n3A_1395 : vector<16xi1>, vector<16xi32>
      %select_n3A_1412 = arith.select %le3A_1409, %select_n3A_1394, %select_n3A_1389 : vector<16xi1>, vector<16xf32>
      %select_n3A_1413 = arith.select %le3A_1409, %select_n3A_1395, %select_n3A_1390 : vector<16xi1>, vector<16xi32>
      %masked_sort3A_1414 = arith.constant dense<true> : vector<16xi1>
      %masked_sort3A_1415, %masked_sort3A_1416, %masked_sort3A_1417 = tpu.sort %select_n3A_1410, %select_n3A_1411 masked %masked_sort3A_1414 : (vector<16xf32>, vector<16xi32>, vector<16xi1>) -> (vector<16xi1>, vector<16xf32>, vector<16xi32>)
      %masked_sort3A_1418 = arith.constant dense<true> : vector<16xi1>
      %masked_sort3A_1419, %masked_sort3A_1420, %masked_sort3A_1421 = tpu.sort %select_n3A_1412, %select_n3A_1413 masked %masked_sort3A_1418 : (vector<16xf32>, vector<16xi32>, vector<16xi1>) -> (vector<16xi1>, vector<16xf32>, vector<16xi32>)
      %le3A_1422 = arith.cmpf ole, %select_n3A_1369, %select_n3A_1379 : vector<16xf32>
      %select_n3A_1423 = arith.select %le3A_1422, %select_n3A_1369, %select_n3A_1379 : vector<16xi1>, vector<16xf32>
      %select_n3A_1424 = arith.select %le3A_1422, %select_n3A_1370, %select_n3A_1380 : vector<16xi1>, vector<16xi32>
      %select_n3A_1425 = arith.select %le3A_1422, %select_n3A_1379, %select_n3A_1369 : vector<16xi1>, vector<16xf32>
      %select_n3A_1426 = arith.select %le3A_1422, %select_n3A_1380, %select_n3A_1370 : vector<16xi1>, vector<16xi32>
      %le3A_1427 = arith.cmpf ole, %select_n3A_1374, %select_n3A_1384 : vector<16xf32>
      %select_n3A_1428 = arith.select %le3A_1427, %select_n3A_1374, %select_n3A_1384 : vector<16xi1>, vector<16xf32>
      %select_n3A_1429 = arith.select %le3A_1427, %select_n3A_1375, %select_n3A_1385 : vector<16xi1>, vector<16xi32>
      %select_n3A_1430 = arith.select %le3A_1427, %select_n3A_1384, %select_n3A_1374 : vector<16xi1>, vector<16xf32>
      %select_n3A_1431 = arith.select %le3A_1427, %select_n3A_1385, %select_n3A_1375 : vector<16xi1>, vector<16xi32>
      %le3A_1432 = arith.cmpf ole, %select_n3A_1423, %select_n3A_1428 : vector<16xf32>
      %select_n3A_1433 = arith.select %le3A_1432, %select_n3A_1423, %select_n3A_1428 : vector<16xi1>, vector<16xf32>
      %select_n3A_1434 = arith.select %le3A_1432, %select_n3A_1424, %select_n3A_1429 : vector<16xi1>, vector<16xi32>
      %select_n3A_1435 = arith.select %le3A_1432, %select_n3A_1428, %select_n3A_1423 : vector<16xi1>, vector<16xf32>
      %select_n3A_1436 = arith.select %le3A_1432, %select_n3A_1429, %select_n3A_1424 : vector<16xi1>, vector<16xi32>
      %masked_sort3A_1437 = arith.constant dense<true> : vector<16xi1>
      %masked_sort3A_1438, %masked_sort3A_1439, %masked_sort3A_1440 = tpu.sort %select_n3A_1433, %select_n3A_1434 masked %masked_sort3A_1437 : (vector<16xf32>, vector<16xi32>, vector<16xi1>) -> (vector<16xi1>, vector<16xf32>, vector<16xi32>)
      %masked_sort3A_1441 = arith.constant dense<true> : vector<16xi1>
      %masked_sort3A_1442, %masked_sort3A_1443, %masked_sort3A_1444 = tpu.sort %select_n3A_1435, %select_n3A_1436 masked %masked_sort3A_1441 : (vector<16xf32>, vector<16xi32>, vector<16xi1>) -> (vector<16xi1>, vector<16xf32>, vector<16xi32>)
      %le3A_1445 = arith.cmpf ole, %select_n3A_1425, %select_n3A_1430 : vector<16xf32>
      %select_n3A_1446 = arith.select %le3A_1445, %select_n3A_1425, %select_n3A_1430 : vector<16xi1>, vector<16xf32>
      %select_n3A_1447 = arith.select %le3A_1445, %select_n3A_1426, %select_n3A_1431 : vector<16xi1>, vector<16xi32>
      %select_n3A_1448 = arith.select %le3A_1445, %select_n3A_1430, %select_n3A_1425 : vector<16xi1>, vector<16xf32>
      %select_n3A_1449 = arith.select %le3A_1445, %select_n3A_1431, %select_n3A_1426 : vector<16xi1>, vector<16xi32>
      %masked_sort3A_1450 = arith.constant dense<true> : vector<16xi1>
      %masked_sort3A_1451, %masked_sort3A_1452, %masked_sort3A_1453 = tpu.sort %select_n3A_1446, %select_n3A_1447 masked %masked_sort3A_1450 : (vector<16xf32>, vector<16xi32>, vector<16xi1>) -> (vector<16xi1>, vector<16xf32>, vector<16xi32>)
      %masked_sort3A_1454 = arith.constant dense<true> : vector<16xi1>
      %masked_sort3A_1455, %masked_sort3A_1456, %masked_sort3A_1457 = tpu.sort %select_n3A_1448, %select_n3A_1449 masked %masked_sort3A_1454 : (vector<16xf32>, vector<16xi32>, vector<16xi1>) -> (vector<16xi1>, vector<16xf32>, vector<16xi32>)
      %swap3A_1458 = arith.index_cast %mul3A_32 : i32 to index
      %swap3A_1459 = arith.constant 0 : index
      %swap3A_1460 = tpu.vector_load %arg8[%swap3A_1458, %swap3A_1459] {strides = array<i32>} : memref<128x128xf32, #tpu.memory_space<vmem>>, vector<16xf32>,
      tpu.vector_store %arg8[%swap3A_1458, %swap3A_1459], %masked_sort3A_1403 {strides = array<i32>} : memref<128x128xf32, #tpu.memory_space<vmem>>, vector<16xf32>,
      %swap3A_1461 = arith.index_cast %mul3A_32 : i32 to index
      %swap3A_1462 = arith.constant 0 : index
      %swap3A_1463 = tpu.vector_load %arg7[%swap3A_1461, %swap3A_1462] {strides = array<i32>} : memref<128x128xi32, #tpu.memory_space<vmem>>, vector<16xi32>,
      tpu.vector_store %arg7[%swap3A_1461, %swap3A_1462], %masked_sort3A_1404 {strides = array<i32>} : memref<128x128xi32, #tpu.memory_space<vmem>>, vector<16xi32>,
      %swap3A_1464 = arith.index_cast %mul3A_32 : i32 to index
      %swap3A_1465 = arith.constant 16 : index
      %swap3A_1466 = tpu.vector_load %arg8[%swap3A_1464, %swap3A_1465] {strides = array<i32>} : memref<128x128xf32, #tpu.memory_space<vmem>>, vector<16xf32>,
      tpu.vector_store %arg8[%swap3A_1464, %swap3A_1465], %masked_sort3A_1407 {strides = array<i32>} : memref<128x128xf32, #tpu.memory_space<vmem>>, vector<16xf32>,
      %swap3A_1467 = arith.index_cast %mul3A_32 : i32 to index
      %swap3A_1468 = arith.constant 16 : index
      %swap3A_1469 = tpu.vector_load %arg7[%swap3A_1467, %swap3A_1468] {strides = array<i32>} : memref<128x128xi32, #tpu.memory_space<vmem>>, vector<16xi32>,
      tpu.vector_store %arg7[%swap3A_1467, %swap3A_1468], %masked_sort3A_1408 {strides = array<i32>} : memref<128x128xi32, #tpu.memory_space<vmem>>, vector<16xi32>,
      %swap3A_1470 = arith.index_cast %mul3A_32 : i32 to index
      %swap3A_1471 = arith.constant 32 : index
      %swap3A_1472 = tpu.vector_load %arg8[%swap3A_1470, %swap3A_1471] {strides = array<i32>} : memref<128x128xf32, #tpu.memory_space<vmem>>, vector<16xf32>,
      tpu.vector_store %arg8[%swap3A_1470, %swap3A_1471], %masked_sort3A_1416 {strides = array<i32>} : memref<128x128xf32, #tpu.memory_space<vmem>>, vector<16xf32>,
      %swap3A_1473 = arith.index_cast %mul3A_32 : i32 to index
      %swap3A_1474 = arith.constant 32 : index
      %swap3A_1475 = tpu.vector_load %arg7[%swap3A_1473, %swap3A_1474] {strides = array<i32>} : memref<128x128xi32, #tpu.memory_space<vmem>>, vector<16xi32>,
      tpu.vector_store %arg7[%swap3A_1473, %swap3A_1474], %masked_sort3A_1417 {strides = array<i32>} : memref<128x128xi32, #tpu.memory_space<vmem>>, vector<16xi32>,
      %swap3A_1476 = arith.index_cast %mul3A_32 : i32 to index
      %swap3A_1477 = arith.constant 48 : index
      %swap3A_1478 = tpu.vector_load %arg8[%swap3A_1476, %swap3A_1477] {strides = array<i32>} : memref<128x128xf32, #tpu.memory_space<vmem>>, vector<16xf32>,
      tpu.vector_store %arg8[%swap3A_1476, %swap3A_1477], %masked_sort3A_1420 {strides = array<i32>} : memref<128x128xf32, #tpu.memory_space<vmem>>, vector<16xf32>,
      %swap3A_1479 = arith.index_cast %mul3A_32 : i32 to index
      %swap3A_1480 = arith.constant 48 : index
      %swap3A_1481 = tpu.vector_load %arg7[%swap3A_1479, %swap3A_1480] {strides = array<i32>} : memref<128x128xi32, #tpu.memory_space<vmem>>, vector<16xi32>,
      tpu.vector_store %arg7[%swap3A_1479, %swap3A_1480], %masked_sort3A_1421 {strides = array<i32>} : memref<128x128xi32, #tpu.memory_space<vmem>>, vector<16xi32>,
      %swap3A_1482 = arith.index_cast %mul3A_32 : i32 to index
      %swap3A_1483 = arith.constant 64 : index
      %swap3A_1484 = tpu.vector_load %arg8[%swap3A_1482, %swap3A_1483] {strides = array<i32>} : memref<128x128xf32, #tpu.memory_space<vmem>>, vector<16xf32>,
      tpu.vector_store %arg8[%swap3A_1482, %swap3A_1483], %masked_sort3A_1439 {strides = array<i32>} : memref<128x128xf32, #tpu.memory_space<vmem>>, vector<16xf32>,
      %swap3A_1485 = arith.index_cast %mul3A_32 : i32 to index
      %swap3A_1486 = arith.constant 64 : index
      %swap3A_1487 = tpu.vector_load %arg7[%swap3A_1485, %swap3A_1486] {strides = array<i32>} : memref<128x128xi32, #tpu.memory_space<vmem>>, vector<16xi32>,
      tpu.vector_store %arg7[%swap3A_1485, %swap3A_1486], %masked_sort3A_1440 {strides = array<i32>} : memref<128x128xi32, #tpu.memory_space<vmem>>, vector<16xi32>,
      %swap3A_1488 = arith.index_cast %mul3A_32 : i32 to index
      %swap3A_1489 = arith.constant 80 : index
      %swap3A_1490 = tpu.vector_load %arg8[%swap3A_1488, %swap3A_1489] {strides = array<i32>} : memref<128x128xf32, #tpu.memory_space<vmem>>, vector<16xf32>,
      tpu.vector_store %arg8[%swap3A_1488, %swap3A_1489], %masked_sort3A_1443 {strides = array<i32>} : memref<128x128xf32, #tpu.memory_space<vmem>>, vector<16xf32>,
      %swap3A_1491 = arith.index_cast %mul3A_32 : i32 to index
      %swap3A_1492 = arith.constant 80 : index
      %swap3A_1493 = tpu.vector_load %arg7[%swap3A_1491, %swap3A_1492] {strides = array<i32>} : memref<128x128xi32, #tpu.memory_space<vmem>>, vector<16xi32>,
      tpu.vector_store %arg7[%swap3A_1491, %swap3A_1492], %masked_sort3A_1444 {strides = array<i32>} : memref<128x128xi32, #tpu.memory_space<vmem>>, vector<16xi32>,
      %swap3A_1494 = arith.index_cast %mul3A_32 : i32 to index
      %swap3A_1495 = arith.constant 96 : index
      %swap3A_1496 = tpu.vector_load %arg8[%swap3A_1494, %swap3A_1495] {strides = array<i32>} : memref<128x128xf32, #tpu.memory_space<vmem>>, vector<16xf32>,
      tpu.vector_store %arg8[%swap3A_1494, %swap3A_1495], %masked_sort3A_1452 {strides = array<i32>} : memref<128x128xf32, #tpu.memory_space<vmem>>, vector<16xf32>,
      %swap3A_1497 = arith.index_cast %mul3A_32 : i32 to index
      %swap3A_1498 = arith.constant 96 : index
      %swap3A_1499 = tpu.vector_load %arg7[%swap3A_1497, %swap3A_1498] {strides = array<i32>} : memref<128x128xi32, #tpu.memory_space<vmem>>, vector<16xi32>,
      tpu.vector_store %arg7[%swap3A_1497, %swap3A_1498], %masked_sort3A_1453 {strides = array<i32>} : memref<128x128xi32, #tpu.memory_space<vmem>>, vector<16xi32>,
      %swap3A_1500 = arith.index_cast %mul3A_32 : i32 to index
      %swap3A_1501 = arith.constant 112 : index
      %swap3A_1502 = tpu.vector_load %arg8[%swap3A_1500, %swap3A_1501] {strides = array<i32>} : memref<128x128xf32, #tpu.memory_space<vmem>>, vector<16xf32>,
      tpu.vector_store %arg8[%swap3A_1500, %swap3A_1501], %masked_sort3A_1456 {strides = array<i32>} : memref<128x128xf32, #tpu.memory_space<vmem>>, vector<16xf32>,
      %swap3A_1503 = arith.index_cast %mul3A_32 : i32 to index
      %swap3A_1504 = arith.constant 112 : index
      %swap3A_1505 = tpu.vector_load %arg7[%swap3A_1503, %swap3A_1504] {strides = array<i32>} : memref<128x128xi32, #tpu.memory_space<vmem>>, vector<16xi32>,
      tpu.vector_store %arg7[%swap3A_1503, %swap3A_1504], %masked_sort3A_1457 {strides = array<i32>} : memref<128x128xi32, #tpu.memory_space<vmem>>, vector<16xi32>,
      %dma_wait3A_1506 = arith.constant 0 : i32
      %dma_wait3A_1507 = tpu.memref_slice %arg6[%dma_wait3A_1506] : memref<2064xf32, #tpu.memory_space<vmem>> -> memref<2048xf32, #tpu.memory_space<vmem>>
      %dma_wait3A_1508 = arith.constant 0 : i32
      %dma_wait3A_1509 = tpu.memref_slice %arg2[%mul3A_2, %dma_wait3A_1508] : memref<4096x2048xf32, #tpu.memory_space<hbm>> -> memref<1x2048xf32, #tpu.memory_space<hbm>>
      %dma_wait3A_1510 = tpu.memref_squeeze %dma_wait3A_1509 : memref<1x2048xf32, #tpu.memory_space<hbm>> -> memref<2048xf32, #tpu.memory_space<hbm>>
      %dma_wait3A_1511 = arith.constant 0 : i32
      %dma_wait3A_1512 = tpu.memref_slice %arg6[%dma_wait3A_1511] : memref<2064xf32, #tpu.memory_space<vmem>> -> memref<2048xf32, #tpu.memory_space<vmem>>
      %dma_wait3A_1513 = arith.constant 0 : i32
      %dma_wait3A_1514 = tpu.memref_slice %arg2[%mul3A_2, %dma_wait3A_1513] : memref<4096x2048xf32, #tpu.memory_space<hbm>> -> memref<1x2048xf32, #tpu.memory_space<hbm>>
      %dma_wait3A_1515 = tpu.memref_squeeze %dma_wait3A_1514 : memref<1x2048xf32, #tpu.memory_space<hbm>> -> memref<2048xf32, #tpu.memory_space<hbm>>
      tpu.wait_dma2 semaphore(%arg11 : memref<!tpu.dma_semaphore, #tpu.memory_space<semaphore_mem>>) src(%dma_wait3A_1515 : memref<2048xf32, #tpu.memory_space<hbm>>) dst(%dma_wait3A_1512 : memref<2048xf32, #tpu.memory_space<vmem>>)
      %add3A_1516 = arith.constant 2 : i32
      %add3A_1517 = arith.addi %mul3A_32, %add3A_1516 : i32
      %min3A_1518 = arith.constant 127 : i32
      %min3A_1519 = arith.minsi %add3A_1517, %min3A_1518 : i32
      %add3A_1520 = arith.addi %mul3A_2, %min3A_1519 : i32
      %dma_start3A_1521 = arith.constant 0 : i32
      %dma_start3A_1522 = tpu.memref_slice %arg5[%dma_start3A_1521] : memref<2064xf32, #tpu.memory_space<vmem>> -> memref<2048xf32, #tpu.memory_space<vmem>>
      %dma_start3A_1523 = arith.constant 0 : i32
      %dma_start3A_1524 = tpu.memref_slice %arg2[%add3A_1520, %dma_start3A_1523] : memref<4096x2048xf32, #tpu.memory_space<hbm>> -> memref<1x2048xf32, #tpu.memory_space<hbm>>
      %dma_start3A_1525 = tpu.memref_squeeze %dma_start3A_1524 : memref<1x2048xf32, #tpu.memory_space<hbm>> -> memref<2048xf32, #tpu.memory_space<hbm>>
      %dma_start3A_1526 = arith.constant 0 : i32
      %dma_start3A_1527 = tpu.memref_slice %arg5[%dma_start3A_1526] : memref<2064xf32, #tpu.memory_space<vmem>> -> memref<2048xf32, #tpu.memory_space<vmem>>
      %dma_start3A_1528 = arith.constant 0 : i32
      %dma_start3A_1529 = tpu.memref_slice %arg2[%add3A_1520, %dma_start3A_1528] : memref<4096x2048xf32, #tpu.memory_space<hbm>> -> memref<1x2048xf32, #tpu.memory_space<hbm>>
      %dma_start3A_1530 = tpu.memref_squeeze %dma_start3A_1529 : memref<1x2048xf32, #tpu.memory_space<hbm>> -> memref<2048xf32, #tpu.memory_space<hbm>>
      tpu.enqueue_dma source(%dma_start3A_1530 : memref<2048xf32, #tpu.memory_space<hbm>>) target(%dma_start3A_1527 : memref<2048xf32, #tpu.memory_space<vmem>>) target_semaphore(%arg10 : memref<!tpu.dma_semaphore, #tpu.memory_space<semaphore_mem>>)
      %add3A_1531 = arith.constant 1 : i32
      %add3A_1532 = arith.addi %mul3A_32, %add3A_1531 : i32
      %get3A_1533 = arith.constant 56 : index
      %get3A_1534 = tpu.vector_load %arg6[%get3A_1533] {strides = array<i32>} : memref<2064xf32, #tpu.memory_space<vmem>>, vector<16xf32>,
      %get3A_1535 = arith.constant 184 : index
      %get3A_1536 = tpu.vector_load %arg6[%get3A_1535] {strides = array<i32>} : memref<2064xf32, #tpu.memory_space<vmem>>, vector<16xf32>,
      %get3A_1537 = arith.constant 312 : index
      %get3A_1538 = tpu.vector_load %arg6[%get3A_1537] {strides = array<i32>} : memref<2064xf32, #tpu.memory_space<vmem>>, vector<16xf32>,
      %get3A_1539 = arith.constant 440 : index
      %get3A_1540 = tpu.vector_load %arg6[%get3A_1539] {strides = array<i32>} : memref<2064xf32, #tpu.memory_space<vmem>>, vector<16xf32>,
      %get3A_1541 = arith.constant 568 : index
      %get3A_1542 = tpu.vector_load %arg6[%get3A_1541] {strides = array<i32>} : memref<2064xf32, #tpu.memory_space<vmem>>, vector<16xf32>,
      %get3A_1543 = arith.constant 696 : index
      %get3A_1544 = tpu.vector_load %arg6[%get3A_1543] {strides = array<i32>} : memref<2064xf32, #tpu.memory_space<vmem>>, vector<16xf32>,
      %get3A_1545 = arith.constant 824 : index
      %get3A_1546 = tpu.vector_load %arg6[%get3A_1545] {strides = array<i32>} : memref<2064xf32, #tpu.memory_space<vmem>>, vector<16xf32>,
      %get3A_1547 = arith.constant 952 : index
      %get3A_1548 = tpu.vector_load %arg6[%get3A_1547] {strides = array<i32>} : memref<2064xf32, #tpu.memory_space<vmem>>, vector<16xf32>,
      %get3A_1549 = arith.constant 1080 : index
      %get3A_1550 = tpu.vector_load %arg6[%get3A_1549] {strides = array<i32>} : memref<2064xf32, #tpu.memory_space<vmem>>, vector<16xf32>,
      %get3A_1551 = arith.constant 1208 : index
      %get3A_1552 = tpu.vector_load %arg6[%get3A_1551] {strides = array<i32>} : memref<2064xf32, #tpu.memory_space<vmem>>, vector<16xf32>,
      %get3A_1553 = arith.constant 1336 : index
      %get3A_1554 = tpu.vector_load %arg6[%get3A_1553] {strides = array<i32>} : memref<2064xf32, #tpu.memory_space<vmem>>, vector<16xf32>,
      %get3A_1555 = arith.constant 1464 : index
      %get3A_1556 = tpu.vector_load %arg6[%get3A_1555] {strides = array<i32>} : memref<2064xf32, #tpu.memory_space<vmem>>, vector<16xf32>,
      %get3A_1557 = arith.constant 1592 : index
      %get3A_1558 = tpu.vector_load %arg6[%get3A_1557] {strides = array<i32>} : memref<2064xf32, #tpu.memory_space<vmem>>, vector<16xf32>,
      %get3A_1559 = arith.constant 1720 : index
      %get3A_1560 = tpu.vector_load %arg6[%get3A_1559] {strides = array<i32>} : memref<2064xf32, #tpu.memory_space<vmem>>, vector<16xf32>,
      %get3A_1561 = arith.constant 1848 : index
      %get3A_1562 = tpu.vector_load %arg6[%get3A_1561] {strides = array<i32>} : memref<2064xf32, #tpu.memory_space<vmem>>, vector<16xf32>,
      %get3A_1563 = arith.constant 1976 : index
      %get3A_1564 = tpu.vector_load %arg6[%get3A_1563] {strides = array<i32>} : memref<2064xf32, #tpu.memory_space<vmem>>, vector<16xf32>,
      %sort3A_1565 = arith.constant dense<true> : vector<16xi1>
      %sort3A_1566, %sort3A_1567, %sort3A_1568 = tpu.sort %get3A_1534, %get3A_1534 masked %sort3A_1565 : (vector<16xf32>, vector<16xf32>, vector<16xi1>) -> (vector<16xi1>, vector<16xf32>, vector<16xf32>)
      %sort3A_1569 = arith.constant dense<true> : vector<16xi1>
      %sort3A_1570, %sort3A_1571, %sort3A_1572 = tpu.sort %get3A_1536, %get3A_1536 masked %sort3A_1569 : (vector<16xf32>, vector<16xf32>, vector<16xi1>) -> (vector<16xi1>, vector<16xf32>, vector<16xf32>)
      %sort3A_1573 = arith.constant dense<true> : vector<16xi1>
      %sort3A_1574, %sort3A_1575, %sort3A_1576 = tpu.sort %get3A_1538, %get3A_1538 masked %sort3A_1573 : (vector<16xf32>, vector<16xf32>, vector<16xi1>) -> (vector<16xi1>, vector<16xf32>, vector<16xf32>)
      %sort3A_1577 = arith.constant dense<true> : vector<16xi1>
      %sort3A_1578, %sort3A_1579, %sort3A_1580 = tpu.sort %get3A_1540, %get3A_1540 masked %sort3A_1577 : (vector<16xf32>, vector<16xf32>, vector<16xi1>) -> (vector<16xi1>, vector<16xf32>, vector<16xf32>)
      %sort3A_1581 = arith.constant dense<true> : vector<16xi1>
      %sort3A_1582, %sort3A_1583, %sort3A_1584 = tpu.sort %get3A_1542, %get3A_1542 masked %sort3A_1581 : (vector<16xf32>, vector<16xf32>, vector<16xi1>) -> (vector<16xi1>, vector<16xf32>, vector<16xf32>)
      %sort3A_1585 = arith.constant dense<true> : vector<16xi1>
      %sort3A_1586, %sort3A_1587, %sort3A_1588 = tpu.sort %get3A_1544, %get3A_1544 masked %sort3A_1585 : (vector<16xf32>, vector<16xf32>, vector<16xi1>) -> (vector<16xi1>, vector<16xf32>, vector<16xf32>)
      %sort3A_1589 = arith.constant dense<true> : vector<16xi1>
      %sort3A_1590, %sort3A_1591, %sort3A_1592 = tpu.sort %get3A_1546, %get3A_1546 masked %sort3A_1589 : (vector<16xf32>, vector<16xf32>, vector<16xi1>) -> (vector<16xi1>, vector<16xf32>, vector<16xf32>)
      %sort3A_1593 = arith.constant dense<true> : vector<16xi1>
      %sort3A_1594, %sort3A_1595, %sort3A_1596 = tpu.sort %get3A_1548, %get3A_1548 masked %sort3A_1593 : (vector<16xf32>, vector<16xf32>, vector<16xi1>) -> (vector<16xi1>, vector<16xf32>, vector<16xf32>)
      %sort3A_1597 = arith.constant dense<true> : vector<16xi1>
      %sort3A_1598, %sort3A_1599, %sort3A_1600 = tpu.sort %get3A_1550, %get3A_1550 masked %sort3A_1597 : (vector<16xf32>, vector<16xf32>, vector<16xi1>) -> (vector<16xi1>, vector<16xf32>, vector<16xf32>)
      %sort3A_1601 = arith.constant dense<true> : vector<16xi1>
      %sort3A_1602, %sort3A_1603, %sort3A_1604 = tpu.sort %get3A_1552, %get3A_1552 masked %sort3A_1601 : (vector<16xf32>, vector<16xf32>, vector<16xi1>) -> (vector<16xi1>, vector<16xf32>, vector<16xf32>)
      %sort3A_1605 = arith.constant dense<true> : vector<16xi1>
      %sort3A_1606, %sort3A_1607, %sort3A_1608 = tpu.sort %get3A_1554, %get3A_1554 masked %sort3A_1605 : (vector<16xf32>, vector<16xf32>, vector<16xi1>) -> (vector<16xi1>, vector<16xf32>, vector<16xf32>)
      %sort3A_1609 = arith.constant dense<true> : vector<16xi1>
      %sort3A_1610, %sort3A_1611, %sort3A_1612 = tpu.sort %get3A_1556, %get3A_1556 masked %sort3A_1609 : (vector<16xf32>, vector<16xf32>, vector<16xi1>) -> (vector<16xi1>, vector<16xf32>, vector<16xf32>)
      %sort3A_1613 = arith.constant dense<true> : vector<16xi1>
      %sort3A_1614, %sort3A_1615, %sort3A_1616 = tpu.sort %get3A_1558, %get3A_1558 masked %sort3A_1613 : (vector<16xf32>, vector<16xf32>, vector<16xi1>) -> (vector<16xi1>, vector<16xf32>, vector<16xf32>)
      %sort3A_1617 = arith.constant dense<true> : vector<16xi1>
      %sort3A_1618, %sort3A_1619, %sort3A_1620 = tpu.sort %get3A_1560, %get3A_1560 masked %sort3A_1617 : (vector<16xf32>, vector<16xf32>, vector<16xi1>) -> (vector<16xi1>, vector<16xf32>, vector<16xf32>)
      %sort3A_1621 = arith.constant dense<true> : vector<16xi1>
      %sort3A_1622, %sort3A_1623, %sort3A_1624 = tpu.sort %get3A_1562, %get3A_1562 masked %sort3A_1621 : (vector<16xf32>, vector<16xf32>, vector<16xi1>) -> (vector<16xi1>, vector<16xf32>, vector<16xf32>)
      %sort3A_1625 = arith.constant dense<true> : vector<16xi1>
      %sort3A_1626, %sort3A_1627, %sort3A_1628 = tpu.sort %get3A_1564, %get3A_1564 masked %sort3A_1625 : (vector<16xf32>, vector<16xf32>, vector<16xi1>) -> (vector<16xi1>, vector<16xf32>, vector<16xf32>)
      %rev3A_1629 = arith.constant 15 : i32
      %rev3A_1630 = vector.broadcast %rev3A_1629 : i32 to vector<16xi32>
      %rev3A_1631 = tpu.iota {dimensions = array<i32: 0>} : vector<16xi32>
      %rev3A_1632 = arith.subi %rev3A_1630, %rev3A_1631 : vector<16xi32>
      %rev3A_1633 = tpu.dynamic_gather %sort3A_1571[%rev3A_1632] in [0] : vector<16xf32>, vector<16xi32> -> vector<16xf32>
      %min3A_1634 = arith.minimumf %sort3A_1567, %rev3A_1633 : vector<16xf32>
      %max3A_1635 = arith.maximumf %sort3A_1567, %rev3A_1633 : vector<16xf32>
      %sort3A_1636 = arith.constant dense<true> : vector<16xi1>
      %sort3A_1637, %sort3A_1638, %sort3A_1639 = tpu.sort %min3A_1634, %min3A_1634 masked %sort3A_1636 : (vector<16xf32>, vector<16xf32>, vector<16xi1>) -> (vector<16xi1>, vector<16xf32>, vector<16xf32>)
      %sort3A_1640 = arith.constant dense<true> : vector<16xi1>
      %sort3A_1641, %sort3A_1642, %sort3A_1643 = tpu.sort %max3A_1635, %max3A_1635 masked %sort3A_1640 : (vector<16xf32>, vector<16xf32>, vector<16xi1>) -> (vector<16xi1>, vector<16xf32>, vector<16xf32>)
      %rev3A_1644 = arith.constant 15 : i32
      %rev3A_1645 = vector.broadcast %rev3A_1644 : i32 to vector<16xi32>
      %rev3A_1646 = tpu.iota {dimensions = array<i32: 0>} : vector<16xi32>
      %rev3A_1647 = arith.subi %rev3A_1645, %rev3A_1646 : vector<16xi32>
      %rev3A_1648 = tpu.dynamic_gather %sort3A_1579[%rev3A_1647] in [0] : vector<16xf32>, vector<16xi32> -> vector<16xf32>
      %min3A_1649 = arith.minimumf %sort3A_1575, %rev3A_1648 : vector<16xf32>
      %max3A_1650 = arith.maximumf %sort3A_1575, %rev3A_1648 : vector<16xf32>
      %sort3A_1651 = arith.constant dense<true> : vector<16xi1>
      %sort3A_1652, %sort3A_1653, %sort3A_1654 = tpu.sort %min3A_1649, %min3A_1649 masked %sort3A_1651 : (vector<16xf32>, vector<16xf32>, vector<16xi1>) -> (vector<16xi1>, vector<16xf32>, vector<16xf32>)
      %sort3A_1655 = arith.constant dense<true> : vector<16xi1>
      %sort3A_1656, %sort3A_1657, %sort3A_1658 = tpu.sort %max3A_1650, %max3A_1650 masked %sort3A_1655 : (vector<16xf32>, vector<16xf32>, vector<16xi1>) -> (vector<16xi1>, vector<16xf32>, vector<16xf32>)
      %rev3A_1659 = arith.constant 15 : i32
      %rev3A_1660 = vector.broadcast %rev3A_1659 : i32 to vector<16xi32>
      %rev3A_1661 = tpu.iota {dimensions = array<i32: 0>} : vector<16xi32>
      %rev3A_1662 = arith.subi %rev3A_1660, %rev3A_1661 : vector<16xi32>
      %rev3A_1663 = tpu.dynamic_gather %sort3A_1587[%rev3A_1662] in [0] : vector<16xf32>, vector<16xi32> -> vector<16xf32>
      %min3A_1664 = arith.minimumf %sort3A_1583, %rev3A_1663 : vector<16xf32>
      %max3A_1665 = arith.maximumf %sort3A_1583, %rev3A_1663 : vector<16xf32>
      %sort3A_1666 = arith.constant dense<true> : vector<16xi1>
      %sort3A_1667, %sort3A_1668, %sort3A_1669 = tpu.sort %min3A_1664, %min3A_1664 masked %sort3A_1666 : (vector<16xf32>, vector<16xf32>, vector<16xi1>) -> (vector<16xi1>, vector<16xf32>, vector<16xf32>)
      %sort3A_1670 = arith.constant dense<true> : vector<16xi1>
      %sort3A_1671, %sort3A_1672, %sort3A_1673 = tpu.sort %max3A_1665, %max3A_1665 masked %sort3A_1670 : (vector<16xf32>, vector<16xf32>, vector<16xi1>) -> (vector<16xi1>, vector<16xf32>, vector<16xf32>)
      %rev3A_1674 = arith.constant 15 : i32
      %rev3A_1675 = vector.broadcast %rev3A_1674 : i32 to vector<16xi32>
      %rev3A_1676 = tpu.iota {dimensions = array<i32: 0>} : vector<16xi32>
      %rev3A_1677 = arith.subi %rev3A_1675, %rev3A_1676 : vector<16xi32>
      %rev3A_1678 = tpu.dynamic_gather %sort3A_1595[%rev3A_1677] in [0] : vector<16xf32>, vector<16xi32> -> vector<16xf32>
      %min3A_1679 = arith.minimumf %sort3A_1591, %rev3A_1678 : vector<16xf32>
      %max3A_1680 = arith.maximumf %sort3A_1591, %rev3A_1678 : vector<16xf32>
      %sort3A_1681 = arith.constant dense<true> : vector<16xi1>
      %sort3A_1682, %sort3A_1683, %sort3A_1684 = tpu.sort %min3A_1679, %min3A_1679 masked %sort3A_1681 : (vector<16xf32>, vector<16xf32>, vector<16xi1>) -> (vector<16xi1>, vector<16xf32>, vector<16xf32>)
      %sort3A_1685 = arith.constant dense<true> : vector<16xi1>
      %sort3A_1686, %sort3A_1687, %sort3A_1688 = tpu.sort %max3A_1680, %max3A_1680 masked %sort3A_1685 : (vector<16xf32>, vector<16xf32>, vector<16xi1>) -> (vector<16xi1>, vector<16xf32>, vector<16xf32>)
      %rev3A_1689 = arith.constant 15 : i32
      %rev3A_1690 = vector.broadcast %rev3A_1689 : i32 to vector<16xi32>
      %rev3A_1691 = tpu.iota {dimensions = array<i32: 0>} : vector<16xi32>
      %rev3A_1692 = arith.subi %rev3A_1690, %rev3A_1691 : vector<16xi32>
      %rev3A_1693 = tpu.dynamic_gather %sort3A_1603[%rev3A_1692] in [0] : vector<16xf32>, vector<16xi32> -> vector<16xf32>
      %min3A_1694 = arith.minimumf %sort3A_1599, %rev3A_1693 : vector<16xf32>
      %max3A_1695 = arith.maximumf %sort3A_1599, %rev3A_1693 : vector<16xf32>
      %sort3A_1696 = arith.constant dense<true> : vector<16xi1>
      %sort3A_1697, %sort3A_1698, %sort3A_1699 = tpu.sort %min3A_1694, %min3A_1694 masked %sort3A_1696 : (vector<16xf32>, vector<16xf32>, vector<16xi1>) -> (vector<16xi1>, vector<16xf32>, vector<16xf32>)
      %sort3A_1700 = arith.constant dense<true> : vector<16xi1>
      %sort3A_1701, %sort3A_1702, %sort3A_1703 = tpu.sort %max3A_1695, %max3A_1695 masked %sort3A_1700 : (vector<16xf32>, vector<16xf32>, vector<16xi1>) -> (vector<16xi1>, vector<16xf32>, vector<16xf32>)
      %rev3A_1704 = arith.constant 15 : i32
      %rev3A_1705 = vector.broadcast %rev3A_1704 : i32 to vector<16xi32>
      %rev3A_1706 = tpu.iota {dimensions = array<i32: 0>} : vector<16xi32>
      %rev3A_1707 = arith.subi %rev3A_1705, %rev3A_1706 : vector<16xi32>
      %rev3A_1708 = tpu.dynamic_gather %sort3A_1611[%rev3A_1707] in [0] : vector<16xf32>, vector<16xi32> -> vector<16xf32>
      %min3A_1709 = arith.minimumf %sort3A_1607, %rev3A_1708 : vector<16xf32>
      %max3A_1710 = arith.maximumf %sort3A_1607, %rev3A_1708 : vector<16xf32>
      %sort3A_1711 = arith.constant dense<true> : vector<16xi1>
      %sort3A_1712, %sort3A_1713, %sort3A_1714 = tpu.sort %min3A_1709, %min3A_1709 masked %sort3A_1711 : (vector<16xf32>, vector<16xf32>, vector<16xi1>) -> (vector<16xi1>, vector<16xf32>, vector<16xf32>)
      %sort3A_1715 = arith.constant dense<true> : vector<16xi1>
      %sort3A_1716, %sort3A_1717, %sort3A_1718 = tpu.sort %max3A_1710, %max3A_1710 masked %sort3A_1715 : (vector<16xf32>, vector<16xf32>, vector<16xi1>) -> (vector<16xi1>, vector<16xf32>, vector<16xf32>)
      %rev3A_1719 = arith.constant 15 : i32
      %rev3A_1720 = vector.broadcast %rev3A_1719 : i32 to vector<16xi32>
      %rev3A_1721 = tpu.iota {dimensions = array<i32: 0>} : vector<16xi32>
      %rev3A_1722 = arith.subi %rev3A_1720, %rev3A_1721 : vector<16xi32>
      %rev3A_1723 = tpu.dynamic_gather %sort3A_1619[%rev3A_1722] in [0] : vector<16xf32>, vector<16xi32> -> vector<16xf32>
      %min3A_1724 = arith.minimumf %sort3A_1615, %rev3A_1723 : vector<16xf32>
      %max3A_1725 = arith.maximumf %sort3A_1615, %rev3A_1723 : vector<16xf32>
      %sort3A_1726 = arith.constant dense<true> : vector<16xi1>
      %sort3A_1727, %sort3A_1728, %sort3A_1729 = tpu.sort %min3A_1724, %min3A_1724 masked %sort3A_1726 : (vector<16xf32>, vector<16xf32>, vector<16xi1>) -> (vector<16xi1>, vector<16xf32>, vector<16xf32>)
      %sort3A_1730 = arith.constant dense<true> : vector<16xi1>
      %sort3A_1731, %sort3A_1732, %sort3A_1733 = tpu.sort %max3A_1725, %max3A_1725 masked %sort3A_1730 : (vector<16xf32>, vector<16xf32>, vector<16xi1>) -> (vector<16xi1>, vector<16xf32>, vector<16xf32>)
      %rev3A_1734 = arith.constant 15 : i32
      %rev3A_1735 = vector.broadcast %rev3A_1734 : i32 to vector<16xi32>
      %rev3A_1736 = tpu.iota {dimensions = array<i32: 0>} : vector<16xi32>
      %rev3A_1737 = arith.subi %rev3A_1735, %rev3A_1736 : vector<16xi32>
      %rev3A_1738 = tpu.dynamic_gather %sort3A_1627[%rev3A_1737] in [0] : vector<16xf32>, vector<16xi32> -> vector<16xf32>
      %min3A_1739 = arith.minimumf %sort3A_1623, %rev3A_1738 : vector<16xf32>
      %max3A_1740 = arith.maximumf %sort3A_1623, %rev3A_1738 : vector<16xf32>
      %sort3A_1741 = arith.constant dense<true> : vector<16xi1>
      %sort3A_1742, %sort3A_1743, %sort3A_1744 = tpu.sort %min3A_1739, %min3A_1739 masked %sort3A_1741 : (vector<16xf32>, vector<16xf32>, vector<16xi1>) -> (vector<16xi1>, vector<16xf32>, vector<16xf32>)
      %sort3A_1745 = arith.constant dense<true> : vector<16xi1>
      %sort3A_1746, %sort3A_1747, %sort3A_1748 = tpu.sort %max3A_1740, %max3A_1740 masked %sort3A_1745 : (vector<16xf32>, vector<16xf32>, vector<16xi1>) -> (vector<16xi1>, vector<16xf32>, vector<16xf32>)
      %rev3A_1749 = arith.constant 15 : i32
      %rev3A_1750 = vector.broadcast %rev3A_1749 : i32 to vector<16xi32>
      %rev3A_1751 = tpu.iota {dimensions = array<i32: 0>} : vector<16xi32>
      %rev3A_1752 = arith.subi %rev3A_1750, %rev3A_1751 : vector<16xi32>
      %rev3A_1753 = tpu.dynamic_gather %sort3A_1653[%rev3A_1752] in [0] : vector<16xf32>, vector<16xi32> -> vector<16xf32>
      %rev3A_1754 = arith.constant 15 : i32
      %rev3A_1755 = vector.broadcast %rev3A_1754 : i32 to vector<16xi32>
      %rev3A_1756 = tpu.iota {dimensions = array<i32: 0>} : vector<16xi32>
      %rev3A_1757 = arith.subi %rev3A_1755, %rev3A_1756 : vector<16xi32>
      %rev3A_1758 = tpu.dynamic_gather %sort3A_1657[%rev3A_1757] in [0] : vector<16xf32>, vector<16xi32> -> vector<16xf32>
      %min3A_1759 = arith.minimumf %sort3A_1638, %rev3A_1758 : vector<16xf32>
      %min3A_1760 = arith.minimumf %sort3A_1642, %rev3A_1753 : vector<16xf32>
      %min3A_1761 = arith.minimumf %min3A_1759, %min3A_1760 : vector<16xf32>
      %max3A_1762 = arith.maximumf %min3A_1759, %min3A_1760 : vector<16xf32>
      %sort3A_1763 = arith.constant dense<true> : vector<16xi1>
      %sort3A_1764, %sort3A_1765, %sort3A_1766 = tpu.sort %min3A_1761, %min3A_1761 masked %sort3A_1763 : (vector<16xf32>, vector<16xf32>, vector<16xi1>) -> (vector<16xi1>, vector<16xf32>, vector<16xf32>)
      %sort3A_1767 = arith.constant dense<true> : vector<16xi1>
      %sort3A_1768, %sort3A_1769, %sort3A_1770 = tpu.sort %max3A_1762, %max3A_1762 masked %sort3A_1767 : (vector<16xf32>, vector<16xf32>, vector<16xi1>) -> (vector<16xi1>, vector<16xf32>, vector<16xf32>)
      %rev3A_1771 = arith.constant 15 : i32
      %rev3A_1772 = vector.broadcast %rev3A_1771 : i32 to vector<16xi32>
      %rev3A_1773 = tpu.iota {dimensions = array<i32: 0>} : vector<16xi32>
      %rev3A_1774 = arith.subi %rev3A_1772, %rev3A_1773 : vector<16xi32>
      %rev3A_1775 = tpu.dynamic_gather %sort3A_1683[%rev3A_1774] in [0] : vector<16xf32>, vector<16xi32> -> vector<16xf32>
      %rev3A_1776 = arith.constant 15 : i32
      %rev3A_1777 = vector.broadcast %rev3A_1776 : i32 to vector<16xi32>
      %rev3A_1778 = tpu.iota {dimensions = array<i32: 0>} : vector<16xi32>
      %rev3A_1779 = arith.subi %rev3A_1777, %rev3A_1778 : vector<16xi32>
      %rev3A_1780 = tpu.dynamic_gather %sort3A_1687[%rev3A_1779] in [0] : vector<16xf32>, vector<16xi32> -> vector<16xf32>
      %min3A_1781 = arith.minimumf %sort3A_1668, %rev3A_1780 : vector<16xf32>
      %min3A_1782 = arith.minimumf %sort3A_1672, %rev3A_1775 : vector<16xf32>
      %min3A_1783 = arith.minimumf %min3A_1781, %min3A_1782 : vector<16xf32>
      %max3A_1784 = arith.maximumf %min3A_1781, %min3A_1782 : vector<16xf32>
      %sort3A_1785 = arith.constant dense<true> : vector<16xi1>
      %sort3A_1786, %sort3A_1787, %sort3A_1788 = tpu.sort %min3A_1783, %min3A_1783 masked %sort3A_1785 : (vector<16xf32>, vector<16xf32>, vector<16xi1>) -> (vector<16xi1>, vector<16xf32>, vector<16xf32>)
      %sort3A_1789 = arith.constant dense<true> : vector<16xi1>
      %sort3A_1790, %sort3A_1791, %sort3A_1792 = tpu.sort %max3A_1784, %max3A_1784 masked %sort3A_1789 : (vector<16xf32>, vector<16xf32>, vector<16xi1>) -> (vector<16xi1>, vector<16xf32>, vector<16xf32>)
      %rev3A_1793 = arith.constant 15 : i32
      %rev3A_1794 = vector.broadcast %rev3A_1793 : i32 to vector<16xi32>
      %rev3A_1795 = tpu.iota {dimensions = array<i32: 0>} : vector<16xi32>
      %rev3A_1796 = arith.subi %rev3A_1794, %rev3A_1795 : vector<16xi32>
      %rev3A_1797 = tpu.dynamic_gather %sort3A_1713[%rev3A_1796] in [0] : vector<16xf32>, vector<16xi32> -> vector<16xf32>
      %rev3A_1798 = arith.constant 15 : i32
      %rev3A_1799 = vector.broadcast %rev3A_1798 : i32 to vector<16xi32>
      %rev3A_1800 = tpu.iota {dimensions = array<i32: 0>} : vector<16xi32>
      %rev3A_1801 = arith.subi %rev3A_1799, %rev3A_1800 : vector<16xi32>
      %rev3A_1802 = tpu.dynamic_gather %sort3A_1717[%rev3A_1801] in [0] : vector<16xf32>, vector<16xi32> -> vector<16xf32>
      %min3A_1803 = arith.minimumf %sort3A_1698, %rev3A_1802 : vector<16xf32>
      %min3A_1804 = arith.minimumf %sort3A_1702, %rev3A_1797 : vector<16xf32>
      %min3A_1805 = arith.minimumf %min3A_1803, %min3A_1804 : vector<16xf32>
      %max3A_1806 = arith.maximumf %min3A_1803, %min3A_1804 : vector<16xf32>
      %sort3A_1807 = arith.constant dense<true> : vector<16xi1>
      %sort3A_1808, %sort3A_1809, %sort3A_1810 = tpu.sort %min3A_1805, %min3A_1805 masked %sort3A_1807 : (vector<16xf32>, vector<16xf32>, vector<16xi1>) -> (vector<16xi1>, vector<16xf32>, vector<16xf32>)
      %sort3A_1811 = arith.constant dense<true> : vector<16xi1>
      %sort3A_1812, %sort3A_1813, %sort3A_1814 = tpu.sort %max3A_1806, %max3A_1806 masked %sort3A_1811 : (vector<16xf32>, vector<16xf32>, vector<16xi1>) -> (vector<16xi1>, vector<16xf32>, vector<16xf32>)
      %rev3A_1815 = arith.constant 15 : i32
      %rev3A_1816 = vector.broadcast %rev3A_1815 : i32 to vector<16xi32>
      %rev3A_1817 = tpu.iota {dimensions = array<i32: 0>} : vector<16xi32>
      %rev3A_1818 = arith.subi %rev3A_1816, %rev3A_1817 : vector<16xi32>
      %rev3A_1819 = tpu.dynamic_gather %sort3A_1743[%rev3A_1818] in [0] : vector<16xf32>, vector<16xi32> -> vector<16xf32>
      %rev3A_1820 = arith.constant 15 : i32
      %rev3A_1821 = vector.broadcast %rev3A_1820 : i32 to vector<16xi32>
      %rev3A_1822 = tpu.iota {dimensions = array<i32: 0>} : vector<16xi32>
      %rev3A_1823 = arith.subi %rev3A_1821, %rev3A_1822 : vector<16xi32>
      %rev3A_1824 = tpu.dynamic_gather %sort3A_1747[%rev3A_1823] in [0] : vector<16xf32>, vector<16xi32> -> vector<16xf32>
      %min3A_1825 = arith.minimumf %sort3A_1728, %rev3A_1824 : vector<16xf32>
      %min3A_1826 = arith.minimumf %sort3A_1732, %rev3A_1819 : vector<16xf32>
      %min3A_1827 = arith.minimumf %min3A_1825, %min3A_1826 : vector<16xf32>
      %max3A_1828 = arith.maximumf %min3A_1825, %min3A_1826 : vector<16xf32>
      %sort3A_1829 = arith.constant dense<true> : vector<16xi1>
      %sort3A_1830, %sort3A_1831, %sort3A_1832 = tpu.sort %min3A_1827, %min3A_1827 masked %sort3A_1829 : (vector<16xf32>, vector<16xf32>, vector<16xi1>) -> (vector<16xi1>, vector<16xf32>, vector<16xf32>)
      %sort3A_1833 = arith.constant dense<true> : vector<16xi1>
      %sort3A_1834, %sort3A_1835, %sort3A_1836 = tpu.sort %max3A_1828, %max3A_1828 masked %sort3A_1833 : (vector<16xf32>, vector<16xf32>, vector<16xi1>) -> (vector<16xi1>, vector<16xf32>, vector<16xf32>)
      %rev3A_1837 = arith.constant 15 : i32
      %rev3A_1838 = vector.broadcast %rev3A_1837 : i32 to vector<16xi32>
      %rev3A_1839 = tpu.iota {dimensions = array<i32: 0>} : vector<16xi32>
      %rev3A_1840 = arith.subi %rev3A_1838, %rev3A_1839 : vector<16xi32>
      %rev3A_1841 = tpu.dynamic_gather %sort3A_1787[%rev3A_1840] in [0] : vector<16xf32>, vector<16xi32> -> vector<16xf32>
      %rev3A_1842 = arith.constant 15 : i32
      %rev3A_1843 = vector.broadcast %rev3A_1842 : i32 to vector<16xi32>
      %rev3A_1844 = tpu.iota {dimensions = array<i32: 0>} : vector<16xi32>
      %rev3A_1845 = arith.subi %rev3A_1843, %rev3A_1844 : vector<16xi32>
      %rev3A_1846 = tpu.dynamic_gather %sort3A_1791[%rev3A_1845] in [0] : vector<16xf32>, vector<16xi32> -> vector<16xf32>
      %min3A_1847 = arith.minimumf %sort3A_1765, %rev3A_1846 : vector<16xf32>
      %min3A_1848 = arith.minimumf %sort3A_1769, %rev3A_1841 : vector<16xf32>
      %min3A_1849 = arith.minimumf %min3A_1847, %min3A_1848 : vector<16xf32>
      %max3A_1850 = arith.maximumf %min3A_1847, %min3A_1848 : vector<16xf32>
      %sort3A_1851 = arith.constant dense<true> : vector<16xi1>
      %sort3A_1852, %sort3A_1853, %sort3A_1854 = tpu.sort %min3A_1849, %min3A_1849 masked %sort3A_1851 : (vector<16xf32>, vector<16xf32>, vector<16xi1>) -> (vector<16xi1>, vector<16xf32>, vector<16xf32>)
      %sort3A_1855 = arith.constant dense<true> : vector<16xi1>
      %sort3A_1856, %sort3A_1857, %sort3A_1858 = tpu.sort %max3A_1850, %max3A_1850 masked %sort3A_1855 : (vector<16xf32>, vector<16xf32>, vector<16xi1>) -> (vector<16xi1>, vector<16xf32>, vector<16xf32>)
      %rev3A_1859 = arith.constant 15 : i32
      %rev3A_1860 = vector.broadcast %rev3A_1859 : i32 to vector<16xi32>
      %rev3A_1861 = tpu.iota {dimensions = array<i32: 0>} : vector<16xi32>
      %rev3A_1862 = arith.subi %rev3A_1860, %rev3A_1861 : vector<16xi32>
      %rev3A_1863 = tpu.dynamic_gather %sort3A_1831[%rev3A_1862] in [0] : vector<16xf32>, vector<16xi32> -> vector<16xf32>
      %rev3A_1864 = arith.constant 15 : i32
      %rev3A_1865 = vector.broadcast %rev3A_1864 : i32 to vector<16xi32>
      %rev3A_1866 = tpu.iota {dimensions = array<i32: 0>} : vector<16xi32>
      %rev3A_1867 = arith.subi %rev3A_1865, %rev3A_1866 : vector<16xi32>
      %rev3A_1868 = tpu.dynamic_gather %sort3A_1835[%rev3A_1867] in [0] : vector<16xf32>, vector<16xi32> -> vector<16xf32>
      %min3A_1869 = arith.minimumf %sort3A_1809, %rev3A_1868 : vector<16xf32>
      %min3A_1870 = arith.minimumf %sort3A_1813, %rev3A_1863 : vector<16xf32>
      %min3A_1871 = arith.minimumf %min3A_1869, %min3A_1870 : vector<16xf32>
      %max3A_1872 = arith.maximumf %min3A_1869, %min3A_1870 : vector<16xf32>
      %sort3A_1873 = arith.constant dense<true> : vector<16xi1>
      %sort3A_1874, %sort3A_1875, %sort3A_1876 = tpu.sort %min3A_1871, %min3A_1871 masked %sort3A_1873 : (vector<16xf32>, vector<16xf32>, vector<16xi1>) -> (vector<16xi1>, vector<16xf32>, vector<16xf32>)
      %sort3A_1877 = arith.constant dense<true> : vector<16xi1>
      %sort3A_1878, %sort3A_1879, %sort3A_1880 = tpu.sort %max3A_1872, %max3A_1872 masked %sort3A_1877 : (vector<16xf32>, vector<16xf32>, vector<16xi1>) -> (vector<16xi1>, vector<16xf32>, vector<16xf32>)
      %rev3A_1881 = arith.constant 15 : i32
      %rev3A_1882 = vector.broadcast %rev3A_1881 : i32 to vector<16xi32>
      %rev3A_1883 = tpu.iota {dimensions = array<i32: 0>} : vector<16xi32>
      %rev3A_1884 = arith.subi %rev3A_1882, %rev3A_1883 : vector<16xi32>
      %rev3A_1885 = tpu.dynamic_gather %sort3A_1875[%rev3A_1884] in [0] : vector<16xf32>, vector<16xi32> -> vector<16xf32>
      %rev3A_1886 = arith.constant 15 : i32
      %rev3A_1887 = vector.broadcast %rev3A_1886 : i32 to vector<16xi32>
      %rev3A_1888 = tpu.iota {dimensions = array<i32: 0>} : vector<16xi32>
      %rev3A_1889 = arith.subi %rev3A_1887, %rev3A_1888 : vector<16xi32>
      %rev3A_1890 = tpu.dynamic_gather %sort3A_1879[%rev3A_1889] in [0] : vector<16xf32>, vector<16xi32> -> vector<16xf32>
      %min3A_1891 = arith.minimumf %sort3A_1853, %rev3A_1890 : vector<16xf32>
      %min3A_1892 = arith.minimumf %sort3A_1857, %rev3A_1885 : vector<16xf32>
      %min3A_1893 = arith.minimumf %min3A_1891, %min3A_1892 : vector<16xf32>
      %max3A_1894 = arith.maximumf %min3A_1891, %min3A_1892 : vector<16xf32>
      %sort3A_1895 = arith.constant dense<true> : vector<16xi1>
      %sort3A_1896, %sort3A_1897, %sort3A_1898 = tpu.sort %min3A_1893, %min3A_1893 masked %sort3A_1895 : (vector<16xf32>, vector<16xf32>, vector<16xi1>) -> (vector<16xi1>, vector<16xf32>, vector<16xf32>)
      %sort3A_1899 = arith.constant dense<true> : vector<16xi1>
      %sort3A_1900, %sort3A_1901, %sort3A_1902 = tpu.sort %max3A_1894, %max3A_1894 masked %sort3A_1899 : (vector<16xf32>, vector<16xf32>, vector<16xi1>) -> (vector<16xi1>, vector<16xf32>, vector<16xf32>)
      %eq3A_1903 = arith.constant 7 : i32
      %eq3A_1904 = vector.broadcast %eq3A_1903 : i32 to vector<16xi32>
      %eq3A_1905 = arith.cmpi eq, %iota3A, %eq3A_1904 : vector<16xi32>
      %jit3A_1906 = arith.constant 0xFF800000 : f32
      %broadcast_in_dim3A_1907 = vector.broadcast %jit3A_1906 : f32 to vector<16xf32>
      %select_n3A_1908 = arith.select %eq3A_1905, %sort3A_1901, %broadcast_in_dim3A_1907 : vector<16xi1>, vector<16xf32>
      %reduce_max3A_1909 = arith.constant true
      %reduce_max3A_1910 = vector.broadcast %reduce_max3A_1909 : i1 to vector<16xi1>
      %reduce_max3A_1911 = tpu.scan <max>, %select_n3A_1908 masked %reduce_max3A_1910 : vector<16xf32>, vector<16xi1> -> vector<16xf32>
      %reduce_max3A_1912 = vector.extract %reduce_max3A_1911[15] : f32 from vector<16xf32>
      %broadcast_in_dim3A_1913 = arith.constant 2048 : i32
      %broadcast_in_dim3A_1914 = vector.broadcast %broadcast_in_dim3A_1913 : i32 to vector<16xi32>
      %swap3A_1915 = arith.constant 0 : index
      %swap3A_1916 = tpu.vector_load %arg9[%swap3A_1915] {strides = array<i32>} : memref<2064xi32, #tpu.memory_space<vmem>>, vector<16xi32>,
      tpu.vector_store %arg9[%swap3A_1915], %broadcast_in_dim3A_1914 {strides = array<i32>} : memref<2064xi32, #tpu.memory_space<vmem>>, vector<16xi32>,
      %swap3A_1917 = arith.constant 16 : index
      %swap3A_1918 = tpu.vector_load %arg9[%swap3A_1917] {strides = array<i32>} : memref<2064xi32, #tpu.memory_space<vmem>>, vector<16xi32>,
      tpu.vector_store %arg9[%swap3A_1917], %broadcast_in_dim3A_1914 {strides = array<i32>} : memref<2064xi32, #tpu.memory_space<vmem>>, vector<16xi32>,
      %swap3A_1919 = arith.constant 32 : index
      %swap3A_1920 = tpu.vector_load %arg9[%swap3A_1919] {strides = array<i32>} : memref<2064xi32, #tpu.memory_space<vmem>>, vector<16xi32>,
      tpu.vector_store %arg9[%swap3A_1919], %broadcast_in_dim3A_1914 {strides = array<i32>} : memref<2064xi32, #tpu.memory_space<vmem>>, vector<16xi32>,
      %swap3A_1921 = arith.constant 48 : index
      %swap3A_1922 = tpu.vector_load %arg9[%swap3A_1921] {strides = array<i32>} : memref<2064xi32, #tpu.memory_space<vmem>>, vector<16xi32>,
      tpu.vector_store %arg9[%swap3A_1921], %broadcast_in_dim3A_1914 {strides = array<i32>} : memref<2064xi32, #tpu.memory_space<vmem>>, vector<16xi32>,
      %swap3A_1923 = arith.constant 64 : index
      %swap3A_1924 = tpu.vector_load %arg9[%swap3A_1923] {strides = array<i32>} : memref<2064xi32, #tpu.memory_space<vmem>>, vector<16xi32>,
      tpu.vector_store %arg9[%swap3A_1923], %broadcast_in_dim3A_1914 {strides = array<i32>} : memref<2064xi32, #tpu.memory_space<vmem>>, vector<16xi32>,
      %swap3A_1925 = arith.constant 80 : index
      %swap3A_1926 = tpu.vector_load %arg9[%swap3A_1925] {strides = array<i32>} : memref<2064xi32, #tpu.memory_space<vmem>>, vector<16xi32>,
      tpu.vector_store %arg9[%swap3A_1925], %broadcast_in_dim3A_1914 {strides = array<i32>} : memref<2064xi32, #tpu.memory_space<vmem>>, vector<16xi32>,
      %swap3A_1927 = arith.constant 96 : index
      %swap3A_1928 = tpu.vector_load %arg9[%swap3A_1927] {strides = array<i32>} : memref<2064xi32, #tpu.memory_space<vmem>>, vector<16xi32>,
      tpu.vector_store %arg9[%swap3A_1927], %broadcast_in_dim3A_1914 {strides = array<i32>} : memref<2064xi32, #tpu.memory_space<vmem>>, vector<16xi32>,
      %swap3A_1929 = arith.constant 112 : index
      %swap3A_1930 = tpu.vector_load %arg9[%swap3A_1929] {strides = array<i32>} : memref<2064xi32, #tpu.memory_space<vmem>>, vector<16xi32>,
      tpu.vector_store %arg9[%swap3A_1929], %broadcast_in_dim3A_1914 {strides = array<i32>} : memref<2064xi32, #tpu.memory_space<vmem>>, vector<16xi32>,
      %swap3A_1931 = arith.constant 128 : index
      %swap3A_1932 = tpu.vector_load %arg9[%swap3A_1931] {strides = array<i32>} : memref<2064xi32, #tpu.memory_space<vmem>>, vector<16xi32>,
      tpu.vector_store %arg9[%swap3A_1931], %broadcast_in_dim3A_1914 {strides = array<i32>} : memref<2064xi32, #tpu.memory_space<vmem>>, vector<16xi32>,
      %swap3A_1933 = arith.constant 144 : index
      %swap3A_1934 = tpu.vector_load %arg9[%swap3A_1933] {strides = array<i32>} : memref<2064xi32, #tpu.memory_space<vmem>>, vector<16xi32>,
      tpu.vector_store %arg9[%swap3A_1933], %broadcast_in_dim3A_1914 {strides = array<i32>} : memref<2064xi32, #tpu.memory_space<vmem>>, vector<16xi32>,
      %swap3A_1935 = arith.constant 160 : index
      %swap3A_1936 = tpu.vector_load %arg9[%swap3A_1935] {strides = array<i32>} : memref<2064xi32, #tpu.memory_space<vmem>>, vector<16xi32>,
      tpu.vector_store %arg9[%swap3A_1935], %broadcast_in_dim3A_1914 {strides = array<i32>} : memref<2064xi32, #tpu.memory_space<vmem>>, vector<16xi32>,
      %swap3A_1937 = arith.constant 176 : index
      %swap3A_1938 = tpu.vector_load %arg9[%swap3A_1937] {strides = array<i32>} : memref<2064xi32, #tpu.memory_space<vmem>>, vector<16xi32>,
      tpu.vector_store %arg9[%swap3A_1937], %broadcast_in_dim3A_1914 {strides = array<i32>} : memref<2064xi32, #tpu.memory_space<vmem>>, vector<16xi32>,
      %swap3A_1939 = arith.constant 192 : index
      %swap3A_1940 = tpu.vector_load %arg9[%swap3A_1939] {strides = array<i32>} : memref<2064xi32, #tpu.memory_space<vmem>>, vector<16xi32>,
      tpu.vector_store %arg9[%swap3A_1939], %broadcast_in_dim3A_1914 {strides = array<i32>} : memref<2064xi32, #tpu.memory_space<vmem>>, vector<16xi32>,
      %swap3A_1941 = arith.constant 208 : index
      %swap3A_1942 = tpu.vector_load %arg9[%swap3A_1941] {strides = array<i32>} : memref<2064xi32, #tpu.memory_space<vmem>>, vector<16xi32>,
      tpu.vector_store %arg9[%swap3A_1941], %broadcast_in_dim3A_1914 {strides = array<i32>} : memref<2064xi32, #tpu.memory_space<vmem>>, vector<16xi32>,
      %swap3A_1943 = arith.constant 224 : index
      %swap3A_1944 = tpu.vector_load %arg9[%swap3A_1943] {strides = array<i32>} : memref<2064xi32, #tpu.memory_space<vmem>>, vector<16xi32>,
      tpu.vector_store %arg9[%swap3A_1943], %broadcast_in_dim3A_1914 {strides = array<i32>} : memref<2064xi32, #tpu.memory_space<vmem>>, vector<16xi32>,
      %swap3A_1945 = arith.constant 240 : index
      %swap3A_1946 = tpu.vector_load %arg9[%swap3A_1945] {strides = array<i32>} : memref<2064xi32, #tpu.memory_space<vmem>>, vector<16xi32>,
      tpu.vector_store %arg9[%swap3A_1945], %broadcast_in_dim3A_1914 {strides = array<i32>} : memref<2064xi32, #tpu.memory_space<vmem>>, vector<16xi32>,
      %swap3A_1947 = arith.constant 256 : index
      %swap3A_1948 = tpu.vector_load %arg9[%swap3A_1947] {strides = array<i32>} : memref<2064xi32, #tpu.memory_space<vmem>>, vector<16xi32>,
      tpu.vector_store %arg9[%swap3A_1947], %broadcast_in_dim3A_1914 {strides = array<i32>} : memref<2064xi32, #tpu.memory_space<vmem>>, vector<16xi32>,
      %broadcast_in_dim3A_1949 = arith.constant -1 : i32
      %broadcast_in_dim3A_1950 = vector.broadcast %broadcast_in_dim3A_1949 : i32 to vector<16xi32>
      %parallel_loop3A_1951 = arith.constant 0 : i32
      %parallel_loop3A_1952 = arith.constant 128 : i32
      %parallel_loop3A_1953 = arith.constant 1 : i32
      %parallel_loop3A_1954 = scf.for %parallel_loop3A_2997 = %parallel_loop3A_1951 to %parallel_loop3A_1952 step %parallel_loop3A_1953 iter_args(%parallel_loop3A_2998 = %broadcast_in_dim3A_1950) -> (vector<16xi32>)  : i32 {
        %parallel_loop3A_2999 = arith.constant 16 : i32
        %parallel_loop3A_3000 = arith.muli %parallel_loop3A_2997, %parallel_loop3A_2999 : i32
        %parallel_loop3A_3001 = arith.index_cast %parallel_loop3A_3000 : i32 to index
        %parallel_loop3A_3002 = tpu.vector_load %arg6[%parallel_loop3A_3001] {strides = array<i32>} : memref<2064xf32, #tpu.memory_space<vmem>>, vector<16xf32>,
        %parallel_loop3A_3003 = vector.broadcast %reduce_max3A_1912 : f32 to vector<16xf32>
        %parallel_loop3A_3004 = arith.cmpf olt, %parallel_loop3A_3002, %parallel_loop3A_3003 : vector<16xf32>
        %parallel_loop3A_3005 = arith.extui %parallel_loop3A_3004 : vector<16xi1> to vector<16xi32>
        %parallel_loop3A_3006 = arith.constant true
        %parallel_loop3A_3007 = vector.broadcast %parallel_loop3A_3006 : i1 to vector<16xi1>
        %parallel_loop3A_3008 = tpu.scan <sum>, %parallel_loop3A_3005 masked %parallel_loop3A_3007 : vector<16xi32>, vector<16xi1> -> vector<16xi32>
        %parallel_loop3A_3009 = arith.addi %parallel_loop3A_3008, %parallel_loop3A_2998 : vector<16xi32>
        %parallel_loop3A_3010 = arith.constant 16 : i32
        %parallel_loop3A_3011 = arith.muli %parallel_loop3A_2997, %parallel_loop3A_3010 : i32
        %parallel_loop3A_3012 = vector.broadcast %parallel_loop3A_3011 : i32 to vector<16xi32>
        %parallel_loop3A_3013 = arith.addi %iota3A, %parallel_loop3A_3012 : vector<16xi32>
        tpu.vector_store_idx %arg9[%parallel_loop3A_3009], %parallel_loop3A_3013 masked %parallel_loop3A_3004 : memref<2064xi32, #tpu.memory_space<vmem>>[vector<16xi32>], vector<16xi32>, vector<16xi1>
        %parallel_loop3A_3014 = tpu.all_reduce %parallel_loop3A_3004 {dim = 0 : i64, kind = #tpu.reduction_kind<sum>} : vector<16xi1> -> vector<16xi32>
        %parallel_loop3A_3015 = arith.addi %parallel_loop3A_2998, %parallel_loop3A_3014 : vector<16xi32>
        scf.yield %parallel_loop3A_3015 : vector<16xi32>
      } {sc.loop_unroll_factor = 8 : i64, sc.parallel_access}
      %reduce_max3A_1955 = arith.constant true
      %reduce_max3A_1956 = vector.broadcast %reduce_max3A_1955 : i1 to vector<16xi1>
      %reduce_max3A_1957 = arith.constant -2147483648 : i32
      %reduce_max3A_1958 = vector.broadcast %reduce_max3A_1957 : i32 to vector<16xi32>
      %reduce_max3A_1959 = arith.xori %parallel_loop3A_1954, %reduce_max3A_1958 : vector<16xi32>
      %reduce_max3A_1960 = tpu.scan <max>, %reduce_max3A_1959 masked %reduce_max3A_1956 : vector<16xi32>, vector<16xi1> -> vector<16xi32>
      %reduce_max3A_1961 = arith.xori %reduce_max3A_1960, %reduce_max3A_1958 : vector<16xi32>
      %reduce_max3A_1962 = vector.extract %reduce_max3A_1961[15] : i32 from vector<16xi32>
      %add3A_1963 = arith.constant 1 : i32
      %add3A_1964 = arith.addi %reduce_max3A_1962, %add3A_1963 : i32
      %while3A_1965 = arith.constant 0.000000e+00 : f32
      %while3A_1966 = arith.constant 0x7F800000 : f32
      %while3A_1967 = arith.constant 0 : i32
      %while3A_1968:5 = scf.while (%while3A_2997 = %reduce_max3A_1912, %while3A_2998 = %while3A_1965, %while3A_2999 = %while3A_1966, %while3A_3000 = %add3A_1964, %while3A_3001 = %while3A_1967) : (f32, f32, f32, i32, i32) -> (f32, f32, f32, i32, i32) {
        %lt3A = arith.constant 128 : i32
        %lt3A_3002 = arith.cmpi slt, %while3A_3000, %lt3A : i32
        %gt3A = arith.constant 256 : i32
        %gt3A_3003 = arith.cmpi sgt, %while3A_3000, %gt3A : i32
        %or3A = arith.ori %lt3A_3002, %gt3A_3003 : i1
        %lt3A_3004 = arith.constant 24 : i32
        %lt3A_3005 = arith.cmpi slt, %while3A_3001, %lt3A_3004 : i32
        %and3A = arith.andi %or3A, %lt3A_3005 : i1
        scf.condition(%and3A) %while3A_2997, %while3A_2998, %while3A_2999, %while3A_3000, %while3A_3001 : f32, f32, f32, i32, i32
      } do {
      ^bb0(%while3A_2997: f32, %while3A_2998: f32, %while3A_2999: f32, %while3A_3000: i32, %while3A_3001: i32):
        %lt3A = arith.constant 128 : i32
        %lt3A_3002 = arith.cmpi slt, %while3A_3000, %lt3A : i32
        %select_n3A_3003 = arith.select %lt3A_3002, %while3A_2997, %while3A_2998 : f32
        %gt3A = arith.constant 256 : i32
        %gt3A_3004 = arith.cmpi sgt, %while3A_3000, %gt3A : i32
        %select_n3A_3005 = arith.select %gt3A_3004, %while3A_2997, %while3A_2999 : f32
        %eq3A_3006 = arith.constant 0x7F800000 : f32
        %eq3A_3007 = arith.cmpf oeq, %select_n3A_3005, %eq3A_3006 : f32
        %mul3A_3008 = arith.constant 4.000000e+00 : f32
        %mul3A_3009 = arith.mulf %while3A_2997, %mul3A_3008 : f32
        %eq3A_3010 = arith.constant 0.000000e+00 : f32
        %eq3A_3011 = arith.cmpf oeq, %select_n3A_3003, %eq3A_3010 : f32
        %mul3A_3012 = arith.constant 2.500000e-01 : f32
        %mul3A_3013 = arith.mulf %while3A_2997, %mul3A_3012 : f32
        %add3A_3014 = arith.addf %select_n3A_3003, %select_n3A_3005 : f32
        %mul3A_3015 = arith.constant 5.000000e-01 : f32
        %mul3A_3016 = arith.mulf %mul3A_3015, %add3A_3014 : f32
        %select_n3A_3017 = arith.select %eq3A_3011, %mul3A_3013, %mul3A_3016 : f32
        %select_n3A_3018 = arith.select %eq3A_3007, %mul3A_3009, %select_n3A_3017 : f32
        %broadcast_in_dim3A_3019 = arith.constant 2048 : i32
        %broadcast_in_dim3A_3020 = vector.broadcast %broadcast_in_dim3A_3019 : i32 to vector<16xi32>
        %swap3A_3021 = arith.constant 0 : index
        %swap3A_3022 = tpu.vector_load %arg9[%swap3A_3021] {strides = array<i32>} : memref<2064xi32, #tpu.memory_space<vmem>>, vector<16xi32>,
        tpu.vector_store %arg9[%swap3A_3021], %broadcast_in_dim3A_3020 {strides = array<i32>} : memref<2064xi32, #tpu.memory_space<vmem>>, vector<16xi32>,
        %swap3A_3023 = arith.constant 16 : index
        %swap3A_3024 = tpu.vector_load %arg9[%swap3A_3023] {strides = array<i32>} : memref<2064xi32, #tpu.memory_space<vmem>>, vector<16xi32>,
        tpu.vector_store %arg9[%swap3A_3023], %broadcast_in_dim3A_3020 {strides = array<i32>} : memref<2064xi32, #tpu.memory_space<vmem>>, vector<16xi32>,
        %swap3A_3025 = arith.constant 32 : index
        %swap3A_3026 = tpu.vector_load %arg9[%swap3A_3025] {strides = array<i32>} : memref<2064xi32, #tpu.memory_space<vmem>>, vector<16xi32>,
        tpu.vector_store %arg9[%swap3A_3025], %broadcast_in_dim3A_3020 {strides = array<i32>} : memref<2064xi32, #tpu.memory_space<vmem>>, vector<16xi32>,
        %swap3A_3027 = arith.constant 48 : index
        %swap3A_3028 = tpu.vector_load %arg9[%swap3A_3027] {strides = array<i32>} : memref<2064xi32, #tpu.memory_space<vmem>>, vector<16xi32>,
        tpu.vector_store %arg9[%swap3A_3027], %broadcast_in_dim3A_3020 {strides = array<i32>} : memref<2064xi32, #tpu.memory_space<vmem>>, vector<16xi32>,
        %swap3A_3029 = arith.constant 64 : index
        %swap3A_3030 = tpu.vector_load %arg9[%swap3A_3029] {strides = array<i32>} : memref<2064xi32, #tpu.memory_space<vmem>>, vector<16xi32>,
        tpu.vector_store %arg9[%swap3A_3029], %broadcast_in_dim3A_3020 {strides = array<i32>} : memref<2064xi32, #tpu.memory_space<vmem>>, vector<16xi32>,
        %swap3A_3031 = arith.constant 80 : index
        %swap3A_3032 = tpu.vector_load %arg9[%swap3A_3031] {strides = array<i32>} : memref<2064xi32, #tpu.memory_space<vmem>>, vector<16xi32>,
        tpu.vector_store %arg9[%swap3A_3031], %broadcast_in_dim3A_3020 {strides = array<i32>} : memref<2064xi32, #tpu.memory_space<vmem>>, vector<16xi32>,
        %swap3A_3033 = arith.constant 96 : index
        %swap3A_3034 = tpu.vector_load %arg9[%swap3A_3033] {strides = array<i32>} : memref<2064xi32, #tpu.memory_space<vmem>>, vector<16xi32>,
        tpu.vector_store %arg9[%swap3A_3033], %broadcast_in_dim3A_3020 {strides = array<i32>} : memref<2064xi32, #tpu.memory_space<vmem>>, vector<16xi32>,
        %swap3A_3035 = arith.constant 112 : index
        %swap3A_3036 = tpu.vector_load %arg9[%swap3A_3035] {strides = array<i32>} : memref<2064xi32, #tpu.memory_space<vmem>>, vector<16xi32>,
        tpu.vector_store %arg9[%swap3A_3035], %broadcast_in_dim3A_3020 {strides = array<i32>} : memref<2064xi32, #tpu.memory_space<vmem>>, vector<16xi32>,
        %swap3A_3037 = arith.constant 128 : index
        %swap3A_3038 = tpu.vector_load %arg9[%swap3A_3037] {strides = array<i32>} : memref<2064xi32, #tpu.memory_space<vmem>>, vector<16xi32>,
        tpu.vector_store %arg9[%swap3A_3037], %broadcast_in_dim3A_3020 {strides = array<i32>} : memref<2064xi32, #tpu.memory_space<vmem>>, vector<16xi32>,
        %swap3A_3039 = arith.constant 144 : index
        %swap3A_3040 = tpu.vector_load %arg9[%swap3A_3039] {strides = array<i32>} : memref<2064xi32, #tpu.memory_space<vmem>>, vector<16xi32>,
        tpu.vector_store %arg9[%swap3A_3039], %broadcast_in_dim3A_3020 {strides = array<i32>} : memref<2064xi32, #tpu.memory_space<vmem>>, vector<16xi32>,
        %swap3A_3041 = arith.constant 160 : index
        %swap3A_3042 = tpu.vector_load %arg9[%swap3A_3041] {strides = array<i32>} : memref<2064xi32, #tpu.memory_space<vmem>>, vector<16xi32>,
        tpu.vector_store %arg9[%swap3A_3041], %broadcast_in_dim3A_3020 {strides = array<i32>} : memref<2064xi32, #tpu.memory_space<vmem>>, vector<16xi32>,
        %swap3A_3043 = arith.constant 176 : index
        %swap3A_3044 = tpu.vector_load %arg9[%swap3A_3043] {strides = array<i32>} : memref<2064xi32, #tpu.memory_space<vmem>>, vector<16xi32>,
        tpu.vector_store %arg9[%swap3A_3043], %broadcast_in_dim3A_3020 {strides = array<i32>} : memref<2064xi32, #tpu.memory_space<vmem>>, vector<16xi32>,
        %swap3A_3045 = arith.constant 192 : index
        %swap3A_3046 = tpu.vector_load %arg9[%swap3A_3045] {strides = array<i32>} : memref<2064xi32, #tpu.memory_space<vmem>>, vector<16xi32>,
        tpu.vector_store %arg9[%swap3A_3045], %broadcast_in_dim3A_3020 {strides = array<i32>} : memref<2064xi32, #tpu.memory_space<vmem>>, vector<16xi32>,
        %swap3A_3047 = arith.constant 208 : index
        %swap3A_3048 = tpu.vector_load %arg9[%swap3A_3047] {strides = array<i32>} : memref<2064xi32, #tpu.memory_space<vmem>>, vector<16xi32>,
        tpu.vector_store %arg9[%swap3A_3047], %broadcast_in_dim3A_3020 {strides = array<i32>} : memref<2064xi32, #tpu.memory_space<vmem>>, vector<16xi32>,
        %swap3A_3049 = arith.constant 224 : index
        %swap3A_3050 = tpu.vector_load %arg9[%swap3A_3049] {strides = array<i32>} : memref<2064xi32, #tpu.memory_space<vmem>>, vector<16xi32>,
        tpu.vector_store %arg9[%swap3A_3049], %broadcast_in_dim3A_3020 {strides = array<i32>} : memref<2064xi32, #tpu.memory_space<vmem>>, vector<16xi32>,
        %swap3A_3051 = arith.constant 240 : index
        %swap3A_3052 = tpu.vector_load %arg9[%swap3A_3051] {strides = array<i32>} : memref<2064xi32, #tpu.memory_space<vmem>>, vector<16xi32>,
        tpu.vector_store %arg9[%swap3A_3051], %broadcast_in_dim3A_3020 {strides = array<i32>} : memref<2064xi32, #tpu.memory_space<vmem>>, vector<16xi32>,
        %swap3A_3053 = arith.constant 256 : index
        %swap3A_3054 = tpu.vector_load %arg9[%swap3A_3053] {strides = array<i32>} : memref<2064xi32, #tpu.memory_space<vmem>>, vector<16xi32>,
        tpu.vector_store %arg9[%swap3A_3053], %broadcast_in_dim3A_3020 {strides = array<i32>} : memref<2064xi32, #tpu.memory_space<vmem>>, vector<16xi32>,
        %broadcast_in_dim3A_3055 = arith.constant -1 : i32
        %broadcast_in_dim3A_3056 = vector.broadcast %broadcast_in_dim3A_3055 : i32 to vector<16xi32>
        %parallel_loop3A_3057 = arith.constant 0 : i32
        %parallel_loop3A_3058 = arith.constant 128 : i32
        %parallel_loop3A_3059 = arith.constant 1 : i32
        %parallel_loop3A_3060 = scf.for %parallel_loop3A_3073 = %parallel_loop3A_3057 to %parallel_loop3A_3058 step %parallel_loop3A_3059 iter_args(%parallel_loop3A_3074 = %broadcast_in_dim3A_3056) -> (vector<16xi32>)  : i32 {
          %parallel_loop3A_3075 = arith.constant 16 : i32
          %parallel_loop3A_3076 = arith.muli %parallel_loop3A_3073, %parallel_loop3A_3075 : i32
          %parallel_loop3A_3077 = arith.index_cast %parallel_loop3A_3076 : i32 to index
          %parallel_loop3A_3078 = tpu.vector_load %arg6[%parallel_loop3A_3077] {strides = array<i32>} : memref<2064xf32, #tpu.memory_space<vmem>>, vector<16xf32>,
          %parallel_loop3A_3079 = vector.broadcast %select_n3A_3018 : f32 to vector<16xf32>
          %parallel_loop3A_3080 = arith.cmpf olt, %parallel_loop3A_3078, %parallel_loop3A_3079 : vector<16xf32>
          %parallel_loop3A_3081 = arith.extui %parallel_loop3A_3080 : vector<16xi1> to vector<16xi32>
          %parallel_loop3A_3082 = arith.constant true
          %parallel_loop3A_3083 = vector.broadcast %parallel_loop3A_3082 : i1 to vector<16xi1>
          %parallel_loop3A_3084 = tpu.scan <sum>, %parallel_loop3A_3081 masked %parallel_loop3A_3083 : vector<16xi32>, vector<16xi1> -> vector<16xi32>
          %parallel_loop3A_3085 = arith.addi %parallel_loop3A_3084, %parallel_loop3A_3074 : vector<16xi32>
          %parallel_loop3A_3086 = arith.constant 16 : i32
          %parallel_loop3A_3087 = arith.muli %parallel_loop3A_3073, %parallel_loop3A_3086 : i32
          %parallel_loop3A_3088 = vector.broadcast %parallel_loop3A_3087 : i32 to vector<16xi32>
          %parallel_loop3A_3089 = arith.addi %iota3A, %parallel_loop3A_3088 : vector<16xi32>
          tpu.vector_store_idx %arg9[%parallel_loop3A_3085], %parallel_loop3A_3089 masked %parallel_loop3A_3080 : memref<2064xi32, #tpu.memory_space<vmem>>[vector<16xi32>], vector<16xi32>, vector<16xi1>
          %parallel_loop3A_3090 = tpu.all_reduce %parallel_loop3A_3080 {dim = 0 : i64, kind = #tpu.reduction_kind<sum>} : vector<16xi1> -> vector<16xi32>
          %parallel_loop3A_3091 = arith.addi %parallel_loop3A_3074, %parallel_loop3A_3090 : vector<16xi32>
          scf.yield %parallel_loop3A_3091 : vector<16xi32>
        } {sc.loop_unroll_factor = 8 : i64, sc.parallel_access}
        %reduce_max3A_3061 = arith.constant true
        %reduce_max3A_3062 = vector.broadcast %reduce_max3A_3061 : i1 to vector<16xi1>
        %reduce_max3A_3063 = arith.constant -2147483648 : i32
        %reduce_max3A_3064 = vector.broadcast %reduce_max3A_3063 : i32 to vector<16xi32>
        %reduce_max3A_3065 = arith.xori %parallel_loop3A_3060, %reduce_max3A_3064 : vector<16xi32>
        %reduce_max3A_3066 = tpu.scan <max>, %reduce_max3A_3065 masked %reduce_max3A_3062 : vector<16xi32>, vector<16xi1> -> vector<16xi32>
        %reduce_max3A_3067 = arith.xori %reduce_max3A_3066, %reduce_max3A_3064 : vector<16xi32>
        %reduce_max3A_3068 = vector.extract %reduce_max3A_3067[15] : i32 from vector<16xi32>
        %add3A_3069 = arith.constant 1 : i32
        %add3A_3070 = arith.addi %reduce_max3A_3068, %add3A_3069 : i32
        %add3A_3071 = arith.constant 1 : i32
        %add3A_3072 = arith.addi %while3A_3001, %add3A_3071 : i32
        scf.yield %select_n3A_3018, %select_n3A_3003, %select_n3A_3005, %add3A_3070, %add3A_3072 : f32, f32, f32, i32, i32
      }
      %get3A_1969 = arith.constant 0 : index
      %get3A_1970 = tpu.vector_load %arg9[%get3A_1969] {strides = array<i32>} : memref<2064xi32, #tpu.memory_space<vmem>>, vector<16xi32>,
      %get3A_1971 = arith.constant 16 : index
      %get3A_1972 = tpu.vector_load %arg9[%get3A_1971] {strides = array<i32>} : memref<2064xi32, #tpu.memory_space<vmem>>, vector<16xi32>,
      %get3A_1973 = arith.constant 32 : index
      %get3A_1974 = tpu.vector_load %arg9[%get3A_1973] {strides = array<i32>} : memref<2064xi32, #tpu.memory_space<vmem>>, vector<16xi32>,
      %get3A_1975 = arith.constant 48 : index
      %get3A_1976 = tpu.vector_load %arg9[%get3A_1975] {strides = array<i32>} : memref<2064xi32, #tpu.memory_space<vmem>>, vector<16xi32>,
      %get3A_1977 = arith.constant 64 : index
      %get3A_1978 = tpu.vector_load %arg9[%get3A_1977] {strides = array<i32>} : memref<2064xi32, #tpu.memory_space<vmem>>, vector<16xi32>,
      %get3A_1979 = arith.constant 80 : index
      %get3A_1980 = tpu.vector_load %arg9[%get3A_1979] {strides = array<i32>} : memref<2064xi32, #tpu.memory_space<vmem>>, vector<16xi32>,
      %get3A_1981 = arith.constant 96 : index
      %get3A_1982 = tpu.vector_load %arg9[%get3A_1981] {strides = array<i32>} : memref<2064xi32, #tpu.memory_space<vmem>>, vector<16xi32>,
      %get3A_1983 = arith.constant 112 : index
      %get3A_1984 = tpu.vector_load %arg9[%get3A_1983] {strides = array<i32>} : memref<2064xi32, #tpu.memory_space<vmem>>, vector<16xi32>,
      %get3A_1985 = arith.constant 128 : index
      %get3A_1986 = tpu.vector_load %arg9[%get3A_1985] {strides = array<i32>} : memref<2064xi32, #tpu.memory_space<vmem>>, vector<16xi32>,
      %get3A_1987 = arith.constant 144 : index
      %get3A_1988 = tpu.vector_load %arg9[%get3A_1987] {strides = array<i32>} : memref<2064xi32, #tpu.memory_space<vmem>>, vector<16xi32>,
      %get3A_1989 = arith.constant 160 : index
      %get3A_1990 = tpu.vector_load %arg9[%get3A_1989] {strides = array<i32>} : memref<2064xi32, #tpu.memory_space<vmem>>, vector<16xi32>,
      %get3A_1991 = arith.constant 176 : index
      %get3A_1992 = tpu.vector_load %arg9[%get3A_1991] {strides = array<i32>} : memref<2064xi32, #tpu.memory_space<vmem>>, vector<16xi32>,
      %get3A_1993 = arith.constant 192 : index
      %get3A_1994 = tpu.vector_load %arg9[%get3A_1993] {strides = array<i32>} : memref<2064xi32, #tpu.memory_space<vmem>>, vector<16xi32>,
      %get3A_1995 = arith.constant 208 : index
      %get3A_1996 = tpu.vector_load %arg9[%get3A_1995] {strides = array<i32>} : memref<2064xi32, #tpu.memory_space<vmem>>, vector<16xi32>,
      %get3A_1997 = arith.constant 224 : index
      %get3A_1998 = tpu.vector_load %arg9[%get3A_1997] {strides = array<i32>} : memref<2064xi32, #tpu.memory_space<vmem>>, vector<16xi32>,
      %get3A_1999 = arith.constant 240 : index
      %get3A_2000 = tpu.vector_load %arg9[%get3A_1999] {strides = array<i32>} : memref<2064xi32, #tpu.memory_space<vmem>>, vector<16xi32>,
      %gather3A_2001 = tpu.vector_load_idx %arg6[%get3A_1970] : memref<2064xf32, #tpu.memory_space<vmem>>[vector<16xi32>], vector<16xf32>,
      %gather3A_2002 = tpu.vector_load_idx %arg6[%get3A_1972] : memref<2064xf32, #tpu.memory_space<vmem>>[vector<16xi32>], vector<16xf32>,
      %gather3A_2003 = tpu.vector_load_idx %arg6[%get3A_1974] : memref<2064xf32, #tpu.memory_space<vmem>>[vector<16xi32>], vector<16xf32>,
      %gather3A_2004 = tpu.vector_load_idx %arg6[%get3A_1976] : memref<2064xf32, #tpu.memory_space<vmem>>[vector<16xi32>], vector<16xf32>,
      %gather3A_2005 = tpu.vector_load_idx %arg6[%get3A_1978] : memref<2064xf32, #tpu.memory_space<vmem>>[vector<16xi32>], vector<16xf32>,
      %gather3A_2006 = tpu.vector_load_idx %arg6[%get3A_1980] : memref<2064xf32, #tpu.memory_space<vmem>>[vector<16xi32>], vector<16xf32>,
      %gather3A_2007 = tpu.vector_load_idx %arg6[%get3A_1982] : memref<2064xf32, #tpu.memory_space<vmem>>[vector<16xi32>], vector<16xf32>,
      %gather3A_2008 = tpu.vector_load_idx %arg6[%get3A_1984] : memref<2064xf32, #tpu.memory_space<vmem>>[vector<16xi32>], vector<16xf32>,
      %gather3A_2009 = tpu.vector_load_idx %arg6[%get3A_1986] : memref<2064xf32, #tpu.memory_space<vmem>>[vector<16xi32>], vector<16xf32>,
      %gather3A_2010 = tpu.vector_load_idx %arg6[%get3A_1988] : memref<2064xf32, #tpu.memory_space<vmem>>[vector<16xi32>], vector<16xf32>,
      %gather3A_2011 = tpu.vector_load_idx %arg6[%get3A_1990] : memref<2064xf32, #tpu.memory_space<vmem>>[vector<16xi32>], vector<16xf32>,
      %gather3A_2012 = tpu.vector_load_idx %arg6[%get3A_1992] : memref<2064xf32, #tpu.memory_space<vmem>>[vector<16xi32>], vector<16xf32>,
      %gather3A_2013 = tpu.vector_load_idx %arg6[%get3A_1994] : memref<2064xf32, #tpu.memory_space<vmem>>[vector<16xi32>], vector<16xf32>,
      %gather3A_2014 = tpu.vector_load_idx %arg6[%get3A_1996] : memref<2064xf32, #tpu.memory_space<vmem>>[vector<16xi32>], vector<16xf32>,
      %gather3A_2015 = tpu.vector_load_idx %arg6[%get3A_1998] : memref<2064xf32, #tpu.memory_space<vmem>>[vector<16xi32>], vector<16xf32>,
      %gather3A_2016 = tpu.vector_load_idx %arg6[%get3A_2000] : memref<2064xf32, #tpu.memory_space<vmem>>[vector<16xi32>], vector<16xf32>,
      %masked_sort3A_2017 = arith.constant dense<true> : vector<16xi1>
      %masked_sort3A_2018, %masked_sort3A_2019, %masked_sort3A_2020 = tpu.sort %gather3A_2001, %get3A_1970 masked %masked_sort3A_2017 : (vector<16xf32>, vector<16xi32>, vector<16xi1>) -> (vector<16xi1>, vector<16xf32>, vector<16xi32>)
      %masked_sort3A_2021 = arith.constant dense<true> : vector<16xi1>
      %masked_sort3A_2022, %masked_sort3A_2023, %masked_sort3A_2024 = tpu.sort %gather3A_2002, %get3A_1972 masked %masked_sort3A_2021 : (vector<16xf32>, vector<16xi32>, vector<16xi1>) -> (vector<16xi1>, vector<16xf32>, vector<16xi32>)
      %masked_sort3A_2025 = arith.constant dense<true> : vector<16xi1>
      %masked_sort3A_2026, %masked_sort3A_2027, %masked_sort3A_2028 = tpu.sort %gather3A_2003, %get3A_1974 masked %masked_sort3A_2025 : (vector<16xf32>, vector<16xi32>, vector<16xi1>) -> (vector<16xi1>, vector<16xf32>, vector<16xi32>)
      %masked_sort3A_2029 = arith.constant dense<true> : vector<16xi1>
      %masked_sort3A_2030, %masked_sort3A_2031, %masked_sort3A_2032 = tpu.sort %gather3A_2004, %get3A_1976 masked %masked_sort3A_2029 : (vector<16xf32>, vector<16xi32>, vector<16xi1>) -> (vector<16xi1>, vector<16xf32>, vector<16xi32>)
      %masked_sort3A_2033 = arith.constant dense<true> : vector<16xi1>
      %masked_sort3A_2034, %masked_sort3A_2035, %masked_sort3A_2036 = tpu.sort %gather3A_2005, %get3A_1978 masked %masked_sort3A_2033 : (vector<16xf32>, vector<16xi32>, vector<16xi1>) -> (vector<16xi1>, vector<16xf32>, vector<16xi32>)
      %masked_sort3A_2037 = arith.constant dense<true> : vector<16xi1>
      %masked_sort3A_2038, %masked_sort3A_2039, %masked_sort3A_2040 = tpu.sort %gather3A_2006, %get3A_1980 masked %masked_sort3A_2037 : (vector<16xf32>, vector<16xi32>, vector<16xi1>) -> (vector<16xi1>, vector<16xf32>, vector<16xi32>)
      %masked_sort3A_2041 = arith.constant dense<true> : vector<16xi1>
      %masked_sort3A_2042, %masked_sort3A_2043, %masked_sort3A_2044 = tpu.sort %gather3A_2007, %get3A_1982 masked %masked_sort3A_2041 : (vector<16xf32>, vector<16xi32>, vector<16xi1>) -> (vector<16xi1>, vector<16xf32>, vector<16xi32>)
      %masked_sort3A_2045 = arith.constant dense<true> : vector<16xi1>
      %masked_sort3A_2046, %masked_sort3A_2047, %masked_sort3A_2048 = tpu.sort %gather3A_2008, %get3A_1984 masked %masked_sort3A_2045 : (vector<16xf32>, vector<16xi32>, vector<16xi1>) -> (vector<16xi1>, vector<16xf32>, vector<16xi32>)
      %masked_sort3A_2049 = arith.constant dense<true> : vector<16xi1>
      %masked_sort3A_2050, %masked_sort3A_2051, %masked_sort3A_2052 = tpu.sort %gather3A_2009, %get3A_1986 masked %masked_sort3A_2049 : (vector<16xf32>, vector<16xi32>, vector<16xi1>) -> (vector<16xi1>, vector<16xf32>, vector<16xi32>)
      %masked_sort3A_2053 = arith.constant dense<true> : vector<16xi1>
      %masked_sort3A_2054, %masked_sort3A_2055, %masked_sort3A_2056 = tpu.sort %gather3A_2010, %get3A_1988 masked %masked_sort3A_2053 : (vector<16xf32>, vector<16xi32>, vector<16xi1>) -> (vector<16xi1>, vector<16xf32>, vector<16xi32>)
      %masked_sort3A_2057 = arith.constant dense<true> : vector<16xi1>
      %masked_sort3A_2058, %masked_sort3A_2059, %masked_sort3A_2060 = tpu.sort %gather3A_2011, %get3A_1990 masked %masked_sort3A_2057 : (vector<16xf32>, vector<16xi32>, vector<16xi1>) -> (vector<16xi1>, vector<16xf32>, vector<16xi32>)
      %masked_sort3A_2061 = arith.constant dense<true> : vector<16xi1>
      %masked_sort3A_2062, %masked_sort3A_2063, %masked_sort3A_2064 = tpu.sort %gather3A_2012, %get3A_1992 masked %masked_sort3A_2061 : (vector<16xf32>, vector<16xi32>, vector<16xi1>) -> (vector<16xi1>, vector<16xf32>, vector<16xi32>)
      %masked_sort3A_2065 = arith.constant dense<true> : vector<16xi1>
      %masked_sort3A_2066, %masked_sort3A_2067, %masked_sort3A_2068 = tpu.sort %gather3A_2013, %get3A_1994 masked %masked_sort3A_2065 : (vector<16xf32>, vector<16xi32>, vector<16xi1>) -> (vector<16xi1>, vector<16xf32>, vector<16xi32>)
      %masked_sort3A_2069 = arith.constant dense<true> : vector<16xi1>
      %masked_sort3A_2070, %masked_sort3A_2071, %masked_sort3A_2072 = tpu.sort %gather3A_2014, %get3A_1996 masked %masked_sort3A_2069 : (vector<16xf32>, vector<16xi32>, vector<16xi1>) -> (vector<16xi1>, vector<16xf32>, vector<16xi32>)
      %masked_sort3A_2073 = arith.constant dense<true> : vector<16xi1>
      %masked_sort3A_2074, %masked_sort3A_2075, %masked_sort3A_2076 = tpu.sort %gather3A_2015, %get3A_1998 masked %masked_sort3A_2073 : (vector<16xf32>, vector<16xi32>, vector<16xi1>) -> (vector<16xi1>, vector<16xf32>, vector<16xi32>)
      %masked_sort3A_2077 = arith.constant dense<true> : vector<16xi1>
      %masked_sort3A_2078, %masked_sort3A_2079, %masked_sort3A_2080 = tpu.sort %gather3A_2016, %get3A_2000 masked %masked_sort3A_2077 : (vector<16xf32>, vector<16xi32>, vector<16xi1>) -> (vector<16xi1>, vector<16xf32>, vector<16xi32>)
      %rev3A_2081 = arith.constant 15 : i32
      %rev3A_2082 = vector.broadcast %rev3A_2081 : i32 to vector<16xi32>
      %rev3A_2083 = tpu.iota {dimensions = array<i32: 0>} : vector<16xi32>
      %rev3A_2084 = arith.subi %rev3A_2082, %rev3A_2083 : vector<16xi32>
      %rev3A_2085 = tpu.dynamic_gather %masked_sort3A_2023[%rev3A_2084] in [0] : vector<16xf32>, vector<16xi32> -> vector<16xf32>
      %rev3A_2086 = arith.constant 15 : i32
      %rev3A_2087 = vector.broadcast %rev3A_2086 : i32 to vector<16xi32>
      %rev3A_2088 = tpu.iota {dimensions = array<i32: 0>} : vector<16xi32>
      %rev3A_2089 = arith.subi %rev3A_2087, %rev3A_2088 : vector<16xi32>
      %rev3A_2090 = tpu.dynamic_gather %masked_sort3A_2024[%rev3A_2089] in [0] : vector<16xi32>, vector<16xi32> -> vector<16xi32>
      %le3A_2091 = arith.cmpf ole, %masked_sort3A_2019, %rev3A_2085 : vector<16xf32>
      %select_n3A_2092 = arith.select %le3A_2091, %masked_sort3A_2019, %rev3A_2085 : vector<16xi1>, vector<16xf32>
      %select_n3A_2093 = arith.select %le3A_2091, %masked_sort3A_2020, %rev3A_2090 : vector<16xi1>, vector<16xi32>
      %select_n3A_2094 = arith.select %le3A_2091, %rev3A_2085, %masked_sort3A_2019 : vector<16xi1>, vector<16xf32>
      %select_n3A_2095 = arith.select %le3A_2091, %rev3A_2090, %masked_sort3A_2020 : vector<16xi1>, vector<16xi32>
      %masked_sort3A_2096 = arith.constant dense<true> : vector<16xi1>
      %masked_sort3A_2097, %masked_sort3A_2098, %masked_sort3A_2099 = tpu.sort %select_n3A_2092, %select_n3A_2093 masked %masked_sort3A_2096 : (vector<16xf32>, vector<16xi32>, vector<16xi1>) -> (vector<16xi1>, vector<16xf32>, vector<16xi32>)
      %masked_sort3A_2100 = arith.constant dense<true> : vector<16xi1>
      %masked_sort3A_2101, %masked_sort3A_2102, %masked_sort3A_2103 = tpu.sort %select_n3A_2094, %select_n3A_2095 masked %masked_sort3A_2100 : (vector<16xf32>, vector<16xi32>, vector<16xi1>) -> (vector<16xi1>, vector<16xf32>, vector<16xi32>)
      %rev3A_2104 = arith.constant 15 : i32
      %rev3A_2105 = vector.broadcast %rev3A_2104 : i32 to vector<16xi32>
      %rev3A_2106 = tpu.iota {dimensions = array<i32: 0>} : vector<16xi32>
      %rev3A_2107 = arith.subi %rev3A_2105, %rev3A_2106 : vector<16xi32>
      %rev3A_2108 = tpu.dynamic_gather %masked_sort3A_2031[%rev3A_2107] in [0] : vector<16xf32>, vector<16xi32> -> vector<16xf32>
      %rev3A_2109 = arith.constant 15 : i32
      %rev3A_2110 = vector.broadcast %rev3A_2109 : i32 to vector<16xi32>
      %rev3A_2111 = tpu.iota {dimensions = array<i32: 0>} : vector<16xi32>
      %rev3A_2112 = arith.subi %rev3A_2110, %rev3A_2111 : vector<16xi32>
      %rev3A_2113 = tpu.dynamic_gather %masked_sort3A_2032[%rev3A_2112] in [0] : vector<16xi32>, vector<16xi32> -> vector<16xi32>
      %le3A_2114 = arith.cmpf ole, %masked_sort3A_2027, %rev3A_2108 : vector<16xf32>
      %select_n3A_2115 = arith.select %le3A_2114, %masked_sort3A_2027, %rev3A_2108 : vector<16xi1>, vector<16xf32>
      %select_n3A_2116 = arith.select %le3A_2114, %masked_sort3A_2028, %rev3A_2113 : vector<16xi1>, vector<16xi32>
      %select_n3A_2117 = arith.select %le3A_2114, %rev3A_2108, %masked_sort3A_2027 : vector<16xi1>, vector<16xf32>
      %select_n3A_2118 = arith.select %le3A_2114, %rev3A_2113, %masked_sort3A_2028 : vector<16xi1>, vector<16xi32>
      %masked_sort3A_2119 = arith.constant dense<true> : vector<16xi1>
      %masked_sort3A_2120, %masked_sort3A_2121, %masked_sort3A_2122 = tpu.sort %select_n3A_2115, %select_n3A_2116 masked %masked_sort3A_2119 : (vector<16xf32>, vector<16xi32>, vector<16xi1>) -> (vector<16xi1>, vector<16xf32>, vector<16xi32>)
      %masked_sort3A_2123 = arith.constant dense<true> : vector<16xi1>
      %masked_sort3A_2124, %masked_sort3A_2125, %masked_sort3A_2126 = tpu.sort %select_n3A_2117, %select_n3A_2118 masked %masked_sort3A_2123 : (vector<16xf32>, vector<16xi32>, vector<16xi1>) -> (vector<16xi1>, vector<16xf32>, vector<16xi32>)
      %rev3A_2127 = arith.constant 15 : i32
      %rev3A_2128 = vector.broadcast %rev3A_2127 : i32 to vector<16xi32>
      %rev3A_2129 = tpu.iota {dimensions = array<i32: 0>} : vector<16xi32>
      %rev3A_2130 = arith.subi %rev3A_2128, %rev3A_2129 : vector<16xi32>
      %rev3A_2131 = tpu.dynamic_gather %masked_sort3A_2039[%rev3A_2130] in [0] : vector<16xf32>, vector<16xi32> -> vector<16xf32>
      %rev3A_2132 = arith.constant 15 : i32
      %rev3A_2133 = vector.broadcast %rev3A_2132 : i32 to vector<16xi32>
      %rev3A_2134 = tpu.iota {dimensions = array<i32: 0>} : vector<16xi32>
      %rev3A_2135 = arith.subi %rev3A_2133, %rev3A_2134 : vector<16xi32>
      %rev3A_2136 = tpu.dynamic_gather %masked_sort3A_2040[%rev3A_2135] in [0] : vector<16xi32>, vector<16xi32> -> vector<16xi32>
      %le3A_2137 = arith.cmpf ole, %masked_sort3A_2035, %rev3A_2131 : vector<16xf32>
      %select_n3A_2138 = arith.select %le3A_2137, %masked_sort3A_2035, %rev3A_2131 : vector<16xi1>, vector<16xf32>
      %select_n3A_2139 = arith.select %le3A_2137, %masked_sort3A_2036, %rev3A_2136 : vector<16xi1>, vector<16xi32>
      %select_n3A_2140 = arith.select %le3A_2137, %rev3A_2131, %masked_sort3A_2035 : vector<16xi1>, vector<16xf32>
      %select_n3A_2141 = arith.select %le3A_2137, %rev3A_2136, %masked_sort3A_2036 : vector<16xi1>, vector<16xi32>
      %masked_sort3A_2142 = arith.constant dense<true> : vector<16xi1>
      %masked_sort3A_2143, %masked_sort3A_2144, %masked_sort3A_2145 = tpu.sort %select_n3A_2138, %select_n3A_2139 masked %masked_sort3A_2142 : (vector<16xf32>, vector<16xi32>, vector<16xi1>) -> (vector<16xi1>, vector<16xf32>, vector<16xi32>)
      %masked_sort3A_2146 = arith.constant dense<true> : vector<16xi1>
      %masked_sort3A_2147, %masked_sort3A_2148, %masked_sort3A_2149 = tpu.sort %select_n3A_2140, %select_n3A_2141 masked %masked_sort3A_2146 : (vector<16xf32>, vector<16xi32>, vector<16xi1>) -> (vector<16xi1>, vector<16xf32>, vector<16xi32>)
      %rev3A_2150 = arith.constant 15 : i32
      %rev3A_2151 = vector.broadcast %rev3A_2150 : i32 to vector<16xi32>
      %rev3A_2152 = tpu.iota {dimensions = array<i32: 0>} : vector<16xi32>
      %rev3A_2153 = arith.subi %rev3A_2151, %rev3A_2152 : vector<16xi32>
      %rev3A_2154 = tpu.dynamic_gather %masked_sort3A_2047[%rev3A_2153] in [0] : vector<16xf32>, vector<16xi32> -> vector<16xf32>
      %rev3A_2155 = arith.constant 15 : i32
      %rev3A_2156 = vector.broadcast %rev3A_2155 : i32 to vector<16xi32>
      %rev3A_2157 = tpu.iota {dimensions = array<i32: 0>} : vector<16xi32>
      %rev3A_2158 = arith.subi %rev3A_2156, %rev3A_2157 : vector<16xi32>
      %rev3A_2159 = tpu.dynamic_gather %masked_sort3A_2048[%rev3A_2158] in [0] : vector<16xi32>, vector<16xi32> -> vector<16xi32>
      %le3A_2160 = arith.cmpf ole, %masked_sort3A_2043, %rev3A_2154 : vector<16xf32>
      %select_n3A_2161 = arith.select %le3A_2160, %masked_sort3A_2043, %rev3A_2154 : vector<16xi1>, vector<16xf32>
      %select_n3A_2162 = arith.select %le3A_2160, %masked_sort3A_2044, %rev3A_2159 : vector<16xi1>, vector<16xi32>
      %select_n3A_2163 = arith.select %le3A_2160, %rev3A_2154, %masked_sort3A_2043 : vector<16xi1>, vector<16xf32>
      %select_n3A_2164 = arith.select %le3A_2160, %rev3A_2159, %masked_sort3A_2044 : vector<16xi1>, vector<16xi32>
      %masked_sort3A_2165 = arith.constant dense<true> : vector<16xi1>
      %masked_sort3A_2166, %masked_sort3A_2167, %masked_sort3A_2168 = tpu.sort %select_n3A_2161, %select_n3A_2162 masked %masked_sort3A_2165 : (vector<16xf32>, vector<16xi32>, vector<16xi1>) -> (vector<16xi1>, vector<16xf32>, vector<16xi32>)
      %masked_sort3A_2169 = arith.constant dense<true> : vector<16xi1>
      %masked_sort3A_2170, %masked_sort3A_2171, %masked_sort3A_2172 = tpu.sort %select_n3A_2163, %select_n3A_2164 masked %masked_sort3A_2169 : (vector<16xf32>, vector<16xi32>, vector<16xi1>) -> (vector<16xi1>, vector<16xf32>, vector<16xi32>)
      %rev3A_2173 = arith.constant 15 : i32
      %rev3A_2174 = vector.broadcast %rev3A_2173 : i32 to vector<16xi32>
      %rev3A_2175 = tpu.iota {dimensions = array<i32: 0>} : vector<16xi32>
      %rev3A_2176 = arith.subi %rev3A_2174, %rev3A_2175 : vector<16xi32>
      %rev3A_2177 = tpu.dynamic_gather %masked_sort3A_2055[%rev3A_2176] in [0] : vector<16xf32>, vector<16xi32> -> vector<16xf32>
      %rev3A_2178 = arith.constant 15 : i32
      %rev3A_2179 = vector.broadcast %rev3A_2178 : i32 to vector<16xi32>
      %rev3A_2180 = tpu.iota {dimensions = array<i32: 0>} : vector<16xi32>
      %rev3A_2181 = arith.subi %rev3A_2179, %rev3A_2180 : vector<16xi32>
      %rev3A_2182 = tpu.dynamic_gather %masked_sort3A_2056[%rev3A_2181] in [0] : vector<16xi32>, vector<16xi32> -> vector<16xi32>
      %le3A_2183 = arith.cmpf ole, %masked_sort3A_2051, %rev3A_2177 : vector<16xf32>
      %select_n3A_2184 = arith.select %le3A_2183, %masked_sort3A_2051, %rev3A_2177 : vector<16xi1>, vector<16xf32>
      %select_n3A_2185 = arith.select %le3A_2183, %masked_sort3A_2052, %rev3A_2182 : vector<16xi1>, vector<16xi32>
      %select_n3A_2186 = arith.select %le3A_2183, %rev3A_2177, %masked_sort3A_2051 : vector<16xi1>, vector<16xf32>
      %select_n3A_2187 = arith.select %le3A_2183, %rev3A_2182, %masked_sort3A_2052 : vector<16xi1>, vector<16xi32>
      %masked_sort3A_2188 = arith.constant dense<true> : vector<16xi1>
      %masked_sort3A_2189, %masked_sort3A_2190, %masked_sort3A_2191 = tpu.sort %select_n3A_2184, %select_n3A_2185 masked %masked_sort3A_2188 : (vector<16xf32>, vector<16xi32>, vector<16xi1>) -> (vector<16xi1>, vector<16xf32>, vector<16xi32>)
      %masked_sort3A_2192 = arith.constant dense<true> : vector<16xi1>
      %masked_sort3A_2193, %masked_sort3A_2194, %masked_sort3A_2195 = tpu.sort %select_n3A_2186, %select_n3A_2187 masked %masked_sort3A_2192 : (vector<16xf32>, vector<16xi32>, vector<16xi1>) -> (vector<16xi1>, vector<16xf32>, vector<16xi32>)
      %rev3A_2196 = arith.constant 15 : i32
      %rev3A_2197 = vector.broadcast %rev3A_2196 : i32 to vector<16xi32>
      %rev3A_2198 = tpu.iota {dimensions = array<i32: 0>} : vector<16xi32>
      %rev3A_2199 = arith.subi %rev3A_2197, %rev3A_2198 : vector<16xi32>
      %rev3A_2200 = tpu.dynamic_gather %masked_sort3A_2063[%rev3A_2199] in [0] : vector<16xf32>, vector<16xi32> -> vector<16xf32>
      %rev3A_2201 = arith.constant 15 : i32
      %rev3A_2202 = vector.broadcast %rev3A_2201 : i32 to vector<16xi32>
      %rev3A_2203 = tpu.iota {dimensions = array<i32: 0>} : vector<16xi32>
      %rev3A_2204 = arith.subi %rev3A_2202, %rev3A_2203 : vector<16xi32>
      %rev3A_2205 = tpu.dynamic_gather %masked_sort3A_2064[%rev3A_2204] in [0] : vector<16xi32>, vector<16xi32> -> vector<16xi32>
      %le3A_2206 = arith.cmpf ole, %masked_sort3A_2059, %rev3A_2200 : vector<16xf32>
      %select_n3A_2207 = arith.select %le3A_2206, %masked_sort3A_2059, %rev3A_2200 : vector<16xi1>, vector<16xf32>
      %select_n3A_2208 = arith.select %le3A_2206, %masked_sort3A_2060, %rev3A_2205 : vector<16xi1>, vector<16xi32>
      %select_n3A_2209 = arith.select %le3A_2206, %rev3A_2200, %masked_sort3A_2059 : vector<16xi1>, vector<16xf32>
      %select_n3A_2210 = arith.select %le3A_2206, %rev3A_2205, %masked_sort3A_2060 : vector<16xi1>, vector<16xi32>
      %masked_sort3A_2211 = arith.constant dense<true> : vector<16xi1>
      %masked_sort3A_2212, %masked_sort3A_2213, %masked_sort3A_2214 = tpu.sort %select_n3A_2207, %select_n3A_2208 masked %masked_sort3A_2211 : (vector<16xf32>, vector<16xi32>, vector<16xi1>) -> (vector<16xi1>, vector<16xf32>, vector<16xi32>)
      %masked_sort3A_2215 = arith.constant dense<true> : vector<16xi1>
      %masked_sort3A_2216, %masked_sort3A_2217, %masked_sort3A_2218 = tpu.sort %select_n3A_2209, %select_n3A_2210 masked %masked_sort3A_2215 : (vector<16xf32>, vector<16xi32>, vector<16xi1>) -> (vector<16xi1>, vector<16xf32>, vector<16xi32>)
      %rev3A_2219 = arith.constant 15 : i32
      %rev3A_2220 = vector.broadcast %rev3A_2219 : i32 to vector<16xi32>
      %rev3A_2221 = tpu.iota {dimensions = array<i32: 0>} : vector<16xi32>
      %rev3A_2222 = arith.subi %rev3A_2220, %rev3A_2221 : vector<16xi32>
      %rev3A_2223 = tpu.dynamic_gather %masked_sort3A_2071[%rev3A_2222] in [0] : vector<16xf32>, vector<16xi32> -> vector<16xf32>
      %rev3A_2224 = arith.constant 15 : i32
      %rev3A_2225 = vector.broadcast %rev3A_2224 : i32 to vector<16xi32>
      %rev3A_2226 = tpu.iota {dimensions = array<i32: 0>} : vector<16xi32>
      %rev3A_2227 = arith.subi %rev3A_2225, %rev3A_2226 : vector<16xi32>
      %rev3A_2228 = tpu.dynamic_gather %masked_sort3A_2072[%rev3A_2227] in [0] : vector<16xi32>, vector<16xi32> -> vector<16xi32>
      %le3A_2229 = arith.cmpf ole, %masked_sort3A_2067, %rev3A_2223 : vector<16xf32>
      %select_n3A_2230 = arith.select %le3A_2229, %masked_sort3A_2067, %rev3A_2223 : vector<16xi1>, vector<16xf32>
      %select_n3A_2231 = arith.select %le3A_2229, %masked_sort3A_2068, %rev3A_2228 : vector<16xi1>, vector<16xi32>
      %select_n3A_2232 = arith.select %le3A_2229, %rev3A_2223, %masked_sort3A_2067 : vector<16xi1>, vector<16xf32>
      %select_n3A_2233 = arith.select %le3A_2229, %rev3A_2228, %masked_sort3A_2068 : vector<16xi1>, vector<16xi32>
      %masked_sort3A_2234 = arith.constant dense<true> : vector<16xi1>
      %masked_sort3A_2235, %masked_sort3A_2236, %masked_sort3A_2237 = tpu.sort %select_n3A_2230, %select_n3A_2231 masked %masked_sort3A_2234 : (vector<16xf32>, vector<16xi32>, vector<16xi1>) -> (vector<16xi1>, vector<16xf32>, vector<16xi32>)
      %masked_sort3A_2238 = arith.constant dense<true> : vector<16xi1>
      %masked_sort3A_2239, %masked_sort3A_2240, %masked_sort3A_2241 = tpu.sort %select_n3A_2232, %select_n3A_2233 masked %masked_sort3A_2238 : (vector<16xf32>, vector<16xi32>, vector<16xi1>) -> (vector<16xi1>, vector<16xf32>, vector<16xi32>)
      %rev3A_2242 = arith.constant 15 : i32
      %rev3A_2243 = vector.broadcast %rev3A_2242 : i32 to vector<16xi32>
      %rev3A_2244 = tpu.iota {dimensions = array<i32: 0>} : vector<16xi32>
      %rev3A_2245 = arith.subi %rev3A_2243, %rev3A_2244 : vector<16xi32>
      %rev3A_2246 = tpu.dynamic_gather %masked_sort3A_2079[%rev3A_2245] in [0] : vector<16xf32>, vector<16xi32> -> vector<16xf32>
      %rev3A_2247 = arith.constant 15 : i32
      %rev3A_2248 = vector.broadcast %rev3A_2247 : i32 to vector<16xi32>
      %rev3A_2249 = tpu.iota {dimensions = array<i32: 0>} : vector<16xi32>
      %rev3A_2250 = arith.subi %rev3A_2248, %rev3A_2249 : vector<16xi32>
      %rev3A_2251 = tpu.dynamic_gather %masked_sort3A_2080[%rev3A_2250] in [0] : vector<16xi32>, vector<16xi32> -> vector<16xi32>
      %le3A_2252 = arith.cmpf ole, %masked_sort3A_2075, %rev3A_2246 : vector<16xf32>
      %select_n3A_2253 = arith.select %le3A_2252, %masked_sort3A_2075, %rev3A_2246 : vector<16xi1>, vector<16xf32>
      %select_n3A_2254 = arith.select %le3A_2252, %masked_sort3A_2076, %rev3A_2251 : vector<16xi1>, vector<16xi32>
      %select_n3A_2255 = arith.select %le3A_2252, %rev3A_2246, %masked_sort3A_2075 : vector<16xi1>, vector<16xf32>
      %select_n3A_2256 = arith.select %le3A_2252, %rev3A_2251, %masked_sort3A_2076 : vector<16xi1>, vector<16xi32>
      %masked_sort3A_2257 = arith.constant dense<true> : vector<16xi1>
      %masked_sort3A_2258, %masked_sort3A_2259, %masked_sort3A_2260 = tpu.sort %select_n3A_2253, %select_n3A_2254 masked %masked_sort3A_2257 : (vector<16xf32>, vector<16xi32>, vector<16xi1>) -> (vector<16xi1>, vector<16xf32>, vector<16xi32>)
      %masked_sort3A_2261 = arith.constant dense<true> : vector<16xi1>
      %masked_sort3A_2262, %masked_sort3A_2263, %masked_sort3A_2264 = tpu.sort %select_n3A_2255, %select_n3A_2256 masked %masked_sort3A_2261 : (vector<16xf32>, vector<16xi32>, vector<16xi1>) -> (vector<16xi1>, vector<16xf32>, vector<16xi32>)
      %rev3A_2265 = arith.constant 15 : i32
      %rev3A_2266 = vector.broadcast %rev3A_2265 : i32 to vector<16xi32>
      %rev3A_2267 = tpu.iota {dimensions = array<i32: 0>} : vector<16xi32>
      %rev3A_2268 = arith.subi %rev3A_2266, %rev3A_2267 : vector<16xi32>
      %rev3A_2269 = tpu.dynamic_gather %masked_sort3A_2125[%rev3A_2268] in [0] : vector<16xf32>, vector<16xi32> -> vector<16xf32>
      %rev3A_2270 = arith.constant 15 : i32
      %rev3A_2271 = vector.broadcast %rev3A_2270 : i32 to vector<16xi32>
      %rev3A_2272 = tpu.iota {dimensions = array<i32: 0>} : vector<16xi32>
      %rev3A_2273 = arith.subi %rev3A_2271, %rev3A_2272 : vector<16xi32>
      %rev3A_2274 = tpu.dynamic_gather %masked_sort3A_2121[%rev3A_2273] in [0] : vector<16xf32>, vector<16xi32> -> vector<16xf32>
      %rev3A_2275 = arith.constant 15 : i32
      %rev3A_2276 = vector.broadcast %rev3A_2275 : i32 to vector<16xi32>
      %rev3A_2277 = tpu.iota {dimensions = array<i32: 0>} : vector<16xi32>
      %rev3A_2278 = arith.subi %rev3A_2276, %rev3A_2277 : vector<16xi32>
      %rev3A_2279 = tpu.dynamic_gather %masked_sort3A_2126[%rev3A_2278] in [0] : vector<16xi32>, vector<16xi32> -> vector<16xi32>
      %rev3A_2280 = arith.constant 15 : i32
      %rev3A_2281 = vector.broadcast %rev3A_2280 : i32 to vector<16xi32>
      %rev3A_2282 = tpu.iota {dimensions = array<i32: 0>} : vector<16xi32>
      %rev3A_2283 = arith.subi %rev3A_2281, %rev3A_2282 : vector<16xi32>
      %rev3A_2284 = tpu.dynamic_gather %masked_sort3A_2122[%rev3A_2283] in [0] : vector<16xi32>, vector<16xi32> -> vector<16xi32>
      %le3A_2285 = arith.cmpf ole, %masked_sort3A_2098, %rev3A_2269 : vector<16xf32>
      %select_n3A_2286 = arith.select %le3A_2285, %masked_sort3A_2098, %rev3A_2269 : vector<16xi1>, vector<16xf32>
      %select_n3A_2287 = arith.select %le3A_2285, %masked_sort3A_2099, %rev3A_2279 : vector<16xi1>, vector<16xi32>
      %select_n3A_2288 = arith.select %le3A_2285, %rev3A_2269, %masked_sort3A_2098 : vector<16xi1>, vector<16xf32>
      %select_n3A_2289 = arith.select %le3A_2285, %rev3A_2279, %masked_sort3A_2099 : vector<16xi1>, vector<16xi32>
      %le3A_2290 = arith.cmpf ole, %masked_sort3A_2102, %rev3A_2274 : vector<16xf32>
      %select_n3A_2291 = arith.select %le3A_2290, %masked_sort3A_2102, %rev3A_2274 : vector<16xi1>, vector<16xf32>
      %select_n3A_2292 = arith.select %le3A_2290, %masked_sort3A_2103, %rev3A_2284 : vector<16xi1>, vector<16xi32>
      %select_n3A_2293 = arith.select %le3A_2290, %rev3A_2274, %masked_sort3A_2102 : vector<16xi1>, vector<16xf32>
      %select_n3A_2294 = arith.select %le3A_2290, %rev3A_2284, %masked_sort3A_2103 : vector<16xi1>, vector<16xi32>
      %le3A_2295 = arith.cmpf ole, %select_n3A_2286, %select_n3A_2291 : vector<16xf32>
      %select_n3A_2296 = arith.select %le3A_2295, %select_n3A_2286, %select_n3A_2291 : vector<16xi1>, vector<16xf32>
      %select_n3A_2297 = arith.select %le3A_2295, %select_n3A_2287, %select_n3A_2292 : vector<16xi1>, vector<16xi32>
      %select_n3A_2298 = arith.select %le3A_2295, %select_n3A_2291, %select_n3A_2286 : vector<16xi1>, vector<16xf32>
      %select_n3A_2299 = arith.select %le3A_2295, %select_n3A_2292, %select_n3A_2287 : vector<16xi1>, vector<16xi32>
      %masked_sort3A_2300 = arith.constant dense<true> : vector<16xi1>
      %masked_sort3A_2301, %masked_sort3A_2302, %masked_sort3A_2303 = tpu.sort %select_n3A_2296, %select_n3A_2297 masked %masked_sort3A_2300 : (vector<16xf32>, vector<16xi32>, vector<16xi1>) -> (vector<16xi1>, vector<16xf32>, vector<16xi32>)
      %masked_sort3A_2304 = arith.constant dense<true> : vector<16xi1>
      %masked_sort3A_2305, %masked_sort3A_2306, %masked_sort3A_2307 = tpu.sort %select_n3A_2298, %select_n3A_2299 masked %masked_sort3A_2304 : (vector<16xf32>, vector<16xi32>, vector<16xi1>) -> (vector<16xi1>, vector<16xf32>, vector<16xi32>)
      %le3A_2308 = arith.cmpf ole, %select_n3A_2288, %select_n3A_2293 : vector<16xf32>
      %select_n3A_2309 = arith.select %le3A_2308, %select_n3A_2288, %select_n3A_2293 : vector<16xi1>, vector<16xf32>
      %select_n3A_2310 = arith.select %le3A_2308, %select_n3A_2289, %select_n3A_2294 : vector<16xi1>, vector<16xi32>
      %select_n3A_2311 = arith.select %le3A_2308, %select_n3A_2293, %select_n3A_2288 : vector<16xi1>, vector<16xf32>
      %select_n3A_2312 = arith.select %le3A_2308, %select_n3A_2294, %select_n3A_2289 : vector<16xi1>, vector<16xi32>
      %masked_sort3A_2313 = arith.constant dense<true> : vector<16xi1>
      %masked_sort3A_2314, %masked_sort3A_2315, %masked_sort3A_2316 = tpu.sort %select_n3A_2309, %select_n3A_2310 masked %masked_sort3A_2313 : (vector<16xf32>, vector<16xi32>, vector<16xi1>) -> (vector<16xi1>, vector<16xf32>, vector<16xi32>)
      %masked_sort3A_2317 = arith.constant dense<true> : vector<16xi1>
      %masked_sort3A_2318, %masked_sort3A_2319, %masked_sort3A_2320 = tpu.sort %select_n3A_2311, %select_n3A_2312 masked %masked_sort3A_2317 : (vector<16xf32>, vector<16xi32>, vector<16xi1>) -> (vector<16xi1>, vector<16xf32>, vector<16xi32>)
      %rev3A_2321 = arith.constant 15 : i32
      %rev3A_2322 = vector.broadcast %rev3A_2321 : i32 to vector<16xi32>
      %rev3A_2323 = tpu.iota {dimensions = array<i32: 0>} : vector<16xi32>
      %rev3A_2324 = arith.subi %rev3A_2322, %rev3A_2323 : vector<16xi32>
      %rev3A_2325 = tpu.dynamic_gather %masked_sort3A_2171[%rev3A_2324] in [0] : vector<16xf32>, vector<16xi32> -> vector<16xf32>
      %rev3A_2326 = arith.constant 15 : i32
      %rev3A_2327 = vector.broadcast %rev3A_2326 : i32 to vector<16xi32>
      %rev3A_2328 = tpu.iota {dimensions = array<i32: 0>} : vector<16xi32>
      %rev3A_2329 = arith.subi %rev3A_2327, %rev3A_2328 : vector<16xi32>
      %rev3A_2330 = tpu.dynamic_gather %masked_sort3A_2167[%rev3A_2329] in [0] : vector<16xf32>, vector<16xi32> -> vector<16xf32>
      %rev3A_2331 = arith.constant 15 : i32
      %rev3A_2332 = vector.broadcast %rev3A_2331 : i32 to vector<16xi32>
      %rev3A_2333 = tpu.iota {dimensions = array<i32: 0>} : vector<16xi32>
      %rev3A_2334 = arith.subi %rev3A_2332, %rev3A_2333 : vector<16xi32>
      %rev3A_2335 = tpu.dynamic_gather %masked_sort3A_2172[%rev3A_2334] in [0] : vector<16xi32>, vector<16xi32> -> vector<16xi32>
      %rev3A_2336 = arith.constant 15 : i32
      %rev3A_2337 = vector.broadcast %rev3A_2336 : i32 to vector<16xi32>
      %rev3A_2338 = tpu.iota {dimensions = array<i32: 0>} : vector<16xi32>
      %rev3A_2339 = arith.subi %rev3A_2337, %rev3A_2338 : vector<16xi32>
      %rev3A_2340 = tpu.dynamic_gather %masked_sort3A_2168[%rev3A_2339] in [0] : vector<16xi32>, vector<16xi32> -> vector<16xi32>
      %le3A_2341 = arith.cmpf ole, %masked_sort3A_2144, %rev3A_2325 : vector<16xf32>
      %select_n3A_2342 = arith.select %le3A_2341, %masked_sort3A_2144, %rev3A_2325 : vector<16xi1>, vector<16xf32>
      %select_n3A_2343 = arith.select %le3A_2341, %masked_sort3A_2145, %rev3A_2335 : vector<16xi1>, vector<16xi32>
      %select_n3A_2344 = arith.select %le3A_2341, %rev3A_2325, %masked_sort3A_2144 : vector<16xi1>, vector<16xf32>
      %select_n3A_2345 = arith.select %le3A_2341, %rev3A_2335, %masked_sort3A_2145 : vector<16xi1>, vector<16xi32>
      %le3A_2346 = arith.cmpf ole, %masked_sort3A_2148, %rev3A_2330 : vector<16xf32>
      %select_n3A_2347 = arith.select %le3A_2346, %masked_sort3A_2148, %rev3A_2330 : vector<16xi1>, vector<16xf32>
      %select_n3A_2348 = arith.select %le3A_2346, %masked_sort3A_2149, %rev3A_2340 : vector<16xi1>, vector<16xi32>
      %select_n3A_2349 = arith.select %le3A_2346, %rev3A_2330, %masked_sort3A_2148 : vector<16xi1>, vector<16xf32>
      %select_n3A_2350 = arith.select %le3A_2346, %rev3A_2340, %masked_sort3A_2149 : vector<16xi1>, vector<16xi32>
      %le3A_2351 = arith.cmpf ole, %select_n3A_2342, %select_n3A_2347 : vector<16xf32>
      %select_n3A_2352 = arith.select %le3A_2351, %select_n3A_2342, %select_n3A_2347 : vector<16xi1>, vector<16xf32>
      %select_n3A_2353 = arith.select %le3A_2351, %select_n3A_2343, %select_n3A_2348 : vector<16xi1>, vector<16xi32>
      %select_n3A_2354 = arith.select %le3A_2351, %select_n3A_2347, %select_n3A_2342 : vector<16xi1>, vector<16xf32>
      %select_n3A_2355 = arith.select %le3A_2351, %select_n3A_2348, %select_n3A_2343 : vector<16xi1>, vector<16xi32>
      %masked_sort3A_2356 = arith.constant dense<true> : vector<16xi1>
      %masked_sort3A_2357, %masked_sort3A_2358, %masked_sort3A_2359 = tpu.sort %select_n3A_2352, %select_n3A_2353 masked %masked_sort3A_2356 : (vector<16xf32>, vector<16xi32>, vector<16xi1>) -> (vector<16xi1>, vector<16xf32>, vector<16xi32>)
      %masked_sort3A_2360 = arith.constant dense<true> : vector<16xi1>
      %masked_sort3A_2361, %masked_sort3A_2362, %masked_sort3A_2363 = tpu.sort %select_n3A_2354, %select_n3A_2355 masked %masked_sort3A_2360 : (vector<16xf32>, vector<16xi32>, vector<16xi1>) -> (vector<16xi1>, vector<16xf32>, vector<16xi32>)
      %le3A_2364 = arith.cmpf ole, %select_n3A_2344, %select_n3A_2349 : vector<16xf32>
      %select_n3A_2365 = arith.select %le3A_2364, %select_n3A_2344, %select_n3A_2349 : vector<16xi1>, vector<16xf32>
      %select_n3A_2366 = arith.select %le3A_2364, %select_n3A_2345, %select_n3A_2350 : vector<16xi1>, vector<16xi32>
      %select_n3A_2367 = arith.select %le3A_2364, %select_n3A_2349, %select_n3A_2344 : vector<16xi1>, vector<16xf32>
      %select_n3A_2368 = arith.select %le3A_2364, %select_n3A_2350, %select_n3A_2345 : vector<16xi1>, vector<16xi32>
      %masked_sort3A_2369 = arith.constant dense<true> : vector<16xi1>
      %masked_sort3A_2370, %masked_sort3A_2371, %masked_sort3A_2372 = tpu.sort %select_n3A_2365, %select_n3A_2366 masked %masked_sort3A_2369 : (vector<16xf32>, vector<16xi32>, vector<16xi1>) -> (vector<16xi1>, vector<16xf32>, vector<16xi32>)
      %masked_sort3A_2373 = arith.constant dense<true> : vector<16xi1>
      %masked_sort3A_2374, %masked_sort3A_2375, %masked_sort3A_2376 = tpu.sort %select_n3A_2367, %select_n3A_2368 masked %masked_sort3A_2373 : (vector<16xf32>, vector<16xi32>, vector<16xi1>) -> (vector<16xi1>, vector<16xf32>, vector<16xi32>)
      %rev3A_2377 = arith.constant 15 : i32
      %rev3A_2378 = vector.broadcast %rev3A_2377 : i32 to vector<16xi32>
      %rev3A_2379 = tpu.iota {dimensions = array<i32: 0>} : vector<16xi32>
      %rev3A_2380 = arith.subi %rev3A_2378, %rev3A_2379 : vector<16xi32>
      %rev3A_2381 = tpu.dynamic_gather %masked_sort3A_2217[%rev3A_2380] in [0] : vector<16xf32>, vector<16xi32> -> vector<16xf32>
      %rev3A_2382 = arith.constant 15 : i32
      %rev3A_2383 = vector.broadcast %rev3A_2382 : i32 to vector<16xi32>
      %rev3A_2384 = tpu.iota {dimensions = array<i32: 0>} : vector<16xi32>
      %rev3A_2385 = arith.subi %rev3A_2383, %rev3A_2384 : vector<16xi32>
      %rev3A_2386 = tpu.dynamic_gather %masked_sort3A_2213[%rev3A_2385] in [0] : vector<16xf32>, vector<16xi32> -> vector<16xf32>
      %rev3A_2387 = arith.constant 15 : i32
      %rev3A_2388 = vector.broadcast %rev3A_2387 : i32 to vector<16xi32>
      %rev3A_2389 = tpu.iota {dimensions = array<i32: 0>} : vector<16xi32>
      %rev3A_2390 = arith.subi %rev3A_2388, %rev3A_2389 : vector<16xi32>
      %rev3A_2391 = tpu.dynamic_gather %masked_sort3A_2218[%rev3A_2390] in [0] : vector<16xi32>, vector<16xi32> -> vector<16xi32>
      %rev3A_2392 = arith.constant 15 : i32
      %rev3A_2393 = vector.broadcast %rev3A_2392 : i32 to vector<16xi32>
      %rev3A_2394 = tpu.iota {dimensions = array<i32: 0>} : vector<16xi32>
      %rev3A_2395 = arith.subi %rev3A_2393, %rev3A_2394 : vector<16xi32>
      %rev3A_2396 = tpu.dynamic_gather %masked_sort3A_2214[%rev3A_2395] in [0] : vector<16xi32>, vector<16xi32> -> vector<16xi32>
      %le3A_2397 = arith.cmpf ole, %masked_sort3A_2190, %rev3A_2381 : vector<16xf32>
      %select_n3A_2398 = arith.select %le3A_2397, %masked_sort3A_2190, %rev3A_2381 : vector<16xi1>, vector<16xf32>
      %select_n3A_2399 = arith.select %le3A_2397, %masked_sort3A_2191, %rev3A_2391 : vector<16xi1>, vector<16xi32>
      %select_n3A_2400 = arith.select %le3A_2397, %rev3A_2381, %masked_sort3A_2190 : vector<16xi1>, vector<16xf32>
      %select_n3A_2401 = arith.select %le3A_2397, %rev3A_2391, %masked_sort3A_2191 : vector<16xi1>, vector<16xi32>
      %le3A_2402 = arith.cmpf ole, %masked_sort3A_2194, %rev3A_2386 : vector<16xf32>
      %select_n3A_2403 = arith.select %le3A_2402, %masked_sort3A_2194, %rev3A_2386 : vector<16xi1>, vector<16xf32>
      %select_n3A_2404 = arith.select %le3A_2402, %masked_sort3A_2195, %rev3A_2396 : vector<16xi1>, vector<16xi32>
      %select_n3A_2405 = arith.select %le3A_2402, %rev3A_2386, %masked_sort3A_2194 : vector<16xi1>, vector<16xf32>
      %select_n3A_2406 = arith.select %le3A_2402, %rev3A_2396, %masked_sort3A_2195 : vector<16xi1>, vector<16xi32>
      %le3A_2407 = arith.cmpf ole, %select_n3A_2398, %select_n3A_2403 : vector<16xf32>
      %select_n3A_2408 = arith.select %le3A_2407, %select_n3A_2398, %select_n3A_2403 : vector<16xi1>, vector<16xf32>
      %select_n3A_2409 = arith.select %le3A_2407, %select_n3A_2399, %select_n3A_2404 : vector<16xi1>, vector<16xi32>
      %select_n3A_2410 = arith.select %le3A_2407, %select_n3A_2403, %select_n3A_2398 : vector<16xi1>, vector<16xf32>
      %select_n3A_2411 = arith.select %le3A_2407, %select_n3A_2404, %select_n3A_2399 : vector<16xi1>, vector<16xi32>
      %masked_sort3A_2412 = arith.constant dense<true> : vector<16xi1>
      %masked_sort3A_2413, %masked_sort3A_2414, %masked_sort3A_2415 = tpu.sort %select_n3A_2408, %select_n3A_2409 masked %masked_sort3A_2412 : (vector<16xf32>, vector<16xi32>, vector<16xi1>) -> (vector<16xi1>, vector<16xf32>, vector<16xi32>)
      %masked_sort3A_2416 = arith.constant dense<true> : vector<16xi1>
      %masked_sort3A_2417, %masked_sort3A_2418, %masked_sort3A_2419 = tpu.sort %select_n3A_2410, %select_n3A_2411 masked %masked_sort3A_2416 : (vector<16xf32>, vector<16xi32>, vector<16xi1>) -> (vector<16xi1>, vector<16xf32>, vector<16xi32>)
      %le3A_2420 = arith.cmpf ole, %select_n3A_2400, %select_n3A_2405 : vector<16xf32>
      %select_n3A_2421 = arith.select %le3A_2420, %select_n3A_2400, %select_n3A_2405 : vector<16xi1>, vector<16xf32>
      %select_n3A_2422 = arith.select %le3A_2420, %select_n3A_2401, %select_n3A_2406 : vector<16xi1>, vector<16xi32>
      %select_n3A_2423 = arith.select %le3A_2420, %select_n3A_2405, %select_n3A_2400 : vector<16xi1>, vector<16xf32>
      %select_n3A_2424 = arith.select %le3A_2420, %select_n3A_2406, %select_n3A_2401 : vector<16xi1>, vector<16xi32>
      %masked_sort3A_2425 = arith.constant dense<true> : vector<16xi1>
      %masked_sort3A_2426, %masked_sort3A_2427, %masked_sort3A_2428 = tpu.sort %select_n3A_2421, %select_n3A_2422 masked %masked_sort3A_2425 : (vector<16xf32>, vector<16xi32>, vector<16xi1>) -> (vector<16xi1>, vector<16xf32>, vector<16xi32>)
      %masked_sort3A_2429 = arith.constant dense<true> : vector<16xi1>
      %masked_sort3A_2430, %masked_sort3A_2431, %masked_sort3A_2432 = tpu.sort %select_n3A_2423, %select_n3A_2424 masked %masked_sort3A_2429 : (vector<16xf32>, vector<16xi32>, vector<16xi1>) -> (vector<16xi1>, vector<16xf32>, vector<16xi32>)
      %rev3A_2433 = arith.constant 15 : i32
      %rev3A_2434 = vector.broadcast %rev3A_2433 : i32 to vector<16xi32>
      %rev3A_2435 = tpu.iota {dimensions = array<i32: 0>} : vector<16xi32>
      %rev3A_2436 = arith.subi %rev3A_2434, %rev3A_2435 : vector<16xi32>
      %rev3A_2437 = tpu.dynamic_gather %masked_sort3A_2263[%rev3A_2436] in [0] : vector<16xf32>, vector<16xi32> -> vector<16xf32>
      %rev3A_2438 = arith.constant 15 : i32
      %rev3A_2439 = vector.broadcast %rev3A_2438 : i32 to vector<16xi32>
      %rev3A_2440 = tpu.iota {dimensions = array<i32: 0>} : vector<16xi32>
      %rev3A_2441 = arith.subi %rev3A_2439, %rev3A_2440 : vector<16xi32>
      %rev3A_2442 = tpu.dynamic_gather %masked_sort3A_2259[%rev3A_2441] in [0] : vector<16xf32>, vector<16xi32> -> vector<16xf32>
      %rev3A_2443 = arith.constant 15 : i32
      %rev3A_2444 = vector.broadcast %rev3A_2443 : i32 to vector<16xi32>
      %rev3A_2445 = tpu.iota {dimensions = array<i32: 0>} : vector<16xi32>
      %rev3A_2446 = arith.subi %rev3A_2444, %rev3A_2445 : vector<16xi32>
      %rev3A_2447 = tpu.dynamic_gather %masked_sort3A_2264[%rev3A_2446] in [0] : vector<16xi32>, vector<16xi32> -> vector<16xi32>
      %rev3A_2448 = arith.constant 15 : i32
      %rev3A_2449 = vector.broadcast %rev3A_2448 : i32 to vector<16xi32>
      %rev3A_2450 = tpu.iota {dimensions = array<i32: 0>} : vector<16xi32>
      %rev3A_2451 = arith.subi %rev3A_2449, %rev3A_2450 : vector<16xi32>
      %rev3A_2452 = tpu.dynamic_gather %masked_sort3A_2260[%rev3A_2451] in [0] : vector<16xi32>, vector<16xi32> -> vector<16xi32>
      %le3A_2453 = arith.cmpf ole, %masked_sort3A_2236, %rev3A_2437 : vector<16xf32>
      %select_n3A_2454 = arith.select %le3A_2453, %masked_sort3A_2236, %rev3A_2437 : vector<16xi1>, vector<16xf32>
      %select_n3A_2455 = arith.select %le3A_2453, %masked_sort3A_2237, %rev3A_2447 : vector<16xi1>, vector<16xi32>
      %select_n3A_2456 = arith.select %le3A_2453, %rev3A_2437, %masked_sort3A_2236 : vector<16xi1>, vector<16xf32>
      %select_n3A_2457 = arith.select %le3A_2453, %rev3A_2447, %masked_sort3A_2237 : vector<16xi1>, vector<16xi32>
      %le3A_2458 = arith.cmpf ole, %masked_sort3A_2240, %rev3A_2442 : vector<16xf32>
      %select_n3A_2459 = arith.select %le3A_2458, %masked_sort3A_2240, %rev3A_2442 : vector<16xi1>, vector<16xf32>
      %select_n3A_2460 = arith.select %le3A_2458, %masked_sort3A_2241, %rev3A_2452 : vector<16xi1>, vector<16xi32>
      %select_n3A_2461 = arith.select %le3A_2458, %rev3A_2442, %masked_sort3A_2240 : vector<16xi1>, vector<16xf32>
      %select_n3A_2462 = arith.select %le3A_2458, %rev3A_2452, %masked_sort3A_2241 : vector<16xi1>, vector<16xi32>
      %le3A_2463 = arith.cmpf ole, %select_n3A_2454, %select_n3A_2459 : vector<16xf32>
      %select_n3A_2464 = arith.select %le3A_2463, %select_n3A_2454, %select_n3A_2459 : vector<16xi1>, vector<16xf32>
      %select_n3A_2465 = arith.select %le3A_2463, %select_n3A_2455, %select_n3A_2460 : vector<16xi1>, vector<16xi32>
      %select_n3A_2466 = arith.select %le3A_2463, %select_n3A_2459, %select_n3A_2454 : vector<16xi1>, vector<16xf32>
      %select_n3A_2467 = arith.select %le3A_2463, %select_n3A_2460, %select_n3A_2455 : vector<16xi1>, vector<16xi32>
      %masked_sort3A_2468 = arith.constant dense<true> : vector<16xi1>
      %masked_sort3A_2469, %masked_sort3A_2470, %masked_sort3A_2471 = tpu.sort %select_n3A_2464, %select_n3A_2465 masked %masked_sort3A_2468 : (vector<16xf32>, vector<16xi32>, vector<16xi1>) -> (vector<16xi1>, vector<16xf32>, vector<16xi32>)
      %masked_sort3A_2472 = arith.constant dense<true> : vector<16xi1>
      %masked_sort3A_2473, %masked_sort3A_2474, %masked_sort3A_2475 = tpu.sort %select_n3A_2466, %select_n3A_2467 masked %masked_sort3A_2472 : (vector<16xf32>, vector<16xi32>, vector<16xi1>) -> (vector<16xi1>, vector<16xf32>, vector<16xi32>)
      %le3A_2476 = arith.cmpf ole, %select_n3A_2456, %select_n3A_2461 : vector<16xf32>
      %select_n3A_2477 = arith.select %le3A_2476, %select_n3A_2456, %select_n3A_2461 : vector<16xi1>, vector<16xf32>
      %select_n3A_2478 = arith.select %le3A_2476, %select_n3A_2457, %select_n3A_2462 : vector<16xi1>, vector<16xi32>
      %select_n3A_2479 = arith.select %le3A_2476, %select_n3A_2461, %select_n3A_2456 : vector<16xi1>, vector<16xf32>
      %select_n3A_2480 = arith.select %le3A_2476, %select_n3A_2462, %select_n3A_2457 : vector<16xi1>, vector<16xi32>
      %masked_sort3A_2481 = arith.constant dense<true> : vector<16xi1>
      %masked_sort3A_2482, %masked_sort3A_2483, %masked_sort3A_2484 = tpu.sort %select_n3A_2477, %select_n3A_2478 masked %masked_sort3A_2481 : (vector<16xf32>, vector<16xi32>, vector<16xi1>) -> (vector<16xi1>, vector<16xf32>, vector<16xi32>)
      %masked_sort3A_2485 = arith.constant dense<true> : vector<16xi1>
      %masked_sort3A_2486, %masked_sort3A_2487, %masked_sort3A_2488 = tpu.sort %select_n3A_2479, %select_n3A_2480 masked %masked_sort3A_2485 : (vector<16xf32>, vector<16xi32>, vector<16xi1>) -> (vector<16xi1>, vector<16xf32>, vector<16xi32>)
      %rev3A_2489 = arith.constant 15 : i32
      %rev3A_2490 = vector.broadcast %rev3A_2489 : i32 to vector<16xi32>
      %rev3A_2491 = tpu.iota {dimensions = array<i32: 0>} : vector<16xi32>
      %rev3A_2492 = arith.subi %rev3A_2490, %rev3A_2491 : vector<16xi32>
      %rev3A_2493 = tpu.dynamic_gather %masked_sort3A_2375[%rev3A_2492] in [0] : vector<16xf32>, vector<16xi32> -> vector<16xf32>
      %rev3A_2494 = arith.constant 15 : i32
      %rev3A_2495 = vector.broadcast %rev3A_2494 : i32 to vector<16xi32>
      %rev3A_2496 = tpu.iota {dimensions = array<i32: 0>} : vector<16xi32>
      %rev3A_2497 = arith.subi %rev3A_2495, %rev3A_2496 : vector<16xi32>
      %rev3A_2498 = tpu.dynamic_gather %masked_sort3A_2371[%rev3A_2497] in [0] : vector<16xf32>, vector<16xi32> -> vector<16xf32>
      %rev3A_2499 = arith.constant 15 : i32
      %rev3A_2500 = vector.broadcast %rev3A_2499 : i32 to vector<16xi32>
      %rev3A_2501 = tpu.iota {dimensions = array<i32: 0>} : vector<16xi32>
      %rev3A_2502 = arith.subi %rev3A_2500, %rev3A_2501 : vector<16xi32>
      %rev3A_2503 = tpu.dynamic_gather %masked_sort3A_2362[%rev3A_2502] in [0] : vector<16xf32>, vector<16xi32> -> vector<16xf32>
      %rev3A_2504 = arith.constant 15 : i32
      %rev3A_2505 = vector.broadcast %rev3A_2504 : i32 to vector<16xi32>
      %rev3A_2506 = tpu.iota {dimensions = array<i32: 0>} : vector<16xi32>
      %rev3A_2507 = arith.subi %rev3A_2505, %rev3A_2506 : vector<16xi32>
      %rev3A_2508 = tpu.dynamic_gather %masked_sort3A_2358[%rev3A_2507] in [0] : vector<16xf32>, vector<16xi32> -> vector<16xf32>
      %rev3A_2509 = arith.constant 15 : i32
      %rev3A_2510 = vector.broadcast %rev3A_2509 : i32 to vector<16xi32>
      %rev3A_2511 = tpu.iota {dimensions = array<i32: 0>} : vector<16xi32>
      %rev3A_2512 = arith.subi %rev3A_2510, %rev3A_2511 : vector<16xi32>
      %rev3A_2513 = tpu.dynamic_gather %masked_sort3A_2376[%rev3A_2512] in [0] : vector<16xi32>, vector<16xi32> -> vector<16xi32>
      %rev3A_2514 = arith.constant 15 : i32
      %rev3A_2515 = vector.broadcast %rev3A_2514 : i32 to vector<16xi32>
      %rev3A_2516 = tpu.iota {dimensions = array<i32: 0>} : vector<16xi32>
      %rev3A_2517 = arith.subi %rev3A_2515, %rev3A_2516 : vector<16xi32>
      %rev3A_2518 = tpu.dynamic_gather %masked_sort3A_2372[%rev3A_2517] in [0] : vector<16xi32>, vector<16xi32> -> vector<16xi32>
      %rev3A_2519 = arith.constant 15 : i32
      %rev3A_2520 = vector.broadcast %rev3A_2519 : i32 to vector<16xi32>
      %rev3A_2521 = tpu.iota {dimensions = array<i32: 0>} : vector<16xi32>
      %rev3A_2522 = arith.subi %rev3A_2520, %rev3A_2521 : vector<16xi32>
      %rev3A_2523 = tpu.dynamic_gather %masked_sort3A_2363[%rev3A_2522] in [0] : vector<16xi32>, vector<16xi32> -> vector<16xi32>
      %rev3A_2524 = arith.constant 15 : i32
      %rev3A_2525 = vector.broadcast %rev3A_2524 : i32 to vector<16xi32>
      %rev3A_2526 = tpu.iota {dimensions = array<i32: 0>} : vector<16xi32>
      %rev3A_2527 = arith.subi %rev3A_2525, %rev3A_2526 : vector<16xi32>
      %rev3A_2528 = tpu.dynamic_gather %masked_sort3A_2359[%rev3A_2527] in [0] : vector<16xi32>, vector<16xi32> -> vector<16xi32>
      %le3A_2529 = arith.cmpf ole, %masked_sort3A_2302, %rev3A_2493 : vector<16xf32>
      %select_n3A_2530 = arith.select %le3A_2529, %masked_sort3A_2302, %rev3A_2493 : vector<16xi1>, vector<16xf32>
      %select_n3A_2531 = arith.select %le3A_2529, %masked_sort3A_2303, %rev3A_2513 : vector<16xi1>, vector<16xi32>
      %select_n3A_2532 = arith.select %le3A_2529, %rev3A_2493, %masked_sort3A_2302 : vector<16xi1>, vector<16xf32>
      %select_n3A_2533 = arith.select %le3A_2529, %rev3A_2513, %masked_sort3A_2303 : vector<16xi1>, vector<16xi32>
      %le3A_2534 = arith.cmpf ole, %masked_sort3A_2306, %rev3A_2498 : vector<16xf32>
      %select_n3A_2535 = arith.select %le3A_2534, %masked_sort3A_2306, %rev3A_2498 : vector<16xi1>, vector<16xf32>
      %select_n3A_2536 = arith.select %le3A_2534, %masked_sort3A_2307, %rev3A_2518 : vector<16xi1>, vector<16xi32>
      %select_n3A_2537 = arith.select %le3A_2534, %rev3A_2498, %masked_sort3A_2306 : vector<16xi1>, vector<16xf32>
      %select_n3A_2538 = arith.select %le3A_2534, %rev3A_2518, %masked_sort3A_2307 : vector<16xi1>, vector<16xi32>
      %le3A_2539 = arith.cmpf ole, %masked_sort3A_2315, %rev3A_2503 : vector<16xf32>
      %select_n3A_2540 = arith.select %le3A_2539, %masked_sort3A_2315, %rev3A_2503 : vector<16xi1>, vector<16xf32>
      %select_n3A_2541 = arith.select %le3A_2539, %masked_sort3A_2316, %rev3A_2523 : vector<16xi1>, vector<16xi32>
      %select_n3A_2542 = arith.select %le3A_2539, %rev3A_2503, %masked_sort3A_2315 : vector<16xi1>, vector<16xf32>
      %select_n3A_2543 = arith.select %le3A_2539, %rev3A_2523, %masked_sort3A_2316 : vector<16xi1>, vector<16xi32>
      %le3A_2544 = arith.cmpf ole, %masked_sort3A_2319, %rev3A_2508 : vector<16xf32>
      %select_n3A_2545 = arith.select %le3A_2544, %masked_sort3A_2319, %rev3A_2508 : vector<16xi1>, vector<16xf32>
      %select_n3A_2546 = arith.select %le3A_2544, %masked_sort3A_2320, %rev3A_2528 : vector<16xi1>, vector<16xi32>
      %select_n3A_2547 = arith.select %le3A_2544, %rev3A_2508, %masked_sort3A_2319 : vector<16xi1>, vector<16xf32>
      %select_n3A_2548 = arith.select %le3A_2544, %rev3A_2528, %masked_sort3A_2320 : vector<16xi1>, vector<16xi32>
      %le3A_2549 = arith.cmpf ole, %select_n3A_2530, %select_n3A_2540 : vector<16xf32>
      %select_n3A_2550 = arith.select %le3A_2549, %select_n3A_2530, %select_n3A_2540 : vector<16xi1>, vector<16xf32>
      %select_n3A_2551 = arith.select %le3A_2549, %select_n3A_2531, %select_n3A_2541 : vector<16xi1>, vector<16xi32>
      %select_n3A_2552 = arith.select %le3A_2549, %select_n3A_2540, %select_n3A_2530 : vector<16xi1>, vector<16xf32>
      %select_n3A_2553 = arith.select %le3A_2549, %select_n3A_2541, %select_n3A_2531 : vector<16xi1>, vector<16xi32>
      %le3A_2554 = arith.cmpf ole, %select_n3A_2535, %select_n3A_2545 : vector<16xf32>
      %select_n3A_2555 = arith.select %le3A_2554, %select_n3A_2535, %select_n3A_2545 : vector<16xi1>, vector<16xf32>
      %select_n3A_2556 = arith.select %le3A_2554, %select_n3A_2536, %select_n3A_2546 : vector<16xi1>, vector<16xi32>
      %select_n3A_2557 = arith.select %le3A_2554, %select_n3A_2545, %select_n3A_2535 : vector<16xi1>, vector<16xf32>
      %select_n3A_2558 = arith.select %le3A_2554, %select_n3A_2546, %select_n3A_2536 : vector<16xi1>, vector<16xi32>
      %le3A_2559 = arith.cmpf ole, %select_n3A_2550, %select_n3A_2555 : vector<16xf32>
      %select_n3A_2560 = arith.select %le3A_2559, %select_n3A_2550, %select_n3A_2555 : vector<16xi1>, vector<16xf32>
      %select_n3A_2561 = arith.select %le3A_2559, %select_n3A_2551, %select_n3A_2556 : vector<16xi1>, vector<16xi32>
      %select_n3A_2562 = arith.select %le3A_2559, %select_n3A_2555, %select_n3A_2550 : vector<16xi1>, vector<16xf32>
      %select_n3A_2563 = arith.select %le3A_2559, %select_n3A_2556, %select_n3A_2551 : vector<16xi1>, vector<16xi32>
      %masked_sort3A_2564 = arith.constant dense<true> : vector<16xi1>
      %masked_sort3A_2565, %masked_sort3A_2566, %masked_sort3A_2567 = tpu.sort %select_n3A_2560, %select_n3A_2561 masked %masked_sort3A_2564 : (vector<16xf32>, vector<16xi32>, vector<16xi1>) -> (vector<16xi1>, vector<16xf32>, vector<16xi32>)
      %masked_sort3A_2568 = arith.constant dense<true> : vector<16xi1>
      %masked_sort3A_2569, %masked_sort3A_2570, %masked_sort3A_2571 = tpu.sort %select_n3A_2562, %select_n3A_2563 masked %masked_sort3A_2568 : (vector<16xf32>, vector<16xi32>, vector<16xi1>) -> (vector<16xi1>, vector<16xf32>, vector<16xi32>)
      %le3A_2572 = arith.cmpf ole, %select_n3A_2552, %select_n3A_2557 : vector<16xf32>
      %select_n3A_2573 = arith.select %le3A_2572, %select_n3A_2552, %select_n3A_2557 : vector<16xi1>, vector<16xf32>
      %select_n3A_2574 = arith.select %le3A_2572, %select_n3A_2553, %select_n3A_2558 : vector<16xi1>, vector<16xi32>
      %select_n3A_2575 = arith.select %le3A_2572, %select_n3A_2557, %select_n3A_2552 : vector<16xi1>, vector<16xf32>
      %select_n3A_2576 = arith.select %le3A_2572, %select_n3A_2558, %select_n3A_2553 : vector<16xi1>, vector<16xi32>
      %masked_sort3A_2577 = arith.constant dense<true> : vector<16xi1>
      %masked_sort3A_2578, %masked_sort3A_2579, %masked_sort3A_2580 = tpu.sort %select_n3A_2573, %select_n3A_2574 masked %masked_sort3A_2577 : (vector<16xf32>, vector<16xi32>, vector<16xi1>) -> (vector<16xi1>, vector<16xf32>, vector<16xi32>)
      %masked_sort3A_2581 = arith.constant dense<true> : vector<16xi1>
      %masked_sort3A_2582, %masked_sort3A_2583, %masked_sort3A_2584 = tpu.sort %select_n3A_2575, %select_n3A_2576 masked %masked_sort3A_2581 : (vector<16xf32>, vector<16xi32>, vector<16xi1>) -> (vector<16xi1>, vector<16xf32>, vector<16xi32>)
      %le3A_2585 = arith.cmpf ole, %select_n3A_2532, %select_n3A_2542 : vector<16xf32>
      %select_n3A_2586 = arith.select %le3A_2585, %select_n3A_2532, %select_n3A_2542 : vector<16xi1>, vector<16xf32>
      %select_n3A_2587 = arith.select %le3A_2585, %select_n3A_2533, %select_n3A_2543 : vector<16xi1>, vector<16xi32>
      %select_n3A_2588 = arith.select %le3A_2585, %select_n3A_2542, %select_n3A_2532 : vector<16xi1>, vector<16xf32>
      %select_n3A_2589 = arith.select %le3A_2585, %select_n3A_2543, %select_n3A_2533 : vector<16xi1>, vector<16xi32>
      %le3A_2590 = arith.cmpf ole, %select_n3A_2537, %select_n3A_2547 : vector<16xf32>
      %select_n3A_2591 = arith.select %le3A_2590, %select_n3A_2537, %select_n3A_2547 : vector<16xi1>, vector<16xf32>
      %select_n3A_2592 = arith.select %le3A_2590, %select_n3A_2538, %select_n3A_2548 : vector<16xi1>, vector<16xi32>
      %select_n3A_2593 = arith.select %le3A_2590, %select_n3A_2547, %select_n3A_2537 : vector<16xi1>, vector<16xf32>
      %select_n3A_2594 = arith.select %le3A_2590, %select_n3A_2548, %select_n3A_2538 : vector<16xi1>, vector<16xi32>
      %le3A_2595 = arith.cmpf ole, %select_n3A_2586, %select_n3A_2591 : vector<16xf32>
      %select_n3A_2596 = arith.select %le3A_2595, %select_n3A_2586, %select_n3A_2591 : vector<16xi1>, vector<16xf32>
      %select_n3A_2597 = arith.select %le3A_2595, %select_n3A_2587, %select_n3A_2592 : vector<16xi1>, vector<16xi32>
      %select_n3A_2598 = arith.select %le3A_2595, %select_n3A_2591, %select_n3A_2586 : vector<16xi1>, vector<16xf32>
      %select_n3A_2599 = arith.select %le3A_2595, %select_n3A_2592, %select_n3A_2587 : vector<16xi1>, vector<16xi32>
      %masked_sort3A_2600 = arith.constant dense<true> : vector<16xi1>
      %masked_sort3A_2601, %masked_sort3A_2602, %masked_sort3A_2603 = tpu.sort %select_n3A_2596, %select_n3A_2597 masked %masked_sort3A_2600 : (vector<16xf32>, vector<16xi32>, vector<16xi1>) -> (vector<16xi1>, vector<16xf32>, vector<16xi32>)
      %masked_sort3A_2604 = arith.constant dense<true> : vector<16xi1>
      %masked_sort3A_2605, %masked_sort3A_2606, %masked_sort3A_2607 = tpu.sort %select_n3A_2598, %select_n3A_2599 masked %masked_sort3A_2604 : (vector<16xf32>, vector<16xi32>, vector<16xi1>) -> (vector<16xi1>, vector<16xf32>, vector<16xi32>)
      %le3A_2608 = arith.cmpf ole, %select_n3A_2588, %select_n3A_2593 : vector<16xf32>
      %select_n3A_2609 = arith.select %le3A_2608, %select_n3A_2588, %select_n3A_2593 : vector<16xi1>, vector<16xf32>
      %select_n3A_2610 = arith.select %le3A_2608, %select_n3A_2589, %select_n3A_2594 : vector<16xi1>, vector<16xi32>
      %select_n3A_2611 = arith.select %le3A_2608, %select_n3A_2593, %select_n3A_2588 : vector<16xi1>, vector<16xf32>
      %select_n3A_2612 = arith.select %le3A_2608, %select_n3A_2594, %select_n3A_2589 : vector<16xi1>, vector<16xi32>
      %masked_sort3A_2613 = arith.constant dense<true> : vector<16xi1>
      %masked_sort3A_2614, %masked_sort3A_2615, %masked_sort3A_2616 = tpu.sort %select_n3A_2609, %select_n3A_2610 masked %masked_sort3A_2613 : (vector<16xf32>, vector<16xi32>, vector<16xi1>) -> (vector<16xi1>, vector<16xf32>, vector<16xi32>)
      %masked_sort3A_2617 = arith.constant dense<true> : vector<16xi1>
      %masked_sort3A_2618, %masked_sort3A_2619, %masked_sort3A_2620 = tpu.sort %select_n3A_2611, %select_n3A_2612 masked %masked_sort3A_2617 : (vector<16xf32>, vector<16xi32>, vector<16xi1>) -> (vector<16xi1>, vector<16xf32>, vector<16xi32>)
      %rev3A_2621 = arith.constant 15 : i32
      %rev3A_2622 = vector.broadcast %rev3A_2621 : i32 to vector<16xi32>
      %rev3A_2623 = tpu.iota {dimensions = array<i32: 0>} : vector<16xi32>
      %rev3A_2624 = arith.subi %rev3A_2622, %rev3A_2623 : vector<16xi32>
      %rev3A_2625 = tpu.dynamic_gather %masked_sort3A_2487[%rev3A_2624] in [0] : vector<16xf32>, vector<16xi32> -> vector<16xf32>
      %rev3A_2626 = arith.constant 15 : i32
      %rev3A_2627 = vector.broadcast %rev3A_2626 : i32 to vector<16xi32>
      %rev3A_2628 = tpu.iota {dimensions = array<i32: 0>} : vector<16xi32>
      %rev3A_2629 = arith.subi %rev3A_2627, %rev3A_2628 : vector<16xi32>
      %rev3A_2630 = tpu.dynamic_gather %masked_sort3A_2483[%rev3A_2629] in [0] : vector<16xf32>, vector<16xi32> -> vector<16xf32>
      %rev3A_2631 = arith.constant 15 : i32
      %rev3A_2632 = vector.broadcast %rev3A_2631 : i32 to vector<16xi32>
      %rev3A_2633 = tpu.iota {dimensions = array<i32: 0>} : vector<16xi32>
      %rev3A_2634 = arith.subi %rev3A_2632, %rev3A_2633 : vector<16xi32>
      %rev3A_2635 = tpu.dynamic_gather %masked_sort3A_2474[%rev3A_2634] in [0] : vector<16xf32>, vector<16xi32> -> vector<16xf32>
      %rev3A_2636 = arith.constant 15 : i32
      %rev3A_2637 = vector.broadcast %rev3A_2636 : i32 to vector<16xi32>
      %rev3A_2638 = tpu.iota {dimensions = array<i32: 0>} : vector<16xi32>
      %rev3A_2639 = arith.subi %rev3A_2637, %rev3A_2638 : vector<16xi32>
      %rev3A_2640 = tpu.dynamic_gather %masked_sort3A_2470[%rev3A_2639] in [0] : vector<16xf32>, vector<16xi32> -> vector<16xf32>
      %rev3A_2641 = arith.constant 15 : i32
      %rev3A_2642 = vector.broadcast %rev3A_2641 : i32 to vector<16xi32>
      %rev3A_2643 = tpu.iota {dimensions = array<i32: 0>} : vector<16xi32>
      %rev3A_2644 = arith.subi %rev3A_2642, %rev3A_2643 : vector<16xi32>
      %rev3A_2645 = tpu.dynamic_gather %masked_sort3A_2488[%rev3A_2644] in [0] : vector<16xi32>, vector<16xi32> -> vector<16xi32>
      %rev3A_2646 = arith.constant 15 : i32
      %rev3A_2647 = vector.broadcast %rev3A_2646 : i32 to vector<16xi32>
      %rev3A_2648 = tpu.iota {dimensions = array<i32: 0>} : vector<16xi32>
      %rev3A_2649 = arith.subi %rev3A_2647, %rev3A_2648 : vector<16xi32>
      %rev3A_2650 = tpu.dynamic_gather %masked_sort3A_2484[%rev3A_2649] in [0] : vector<16xi32>, vector<16xi32> -> vector<16xi32>
      %rev3A_2651 = arith.constant 15 : i32
      %rev3A_2652 = vector.broadcast %rev3A_2651 : i32 to vector<16xi32>
      %rev3A_2653 = tpu.iota {dimensions = array<i32: 0>} : vector<16xi32>
      %rev3A_2654 = arith.subi %rev3A_2652, %rev3A_2653 : vector<16xi32>
      %rev3A_2655 = tpu.dynamic_gather %masked_sort3A_2475[%rev3A_2654] in [0] : vector<16xi32>, vector<16xi32> -> vector<16xi32>
      %rev3A_2656 = arith.constant 15 : i32
      %rev3A_2657 = vector.broadcast %rev3A_2656 : i32 to vector<16xi32>
      %rev3A_2658 = tpu.iota {dimensions = array<i32: 0>} : vector<16xi32>
      %rev3A_2659 = arith.subi %rev3A_2657, %rev3A_2658 : vector<16xi32>
      %rev3A_2660 = tpu.dynamic_gather %masked_sort3A_2471[%rev3A_2659] in [0] : vector<16xi32>, vector<16xi32> -> vector<16xi32>
      %le3A_2661 = arith.cmpf ole, %masked_sort3A_2414, %rev3A_2625 : vector<16xf32>
      %select_n3A_2662 = arith.select %le3A_2661, %masked_sort3A_2414, %rev3A_2625 : vector<16xi1>, vector<16xf32>
      %select_n3A_2663 = arith.select %le3A_2661, %masked_sort3A_2415, %rev3A_2645 : vector<16xi1>, vector<16xi32>
      %select_n3A_2664 = arith.select %le3A_2661, %rev3A_2625, %masked_sort3A_2414 : vector<16xi1>, vector<16xf32>
      %select_n3A_2665 = arith.select %le3A_2661, %rev3A_2645, %masked_sort3A_2415 : vector<16xi1>, vector<16xi32>
      %le3A_2666 = arith.cmpf ole, %masked_sort3A_2418, %rev3A_2630 : vector<16xf32>
      %select_n3A_2667 = arith.select %le3A_2666, %masked_sort3A_2418, %rev3A_2630 : vector<16xi1>, vector<16xf32>
      %select_n3A_2668 = arith.select %le3A_2666, %masked_sort3A_2419, %rev3A_2650 : vector<16xi1>, vector<16xi32>
      %select_n3A_2669 = arith.select %le3A_2666, %rev3A_2630, %masked_sort3A_2418 : vector<16xi1>, vector<16xf32>
      %select_n3A_2670 = arith.select %le3A_2666, %rev3A_2650, %masked_sort3A_2419 : vector<16xi1>, vector<16xi32>
      %le3A_2671 = arith.cmpf ole, %masked_sort3A_2427, %rev3A_2635 : vector<16xf32>
      %select_n3A_2672 = arith.select %le3A_2671, %masked_sort3A_2427, %rev3A_2635 : vector<16xi1>, vector<16xf32>
      %select_n3A_2673 = arith.select %le3A_2671, %masked_sort3A_2428, %rev3A_2655 : vector<16xi1>, vector<16xi32>
      %select_n3A_2674 = arith.select %le3A_2671, %rev3A_2635, %masked_sort3A_2427 : vector<16xi1>, vector<16xf32>
      %select_n3A_2675 = arith.select %le3A_2671, %rev3A_2655, %masked_sort3A_2428 : vector<16xi1>, vector<16xi32>
      %le3A_2676 = arith.cmpf ole, %masked_sort3A_2431, %rev3A_2640 : vector<16xf32>
      %select_n3A_2677 = arith.select %le3A_2676, %masked_sort3A_2431, %rev3A_2640 : vector<16xi1>, vector<16xf32>
      %select_n3A_2678 = arith.select %le3A_2676, %masked_sort3A_2432, %rev3A_2660 : vector<16xi1>, vector<16xi32>
      %select_n3A_2679 = arith.select %le3A_2676, %rev3A_2640, %masked_sort3A_2431 : vector<16xi1>, vector<16xf32>
      %select_n3A_2680 = arith.select %le3A_2676, %rev3A_2660, %masked_sort3A_2432 : vector<16xi1>, vector<16xi32>
      %le3A_2681 = arith.cmpf ole, %select_n3A_2662, %select_n3A_2672 : vector<16xf32>
      %select_n3A_2682 = arith.select %le3A_2681, %select_n3A_2662, %select_n3A_2672 : vector<16xi1>, vector<16xf32>
      %select_n3A_2683 = arith.select %le3A_2681, %select_n3A_2663, %select_n3A_2673 : vector<16xi1>, vector<16xi32>
      %select_n3A_2684 = arith.select %le3A_2681, %select_n3A_2672, %select_n3A_2662 : vector<16xi1>, vector<16xf32>
      %select_n3A_2685 = arith.select %le3A_2681, %select_n3A_2673, %select_n3A_2663 : vector<16xi1>, vector<16xi32>
      %le3A_2686 = arith.cmpf ole, %select_n3A_2667, %select_n3A_2677 : vector<16xf32>
      %select_n3A_2687 = arith.select %le3A_2686, %select_n3A_2667, %select_n3A_2677 : vector<16xi1>, vector<16xf32>
      %select_n3A_2688 = arith.select %le3A_2686, %select_n3A_2668, %select_n3A_2678 : vector<16xi1>, vector<16xi32>
      %select_n3A_2689 = arith.select %le3A_2686, %select_n3A_2677, %select_n3A_2667 : vector<16xi1>, vector<16xf32>
      %select_n3A_2690 = arith.select %le3A_2686, %select_n3A_2678, %select_n3A_2668 : vector<16xi1>, vector<16xi32>
      %le3A_2691 = arith.cmpf ole, %select_n3A_2682, %select_n3A_2687 : vector<16xf32>
      %select_n3A_2692 = arith.select %le3A_2691, %select_n3A_2682, %select_n3A_2687 : vector<16xi1>, vector<16xf32>
      %select_n3A_2693 = arith.select %le3A_2691, %select_n3A_2683, %select_n3A_2688 : vector<16xi1>, vector<16xi32>
      %select_n3A_2694 = arith.select %le3A_2691, %select_n3A_2687, %select_n3A_2682 : vector<16xi1>, vector<16xf32>
      %select_n3A_2695 = arith.select %le3A_2691, %select_n3A_2688, %select_n3A_2683 : vector<16xi1>, vector<16xi32>
      %masked_sort3A_2696 = arith.constant dense<true> : vector<16xi1>
      %masked_sort3A_2697, %masked_sort3A_2698, %masked_sort3A_2699 = tpu.sort %select_n3A_2692, %select_n3A_2693 masked %masked_sort3A_2696 : (vector<16xf32>, vector<16xi32>, vector<16xi1>) -> (vector<16xi1>, vector<16xf32>, vector<16xi32>)
      %masked_sort3A_2700 = arith.constant dense<true> : vector<16xi1>
      %masked_sort3A_2701, %masked_sort3A_2702, %masked_sort3A_2703 = tpu.sort %select_n3A_2694, %select_n3A_2695 masked %masked_sort3A_2700 : (vector<16xf32>, vector<16xi32>, vector<16xi1>) -> (vector<16xi1>, vector<16xf32>, vector<16xi32>)
      %le3A_2704 = arith.cmpf ole, %select_n3A_2684, %select_n3A_2689 : vector<16xf32>
      %select_n3A_2705 = arith.select %le3A_2704, %select_n3A_2684, %select_n3A_2689 : vector<16xi1>, vector<16xf32>
      %select_n3A_2706 = arith.select %le3A_2704, %select_n3A_2685, %select_n3A_2690 : vector<16xi1>, vector<16xi32>
      %select_n3A_2707 = arith.select %le3A_2704, %select_n3A_2689, %select_n3A_2684 : vector<16xi1>, vector<16xf32>
      %select_n3A_2708 = arith.select %le3A_2704, %select_n3A_2690, %select_n3A_2685 : vector<16xi1>, vector<16xi32>
      %masked_sort3A_2709 = arith.constant dense<true> : vector<16xi1>
      %masked_sort3A_2710, %masked_sort3A_2711, %masked_sort3A_2712 = tpu.sort %select_n3A_2705, %select_n3A_2706 masked %masked_sort3A_2709 : (vector<16xf32>, vector<16xi32>, vector<16xi1>) -> (vector<16xi1>, vector<16xf32>, vector<16xi32>)
      %masked_sort3A_2713 = arith.constant dense<true> : vector<16xi1>
      %masked_sort3A_2714, %masked_sort3A_2715, %masked_sort3A_2716 = tpu.sort %select_n3A_2707, %select_n3A_2708 masked %masked_sort3A_2713 : (vector<16xf32>, vector<16xi32>, vector<16xi1>) -> (vector<16xi1>, vector<16xf32>, vector<16xi32>)
      %le3A_2717 = arith.cmpf ole, %select_n3A_2664, %select_n3A_2674 : vector<16xf32>
      %select_n3A_2718 = arith.select %le3A_2717, %select_n3A_2664, %select_n3A_2674 : vector<16xi1>, vector<16xf32>
      %select_n3A_2719 = arith.select %le3A_2717, %select_n3A_2665, %select_n3A_2675 : vector<16xi1>, vector<16xi32>
      %select_n3A_2720 = arith.select %le3A_2717, %select_n3A_2674, %select_n3A_2664 : vector<16xi1>, vector<16xf32>
      %select_n3A_2721 = arith.select %le3A_2717, %select_n3A_2675, %select_n3A_2665 : vector<16xi1>, vector<16xi32>
      %le3A_2722 = arith.cmpf ole, %select_n3A_2669, %select_n3A_2679 : vector<16xf32>
      %select_n3A_2723 = arith.select %le3A_2722, %select_n3A_2669, %select_n3A_2679 : vector<16xi1>, vector<16xf32>
      %select_n3A_2724 = arith.select %le3A_2722, %select_n3A_2670, %select_n3A_2680 : vector<16xi1>, vector<16xi32>
      %select_n3A_2725 = arith.select %le3A_2722, %select_n3A_2679, %select_n3A_2669 : vector<16xi1>, vector<16xf32>
      %select_n3A_2726 = arith.select %le3A_2722, %select_n3A_2680, %select_n3A_2670 : vector<16xi1>, vector<16xi32>
      %le3A_2727 = arith.cmpf ole, %select_n3A_2718, %select_n3A_2723 : vector<16xf32>
      %select_n3A_2728 = arith.select %le3A_2727, %select_n3A_2718, %select_n3A_2723 : vector<16xi1>, vector<16xf32>
      %select_n3A_2729 = arith.select %le3A_2727, %select_n3A_2719, %select_n3A_2724 : vector<16xi1>, vector<16xi32>
      %select_n3A_2730 = arith.select %le3A_2727, %select_n3A_2723, %select_n3A_2718 : vector<16xi1>, vector<16xf32>
      %select_n3A_2731 = arith.select %le3A_2727, %select_n3A_2724, %select_n3A_2719 : vector<16xi1>, vector<16xi32>
      %masked_sort3A_2732 = arith.constant dense<true> : vector<16xi1>
      %masked_sort3A_2733, %masked_sort3A_2734, %masked_sort3A_2735 = tpu.sort %select_n3A_2728, %select_n3A_2729 masked %masked_sort3A_2732 : (vector<16xf32>, vector<16xi32>, vector<16xi1>) -> (vector<16xi1>, vector<16xf32>, vector<16xi32>)
      %masked_sort3A_2736 = arith.constant dense<true> : vector<16xi1>
      %masked_sort3A_2737, %masked_sort3A_2738, %masked_sort3A_2739 = tpu.sort %select_n3A_2730, %select_n3A_2731 masked %masked_sort3A_2736 : (vector<16xf32>, vector<16xi32>, vector<16xi1>) -> (vector<16xi1>, vector<16xf32>, vector<16xi32>)
      %le3A_2740 = arith.cmpf ole, %select_n3A_2720, %select_n3A_2725 : vector<16xf32>
      %select_n3A_2741 = arith.select %le3A_2740, %select_n3A_2720, %select_n3A_2725 : vector<16xi1>, vector<16xf32>
      %select_n3A_2742 = arith.select %le3A_2740, %select_n3A_2721, %select_n3A_2726 : vector<16xi1>, vector<16xi32>
      %select_n3A_2743 = arith.select %le3A_2740, %select_n3A_2725, %select_n3A_2720 : vector<16xi1>, vector<16xf32>
      %select_n3A_2744 = arith.select %le3A_2740, %select_n3A_2726, %select_n3A_2721 : vector<16xi1>, vector<16xi32>
      %masked_sort3A_2745 = arith.constant dense<true> : vector<16xi1>
      %masked_sort3A_2746, %masked_sort3A_2747, %masked_sort3A_2748 = tpu.sort %select_n3A_2741, %select_n3A_2742 masked %masked_sort3A_2745 : (vector<16xf32>, vector<16xi32>, vector<16xi1>) -> (vector<16xi1>, vector<16xf32>, vector<16xi32>)
      %masked_sort3A_2749 = arith.constant dense<true> : vector<16xi1>
      %masked_sort3A_2750, %masked_sort3A_2751, %masked_sort3A_2752 = tpu.sort %select_n3A_2743, %select_n3A_2744 masked %masked_sort3A_2749 : (vector<16xf32>, vector<16xi32>, vector<16xi1>) -> (vector<16xi1>, vector<16xf32>, vector<16xi32>)
      %rev3A_2753 = arith.constant 15 : i32
      %rev3A_2754 = vector.broadcast %rev3A_2753 : i32 to vector<16xi32>
      %rev3A_2755 = tpu.iota {dimensions = array<i32: 0>} : vector<16xi32>
      %rev3A_2756 = arith.subi %rev3A_2754, %rev3A_2755 : vector<16xi32>
      %rev3A_2757 = tpu.dynamic_gather %masked_sort3A_2751[%rev3A_2756] in [0] : vector<16xf32>, vector<16xi32> -> vector<16xf32>
      %rev3A_2758 = arith.constant 15 : i32
      %rev3A_2759 = vector.broadcast %rev3A_2758 : i32 to vector<16xi32>
      %rev3A_2760 = tpu.iota {dimensions = array<i32: 0>} : vector<16xi32>
      %rev3A_2761 = arith.subi %rev3A_2759, %rev3A_2760 : vector<16xi32>
      %rev3A_2762 = tpu.dynamic_gather %masked_sort3A_2747[%rev3A_2761] in [0] : vector<16xf32>, vector<16xi32> -> vector<16xf32>
      %rev3A_2763 = arith.constant 15 : i32
      %rev3A_2764 = vector.broadcast %rev3A_2763 : i32 to vector<16xi32>
      %rev3A_2765 = tpu.iota {dimensions = array<i32: 0>} : vector<16xi32>
      %rev3A_2766 = arith.subi %rev3A_2764, %rev3A_2765 : vector<16xi32>
      %rev3A_2767 = tpu.dynamic_gather %masked_sort3A_2738[%rev3A_2766] in [0] : vector<16xf32>, vector<16xi32> -> vector<16xf32>
      %rev3A_2768 = arith.constant 15 : i32
      %rev3A_2769 = vector.broadcast %rev3A_2768 : i32 to vector<16xi32>
      %rev3A_2770 = tpu.iota {dimensions = array<i32: 0>} : vector<16xi32>
      %rev3A_2771 = arith.subi %rev3A_2769, %rev3A_2770 : vector<16xi32>
      %rev3A_2772 = tpu.dynamic_gather %masked_sort3A_2734[%rev3A_2771] in [0] : vector<16xf32>, vector<16xi32> -> vector<16xf32>
      %rev3A_2773 = arith.constant 15 : i32
      %rev3A_2774 = vector.broadcast %rev3A_2773 : i32 to vector<16xi32>
      %rev3A_2775 = tpu.iota {dimensions = array<i32: 0>} : vector<16xi32>
      %rev3A_2776 = arith.subi %rev3A_2774, %rev3A_2775 : vector<16xi32>
      %rev3A_2777 = tpu.dynamic_gather %masked_sort3A_2715[%rev3A_2776] in [0] : vector<16xf32>, vector<16xi32> -> vector<16xf32>
      %rev3A_2778 = arith.constant 15 : i32
      %rev3A_2779 = vector.broadcast %rev3A_2778 : i32 to vector<16xi32>
      %rev3A_2780 = tpu.iota {dimensions = array<i32: 0>} : vector<16xi32>
      %rev3A_2781 = arith.subi %rev3A_2779, %rev3A_2780 : vector<16xi32>
      %rev3A_2782 = tpu.dynamic_gather %masked_sort3A_2711[%rev3A_2781] in [0] : vector<16xf32>, vector<16xi32> -> vector<16xf32>
      %rev3A_2783 = arith.constant 15 : i32
      %rev3A_2784 = vector.broadcast %rev3A_2783 : i32 to vector<16xi32>
      %rev3A_2785 = tpu.iota {dimensions = array<i32: 0>} : vector<16xi32>
      %rev3A_2786 = arith.subi %rev3A_2784, %rev3A_2785 : vector<16xi32>
      %rev3A_2787 = tpu.dynamic_gather %masked_sort3A_2702[%rev3A_2786] in [0] : vector<16xf32>, vector<16xi32> -> vector<16xf32>
      %rev3A_2788 = arith.constant 15 : i32
      %rev3A_2789 = vector.broadcast %rev3A_2788 : i32 to vector<16xi32>
      %rev3A_2790 = tpu.iota {dimensions = array<i32: 0>} : vector<16xi32>
      %rev3A_2791 = arith.subi %rev3A_2789, %rev3A_2790 : vector<16xi32>
      %rev3A_2792 = tpu.dynamic_gather %masked_sort3A_2698[%rev3A_2791] in [0] : vector<16xf32>, vector<16xi32> -> vector<16xf32>
      %rev3A_2793 = arith.constant 15 : i32
      %rev3A_2794 = vector.broadcast %rev3A_2793 : i32 to vector<16xi32>
      %rev3A_2795 = tpu.iota {dimensions = array<i32: 0>} : vector<16xi32>
      %rev3A_2796 = arith.subi %rev3A_2794, %rev3A_2795 : vector<16xi32>
      %rev3A_2797 = tpu.dynamic_gather %masked_sort3A_2752[%rev3A_2796] in [0] : vector<16xi32>, vector<16xi32> -> vector<16xi32>
      %rev3A_2798 = arith.constant 15 : i32
      %rev3A_2799 = vector.broadcast %rev3A_2798 : i32 to vector<16xi32>
      %rev3A_2800 = tpu.iota {dimensions = array<i32: 0>} : vector<16xi32>
      %rev3A_2801 = arith.subi %rev3A_2799, %rev3A_2800 : vector<16xi32>
      %rev3A_2802 = tpu.dynamic_gather %masked_sort3A_2748[%rev3A_2801] in [0] : vector<16xi32>, vector<16xi32> -> vector<16xi32>
      %rev3A_2803 = arith.constant 15 : i32
      %rev3A_2804 = vector.broadcast %rev3A_2803 : i32 to vector<16xi32>
      %rev3A_2805 = tpu.iota {dimensions = array<i32: 0>} : vector<16xi32>
      %rev3A_2806 = arith.subi %rev3A_2804, %rev3A_2805 : vector<16xi32>
      %rev3A_2807 = tpu.dynamic_gather %masked_sort3A_2739[%rev3A_2806] in [0] : vector<16xi32>, vector<16xi32> -> vector<16xi32>
      %rev3A_2808 = arith.constant 15 : i32
      %rev3A_2809 = vector.broadcast %rev3A_2808 : i32 to vector<16xi32>
      %rev3A_2810 = tpu.iota {dimensions = array<i32: 0>} : vector<16xi32>
      %rev3A_2811 = arith.subi %rev3A_2809, %rev3A_2810 : vector<16xi32>
      %rev3A_2812 = tpu.dynamic_gather %masked_sort3A_2735[%rev3A_2811] in [0] : vector<16xi32>, vector<16xi32> -> vector<16xi32>
      %rev3A_2813 = arith.constant 15 : i32
      %rev3A_2814 = vector.broadcast %rev3A_2813 : i32 to vector<16xi32>
      %rev3A_2815 = tpu.iota {dimensions = array<i32: 0>} : vector<16xi32>
      %rev3A_2816 = arith.subi %rev3A_2814, %rev3A_2815 : vector<16xi32>
      %rev3A_2817 = tpu.dynamic_gather %masked_sort3A_2716[%rev3A_2816] in [0] : vector<16xi32>, vector<16xi32> -> vector<16xi32>
      %rev3A_2818 = arith.constant 15 : i32
      %rev3A_2819 = vector.broadcast %rev3A_2818 : i32 to vector<16xi32>
      %rev3A_2820 = tpu.iota {dimensions = array<i32: 0>} : vector<16xi32>
      %rev3A_2821 = arith.subi %rev3A_2819, %rev3A_2820 : vector<16xi32>
      %rev3A_2822 = tpu.dynamic_gather %masked_sort3A_2712[%rev3A_2821] in [0] : vector<16xi32>, vector<16xi32> -> vector<16xi32>
      %rev3A_2823 = arith.constant 15 : i32
      %rev3A_2824 = vector.broadcast %rev3A_2823 : i32 to vector<16xi32>
      %rev3A_2825 = tpu.iota {dimensions = array<i32: 0>} : vector<16xi32>
      %rev3A_2826 = arith.subi %rev3A_2824, %rev3A_2825 : vector<16xi32>
      %rev3A_2827 = tpu.dynamic_gather %masked_sort3A_2703[%rev3A_2826] in [0] : vector<16xi32>, vector<16xi32> -> vector<16xi32>
      %rev3A_2828 = arith.constant 15 : i32
      %rev3A_2829 = vector.broadcast %rev3A_2828 : i32 to vector<16xi32>
      %rev3A_2830 = tpu.iota {dimensions = array<i32: 0>} : vector<16xi32>
      %rev3A_2831 = arith.subi %rev3A_2829, %rev3A_2830 : vector<16xi32>
      %rev3A_2832 = tpu.dynamic_gather %masked_sort3A_2699[%rev3A_2831] in [0] : vector<16xi32>, vector<16xi32> -> vector<16xi32>
      %le3A_2833 = arith.cmpf ole, %masked_sort3A_2566, %rev3A_2757 : vector<16xf32>
      %select_n3A_2834 = arith.select %le3A_2833, %masked_sort3A_2566, %rev3A_2757 : vector<16xi1>, vector<16xf32>
      %select_n3A_2835 = arith.select %le3A_2833, %masked_sort3A_2567, %rev3A_2797 : vector<16xi1>, vector<16xi32>
      %le3A_2836 = arith.cmpf ole, %masked_sort3A_2570, %rev3A_2762 : vector<16xf32>
      %select_n3A_2837 = arith.select %le3A_2836, %masked_sort3A_2570, %rev3A_2762 : vector<16xi1>, vector<16xf32>
      %select_n3A_2838 = arith.select %le3A_2836, %masked_sort3A_2571, %rev3A_2802 : vector<16xi1>, vector<16xi32>
      %le3A_2839 = arith.cmpf ole, %masked_sort3A_2579, %rev3A_2767 : vector<16xf32>
      %select_n3A_2840 = arith.select %le3A_2839, %masked_sort3A_2579, %rev3A_2767 : vector<16xi1>, vector<16xf32>
      %select_n3A_2841 = arith.select %le3A_2839, %masked_sort3A_2580, %rev3A_2807 : vector<16xi1>, vector<16xi32>
      %le3A_2842 = arith.cmpf ole, %masked_sort3A_2583, %rev3A_2772 : vector<16xf32>
      %select_n3A_2843 = arith.select %le3A_2842, %masked_sort3A_2583, %rev3A_2772 : vector<16xi1>, vector<16xf32>
      %select_n3A_2844 = arith.select %le3A_2842, %masked_sort3A_2584, %rev3A_2812 : vector<16xi1>, vector<16xi32>
      %le3A_2845 = arith.cmpf ole, %masked_sort3A_2602, %rev3A_2777 : vector<16xf32>
      %select_n3A_2846 = arith.select %le3A_2845, %masked_sort3A_2602, %rev3A_2777 : vector<16xi1>, vector<16xf32>
      %select_n3A_2847 = arith.select %le3A_2845, %masked_sort3A_2603, %rev3A_2817 : vector<16xi1>, vector<16xi32>
      %le3A_2848 = arith.cmpf ole, %masked_sort3A_2606, %rev3A_2782 : vector<16xf32>
      %select_n3A_2849 = arith.select %le3A_2848, %masked_sort3A_2606, %rev3A_2782 : vector<16xi1>, vector<16xf32>
      %select_n3A_2850 = arith.select %le3A_2848, %masked_sort3A_2607, %rev3A_2822 : vector<16xi1>, vector<16xi32>
      %le3A_2851 = arith.cmpf ole, %masked_sort3A_2615, %rev3A_2787 : vector<16xf32>
      %select_n3A_2852 = arith.select %le3A_2851, %masked_sort3A_2615, %rev3A_2787 : vector<16xi1>, vector<16xf32>
      %select_n3A_2853 = arith.select %le3A_2851, %masked_sort3A_2616, %rev3A_2827 : vector<16xi1>, vector<16xi32>
      %le3A_2854 = arith.cmpf ole, %masked_sort3A_2619, %rev3A_2792 : vector<16xf32>
      %select_n3A_2855 = arith.select %le3A_2854, %masked_sort3A_2619, %rev3A_2792 : vector<16xi1>, vector<16xf32>
      %select_n3A_2856 = arith.select %le3A_2854, %masked_sort3A_2620, %rev3A_2832 : vector<16xi1>, vector<16xi32>
      %le3A_2857 = arith.cmpf ole, %select_n3A_2834, %select_n3A_2846 : vector<16xf32>
      %select_n3A_2858 = arith.select %le3A_2857, %select_n3A_2834, %select_n3A_2846 : vector<16xi1>, vector<16xf32>
      %select_n3A_2859 = arith.select %le3A_2857, %select_n3A_2835, %select_n3A_2847 : vector<16xi1>, vector<16xi32>
      %select_n3A_2860 = arith.select %le3A_2857, %select_n3A_2846, %select_n3A_2834 : vector<16xi1>, vector<16xf32>
      %select_n3A_2861 = arith.select %le3A_2857, %select_n3A_2847, %select_n3A_2835 : vector<16xi1>, vector<16xi32>
      %le3A_2862 = arith.cmpf ole, %select_n3A_2837, %select_n3A_2849 : vector<16xf32>
      %select_n3A_2863 = arith.select %le3A_2862, %select_n3A_2837, %select_n3A_2849 : vector<16xi1>, vector<16xf32>
      %select_n3A_2864 = arith.select %le3A_2862, %select_n3A_2838, %select_n3A_2850 : vector<16xi1>, vector<16xi32>
      %select_n3A_2865 = arith.select %le3A_2862, %select_n3A_2849, %select_n3A_2837 : vector<16xi1>, vector<16xf32>
      %select_n3A_2866 = arith.select %le3A_2862, %select_n3A_2850, %select_n3A_2838 : vector<16xi1>, vector<16xi32>
      %le3A_2867 = arith.cmpf ole, %select_n3A_2840, %select_n3A_2852 : vector<16xf32>
      %select_n3A_2868 = arith.select %le3A_2867, %select_n3A_2840, %select_n3A_2852 : vector<16xi1>, vector<16xf32>
      %select_n3A_2869 = arith.select %le3A_2867, %select_n3A_2841, %select_n3A_2853 : vector<16xi1>, vector<16xi32>
      %select_n3A_2870 = arith.select %le3A_2867, %select_n3A_2852, %select_n3A_2840 : vector<16xi1>, vector<16xf32>
      %select_n3A_2871 = arith.select %le3A_2867, %select_n3A_2853, %select_n3A_2841 : vector<16xi1>, vector<16xi32>
      %le3A_2872 = arith.cmpf ole, %select_n3A_2843, %select_n3A_2855 : vector<16xf32>
      %select_n3A_2873 = arith.select %le3A_2872, %select_n3A_2843, %select_n3A_2855 : vector<16xi1>, vector<16xf32>
      %select_n3A_2874 = arith.select %le3A_2872, %select_n3A_2844, %select_n3A_2856 : vector<16xi1>, vector<16xi32>
      %select_n3A_2875 = arith.select %le3A_2872, %select_n3A_2855, %select_n3A_2843 : vector<16xi1>, vector<16xf32>
      %select_n3A_2876 = arith.select %le3A_2872, %select_n3A_2856, %select_n3A_2844 : vector<16xi1>, vector<16xi32>
      %le3A_2877 = arith.cmpf ole, %select_n3A_2858, %select_n3A_2868 : vector<16xf32>
      %select_n3A_2878 = arith.select %le3A_2877, %select_n3A_2858, %select_n3A_2868 : vector<16xi1>, vector<16xf32>
      %select_n3A_2879 = arith.select %le3A_2877, %select_n3A_2859, %select_n3A_2869 : vector<16xi1>, vector<16xi32>
      %select_n3A_2880 = arith.select %le3A_2877, %select_n3A_2868, %select_n3A_2858 : vector<16xi1>, vector<16xf32>
      %select_n3A_2881 = arith.select %le3A_2877, %select_n3A_2869, %select_n3A_2859 : vector<16xi1>, vector<16xi32>
      %le3A_2882 = arith.cmpf ole, %select_n3A_2863, %select_n3A_2873 : vector<16xf32>
      %select_n3A_2883 = arith.select %le3A_2882, %select_n3A_2863, %select_n3A_2873 : vector<16xi1>, vector<16xf32>
      %select_n3A_2884 = arith.select %le3A_2882, %select_n3A_2864, %select_n3A_2874 : vector<16xi1>, vector<16xi32>
      %select_n3A_2885 = arith.select %le3A_2882, %select_n3A_2873, %select_n3A_2863 : vector<16xi1>, vector<16xf32>
      %select_n3A_2886 = arith.select %le3A_2882, %select_n3A_2874, %select_n3A_2864 : vector<16xi1>, vector<16xi32>
      %le3A_2887 = arith.cmpf ole, %select_n3A_2878, %select_n3A_2883 : vector<16xf32>
      %select_n3A_2888 = arith.select %le3A_2887, %select_n3A_2878, %select_n3A_2883 : vector<16xi1>, vector<16xf32>
      %select_n3A_2889 = arith.select %le3A_2887, %select_n3A_2879, %select_n3A_2884 : vector<16xi1>, vector<16xi32>
      %select_n3A_2890 = arith.select %le3A_2887, %select_n3A_2883, %select_n3A_2878 : vector<16xi1>, vector<16xf32>
      %select_n3A_2891 = arith.select %le3A_2887, %select_n3A_2884, %select_n3A_2879 : vector<16xi1>, vector<16xi32>
      %masked_sort3A_2892 = arith.constant dense<true> : vector<16xi1>
      %masked_sort3A_2893, %masked_sort3A_2894, %masked_sort3A_2895 = tpu.sort %select_n3A_2888, %select_n3A_2889 masked %masked_sort3A_2892 : (vector<16xf32>, vector<16xi32>, vector<16xi1>) -> (vector<16xi1>, vector<16xf32>, vector<16xi32>)
      %masked_sort3A_2896 = arith.constant dense<true> : vector<16xi1>
      %masked_sort3A_2897, %masked_sort3A_2898, %masked_sort3A_2899 = tpu.sort %select_n3A_2890, %select_n3A_2891 masked %masked_sort3A_2896 : (vector<16xf32>, vector<16xi32>, vector<16xi1>) -> (vector<16xi1>, vector<16xf32>, vector<16xi32>)
      %le3A_2900 = arith.cmpf ole, %select_n3A_2880, %select_n3A_2885 : vector<16xf32>
      %select_n3A_2901 = arith.select %le3A_2900, %select_n3A_2880, %select_n3A_2885 : vector<16xi1>, vector<16xf32>
      %select_n3A_2902 = arith.select %le3A_2900, %select_n3A_2881, %select_n3A_2886 : vector<16xi1>, vector<16xi32>
      %select_n3A_2903 = arith.select %le3A_2900, %select_n3A_2885, %select_n3A_2880 : vector<16xi1>, vector<16xf32>
      %select_n3A_2904 = arith.select %le3A_2900, %select_n3A_2886, %select_n3A_2881 : vector<16xi1>, vector<16xi32>
      %masked_sort3A_2905 = arith.constant dense<true> : vector<16xi1>
      %masked_sort3A_2906, %masked_sort3A_2907, %masked_sort3A_2908 = tpu.sort %select_n3A_2901, %select_n3A_2902 masked %masked_sort3A_2905 : (vector<16xf32>, vector<16xi32>, vector<16xi1>) -> (vector<16xi1>, vector<16xf32>, vector<16xi32>)
      %masked_sort3A_2909 = arith.constant dense<true> : vector<16xi1>
      %masked_sort3A_2910, %masked_sort3A_2911, %masked_sort3A_2912 = tpu.sort %select_n3A_2903, %select_n3A_2904 masked %masked_sort3A_2909 : (vector<16xf32>, vector<16xi32>, vector<16xi1>) -> (vector<16xi1>, vector<16xf32>, vector<16xi32>)
      %le3A_2913 = arith.cmpf ole, %select_n3A_2860, %select_n3A_2870 : vector<16xf32>
      %select_n3A_2914 = arith.select %le3A_2913, %select_n3A_2860, %select_n3A_2870 : vector<16xi1>, vector<16xf32>
      %select_n3A_2915 = arith.select %le3A_2913, %select_n3A_2861, %select_n3A_2871 : vector<16xi1>, vector<16xi32>
      %select_n3A_2916 = arith.select %le3A_2913, %select_n3A_2870, %select_n3A_2860 : vector<16xi1>, vector<16xf32>
      %select_n3A_2917 = arith.select %le3A_2913, %select_n3A_2871, %select_n3A_2861 : vector<16xi1>, vector<16xi32>
      %le3A_2918 = arith.cmpf ole, %select_n3A_2865, %select_n3A_2875 : vector<16xf32>
      %select_n3A_2919 = arith.select %le3A_2918, %select_n3A_2865, %select_n3A_2875 : vector<16xi1>, vector<16xf32>
      %select_n3A_2920 = arith.select %le3A_2918, %select_n3A_2866, %select_n3A_2876 : vector<16xi1>, vector<16xi32>
      %select_n3A_2921 = arith.select %le3A_2918, %select_n3A_2875, %select_n3A_2865 : vector<16xi1>, vector<16xf32>
      %select_n3A_2922 = arith.select %le3A_2918, %select_n3A_2876, %select_n3A_2866 : vector<16xi1>, vector<16xi32>
      %le3A_2923 = arith.cmpf ole, %select_n3A_2914, %select_n3A_2919 : vector<16xf32>
      %select_n3A_2924 = arith.select %le3A_2923, %select_n3A_2914, %select_n3A_2919 : vector<16xi1>, vector<16xf32>
      %select_n3A_2925 = arith.select %le3A_2923, %select_n3A_2915, %select_n3A_2920 : vector<16xi1>, vector<16xi32>
      %select_n3A_2926 = arith.select %le3A_2923, %select_n3A_2919, %select_n3A_2914 : vector<16xi1>, vector<16xf32>
      %select_n3A_2927 = arith.select %le3A_2923, %select_n3A_2920, %select_n3A_2915 : vector<16xi1>, vector<16xi32>
      %masked_sort3A_2928 = arith.constant dense<true> : vector<16xi1>
      %masked_sort3A_2929, %masked_sort3A_2930, %masked_sort3A_2931 = tpu.sort %select_n3A_2924, %select_n3A_2925 masked %masked_sort3A_2928 : (vector<16xf32>, vector<16xi32>, vector<16xi1>) -> (vector<16xi1>, vector<16xf32>, vector<16xi32>)
      %masked_sort3A_2932 = arith.constant dense<true> : vector<16xi1>
      %masked_sort3A_2933, %masked_sort3A_2934, %masked_sort3A_2935 = tpu.sort %select_n3A_2926, %select_n3A_2927 masked %masked_sort3A_2932 : (vector<16xf32>, vector<16xi32>, vector<16xi1>) -> (vector<16xi1>, vector<16xf32>, vector<16xi32>)
      %le3A_2936 = arith.cmpf ole, %select_n3A_2916, %select_n3A_2921 : vector<16xf32>
      %select_n3A_2937 = arith.select %le3A_2936, %select_n3A_2916, %select_n3A_2921 : vector<16xi1>, vector<16xf32>
      %select_n3A_2938 = arith.select %le3A_2936, %select_n3A_2917, %select_n3A_2922 : vector<16xi1>, vector<16xi32>
      %select_n3A_2939 = arith.select %le3A_2936, %select_n3A_2921, %select_n3A_2916 : vector<16xi1>, vector<16xf32>
      %select_n3A_2940 = arith.select %le3A_2936, %select_n3A_2922, %select_n3A_2917 : vector<16xi1>, vector<16xi32>
      %masked_sort3A_2941 = arith.constant dense<true> : vector<16xi1>
      %masked_sort3A_2942, %masked_sort3A_2943, %masked_sort3A_2944 = tpu.sort %select_n3A_2937, %select_n3A_2938 masked %masked_sort3A_2941 : (vector<16xf32>, vector<16xi32>, vector<16xi1>) -> (vector<16xi1>, vector<16xf32>, vector<16xi32>)
      %masked_sort3A_2945 = arith.constant dense<true> : vector<16xi1>
      %masked_sort3A_2946, %masked_sort3A_2947, %masked_sort3A_2948 = tpu.sort %select_n3A_2939, %select_n3A_2940 masked %masked_sort3A_2945 : (vector<16xf32>, vector<16xi32>, vector<16xi1>) -> (vector<16xi1>, vector<16xf32>, vector<16xi32>)
      %swap3A_2949 = arith.index_cast %add3A_1532 : i32 to index
      %swap3A_2950 = arith.constant 0 : index
      %swap3A_2951 = tpu.vector_load %arg8[%swap3A_2949, %swap3A_2950] {strides = array<i32>} : memref<128x128xf32, #tpu.memory_space<vmem>>, vector<16xf32>,
      tpu.vector_store %arg8[%swap3A_2949, %swap3A_2950], %masked_sort3A_2894 {strides = array<i32>} : memref<128x128xf32, #tpu.memory_space<vmem>>, vector<16xf32>,
      %swap3A_2952 = arith.index_cast %add3A_1532 : i32 to index
      %swap3A_2953 = arith.constant 0 : index
      %swap3A_2954 = tpu.vector_load %arg7[%swap3A_2952, %swap3A_2953] {strides = array<i32>} : memref<128x128xi32, #tpu.memory_space<vmem>>, vector<16xi32>,
      tpu.vector_store %arg7[%swap3A_2952, %swap3A_2953], %masked_sort3A_2895 {strides = array<i32>} : memref<128x128xi32, #tpu.memory_space<vmem>>, vector<16xi32>,
      %swap3A_2955 = arith.index_cast %add3A_1532 : i32 to index
      %swap3A_2956 = arith.constant 16 : index
      %swap3A_2957 = tpu.vector_load %arg8[%swap3A_2955, %swap3A_2956] {strides = array<i32>} : memref<128x128xf32, #tpu.memory_space<vmem>>, vector<16xf32>,
      tpu.vector_store %arg8[%swap3A_2955, %swap3A_2956], %masked_sort3A_2898 {strides = array<i32>} : memref<128x128xf32, #tpu.memory_space<vmem>>, vector<16xf32>,
      %swap3A_2958 = arith.index_cast %add3A_1532 : i32 to index
      %swap3A_2959 = arith.constant 16 : index
      %swap3A_2960 = tpu.vector_load %arg7[%swap3A_2958, %swap3A_2959] {strides = array<i32>} : memref<128x128xi32, #tpu.memory_space<vmem>>, vector<16xi32>,
      tpu.vector_store %arg7[%swap3A_2958, %swap3A_2959], %masked_sort3A_2899 {strides = array<i32>} : memref<128x128xi32, #tpu.memory_space<vmem>>, vector<16xi32>,
      %swap3A_2961 = arith.index_cast %add3A_1532 : i32 to index
      %swap3A_2962 = arith.constant 32 : index
      %swap3A_2963 = tpu.vector_load %arg8[%swap3A_2961, %swap3A_2962] {strides = array<i32>} : memref<128x128xf32, #tpu.memory_space<vmem>>, vector<16xf32>,
      tpu.vector_store %arg8[%swap3A_2961, %swap3A_2962], %masked_sort3A_2907 {strides = array<i32>} : memref<128x128xf32, #tpu.memory_space<vmem>>, vector<16xf32>,
      %swap3A_2964 = arith.index_cast %add3A_1532 : i32 to index
      %swap3A_2965 = arith.constant 32 : index
      %swap3A_2966 = tpu.vector_load %arg7[%swap3A_2964, %swap3A_2965] {strides = array<i32>} : memref<128x128xi32, #tpu.memory_space<vmem>>, vector<16xi32>,
      tpu.vector_store %arg7[%swap3A_2964, %swap3A_2965], %masked_sort3A_2908 {strides = array<i32>} : memref<128x128xi32, #tpu.memory_space<vmem>>, vector<16xi32>,
      %swap3A_2967 = arith.index_cast %add3A_1532 : i32 to index
      %swap3A_2968 = arith.constant 48 : index
      %swap3A_2969 = tpu.vector_load %arg8[%swap3A_2967, %swap3A_2968] {strides = array<i32>} : memref<128x128xf32, #tpu.memory_space<vmem>>, vector<16xf32>,
      tpu.vector_store %arg8[%swap3A_2967, %swap3A_2968], %masked_sort3A_2911 {strides = array<i32>} : memref<128x128xf32, #tpu.memory_space<vmem>>, vector<16xf32>,
      %swap3A_2970 = arith.index_cast %add3A_1532 : i32 to index
      %swap3A_2971 = arith.constant 48 : index
      %swap3A_2972 = tpu.vector_load %arg7[%swap3A_2970, %swap3A_2971] {strides = array<i32>} : memref<128x128xi32, #tpu.memory_space<vmem>>, vector<16xi32>,
      tpu.vector_store %arg7[%swap3A_2970, %swap3A_2971], %masked_sort3A_2912 {strides = array<i32>} : memref<128x128xi32, #tpu.memory_space<vmem>>, vector<16xi32>,
      %swap3A_2973 = arith.index_cast %add3A_1532 : i32 to index
      %swap3A_2974 = arith.constant 64 : index
      %swap3A_2975 = tpu.vector_load %arg8[%swap3A_2973, %swap3A_2974] {strides = array<i32>} : memref<128x128xf32, #tpu.memory_space<vmem>>, vector<16xf32>,
      tpu.vector_store %arg8[%swap3A_2973, %swap3A_2974], %masked_sort3A_2930 {strides = array<i32>} : memref<128x128xf32, #tpu.memory_space<vmem>>, vector<16xf32>,
      %swap3A_2976 = arith.index_cast %add3A_1532 : i32 to index
      %swap3A_2977 = arith.constant 64 : index
      %swap3A_2978 = tpu.vector_load %arg7[%swap3A_2976, %swap3A_2977] {strides = array<i32>} : memref<128x128xi32, #tpu.memory_space<vmem>>, vector<16xi32>,
      tpu.vector_store %arg7[%swap3A_2976, %swap3A_2977], %masked_sort3A_2931 {strides = array<i32>} : memref<128x128xi32, #tpu.memory_space<vmem>>, vector<16xi32>,
      %swap3A_2979 = arith.index_cast %add3A_1532 : i32 to index
      %swap3A_2980 = arith.constant 80 : index
      %swap3A_2981 = tpu.vector_load %arg8[%swap3A_2979, %swap3A_2980] {strides = array<i32>} : memref<128x128xf32, #tpu.memory_space<vmem>>, vector<16xf32>,
      tpu.vector_store %arg8[%swap3A_2979, %swap3A_2980], %masked_sort3A_2934 {strides = array<i32>} : memref<128x128xf32, #tpu.memory_space<vmem>>, vector<16xf32>,
      %swap3A_2982 = arith.index_cast %add3A_1532 : i32 to index
      %swap3A_2983 = arith.constant 80 : index
      %swap3A_2984 = tpu.vector_load %arg7[%swap3A_2982, %swap3A_2983] {strides = array<i32>} : memref<128x128xi32, #tpu.memory_space<vmem>>, vector<16xi32>,
      tpu.vector_store %arg7[%swap3A_2982, %swap3A_2983], %masked_sort3A_2935 {strides = array<i32>} : memref<128x128xi32, #tpu.memory_space<vmem>>, vector<16xi32>,
      %swap3A_2985 = arith.index_cast %add3A_1532 : i32 to index
      %swap3A_2986 = arith.constant 96 : index
      %swap3A_2987 = tpu.vector_load %arg8[%swap3A_2985, %swap3A_2986] {strides = array<i32>} : memref<128x128xf32, #tpu.memory_space<vmem>>, vector<16xf32>,
      tpu.vector_store %arg8[%swap3A_2985, %swap3A_2986], %masked_sort3A_2943 {strides = array<i32>} : memref<128x128xf32, #tpu.memory_space<vmem>>, vector<16xf32>,
      %swap3A_2988 = arith.index_cast %add3A_1532 : i32 to index
      %swap3A_2989 = arith.constant 96 : index
      %swap3A_2990 = tpu.vector_load %arg7[%swap3A_2988, %swap3A_2989] {strides = array<i32>} : memref<128x128xi32, #tpu.memory_space<vmem>>, vector<16xi32>,
      tpu.vector_store %arg7[%swap3A_2988, %swap3A_2989], %masked_sort3A_2944 {strides = array<i32>} : memref<128x128xi32, #tpu.memory_space<vmem>>, vector<16xi32>,
      %swap3A_2991 = arith.index_cast %add3A_1532 : i32 to index
      %swap3A_2992 = arith.constant 112 : index
      %swap3A_2993 = tpu.vector_load %arg8[%swap3A_2991, %swap3A_2992] {strides = array<i32>} : memref<128x128xf32, #tpu.memory_space<vmem>>, vector<16xf32>,
      tpu.vector_store %arg8[%swap3A_2991, %swap3A_2992], %masked_sort3A_2947 {strides = array<i32>} : memref<128x128xf32, #tpu.memory_space<vmem>>, vector<16xf32>,
      %swap3A_2994 = arith.index_cast %add3A_1532 : i32 to index
      %swap3A_2995 = arith.constant 112 : index
      %swap3A_2996 = tpu.vector_load %arg7[%swap3A_2994, %swap3A_2995] {strides = array<i32>} : memref<128x128xi32, #tpu.memory_space<vmem>>, vector<16xi32>,
      tpu.vector_store %arg7[%swap3A_2994, %swap3A_2995], %masked_sort3A_2948 {strides = array<i32>} : memref<128x128xi32, #tpu.memory_space<vmem>>, vector<16xi32>,
    }
    %scan3A_20 = arith.constant 64 : i32
    %dma_wait3A = arith.constant 0 : i32
    %dma_wait3A_21 = tpu.memref_slice %arg5[%dma_wait3A] : memref<2064xf32, #tpu.memory_space<vmem>> -> memref<2048xf32, #tpu.memory_space<vmem>>
    %dma_wait3A_22 = arith.constant 0 : i32
    %dma_wait3A_23 = tpu.memref_slice %arg2[%mul3A_2, %dma_wait3A_22] : memref<4096x2048xf32, #tpu.memory_space<hbm>> -> memref<1x2048xf32, #tpu.memory_space<hbm>>
    %dma_wait3A_24 = tpu.memref_squeeze %dma_wait3A_23 : memref<1x2048xf32, #tpu.memory_space<hbm>> -> memref<2048xf32, #tpu.memory_space<hbm>>
    %dma_wait3A_25 = arith.constant 0 : i32
    %dma_wait3A_26 = tpu.memref_slice %arg5[%dma_wait3A_25] : memref<2064xf32, #tpu.memory_space<vmem>> -> memref<2048xf32, #tpu.memory_space<vmem>>
    %dma_wait3A_27 = arith.constant 0 : i32
    %dma_wait3A_28 = tpu.memref_slice %arg2[%mul3A_2, %dma_wait3A_27] : memref<4096x2048xf32, #tpu.memory_space<hbm>> -> memref<1x2048xf32, #tpu.memory_space<hbm>>
    %dma_wait3A_29 = tpu.memref_squeeze %dma_wait3A_28 : memref<1x2048xf32, #tpu.memory_space<hbm>> -> memref<2048xf32, #tpu.memory_space<hbm>>
    tpu.wait_dma2 semaphore(%arg10 : memref<!tpu.dma_semaphore, #tpu.memory_space<semaphore_mem>>) src(%dma_wait3A_29 : memref<2048xf32, #tpu.memory_space<hbm>>) dst(%dma_wait3A_26 : memref<2048xf32, #tpu.memory_space<vmem>>)
    "tpu.region"() ({
      %run_scoped3A = tpu.sem_alloc : memref<!tpu.dma_semaphore, #tpu.memory_space<semaphore_mem>>
      %dma_start3A_30 = arith.constant 0 : i32
      %dma_start3A_31 = tpu.memref_slice %arg3[%mul3A_2, %dma_start3A_30] : memref<4096x128xi32, #tpu.memory_space<hbm>> -> memref<128x128xi32, #tpu.memory_space<hbm>>
      %dma_start3A_32 = arith.constant 0 : i32
      %dma_start3A_33 = tpu.memref_slice %arg3[%mul3A_2, %dma_start3A_32] : memref<4096x128xi32, #tpu.memory_space<hbm>> -> memref<128x128xi32, #tpu.memory_space<hbm>>
      tpu.enqueue_dma source(%arg7 : memref<128x128xi32, #tpu.memory_space<vmem>>) target(%dma_start3A_33 : memref<128x128xi32, #tpu.memory_space<hbm>>) target_semaphore(%run_scoped3A : memref<!tpu.dma_semaphore, #tpu.memory_space<semaphore_mem>>)
      %dma_wait3A_34 = arith.constant 0 : i32
      %dma_wait3A_35 = tpu.memref_slice %arg3[%mul3A_2, %dma_wait3A_34] : memref<4096x128xi32, #tpu.memory_space<hbm>> -> memref<128x128xi32, #tpu.memory_space<hbm>>
      %dma_wait3A_36 = arith.constant 0 : i32
      %dma_wait3A_37 = tpu.memref_slice %arg3[%mul3A_2, %dma_wait3A_36] : memref<4096x128xi32, #tpu.memory_space<hbm>> -> memref<128x128xi32, #tpu.memory_space<hbm>>
      tpu.wait_dma2 semaphore(%run_scoped3A : memref<!tpu.dma_semaphore, #tpu.memory_space<semaphore_mem>>) src(%arg7 : memref<128x128xi32, #tpu.memory_space<vmem>>) dst(%dma_wait3A_37 : memref<128x128xi32, #tpu.memory_space<hbm>>)
      tpu.yield
    }) : () -> ()
    "tpu.region"() ({
      %run_scoped3A = tpu.sem_alloc : memref<!tpu.dma_semaphore, #tpu.memory_space<semaphore_mem>>
      %dma_start3A_30 = arith.constant 0 : i32
      %dma_start3A_31 = tpu.memref_slice %arg4[%mul3A_2, %dma_start3A_30] : memref<4096x128xf32, #tpu.memory_space<hbm>> -> memref<128x128xf32, #tpu.memory_space<hbm>>
      %dma_start3A_32 = arith.constant 0 : i32
      %dma_start3A_33 = tpu.memref_slice %arg4[%mul3A_2, %dma_start3A_32] : memref<4096x128xf32, #tpu.memory_space<hbm>> -> memref<128x128xf32, #tpu.memory_space<hbm>>
      tpu.enqueue_dma source(%arg8 : memref<128x128xf32, #tpu.memory_space<vmem>>) target(%dma_start3A_33 : memref<128x128xf32, #tpu.memory_space<hbm>>) target_semaphore(%run_scoped3A : memref<!tpu.dma_semaphore, #tpu.memory_space<semaphore_mem>>)
      %dma_wait3A_34 = arith.constant 0 : i32
      %dma_wait3A_35 = tpu.memref_slice %arg4[%mul3A_2, %dma_wait3A_34] : memref<4096x128xf32, #tpu.memory_space<hbm>> -> memref<128x128xf32, #tpu.memory_space<hbm>>
      %dma_wait3A_36 = arith.constant 0 : i32
      %dma_wait3A_37 = tpu.memref_slice %arg4[%mul3A_2, %dma_wait3A_36] : memref<4096x128xf32, #tpu.memory_space<hbm>> -> memref<128x128xf32, #tpu.memory_space<hbm>>
      tpu.wait_dma2 semaphore(%run_scoped3A : memref<!tpu.dma_semaphore, #tpu.memory_space<semaphore_mem>>) src(%arg8 : memref<128x128xf32, #tpu.memory_space<vmem>>) dst(%dma_wait3A_37 : memref<128x128xf32, #tpu.memory_space<hbm>>)
      tpu.yield
    }) : () -> ()
    return
  }
}

module attributes {stable_mosaic.version = 14 : i64} {
  func.func @_dist_kernel(%arg0: i32, %arg1: i32, %arg2: memref<1x256x3xf32, #tpu.memory_space<vmem>>, %arg3: memref<1x3x2048xf32, #tpu.memory_space<vmem>>, %arg4: memref<1x256x2048xf32, #tpu.memory_space<vmem>>, %arg5: memref<1x256x1xf32, #tpu.memory_space<vmem>>) attributes {dimension_semantics = [#tpu.dimension_semantics<arbitrary>, #tpu.dimension_semantics<arbitrary>], iteration_bounds = array<i64: 2, 8>, scalar_prefetch = 0 : i64, scratch_operands = 0 : i64, tpu.core_type = #tpu.core_type<tc>, window_params = [{transform_indices = @transform_0, window_bounds = array<i64: 1, 256, 3>}, {transform_indices = @transform_1, window_bounds = array<i64: 1, 3, 2048>}, {transform_indices = @transform_2, window_bounds = array<i64: 1, 256, 2048>}, {transform_indices = @transform_3, window_bounds = array<i64: 1, 256, 1>}]} {
    %get3A = arith.constant 0 : index
    %get3A_0 = arith.constant 0 : index
    %get3A_1 = arith.constant 0 : index
    %get3A_2 = vector.load %arg2[%get3A, %get3A_0, %get3A_1] : memref<1x256x3xf32, #tpu.memory_space<vmem>>, vector<1x256x1xf32>
    %get3A_3 = vector.shape_cast %get3A_2 : vector<1x256x1xf32> to vector<256x1xf32>
    %get3A_4 = arith.constant 0 : index
    %get3A_5 = arith.constant 0 : index
    %get3A_6 = arith.constant 0 : index
    %get3A_7 = vector.load %arg3[%get3A_4, %get3A_5, %get3A_6] : memref<1x3x2048xf32, #tpu.memory_space<vmem>>, vector<1x1x2048xf32>
    %get3A_8 = vector.shape_cast %get3A_7 : vector<1x1x2048xf32> to vector<1x2048xf32>
    %sub3A = vector.broadcast %get3A_3 : vector<256x1xf32> to vector<256x2048xf32>
    %sub3A_9 = vector.broadcast %get3A_8 : vector<1x2048xf32> to vector<256x2048xf32>
    %sub3A_10 = arith.subf %sub3A, %sub3A_9 : vector<256x2048xf32>
    %mul3A = arith.mulf %sub3A_10, %sub3A_10 : vector<256x2048xf32>
    %get3A_11 = arith.constant 0 : index
    %get3A_12 = arith.constant 0 : index
    %get3A_13 = arith.constant 1 : index
    %get3A_14 = vector.load %arg2[%get3A_11, %get3A_12, %get3A_13] : memref<1x256x3xf32, #tpu.memory_space<vmem>>, vector<1x256x1xf32>
    %get3A_15 = vector.shape_cast %get3A_14 : vector<1x256x1xf32> to vector<256x1xf32>
    %get3A_16 = arith.constant 0 : index
    %get3A_17 = arith.constant 1 : index
    %get3A_18 = arith.constant 0 : index
    %get3A_19 = vector.load %arg3[%get3A_16, %get3A_17, %get3A_18] : memref<1x3x2048xf32, #tpu.memory_space<vmem>>, vector<1x1x2048xf32>
    %get3A_20 = vector.shape_cast %get3A_19 : vector<1x1x2048xf32> to vector<1x2048xf32>
    %sub3A_21 = vector.broadcast %get3A_15 : vector<256x1xf32> to vector<256x2048xf32>
    %sub3A_22 = vector.broadcast %get3A_20 : vector<1x2048xf32> to vector<256x2048xf32>
    %sub3A_23 = arith.subf %sub3A_21, %sub3A_22 : vector<256x2048xf32>
    %mul3A_24 = arith.mulf %sub3A_23, %sub3A_23 : vector<256x2048xf32>
    %add3A = arith.addf %mul3A, %mul3A_24 : vector<256x2048xf32>
    %get3A_25 = arith.constant 0 : index
    %get3A_26 = arith.constant 0 : index
    %get3A_27 = arith.constant 2 : index
    %get3A_28 = vector.load %arg2[%get3A_25, %get3A_26, %get3A_27] : memref<1x256x3xf32, #tpu.memory_space<vmem>>, vector<1x256x1xf32>
    %get3A_29 = vector.shape_cast %get3A_28 : vector<1x256x1xf32> to vector<256x1xf32>
    %get3A_30 = arith.constant 0 : index
    %get3A_31 = arith.constant 2 : index
    %get3A_32 = arith.constant 0 : index
    %get3A_33 = vector.load %arg3[%get3A_30, %get3A_31, %get3A_32] : memref<1x3x2048xf32, #tpu.memory_space<vmem>>, vector<1x1x2048xf32>
    %get3A_34 = vector.shape_cast %get3A_33 : vector<1x1x2048xf32> to vector<1x2048xf32>
    %sub3A_35 = vector.broadcast %get3A_29 : vector<256x1xf32> to vector<256x2048xf32>
    %sub3A_36 = vector.broadcast %get3A_34 : vector<1x2048xf32> to vector<256x2048xf32>
    %sub3A_37 = arith.subf %sub3A_35, %sub3A_36 : vector<256x2048xf32>
    %mul3A_38 = arith.mulf %sub3A_37, %sub3A_37 : vector<256x2048xf32>
    %add3A_39 = arith.addf %add3A, %mul3A_38 : vector<256x2048xf32>
    %add3A_40 = arith.constant 9.99999993E-9 : f32
    %add3A_41 = vector.broadcast %add3A_40 : f32 to vector<256x2048xf32>
    %add3A_42 = arith.addf %add3A_39, %add3A_41 : vector<256x2048xf32>
    %lt3A = arith.constant 2.500000e-03 : f32
    %lt3A_43 = vector.broadcast %lt3A : f32 to vector<256x2048xf32>
    %lt3A_44 = arith.cmpf olt, %add3A_42, %lt3A_43 : vector<256x2048xf32>
    %convert_element_type3A = arith.extui %lt3A_44 : vector<256x2048xi1> to vector<256x2048xi32>
    %convert_element_type3A_45 = arith.sitofp %convert_element_type3A : vector<256x2048xi32> to vector<256x2048xf32>
    %reduce_sum3A = arith.constant dense<0.000000e+00> : vector<256xf32>
    %reduce_sum3A_46 = vector.multi_reduction <add>, %convert_element_type3A_45, %reduce_sum3A [1] : vector<256x2048xf32> to vector<256xf32>
    %broadcast_in_dim3A = vector.shape_cast %reduce_sum3A_46 : vector<256xf32> to vector<256x1xf32>
    %swap3A = arith.constant 0 : index
    %swap3A_47 = arith.constant 0 : index
    %swap3A_48 = arith.constant 0 : index
    %swap3A_49 = vector.load %arg5[%swap3A, %swap3A_47, %swap3A_48] : memref<1x256x1xf32, #tpu.memory_space<vmem>>, vector<1x256x1xf32>
    %swap3A_50 = vector.shape_cast %swap3A_49 : vector<1x256x1xf32> to vector<256x1xf32>
    %swap3A_51 = vector.shape_cast %broadcast_in_dim3A : vector<256x1xf32> to vector<1x256x1xf32>
    tpu.vector_store %arg5[%swap3A, %swap3A_47, %swap3A_48], %swap3A_51 {strides = array<i32>} : memref<1x256x1xf32, #tpu.memory_space<vmem>>, vector<1x256x1xf32>,
    %eq3A = arith.constant 0.000000e+00 : f32
    %eq3A_52 = vector.broadcast %eq3A : f32 to vector<256x2048xf32>
    %eq3A_53 = arith.cmpf oeq, %add3A_39, %eq3A_52 : vector<256x2048xf32>
    %jit3A = arith.constant 0x7F800000 : f32
    %broadcast_in_dim3A_54 = vector.broadcast %jit3A : f32 to vector<256x2048xf32>
    %select_n3A = arith.select %eq3A_53, %broadcast_in_dim3A_54, %add3A_42 : vector<256x2048xi1>, vector<256x2048xf32>
    %swap3A_55 = arith.constant 0 : index
    %swap3A_56 = arith.constant 0 : index
    %swap3A_57 = arith.constant 0 : index
    %swap3A_58 = vector.load %arg4[%swap3A_55, %swap3A_56, %swap3A_57] : memref<1x256x2048xf32, #tpu.memory_space<vmem>>, vector<1x256x2048xf32>
    %swap3A_59 = vector.shape_cast %swap3A_58 : vector<1x256x2048xf32> to vector<256x2048xf32>
    %swap3A_60 = vector.shape_cast %select_n3A : vector<256x2048xf32> to vector<1x256x2048xf32>
    tpu.vector_store %arg4[%swap3A_55, %swap3A_56, %swap3A_57], %swap3A_60 {strides = array<i32>} : memref<1x256x2048xf32, #tpu.memory_space<vmem>>, vector<1x256x2048xf32>,
    return
  }
  func.func @transform_0(%arg0: i32, %arg1: i32) -> (i32, i32, i32) {
    %c0_i32 = arith.constant 0 : i32
    %c0_i32_0 = arith.constant 0 : i32
    return %arg0, %arg1, %c0_i32 : i32, i32, i32
  }
  func.func @transform_1(%arg0: i32, %arg1: i32) -> (i32, i32, i32) {
    %c0_i32 = arith.constant 0 : i32
    %c0_i32_0 = arith.constant 0 : i32
    %c0_i32_1 = arith.constant 0 : i32
    return %arg0, %c0_i32, %c0_i32_0 : i32, i32, i32
  }
  func.func @transform_2(%arg0: i32, %arg1: i32) -> (i32, i32, i32) {
    %c0_i32 = arith.constant 0 : i32
    %c0_i32_0 = arith.constant 0 : i32
    return %arg0, %arg1, %c0_i32 : i32, i32, i32
  }
  func.func @transform_3(%arg0: i32, %arg1: i32) -> (i32, i32, i32) {
    %c0_i32 = arith.constant 0 : i32
    %c0_i32_0 = arith.constant 0 : i32
    return %arg0, %arg1, %c0_i32 : i32, i32, i32
  }
}

module attributes {stable_mosaic.version = 14 : i64} {
  func.func @_post_kernel(%arg0: memref<2x2048x1xf32, #tpu.memory_space<vmem>>, %arg1: memref<2x2048x128xf32, #tpu.memory_space<vmem>>, %arg2: memref<1x1xf32, #tpu.memory_space<vmem>>, %arg3: memref<2x2048x128xi8, #tpu.memory_space<vmem>>, %arg4: memref<2x2048x128xf32, #tpu.memory_space<vmem>>) attributes {dimension_semantics = [], scalar_prefetch = 0 : i64, scratch_operands = 0 : i64, tpu.core_type = #tpu.core_type<tc>} {
    %get3A = arith.constant 0 : index
    %get3A_0 = arith.constant 0 : index
    %get3A_1 = arith.constant 0 : index
    %get3A_2 = vector.load %arg0[%get3A, %get3A_0, %get3A_1] : memref<2x2048x1xf32, #tpu.memory_space<vmem>>, vector<2x2048x1xf32>
    %div3A = arith.constant 2.560000e-01 : f32
    %div3A_3 = vector.broadcast %div3A : f32 to vector<2x2048x1xf32>
    %div3A_4 = arith.divf %get3A_2, %div3A_3 : vector<2x2048x1xf32>
    %reduce_sum3A = arith.constant dense<0.000000e+00> : vector<2x1xf32>
    %reduce_sum3A_5 = vector.multi_reduction <add>, %div3A_4, %reduce_sum3A [1] : vector<2x2048x1xf32> to vector<2x1xf32>
    %broadcast_in_dim3A = vector.shape_cast %reduce_sum3A_5 : vector<2x1xf32> to vector<2x1x1xf32>
    %div3A_6 = arith.constant 2.048000e+03 : f32
    %div3A_7 = vector.broadcast %div3A_6 : f32 to vector<2x1x1xf32>
    %div3A_8 = arith.divf %broadcast_in_dim3A, %div3A_7 : vector<2x1x1xf32>
    %get3A_9 = arith.constant 0 : index
    %get3A_10 = arith.constant 0 : index
    %get3A_11 = vector.load %arg2[%get3A_9, %get3A_10] : memref<1x1xf32, #tpu.memory_space<vmem>>, vector<1x1xf32>
    %get3A_12 = vector.extract %get3A_11[0, 0] : f32 from vector<1x1xf32>
    %neg3A = arith.constant 0.000000e+00 : f32
    %neg3A_13 = arith.subf %neg3A, %get3A_12 : f32
    %exp3A = math.exp %neg3A_13 : f32
    %add3A = arith.constant 1.000000e+00 : f32
    %add3A_14 = arith.addf %add3A, %exp3A : f32
    %div3A_15 = arith.constant 1.000000e+00 : f32
    %div3A_16 = arith.divf %div3A_15, %add3A_14 : f32
    %add3A_17 = arith.constant 9.99999993E-9 : f32
    %add3A_18 = vector.broadcast %add3A_17 : f32 to vector<2x2048x1xf32>
    %add3A_19 = arith.addf %div3A_4, %add3A_18 : vector<2x2048x1xf32>
    %div3A_20 = vector.broadcast %div3A_8 : vector<2x1x1xf32> to vector<2x2048x1xf32>
    %div3A_21 = arith.divf %div3A_20, %add3A_19 : vector<2x2048x1xf32>
    %log3A = math.log %div3A_21 : vector<2x2048x1xf32>
    %mul3A = vector.broadcast %div3A_16 : f32 to vector<2x2048x1xf32>
    %mul3A_22 = arith.mulf %mul3A, %log3A : vector<2x2048x1xf32>
    %exp3A_23 = math.exp %mul3A_22 : vector<2x2048x1xf32>
    %mul3A_24 = arith.constant 3.200000e+01 : f32
    %mul3A_25 = vector.broadcast %mul3A_24 : f32 to vector<2x2048x1xf32>
    %mul3A_26 = arith.mulf %mul3A_25, %exp3A_23 : vector<2x2048x1xf32>
    %jit3A = arith.constant 8.000000e+00 : f32
    %jit3A_27 = arith.constant 1.280000e+02 : f32
    %max3A = vector.broadcast %jit3A : f32 to vector<2x2048x1xf32>
    %max3A_28 = arith.maximumf %max3A, %mul3A_26 : vector<2x2048x1xf32>
    %min3A = vector.broadcast %jit3A_27 : f32 to vector<2x2048x1xf32>
    %min3A_29 = arith.minimumf %min3A, %max3A_28 : vector<2x2048x1xf32>
    %convert_element_type3A = arith.fptosi %min3A_29 : vector<2x2048x1xf32> to vector<2x2048x1xi32>
    %iota3A = tpu.iota {dimensions = array<i32: 2>} : vector<2x2048x128xi32>
    %lt3A = vector.broadcast %convert_element_type3A : vector<2x2048x1xi32> to vector<2x2048x128xi32>
    %lt3A_30 = arith.cmpi slt, %iota3A, %lt3A : vector<2x2048x128xi32>
    %convert_element_type3A_31 = arith.extui %lt3A_30 : vector<2x2048x128xi1> to vector<2x2048x128xi8>
    %swap3A = arith.constant 0 : index
    %swap3A_32 = arith.constant 0 : index
    %swap3A_33 = arith.constant 0 : index
    %swap3A_34 = vector.load %arg3[%swap3A, %swap3A_32, %swap3A_33] : memref<2x2048x128xi8, #tpu.memory_space<vmem>>, vector<2x2048x128xi8>
    tpu.vector_store %arg3[%swap3A, %swap3A_32, %swap3A_33], %convert_element_type3A_31 {strides = array<i32>} : memref<2x2048x128xi8, #tpu.memory_space<vmem>>, vector<2x2048x128xi8>,
    %get3A_35 = arith.constant 0 : index
    %get3A_36 = arith.constant 0 : index
    %get3A_37 = arith.constant 0 : index
    %get3A_38 = vector.load %arg1[%get3A_35, %get3A_36, %get3A_37] : memref<2x2048x128xf32, #tpu.memory_space<vmem>>, vector<2x2048x128xf32>
    %sqrt3A = math.sqrt %get3A_38 : vector<2x2048x128xf32>
    %swap3A_39 = arith.constant 0 : index
    %swap3A_40 = arith.constant 0 : index
    %swap3A_41 = arith.constant 0 : index
    %swap3A_42 = vector.load %arg4[%swap3A_39, %swap3A_40, %swap3A_41] : memref<2x2048x128xf32, #tpu.memory_space<vmem>>, vector<2x2048x128xf32>
    tpu.vector_store %arg4[%swap3A_39, %swap3A_40, %swap3A_41], %sqrt3A {strides = array<i32>} : memref<2x2048x128xf32, #tpu.memory_space<vmem>>, vector<2x2048x128xf32>,
    return
  }
}

</mosaic_0001>

<sc_bundles>
// kernel: kernel.5.cloned.1.call-start
scs
__scs_entry_jumppad:
0x0: {  	(pc) =	sbr.rel $0x88, $3  }
0x1: {  	(tag) =	ssettag $0x0;
	lr =	simm.s32 $0x1  }
0x2: {  	[smem:$0x3F9E] =	sst lr;
	_ =	strace $0xD0000000  }
0x3: {  	_ = 	snop  }
0x4: {  	_ = 	snop  }
0x5: {  	_ = 	snop  }
0x6: {  	_ = 	snop  }
0x7: {  	_ = 	snop  }
__scs_overlays_trampoline_lowered:
0x8: {  	[smem:$0x3FAD] =	sst s0  }
0x9: {  	[smem:$0x3FAE] =	sst s1  }
0xa: {  	[smem:$0x3FAF] =	sst s2  }
0xb: {  	[smem:$0x3FB0] =	sst s3  }
0xc: {  	[smem:$0x3FB1] =	sst s4  }
0xd: {  	[smem:$0x3FB2] =	sst s5  }
0xe: {  	[smem:$0x3FB3] =	sst s6  }
0xf: {  	[smem:$0x3FB4] =	sst s7  }
0x10: {  	[smem:$0x3FB5] =	sst s8  }
0x11: {  	[smem:$0x3FB6] =	sst s9;
	s0 =	simm.s32 @!p0 $0x0  }
0x12: {  	s1 =	sld [smem:$0x3F9C];
	s0 =	simm.s32 @p0 $0x1  }
0x13: {  	[smem:$0x3FB7] =	sst s0;
	s0 =	simm.s32 @!p1 $0x0  }
0x14: {  	s2 =	sld [smem:$0x3F9B];
	s0 =	simm.s32 @p1 $0x1  }
0x15: {  	[smem:$0x3FB8] =	sst s0;
	s0 =	simm.s32 @!p2 $0x0  }
0x16: {  	s3 =	sld [smem:$0x3FDB];
	s0 =	simm.s32 @p2 $0x1  }
0x17: {  	s4 =	simm.s32 $0x1BF5;
	[smem:$0x3FBA] =	sst s0  }
0x18: {  	s0 =	sld [smem:$0x3F9D];
	_ =	swait.ge [sflag:s4], $0x0  }
0x19: {  	s7 =	sld [smem:$0x3F9E]  }
0x1a: {  	s8 =	sadd.s32 $0xFFFFE003, lr  }
0x1b: {  	s9 =	sadd.s32 $0xFFFFFEF7, lr;
	s5 =	simm.s32 $0xFFFFFFFF;
	p2 =	slt.u32 s8, $0xFFFFF086  }
0x1c: {  	p1 =	slt.u32 s9, $0xF7A;
	s5 =	simm.s32 @!p2 $0x0  }
0x1d: {  	s5 =	simm.s32 @p1 $0x1;
	p0 =	seq.s32 s7, s2  }
0x1e: {  	s7 =	smul.u32 @!p0 $0xF7A, s2;
	p2 =	seq.s32 @!p0 s5, $0x0  }
0x1f: {  	s9 =	smul.u32 $0xF7A, s1;
	s8 =	simm.s32 @!p0 $0x1BF5;
	p2 =	por !p2, p0  }
0x20: {  	[sflag:s8] =	ssyncset.s32 @!p0 $0xFFFFF086;
	s6 =	sadd.s32 @!p0 s3, s7;
	s7 =	simm.s32 @!p0 $0x108  }
0x21: {  	s3 =	sadd.s32 s3, s9;
	s6 =	sadd.s32 @!p0 $0x88, s6;
	s7 =	simm.s32 @p2 $0x1082  }
0x22: {  	[simem:s7], [sflag:s8] =	dma.local @!p0 [hbm:s6], $0xF7A  }
0x23: {  	s9 =	sor.u32 $0xD0000000, s2;
	s6 =	simm.s32 $0x108;
	_ =	swait.ge @!p0 [sflag:s8], $0x0  }
0x24: {  	s3 =	sadd.s32 $0x88, s3;
	s6 =	simm.s32 @!p1 $0x1082;
	[sflag:s4] =	ssyncset.s32 $0xFFFFF086  }
0x25: {  	[simem:s6], [sflag:s4] =	dma.local [hbm:s3], $0xF7A  }
0x26: {  	[smem:$0x3F9E] =	sst s1;
	(tag) =	ssettag s2;
	_ =	strace s9  }
0x27: {  	s1 =	sld [smem:$0x3FAE]  }
0x28: {  	s2 =	sld [smem:$0x3FAF]  }
0x29: {  	s4 =	sld [smem:$0x3FB1]  }
0x2a: {  	p0 =	seq.s32 s5, $0x0;
	s5 =	sld [smem:$0x3FB2]  }
0x2b: {  	s6 =	sld [smem:$0x3FB3]  }
0x2c: {  	s7 =	sld [smem:$0x3FB4]  }
0x2d: {  	s3 =	simm.s32 $0x108;
	s8 =	sld [smem:$0x3FB5]  }
0x2e: {  	s3 =	simm.s32 @!p0 $0x1082;
	s9 =	sld [smem:$0x3FB6]  }
0x2f: {  	lr =	sadd.s32 s0, s3;
	s0 =	sld [smem:$0x3FAD]  }
0x30: {  	s3 =	sld [smem:$0x3FB0]  }
0x31: {  	[smem:$0x3FB9] =	sst s10  }
0x32: {  	s10 =	sld [smem:$0x3FB7];
	_ =	sdelay $0x3  }
0x33: {  	p0 =	seq.s32 s10, $0x1;
	s10 =	sld [smem:$0x3FB9];
	_ =	sdelay $0x3  }
0x34: {  	[smem:$0x3FB9] =	sst s10  }
0x35: {  	s10 =	sld [smem:$0x3FB8];
	_ =	sdelay $0x3  }
0x36: {  	p1 =	seq.s32 s10, $0x1;
	s10 =	sld [smem:$0x3FB9];
	_ =	sdelay $0x3  }
0x37: {  	[smem:$0x3FB9] =	sst s10  }
0x38: {  	s10 =	sld [smem:$0x3FBA]  }
0x39: {  	_ = 	snop;
	(pc) =	sbr.ind lr, $3  }
0x3a: {  	_ = 	snop  }
0x3b: {  	_ = 	snop  }
0x3c: {  	p2 =	seq.s32 s10, $0x1;
	s10 =	sld [smem:$0x3FB9]  }
0x3d: {  	_ =	shalt  }
0x3e: {  	_ =	shalt  }
0x3f: {  	_ =	shalt  }
0x40: {  	_ =	shalt  }
0x41: {  	_ =	shalt  }
0x42: {  	_ =	shalt  }
0x43: {  	_ =	shalt  }
0x44: {  	_ =	shalt  }
0x45: {  	_ =	shalt  }
0x46: {  	_ =	shalt  }
0x47: {  	_ =	shalt  }
0x48: {  	_ =	shalt  }
0x49: {  	_ =	shalt  }
0x4a: {  	_ =	shalt  }
0x4b: {  	_ =	shalt  }
0x4c: {  	_ =	shalt  }
0x4d: {  	_ =	shalt  }
0x4e: {  	_ =	shalt  }
0x4f: {  	_ =	shalt  }
0x50: {  	_ =	shalt  }
0x51: {  	_ =	shalt  }
0x52: {  	_ =	shalt  }
0x53: {  	_ =	shalt  }
0x54: {  	_ =	shalt  }
0x55: {  	_ =	shalt  }
0x56: {  	_ =	shalt  }
0x57: {  	_ =	shalt  }
0x58: {  	_ =	shalt  }
0x59: {  	_ =	shalt  }
0x5a: {  	_ =	shalt  }
0x5b: {  	_ =	shalt  }
0x5c: {  	_ =	shalt  }
0x5d: {  	_ =	shalt  }
0x5e: {  	_ =	shalt  }
0x5f: {  	_ =	shalt  }
0x60: {  	_ =	shalt  }
0x61: {  	_ =	shalt  }
0x62: {  	_ =	shalt  }
0x63: {  	_ =	shalt  }
0x64: {  	_ =	shalt  }
0x65: {  	_ =	shalt  }
0x66: {  	_ =	shalt  }
0x67: {  	_ =	shalt  }
0x68: {  	_ =	shalt  }
0x69: {  	_ =	shalt  }
0x6a: {  	_ =	shalt  }
0x6b: {  	_ =	shalt  }
0x6c: {  	_ =	shalt  }
0x6d: {  	_ =	shalt  }
0x6e: {  	_ =	shalt  }
0x6f: {  	_ =	shalt  }
0x70: {  	_ =	shalt  }
0x71: {  	_ =	shalt  }
0x72: {  	_ =	shalt  }
0x73: {  	_ =	shalt  }
0x74: {  	_ =	shalt  }
0x75: {  	_ =	shalt  }
0x76: {  	_ =	shalt  }
0x77: {  	_ =	shalt  }
0x78: {  	_ =	shalt  }
0x79: {  	_ =	shalt  }
0x7a: {  	_ =	shalt  }
0x7b: {  	_ =	shalt  }
0x7c: {  	_ =	shalt  }
0x7d: {  	_ =	shalt  }
0x7e: {  	_ =	shalt  }
0x7f: {  	_ =	shalt  }
0x80: {  	_ =	shalt  }
0x81: {  	_ =	shalt  }
0x82: {  	_ =	shalt  }
0x83: {  	_ =	shalt  }
0x84: {  	_ =	shalt  }
0x85: {  	_ =	shalt  }
0x86: {  	_ =	shalt  }
0x87: {  	_ =	shalt  }
.Lfunc_end0:
.L_simem_size_0:
called_computation_lowered:
.L_overlay_start_0:
0x88: {  	s2 =	sld [smem:$0x3FD9]  }
0x89: {  	s3 =	sld [smem:$0x3FFE];
	_ =	sdelay $0x1  }
0x8a: {  	s1 =	srdreg.scid  }
0x8b: {  	s0 =	sand.u32 $0x1, s1  }
0x8c: {  	s14 =	sshll.u32 s0, $0xA;
	s2 =	sadd.s32 s3, s2  }
0x8d: {  	s2 =	sadd.s32 s2, s14  }
0x8e: {  	[smem:$0x3FC5] =	sst s2  }
0x8f: {  	_ = 	snop  }
0x90: {  	s2 =	sld [smem:$0x3FD0];
	_ =	sdelay $0x2  }
0x91: {  	s15 =	simm.s32 $0xA;
	s4 =	simm.s32 $0x10  }
0x92: {  	[smem:s4], [sflag:s15] =	dma.local [hbm:s2], $0x1  }
0x93: {  	_ =	swait.eq [sflag:s15], $0x1  }
0x94: {  	[sflag:s15] =	ssyncset.done $0x0  }
0x95: {  	s16 =	sld [smem:$0x10];
	[sflag:s15] =	ssyncadd.s32 $0xFFFFFFFF  }
0x96: {  	s17 =	sld [smem:$0x12];
	(tm) =	ssettm $0x1  }
0x97: {  	s18 =	sld [smem:$0x3FFB];
	_ =	sdelay $0x3  }
0x98: {  	_ =	strace s18  }
0x99: {  	s4 =	sld [smem:$0x3FFC];
	_ =	sdelay $0x3  }
0x9a: {  	_ =	strace s4  }
0x9b: {  	s4 =	sld [smem:$0x3FFD];
	_ =	sdelay $0x3  }
0x9c: {  	_ =	strace s4  }
0x9d: {  	_ =	strace $0x8FFFFFFF  }
0x9e: {  	s19 =	sld [smem:$0x3FDB];
	_ =	sdelay $0x1  }
0x9f: {  	s5 =	simm.s32 $_scs_section_size  }
0xa0: {  	s6 =	simm.s32 $_size__tile_overlayer_lowered;
	s7 =	simm.s32 $_tile_overlayer_lowered  }
0xa1: {  	s22 =	simm.s32 $0x1BFF;
	s21 =	sshll.u32 s7, $0x1;
	s4 =	sadd.s32 s5, s19  }
0xa2: {  	s8 =	simm.s32 $0x0;
	s20 =	sshll.u32 s6, $0x1;
	s6 =	sadd.s32 s21, s4  }
0xa3: {  	[timem:s8], [sflag:s22] =	dma.local [hbm:s6], s20  }
0xa4: {  	_ =	swait.ge [sflag:s22], s20  }
0xa5: {  	s5 =	ssub.s32 $0x0, s20;
	[sflag:s22] =	ssyncset.done $0x0  }
0xa6: {  	[sflag:s22] =	ssyncadd.s32 s5;
	_ =	sdelay $0x1  }
0xa7: {  	s23 =	simm.s32 $0x1B8B  }
0xa8: {  	_ =	swait.ge [sflag:s23], $0x1  }
0xa9: {  	[sflag:s23] =	ssyncset.done $0x0  }
0xaa: {  	s25 =	simm.s32 $0x1B8E;
	s24 =	sld [smem:$0x3FFE];
	[sflag:s23] =	ssyncadd.s32 $0xFFFFFFFF  }
0xab: {  	s26 =	simm.s32 $execute0_lowered;
	[smem:$0x3FD2] =	sst s25  }
0xac: {  	s6 =	sshll.u32 s26, $0x1;
	_ =	strace $0x80000046;
	[dreg:$0x1] =	wrdreg $0xFFFFFFFF  }
0xad: {  	s28 =	simm.s32 $_size_execute0_lowered;
	s4 =	sadd.s32 s4, s6;
	[dreg:$0x0] =	wrdreg $0x0  }
0xae: {  	s6 =	sshll.u32 s28, $0x1;
	[dreg:$0x2] =	wrdreg s4  }
0xaf: {  	[dreg:$0x3] =	wrdreg s6  }
0xb0: {  	[dreg:$0x4] =	wrdreg $0xC0  }
0xb1: {  	_ =	task [dreg:s8], $0x5FFFF  }
0xb2: {  	[dreg:$0x1] =	wrdreg $0xFFFFFFFF  }
0xb3: {  	[dreg:$0x0] =	wrdreg $0x60  }
0xb4: {  	[dreg:$0x2] =	wrdreg s24  }
0xb5: {  	[dreg:$0x3] =	wrdreg s16  }
0xb6: {  	[dreg:$0x4] =	wrdreg s17  }
0xb7: {  	[dreg:$0x5] =	wrdreg $0x9  }
0xb8: {  	_ =	task.clear_ibuf [dreg:s8], $0x6FFFF;
	_ =	strace $0x90000046  }
0xb9: {  	s29 =	simm.s32 $0x9;
	_ =	strace $0x80000048  }
0xba: {  	_ =	swait.ge [sflag:s29], $0x1  }
0xbb: {  	[sflag:s29] =	ssyncadd.s32 $0xFFFFFFFF  }
0xbc: {  	_ =	strace $0x90000048  }
0xbd: {  	_ =	sfence  }
0xbe: {  	s30 =	sld [smem:$0x0];
	_ =	sdelay $0x2  }
0xbf: {  	s31 =	sshll.u32 s1, $0xD;
	s1 =	sshrl.u32 s1, $0x2  }
0xc0: {  	s3 =	sand.u32 $0x4000, s31;
	s1 =	sadd.s32 s1, s30  }
0xc1: {  	s0 =	sor.u32 s3, s0;
	s1 =	sshll.u32 s1, $0x11  }
0xc2: {  	s0 =	sor.u32 s1, s0  }
0xc3: {  	s0 =	sadd.s32 $0x8F2B, s0  }
0xc4: {  	[sflag:s0] =	ssyncadd.remote.s32 $0x1  }
0xc5: {  	_ =	sfence.sel $0xFFFF  }
0xc6: {  	[dreg:$0x0] =	wrdreg $0xFFFFFFFF;
	(pc) =	sbr.abs _section_cstart, $3  }
0xc7: {  	[dreg:$0x1] =	wrdreg $0xFFFFFFFF  }
0xc8: {  	_ =	task.clear_ibuf [dreg:s8], $0x2FFFF;
	_ =	strace $0x9FFFFFFF  }
0xc9: {  	(tm) =	ssettm $0x7FFFFFFF  }
tec
execute0_lowered:
.L_overlay_start_1:
0x0: {  	(tag) =	ssettag $0x1  }
0x1: {  	s3 =	rddreg [dreg:$0x0]  }
0x2: {  	s6 =	rddreg [dreg:$0x1]  }
0x3: {  	s7 =	rddreg [dreg:$0x2]  }
0x4: {  	s0 =	rddreg [dreg:$0x3]  }
0x5: {  	s2 =	simm.s32 $0x0;
	s4 =	srdreg.scid;
	s1 =	stileid.u32  }
0x6: {  	s11 =	simm.s32 $0x1;
	s12 =	simm.s32 $0x880;
	s13 =	simm.s32 $0x9100  }
0x7: {  	s14 =	simm.s32 $0x2;
	s15 =	simm.s32 $0x1100;
	s16 =	simm.s32 $0x3  }
0x8: {  	s17 =	simm.s32 $0x5100;
	s18 =	simm.s32 $0x0;
	[smem:$0x7FF] =	sst s2  }
0x9: {  	s4 =	sand.u32 $0x1, s4;
	s5 =	sshll.u32 s1, $0x8;
	s3 =	sadd.s32 $0x1000, s3  }
.Ltmp0:
0xa: {  	s8 =	sshll.u32 s4, $0x7;
	s9 =	ssub.s32 $0x2, s4;
	(pc) =	sbr.rel .LBB2_1-.Ltmp0, $4  }
0xb: {  	v0 =	vlaneseq.u32;
	_ =	strace $0x80000047;
	s4 =	sor.u32 s8, s5;
	s31 =	sshrl.u32 s9, $0x1  }
0xc: {  	v2 =	vmul.u32 $0xFFFFFFFF, v0;
	s8 =	sshll.u32 s4, $0x8;
	s10 =	sshll.u32 s4, $0x4;
	s9 =	ssub.s32 s9, s31  }
0xd: {  	v1 =	vimm.f32 $+Inf;
	vm0 =	vcmask $0x1B20;
	s5 =	sadd.s32 s3, s8;
	s6 =	sadd.s32 s6, s10;
	s7 =	sadd.s32 s7, s10  }
0xe: {  	v3 =	vimm.s32 $0x800;
	v4 =	vimm.s32 $0x0;
	v2 =	vadd.s32 $0xF, v2;
	s8 =	smax.u32 s9, $0x1;
	s9 =	simm.s32 $0x80;
	s10 =	simm.s32 $0x400  }
.LBB2_17:
0xf: {  	_ =	swait.ge [sflag:s11], $0x800  }
0x10: {  	[sflag:s11] =	ssyncset.done $0x0  }
0x11: {  	[sflag:s11] =	ssyncadd.s32 $0xFFFFF800  }
0x12: {  	[hbm4b:s6+s2] =	stream.linear.scatter [tilespmem:s15], [sflag:$0x3], $0x4000, $0x38;
	[tilespmem:$0x9980] =	vst v63  }
0x13: {  	s18 =	sadd.s32 $0x1, s18;
	_ =	swait.ge [sflag:s16], $0x4000  }
0x14: {  	p0 =	sne.s32 s18, s8;
	[sflag:s16] =	ssyncset.done $0x0  }
.Ltmp1:
0x15: {  	[sflag:s16] =	ssyncadd.s32 $0xFFFFC000;
	(pc) =	sbr.rel @!p0 .LBB2_18-.Ltmp1, $4  }
0x16: {  	[hbm4b:s7+s2] =	stream.linear.scatter [tilespmem:s17], [sflag:$0x3], $0x4000, $0x38;
	[tilespmem:$0x9980] =	vst v63  }
0x17: {  	_ =	swait.ge [sflag:s16], $0x4000  }
0x18: {  	[sflag:s16] =	ssyncset.done $0x0  }
0x19: {  	[sflag:s16] =	ssyncadd.s32 $0xFFFFC000  }
.LBB2_1:
.Ltmp2:
0x1a: {  	(pc) =	sbr.rel .LBB2_2-.Ltmp2, $4  }
0x1b: {  	_ = 	snop  }
0x1c: {  	[tilespmem:$0x800] =	vst v1  }
0x1d: {  	[tilespmem:$0x1080] =	vst v1;
	s19 =	simm.s32 $0x0  }
0x1e: {  	[tilespmem:s2], [sflag:$0x1] =	stream.strided.gather [hbm4b:s5+s9], $0x800, s10, s9, $0x38;
	[tilespmem:$0x9980] =	vst v63  }
.LBB2_16:
0x1f: {  	v5 =	vld [tilespmem:$0x9100]  }
0x20: {  	v6 =	vld [tilespmem:$0x9110]  }
0x21: {  	v7 =	vld [tilespmem:$0x9120]  }
0x22: {  	v8 =	vld [tilespmem:$0x9130]  }
0x23: {  	v9 =	vld [tilespmem:$0x9140]  }
0x24: {  	v10 =	vld [tilespmem:$0x9150]  }
0x25: {  	v11 =	vld [tilespmem:$0x9160]  }
0x26: {  	v12 =	vld [tilespmem:$0x9170]  }
0x27: {  	v13 =	vld [tilespmem:$0x9180]  }
0x28: {  	v14 =	vld [tilespmem:$0x9190]  }
0x29: {  	v15 =	vld [tilespmem:$0x91A0]  }
0x2a: {  	v16 =	vld [tilespmem:$0x91B0]  }
0x2b: {  	v17 =	vld.idx.msk [tilespmem:v5+s12+$0x0], $0xffff  }
0x2c: {  	v18 =	vld.idx.msk [tilespmem:v6+s12+$0x0], $0xffff  }
0x2d: {  	v19 =	vld [tilespmem:$0x91C0]  }
0x2e: {  	v20 =	vld.idx.msk [tilespmem:v7+s12+$0x0], $0xffff  }
0x2f: {  	v21 =	vld.idx.msk [tilespmem:v8+s12+$0x0], $0xffff  }
0x30: {  	v22 =	vld [tilespmem:$0x91D0];
	(xrf1) =	vsort.ascd.msk.f32 $0xffff, v17, v5  }
0x31: {  	v5 =	vld.idx.msk [tilespmem:v9+s12+$0x0], $0xffff;
	(xrf1) =	vsort.ascd.msk.f32 $0xffff, v18, v6  }
0x32: {  	v6 =	vld.idx.msk [tilespmem:v10+s12+$0x0], $0xffff  }
0x33: {  	v48 =	vld [tilespmem:$0x91E0];
	(xrf1) =	vsort.ascd.msk.f32 $0xffff, v20, v7  }
0x34: {  	v7 =	vld.idx.msk [tilespmem:v11+s12+$0x0], $0xffff;
	(xrf1) =	vsort.ascd.msk.f32 $0xffff, v21, v8  }
0x35: {  	v49 =	vld.idx.msk [tilespmem:v12+s12+$0x0], $0xffff  }
0x36: {  	v50 =	vld [tilespmem:$0x91F0];
	(xrf1) =	vsort.ascd.msk.f32 $0xffff, v5, v9  }
0x37: {  	v5 =	vld.idx.msk [tilespmem:v13+s12+$0x0], $0xffff;
	(xrf1) =	vsort.ascd.msk.f32 $0xffff, v6, v10  }
0x38: {  	v6 =	vld.idx.msk [tilespmem:v14+s12+$0x0], $0xffff  }
0x39: {  	v51 =	vld.idx.msk [tilespmem:v15+s12+$0x0], $0xffff;
	(xrf1) =	vsort.ascd.msk.f32 $0xffff, v7, v11  }
0x3a: {  	v7 =	vld.idx.msk [tilespmem:v16+s12+$0x0], $0xffff;
	(xrf1) =	vsort.ascd.msk.f32 $0xffff, v49, v12  }
0x3b: {  	v52 =	vld.idx.msk [tilespmem:v19+s12+$0x0], $0xffff  }
0x3c: {  	v53 =	vld.idx.msk [tilespmem:v22+s12+$0x0], $0xffff;
	(xrf1) =	vsort.ascd.msk.f32 $0xffff, v5, v13  }
0x3d: {  	v5 =	vld.idx.msk [tilespmem:v48+s12+$0x0], $0xffff;
	(xrf1) =	vsort.ascd.msk.f32 $0xffff, v6, v14  }
0x3e: {  	v6 =	vld.idx.msk [tilespmem:v50+s12+$0x0], $0xffff;
	v54, v55, _ =	vpop (xrf1);
	(xrf1) =	vsort.ascd.msk.f32 $0xffff, v51, v15  }
0x3f: {  	v57, v56, _ =	vpop (xrf1);
	(xrf1) =	vsort.ascd.msk.f32 $0xffff, v7, v16  }
0x40: {  	(xrf1) =	vsort.ascd.msk.f32 $0xffff, v52, v19;
	v7 =	vperm.xlane v57, v2  }
0x41: {  	v58, v59, _ =	vpop (xrf1);
	(xrf1) =	vsort.ascd.msk.f32 $0xffff, v53, v22  }
0x42: {  	v61, v60, _ =	vpop (xrf1);
	(xrf1) =	vsort.ascd.msk.f32 $0xffff, v5, v48;
	v5 =	vperm.xlane v56, v2;
	vm1 =	vle.f32 v54, v7  }
0x43: {  	v10 =	vperm.xlane v61, v2;
	(xrf1) =	vsort.ascd.msk.f32 $0xffff, v6, v50;
	v6 =	vsel vm1, v54, v7  }
0x44: {  	v63, v62, _ =	vpop (xrf1);
	v7 =	vsel vm1, v7, v54;
	v20 =	vsel vm1, v55, v5;
	v5 =	vsel vm1, v5, v55  }
0x45: {  	v21, v22, _ =	vpop (xrf1);
	vm1 =	vle.f32 v58, v10;
	(xrf1) =	vsort.ascd.msk.f32 $0xffff, v6, v20;
	v6 =	vperm.xlane v60, v2  }
0x46: {  	v8 =	vsel vm1, v10, v58;
	(xrf1) =	vsort.ascd.msk.f32 $0xffff, v7, v5;
	v7 =	vperm.xlane v21, v2  }
0x47: {  	v24, v23, _ =	vpop (xrf1);
	v5 =	vsel vm1, v58, v10;
	v25 =	vsel vm1, v59, v6;
	v6 =	vsel vm1, v6, v59  }
0x48: {  	v27, v26, _ =	vpop (xrf1);
	(xrf1) =	vsort.ascd.msk.f32 $0xffff, v5, v25;
	v5 =	vperm.xlane v22, v2;
	vm1 =	vle.f32 v63, v7  }
0x49: {  	v28 =	vperm.xlane v27, v2;
	(xrf1) =	vsort.ascd.msk.f32 $0xffff, v8, v6;
	v6 =	vsel vm1, v63, v7  }
0x4a: {  	v7 =	vsel vm1, v7, v63;
	v31 =	vsel vm1, v62, v5;
	v5 =	vsel vm1, v5, v62  }
0x4b: {  	v30, v29, _ =	vpop (xrf1);
	vm1 =	vle.f32 v24, v28;
	(xrf1) =	vsort.ascd.msk.f32 $0xffff, v6, v31;
	v6 =	vperm.xlane v26, v2  }
0x4c: {  	v32, v33, _ =	vpop (xrf1);
	v8 =	vsel vm1, v28, v24;
	(xrf1) =	vsort.ascd.msk.f32 $0xffff, v7, v5  }
0x4d: {  	v5 =	vsel vm1, v24, v28;
	v7 =	vperm.xlane v32, v2;
	v34, v35, _ =	vpop (xrf1);
	v36 =	vsel vm1, v23, v6  }
0x4e: {  	v6 =	vsel vm1, v6, v23;
	v37, v38, _ =	vpop (xrf1);
	(xrf1) =	vsort.ascd.msk.f32 $0xffff, v5, v36;
	v5 =	vperm.xlane v33, v2  }
0x4f: {  	vm1 =	vle.f32 v30, v7;
	v39 =	vperm.xlane v37, v2;
	v41, v40, _ =	vpop (xrf1);
	(xrf1) =	vsort.ascd.msk.f32 $0xffff, v8, v6  }
0x50: {  	v6 =	vsel vm1, v30, v7;
	v7 =	vsel vm1, v7, v30;
	v43, v44, _ =	vpop (xrf1);
	v42 =	vsel vm1, v29, v5  }
0x51: {  	v5 =	vsel vm1, v5, v29;
	vm1 =	vle.f32 v34, v39;
	v46, v45, _ =	vpop (xrf1);
	(xrf1) =	vsort.ascd.msk.f32 $0xffff, v6, v42  }
0x52: {  	v6 =	vperm.xlane v38, v2;
	v8 =	vsel vm1, v39, v34;
	v48, v49, _ =	vpop (xrf1);
	(xrf1) =	vsort.ascd.msk.f32 $0xffff, v7, v5  }
0x53: {  	v5 =	vsel vm1, v34, v39;
	v7 =	vperm.xlane v43, v2;
	v52 =	vperm.xlane v48, v2  }
0x54: {  	v56 =	vperm.xlane v49, v2;
	v47 =	vsel vm1, v35, v6;
	v6 =	vsel vm1, v6, v35  }
0x55: {  	(xrf1) =	vsort.ascd.msk.f32 $0xffff, v5, v47;
	v5 =	vperm.xlane v44, v2;
	vm1 =	vle.f32 v41, v7  }
0x56: {  	v51, v50, _ =	vpop (xrf1);
	(xrf1) =	vsort.ascd.msk.f32 $0xffff, v8, v6;
	v6 =	vsel vm1, v41, v7;
	v7 =	vsel vm1, v7, v41  }
0x57: {  	v54, v53, _ =	vpop (xrf1);
	v55 =	vsel vm1, v40, v5;
	v5 =	vsel vm1, v5, v40;
	vm1 =	vle.f32 v46, v52  }
0x58: {  	v58, v57, _ =	vpop (xrf1);
	(xrf1) =	vsort.ascd.msk.f32 $0xffff, v6, v55;
	v8 =	vsel vm1, v52, v46  }
0x59: {  	v6, v59, _ =	vpop (xrf1);
	(xrf1) =	vsort.ascd.msk.f32 $0xffff, v7, v5;
	v5 =	vsel vm1, v46, v52;
	v7 =	vsel vm1, v45, v56  }
0x5a: {  	v6 =	vperm.xlane v6, v2;
	(xrf1) =	vsort.ascd.msk.f32 $0xffff, v5, v7;
	v5 =	vperm.xlane v58, v2  }
0x5b: {  	v60 =	vsel vm1, v56, v45;
	v61 =	vperm.xlane v57, v2;
	v7 =	vperm.xlane v59, v2  }
0x5c: {  	(xrf1) =	vsort.ascd.msk.f32 $0xffff, v8, v60;
	vm1 =	vle.f32 v51, v6;
	vm2 =	vle.f32 v54, v5  }
0x5d: {  	v26, v25, _ =	vpop (xrf1);
	v62 =	vsel vm1, v51, v6;
	v63 =	vsel vm1, v50, v7;
	v6 =	vsel vm1, v6, v51  }
0x5e: {  	v29, v28, _ =	vpop (xrf1);
	v7 =	vsel vm1, v7, v50;
	v24 =	vsel vm2, v54, v5;
	v27 =	vsel vm2, v53, v61  }
0x5f: {  	v5 =	vsel vm2, v5, v54;
	v33, v32, _ =	vpop (xrf1);
	v8 =	vsel vm2, v61, v53;
	vm1 =	vle.f32 v62, v24  }
0x60: {  	v38 =	vperm.xlane v33, v2;
	v30 =	vsel vm1, v62, v24;
	v31 =	vsel vm1, v63, v27  }
0x61: {  	v9 =	vsel vm1, v24, v62;
	v11 =	vsel vm1, v27, v63;
	vm1 =	vle.f32 v6, v5  }
0x62: {  	v34, v35, _ =	vpop (xrf1);
	(xrf1) =	vsort.ascd.msk.f32 $0xffff, v30, v31;
	v36 =	vsel vm1, v6, v5;
	v37 =	vsel vm1, v7, v8  }
0x63: {  	v5 =	vsel vm1, v5, v6;
	v6 =	vperm.xlane v34, v2;
	(xrf1) =	vsort.ascd.msk.f32 $0xffff, v9, v11  }
0x64: {  	v7 =	vsel vm1, v8, v7;
	vm2 =	vle.f32 v29, v38;
	(xrf1) =	vsort.ascd.msk.f32 $0xffff, v36, v37  }
0x65: {  	v42, v41, _ =	vpop (xrf1);
	v12 =	vsel vm2, v29, v38;
	(xrf1) =	vsort.ascd.msk.f32 $0xffff, v5, v7;
	v5 =	vperm.xlane v35, v2  }
0x66: {  	v44, v45, _ =	vpop (xrf1);
	v8 =	vsel vm2, v38, v29;
	vm1 =	vle.f32 v26, v6;
	v7 =	vperm.xlane v32, v2  }
0x67: {  	v39 =	vsel vm1, v26, v6;
	v6 =	vsel vm1, v6, v26;
	v49, v48, _ =	vpop (xrf1);
	v40 =	vsel vm1, v25, v5  }
0x68: {  	v51, v50, _ =	vpop (xrf1);
	v5 =	vsel vm1, v5, v25;
	v43 =	vsel vm2, v28, v7;
	vm1 =	vle.f32 v39, v12  }
0x69: {  	v7 =	vsel vm2, v7, v28;
	v10 =	vperm.xlane v51, v2;
	v54 =	vperm.xlane v50, v2  }
0x6a: {  	v46 =	vsel vm1, v39, v12;
	v47 =	vsel vm1, v40, v43;
	v9 =	vsel vm1, v12, v39  }
0x6b: {  	v11 =	vsel vm1, v43, v40;
	vm1 =	vle.f32 v6, v8;
	(xrf1) =	vsort.ascd.msk.f32 $0xffff, v46, v47  }
0x6c: {  	v52 =	vsel vm1, v6, v8;
	v53 =	vsel vm1, v5, v7;
	v6 =	vsel vm1, v8, v6  }
0x6d: {  	v5 =	vsel vm1, v7, v5;
	v7 =	vperm.xlane v49, v2;
	vm1 =	vle.f32 v42, v10  }
0x6e: {  	v59, v58, _ =	vpop (xrf1);
	(xrf1) =	vsort.ascd.msk.f32 $0xffff, v9, v11;
	v55 =	vsel vm1, v41, v54  }
0x6f: {  	v61, v60, _ =	vpop (xrf1);
	v8 =	vsel vm1, v54, v41;
	(xrf1) =	vsort.ascd.msk.f32 $0xffff, v52, v53;
	vm2 =	vle.f32 v44, v7  }
0x70: {  	v22, v21, _ =	vpop (xrf1);
	(xrf1) =	vsort.ascd.msk.f32 $0xffff, v6, v5;
	v5 =	vperm.xlane v48, v2;
	v6 =	vsel vm1, v42, v10  }
0x71: {  	v23, v24, _ =	vpop (xrf1);
	v10 =	vsel vm1, v10, v42;
	v56 =	vsel vm2, v44, v7;
	v7 =	vsel vm2, v7, v44  }
0x72: {  	v26 =	vperm.xlane v23, v2;
	vm1 =	vle.f32 v6, v56;
	v57 =	vsel vm2, v45, v5  }
0x73: {  	v5 =	vsel vm2, v5, v45;
	v62 =	vsel vm1, v6, v56;
	v6 =	vsel vm1, v56, v6  }
0x74: {  	v63 =	vsel vm1, v55, v57;
	v9 =	vsel vm1, v57, v55;
	vm1 =	vle.f32 v10, v7  }
0x75: {  	(xrf1) =	vsort.ascd.msk.f32 $0xffff, v62, v63;
	v25 =	vsel vm1, v8, v5;
	v5 =	vsel vm1, v5, v8  }
0x76: {  	(xrf1) =	vsort.ascd.msk.f32 $0xffff, v6, v9;
	v6 =	vsel vm1, v10, v7;
	v7 =	vsel vm1, v7, v10  }
0x77: {  	vm1 =	vle.f32 v59, v26;
	(xrf1) =	vsort.ascd.msk.f32 $0xffff, v6, v25;
	v6 =	vperm.xlane v22, v2  }
0x78: {  	v27 =	vperm.xlane v24, v2;
	v31 =	vsel vm1, v59, v26  }
0x79: {  	v28, v29, _ =	vpop (xrf1);
	(xrf1) =	vsort.ascd.msk.f32 $0xffff, v7, v5;
	v5 =	vperm.xlane v21, v2;
	vm2 =	vle.f32 v61, v6  }
0x7a: {  	v32 =	vsel vm1, v58, v27;
	v8 =	vsel vm1, v26, v59;
	v35 =	vsel vm2, v61, v6  }
0x7b: {  	v9 =	vsel vm1, v27, v58;
	v7, v30, _ =	vpop (xrf1);
	v38 =	vsel vm2, v60, v5;
	vm1 =	vle.f32 v31, v35  }
0x7c: {  	v34, v33, _ =	vpop (xrf1);
	v6 =	vsel vm2, v6, v61;
	v24 =	vsel vm1, v31, v35;
	v25 =	vsel vm1, v32, v38  }
0x7d: {  	v37, v36, _ =	vpop (xrf1);
	v13 =	vsel vm1, v35, v31;
	v18 =	vsel vm1, v38, v32;
	vm1 =	vle.f32 v8, v6  }
0x7e: {  	v5 =	vsel vm2, v5, v60;
	v39, v23, _ =	vpop (xrf1);
	(xrf1) =	vsort.ascd.msk.f32 $0xffff, v24, v25;
	v43 =	vsel vm1, v8, v6  }
0x7f: {  	v40, v26, _ =	vpop (xrf1);
	v46 =	vsel vm1, v9, v5;
	v6 =	vsel vm1, v6, v8;
	v5 =	vsel vm1, v5, v9  }
0x80: {  	v52 =	vperm.xlane v23, v2;
	v41, v42, _ =	vpop (xrf1);
	(xrf1) =	vsort.ascd.msk.f32 $0xffff, v13, v18;
	v51 =	vperm.xlane v26, v2  }
0x81: {  	v44, v45, _ =	vpop (xrf1);
	(xrf1) =	vsort.ascd.msk.f32 $0xffff, v43, v46;
	v48 =	vperm.xlane v41, v2;
	v50 =	vperm.xlane v42, v2  }
0x82: {  	v47 =	vperm.xlane v44, v2;
	(xrf1) =	vsort.ascd.msk.f32 $0xffff, v6, v5;
	v5 =	vperm.xlane v40, v2  }
0x83: {  	v6 =	vperm.xlane v39, v2;
	v49 =	vperm.xlane v45, v2;
	vm2 =	vle.f32 v7, v48  }
0x84: {  	vm1 =	vle.f32 v28, v47;
	v56 =	vsel vm2, v7, v48;
	v57 =	vsel vm2, v30, v50  }
0x85: {  	v7 =	vsel vm2, v48, v7;
	v58 =	vsel vm2, v50, v30;
	vm2 =	vle.f32 v37, v6  }
0x86: {  	v53 =	vsel vm1, v28, v47;
	v54 =	vsel vm1, v29, v49;
	v8 =	vsel vm1, v47, v28  }
0x87: {  	v55 =	vsel vm1, v49, v29;
	vm1 =	vle.f32 v34, v5;
	v61 =	vsel vm2, v37, v6  }
0x88: {  	v62 =	vsel vm2, v36, v52;
	v6 =	vsel vm2, v6, v37;
	v63 =	vsel vm2, v52, v36  }
0x89: {  	v59 =	vsel vm1, v34, v5;
	v60 =	vsel vm1, v33, v51;
	v5 =	vsel vm1, v5, v34  }
0x8a: {  	v16 =	vsel vm1, v51, v33;
	vm2 =	vle.f32 v56, v61;
	vm1 =	vle.f32 v53, v59  }
0x8b: {  	v31 =	vsel vm2, v56, v61;
	v32 =	vsel vm2, v57, v62;
	v11 =	vsel vm2, v61, v56  }
0x8c: {  	v13 =	vsel vm2, v62, v57;
	vm2 =	vle.f32 v7, v6;
	v29 =	vsel vm1, v53, v59  }
0x8d: {  	v30 =	vsel vm1, v54, v60;
	v12 =	vsel vm1, v59, v53;
	v15 =	vsel vm1, v60, v54  }
0x8e: {  	v46 =	vsel vm2, v7, v6;
	v47 =	vsel vm2, v58, v63;
	vm1 =	vle.f32 v29, v31  }
0x8f: {  	v6 =	vsel vm2, v6, v7;
	v33 =	vsel vm1, v29, v31;
	v34 =	vsel vm1, v30, v32  }
0x90: {  	v17 =	vsel vm1, v31, v29;
	v35 =	vsel vm1, v32, v30;
	vm1 =	vle.f32 v12, v11  }
0x91: {  	(xrf1) =	vsort.ascd.msk.f32 $0xffff, v33, v34;
	v36 =	vsel vm1, v12, v11;
	v37 =	vsel vm1, v15, v13  }
0x92: {  	v39, v38, _ =	vpop (xrf1);
	v11 =	vsel vm1, v11, v12;
	v13 =	vsel vm1, v13, v15;
	vm1 =	vle.f32 v8, v5  }
0x93: {  	v40, v41, _ =	vpop (xrf1);
	v9 =	vsel vm2, v63, v58;
	(xrf1) =	vsort.ascd.msk.f32 $0xffff, v17, v35;
	v42 =	vsel vm1, v8, v5  }
0x94: {  	v44, v43, _ =	vpop (xrf1);
	v45 =	vsel vm1, v55, v16;
	v5 =	vsel vm1, v5, v8;
	(xrf1) =	vsort.ascd.msk.f32 $0xffff, v36, v37  }
0x95: {  	v21, v22, _ =	vpop (xrf1);
	v10 =	vsel vm1, v16, v55;
	vm1 =	vle.f32 v42, v46;
	(xrf1) =	vsort.ascd.msk.f32 $0xffff, v11, v13  }
0x96: {  	v49, v48, _ =	vpop (xrf1);
	v7 =	vsel vm1, v42, v46;
	v50 =	vsel vm1, v45, v47;
	v8 =	vsel vm1, v46, v42  }
0x97: {  	v52 =	vsel vm1, v47, v45;
	vm1 =	vle.f32 v5, v6;
	v57 =	vperm.xlane v49, v2  }
0x98: {  	v51, v27, _ =	vpop (xrf1);
	v59 =	vperm.xlane v48, v2;
	(xrf1) =	vsort.ascd.msk.f32 $0xffff, v7, v50;
	v54 =	vsel vm1, v5, v6  }
0x99: {  	v55 =	vsel vm1, v10, v9;
	v5 =	vsel vm1, v6, v5;
	(xrf1) =	vsort.ascd.msk.f32 $0xffff, v8, v52;
	v7, v53, _ =	vpop (xrf1)  }
0x9a: {  	v6 =	vsel vm1, v9, v10;
	(xrf1) =	vsort.ascd.msk.f32 $0xffff, v54, v55;
	v8, v11, _ =	vpop (xrf1);
	v7 =	vperm.xlane v7, v2  }
0x9b: {  	v56 =	vperm.xlane v51, v2;
	(xrf1) =	vsort.ascd.msk.f32 $0xffff, v5, v6;
	v8 =	vperm.xlane v8, v2  }
0x9c: {  	v6 =	vperm.xlane v53, v2;
	v5 =	vperm.xlane v11, v2;
	vm2 =	vle.f32 v40, v7  }
0x9d: {  	v58 =	vperm.xlane v27, v2;
	vm1 =	vle.f32 v39, v8;
	v62 =	vsel vm2, v40, v7  }
0x9e: {  	v63 =	vsel vm2, v41, v6;
	v60 =	vsel vm1, v39, v8;
	v61 =	vsel vm1, v38, v5  }
0x9f: {  	v8 =	vsel vm1, v8, v39;
	v5 =	vsel vm1, v5, v38;
	vm1 =	vle.f32 v44, v56  }
0xa0: {  	v7 =	vsel vm2, v7, v40;
	v26 =	vsel vm1, v44, v56;
	v27 =	vsel vm1, v43, v58  }
0xa1: {  	v9 =	vsel vm1, v56, v44;
	v11 =	vsel vm1, v58, v43;
	vm1 =	vle.f32 v21, v57  }
0xa2: {  	v6 =	vsel vm2, v6, v41;
	v28 =	vsel vm1, v21, v57;
	v29 =	vsel vm1, v22, v59  }
0xa3: {  	vm2 =	vle.f32 v60, v26;
	v10 =	vsel vm1, v57, v21;
	v14 =	vsel vm1, v59, v22  }
0xa4: {  	v30 =	vsel vm2, v60, v26;
	vm3 =	vle.f32 v62, v28;
	v31 =	vsel vm2, v61, v27  }
0xa5: {  	v15 =	vsel vm2, v26, v60;
	v17 =	vsel vm2, v27, v61;
	vm1 =	vle.f32 v7, v10  }
0xa6: {  	v32 =	vsel vm3, v62, v28;
	v33 =	vsel vm3, v63, v29;
	v12 =	vsel vm3, v28, v62  }
0xa7: {  	v36 =	vsel vm3, v29, v63;
	v40 =	vsel vm1, v7, v10;
	v41 =	vsel vm1, v6, v14  }
0xa8: {  	v7 =	vsel vm1, v10, v7;
	v6 =	vsel vm1, v14, v6;
	vm2 =	vle.f32 v30, v32  }
0xa9: {  	v34 =	vsel vm2, v30, v32;
	v35 =	vsel vm2, v31, v33;
	v16 =	vsel vm2, v32, v30  }
0xaa: {  	v20 =	vsel vm2, v33, v31;
	vm2 =	vle.f32 v15, v12;
	(xrf1) =	vsort.ascd.msk.f32 $0xffff, v34, v35  }
0xab: {  	v37 =	vsel vm2, v15, v12;
	v18 =	vsel vm2, v17, v36;
	v12 =	vsel vm2, v12, v15  }
0xac: {  	v13 =	vsel vm2, v36, v17;
	vm2 =	vle.f32 v8, v9;
	(xrf1) =	vsort.ascd.msk.f32 $0xffff, v16, v20  }
0xad: {  	v38 =	vsel vm2, v8, v9;
	v39 =	vsel vm2, v5, v11;
	v8 =	vsel vm2, v9, v8  }
0xae: {  	v5 =	vsel vm2, v11, v5;
	(xrf1) =	vsort.ascd.msk.f32 $0xffff, v37, v18;
	vm1 =	vle.f32 v38, v40  }
0xaf: {  	(xrf1) =	vsort.ascd.msk.f32 $0xffff, v12, v13;
	v42 =	vsel vm1, v38, v40;
	v43 =	vsel vm1, v39, v41  }
0xb0: {  	v9 =	vsel vm1, v40, v38;
	v11 =	vsel vm1, v41, v39;
	vm1 =	vle.f32 v8, v7  }
0xb1: {  	(xrf1) =	vsort.ascd.msk.f32 $0xffff, v42, v43;
	v44 =	vsel vm1, v8, v7;
	v7 =	vsel vm1, v7, v8  }
0xb2: {  	v45 =	vsel vm1, v5, v6;
	v5 =	vsel vm1, v6, v5;
	(xrf1) =	vsort.ascd.msk.f32 $0xffff, v9, v11  }
0xb3: {  	v47, v46, _ =	vpop (xrf1);
	(xrf1) =	vsort.ascd.msk.f32 $0xffff, v44, v45  }
0xb4: {  	v6, v48, _ =	vpop (xrf1);
	(xrf1) =	vsort.ascd.msk.f32 $0xffff, v7, v5  }
0xb5: {  	v5, v7, _ =	vpop (xrf1)  }
0xb6: {  	v9, v10, _ =	vpop (xrf1)  }
0xb7: {  	v49, v50, _ =	vpop (xrf1)  }
0xb8: {  	v51, v52, _ =	vpop (xrf1)  }
0xb9: {  	v53, v54, _ =	vpop (xrf1)  }
0xba: {  	v55, v56, _ =	vpop (xrf1)  }
0xbb: {  	v57, v58, _ =	vpop (xrf1)  }
0xbc: {  	v59, v60, _ =	vpop (xrf1)  }
0xbd: {  	v21 =	vperm.xlane v57, v2;
	v61, v62, _ =	vpop (xrf1)  }
0xbe: {  	v22 =	vperm.xlane v58, v2;
	v23 =	vperm.xlane v59, v2;
	v63, v28, _ =	vpop (xrf1)  }
0xbf: {  	v24 =	vperm.xlane v60, v2;
	v25 =	vperm.xlane v61, v2;
	v29, v30, _ =	vpop (xrf1)  }
0xc0: {  	v26 =	vperm.xlane v62, v2;
	v27 =	vperm.xlane v63, v2;
	v31, v32, _ =	vpop (xrf1)  }
0xc1: {  	v28 =	vperm.xlane v28, v2;
	v29 =	vperm.xlane v29, v2;
	v33, v34, _ =	vpop (xrf1)  }
0xc2: {  	v30 =	vperm.xlane v30, v2;
	v35, v36, _ =	vpop (xrf1);
	v33 =	vperm.xlane v33, v2  }
0xc3: {  	v31 =	vperm.xlane v31, v2;
	v35 =	vperm.xlane v35, v2  }
0xc4: {  	v32 =	vperm.xlane v32, v2;
	v34 =	vperm.xlane v34, v2;
	vm2 =	vle.f32 v6, v33  }
0xc5: {  	v36 =	vperm.xlane v36, v2;
	vm1 =	vle.f32 v47, v35;
	v6 =	vsel vm2, v6, v33  }
0xc6: {  	v8 =	vsel vm2, v48, v34;
	vm2 =	vle.f32 v9, v29;
	v11 =	vsel vm1, v47, v35  }
0xc7: {  	v12 =	vsel vm1, v46, v36;
	vm1 =	vle.f32 v5, v31;
	v9 =	vsel vm2, v9, v29  }
0xc8: {  	v10 =	vsel vm2, v10, v30;
	vm2 =	vle.f32 v51, v25;
	v5 =	vsel vm1, v5, v31  }
0xc9: {  	v7 =	vsel vm1, v7, v32;
	vm1 =	vle.f32 v49, v27;
	v15 =	vsel vm2, v51, v25  }
0xca: {  	v16 =	vsel vm2, v52, v26;
	vm2 =	vle.f32 v55, v21;
	v13 =	vsel vm1, v49, v27  }
0xcb: {  	v14 =	vsel vm1, v50, v28;
	vm1 =	vle.f32 v53, v23;
	v19 =	vsel vm2, v55, v21  }
0xcc: {  	v17 =	vsel vm1, v53, v23;
	v18 =	vsel vm1, v54, v24;
	vm1 =	vle.f32 v11, v13  }
0xcd: {  	v20 =	vsel vm2, v56, v22;
	v39 =	vsel vm1, v11, v13;
	v40 =	vsel vm1, v12, v14  }
0xce: {  	v11 =	vsel vm1, v13, v11;
	v12 =	vsel vm1, v14, v12;
	vm1 =	vle.f32 v6, v15  }
0xcf: {  	vm2 =	vle.f32 v5, v17;
	v41 =	vsel vm1, v6, v15;
	v42 =	vsel vm1, v8, v16  }
0xd0: {  	v6 =	vsel vm1, v15, v6;
	v8 =	vsel vm1, v16, v8;
	v43 =	vsel vm2, v5, v17  }
0xd1: {  	v44 =	vsel vm2, v7, v18;
	v5 =	vsel vm2, v17, v5;
	vm1 =	vle.f32 v9, v19  }
0xd2: {  	v7 =	vsel vm2, v18, v7;
	v45 =	vsel vm1, v9, v19;
	v46 =	vsel vm1, v10, v20  }
0xd3: {  	v9 =	vsel vm1, v19, v9;
	vm2 =	vle.f32 v39, v43;
	vm3 =	vle.f32 v41, v45  }
0xd4: {  	v10 =	vsel vm1, v20, v10;
	v47 =	vsel vm2, v39, v43;
	v48 =	vsel vm3, v41, v45  }
0xd5: {  	v49 =	vsel vm2, v40, v44;
	v50 =	vsel vm3, v42, v46;
	vm1 =	vle.f32 v47, v48  }
0xd6: {  	v15 =	vsel vm2, v43, v39;
	v51 =	vsel vm1, v47, v48;
	v52 =	vsel vm1, v49, v50  }
0xd7: {  	v16 =	vsel vm2, v44, v40;
	vm2 =	vle.f32 v6, v9;
	(xrf1) =	vsort.ascd.msk.f32 $0xffff, v51, v52  }
0xd8: {  	v13 =	vsel vm3, v45, v41;
	v53 =	vsel vm1, v48, v47;
	v54 =	vsel vm1, v50, v49  }
0xd9: {  	v14 =	vsel vm3, v46, v42;
	vm1 =	vle.f32 v15, v13;
	(xrf1) =	vsort.ascd.msk.f32 $0xffff, v53, v54  }
0xda: {  	v55 =	vsel vm1, v15, v13;
	v18 =	vsel vm1, v16, v14;
	v13 =	vsel vm1, v13, v15  }
0xdb: {  	v14 =	vsel vm1, v14, v16;
	vm1 =	vle.f32 v11, v5;
	(xrf1) =	vsort.ascd.msk.f32 $0xffff, v55, v18  }
0xdc: {  	v57 =	vsel vm2, v6, v9;
	v59 =	vsel vm2, v8, v10;
	v56 =	vsel vm1, v11, v5  }
0xdd: {  	v58 =	vsel vm1, v12, v7;
	vm3 =	vle.f32 v56, v57;
	(xrf1) =	vsort.ascd.msk.f32 $0xffff, v13, v14  }
0xde: {  	v60 =	vsel vm3, v56, v57;
	v61 =	vsel vm3, v58, v59  }
0xdf: {  	v6 =	vsel vm2, v9, v6;
	v8 =	vsel vm2, v10, v8;
	(xrf1) =	vsort.ascd.msk.f32 $0xffff, v60, v61  }
0xe0: {  	v5 =	vsel vm1, v5, v11;
	v62 =	vsel vm3, v57, v56;
	v63 =	vsel vm3, v59, v58  }
0xe1: {  	v7 =	vsel vm1, v7, v12;
	vm1 =	vle.f32 v5, v6;
	(xrf1) =	vsort.ascd.msk.f32 $0xffff, v62, v63  }
0xe2: {  	v9 =	vsel vm1, v5, v6;
	v10 =	vsel vm1, v7, v8  }
0xe3: {  	v5 =	vsel vm1, v6, v5;
	v6 =	vsel vm1, v8, v7;
	(xrf1) =	vsort.ascd.msk.f32 $0xffff, v9, v10;
	_ =	sdelay $0x1  }
0xe4: {  	v7, v8, _ =	vpop (xrf1);
	(xrf1) =	vsort.ascd.msk.f32 $0xffff, v5, v6  }
0xe5: {  	[tilespmem:s20+$0x5180] =	vst v7  }
0xe6: {  	v5, v6, _ =	vpop (xrf1);
	[tilespmem:s20+$0x1180] =	vst v8  }
0xe7: {  	[tilespmem:s20+$0x5190] =	vst v5  }
0xe8: {  	v5, v7, _ =	vpop (xrf1);
	[tilespmem:s20+$0x1190] =	vst v6  }
0xe9: {  	[tilespmem:s20+$0x51A0] =	vst v5  }
0xea: {  	v5, v6, _ =	vpop (xrf1);
	[tilespmem:s20+$0x11A0] =	vst v7  }
0xeb: {  	[tilespmem:s20+$0x51B0] =	vst v5  }
0xec: {  	v5, v7, _ =	vpop (xrf1);
	[tilespmem:s20+$0x11B0] =	vst v6  }
0xed: {  	[tilespmem:s20+$0x51C0] =	vst v5  }
0xee: {  	s19 =	sadd.s32 $0x1, s19;
	v5, v6, _ =	vpop (xrf1);
	[tilespmem:s20+$0x11C0] =	vst v7  }
0xef: {  	p0 =	sne.s32 s19, $0x40;
	[tilespmem:s20+$0x51D0] =	vst v5  }
.Ltmp3:
0xf0: {  	v5, v7, _ =	vpop (xrf1);
	[tilespmem:s20+$0x11D0] =	vst v6;
	(pc) =	sbr.rel @!p0 .LBB2_17-.Ltmp3, $4  }
0xf1: {  	[tilespmem:s20+$0x51E0] =	vst v5  }
0xf2: {  	[tilespmem:s20+$0x11E0] =	vst v7;
	v5, v6, _ =	vpop (xrf1)  }
0xf3: {  	[tilespmem:s20+$0x51F0] =	vst v5  }
0xf4: {  	[tilespmem:s20+$0x11F0] =	vst v6  }
.LBB2_2:
0xf5: {  	s21 =	sshll.u32 s19, $0x1  }
0xf6: {  	s22 =	sshll.u32 s19, $0x5;
	s20 =	sadd.s32 s4, s21  }
0xf7: {  	s22 =	sand.u32 $0x60, s22;
	s20 =	sshll.u32 s20, $0x8  }
0xf8: {  	_ =	swait.ge [sflag:s11], $0x800;
	s22 =	sadd.s32 s22, s3;
	s20 =	sand.u32 $0xFF800, s20  }
0xf9: {  	[sflag:s11] =	ssyncset.done $0x0;
	s20 =	sadd.s32 s20, s22  }
0xfa: {  	[sflag:s11] =	ssyncadd.s32 $0xFFFFF800;
	s20 =	sadd.s32 $0x10, s20  }
0xfb: {  	[tilespmem:s12], [sflag:$0x2] =	stream.strided.gather [hbm4b:s20+s9], $0x800, s10, s9, $0x38;
	[tilespmem:$0x9980] =	vst v63  }
0xfc: {  	v5 =	vld [tilespmem:$0x38]  }
0xfd: {  	v6 =	vld [tilespmem:$0xB8]  }
0xfe: {  	v7 =	vld [tilespmem:$0x138]  }
0xff: {  	v8 =	vld [tilespmem:$0x1B8];
	_ =	sdelay $0x1  }
0x100: {  	v9 =	vld [tilespmem:$0x238];
	(xrf1) =	vsort.ascd.msk.f32 $0xffff, v5, v5  }
0x101: {  	v10 =	vld [tilespmem:$0x2B8];
	(xrf1) =	vsort.ascd.msk.f32 $0xffff, v6, v6  }
0x102: {  	v5 =	vld [tilespmem:$0x338];
	(xrf1) =	vsort.ascd.msk.f32 $0xffff, v7, v7  }
0x103: {  	v6 =	vld [tilespmem:$0x3B8];
	(xrf1) =	vsort.ascd.msk.f32 $0xffff, v8, v8  }
0x104: {  	v7 =	vld [tilespmem:$0x438]  }
0x105: {  	v8 =	vld [tilespmem:$0x4B8];
	(xrf1) =	vsort.ascd.msk.f32 $0xffff, v9, v9  }
0x106: {  	(xrf1) =	vsort.ascd.msk.f32 $0xffff, v10, v10  }
0x107: {  	v9 =	vld [tilespmem:$0x538];
	(xrf1) =	vsort.ascd.msk.f32 $0xffff, v5, v5  }
0x108: {  	v10 =	vld [tilespmem:$0x5B8];
	(xrf1) =	vsort.ascd.msk.f32 $0xffff, v6, v6  }
0x109: {  	v5 =	vld [tilespmem:$0x638];
	(xrf1) =	vsort.ascd.msk.f32 $0xffff, v7, v7  }
0x10a: {  	v6 =	vld [tilespmem:$0x6B8];
	(xrf1) =	vsort.ascd.msk.f32 $0xffff, v8, v8  }
0x10b: {  	v7 =	vld [tilespmem:$0x738]  }
0x10c: {  	v8 =	vld [tilespmem:$0x7B8];
	(xrf1) =	vsort.ascd.msk.f32 $0xffff, v9, v9  }
0x10d: {  	(xrf1) =	vsort.ascd.msk.f32 $0xffff, v10, v10  }
0x10e: {  	(xrf1) =	vsort.ascd.msk.f32 $0xffff, v5, v5;
	v5, _, _ =	vpop (xrf1)  }
0x10f: {  	(xrf1) =	vsort.ascd.msk.f32 $0xffff, v6, v6;
	v6, _, _ =	vpop (xrf1)  }
0x110: {  	(xrf1) =	vsort.ascd.msk.f32 $0xffff, v7, v7;
	v7, _, _ =	vpop (xrf1);
	v6 =	vperm.xlane v6, v2  }
0x111: {  	(xrf1) =	vsort.ascd.msk.f32 $0xffff, v8, v8;
	v8, _, _ =	vpop (xrf1)  }
0x112: {  	v10 =	vmin.f32 v5, v6;
	v8 =	vperm.xlane v8, v2  }
0x113: {  	v9, _, _ =	vpop (xrf1);
	v5 =	vmax.f32 v5, v6;
	(xrf1) =	vsort.ascd.msk.f32 $0xffff, v10, v10  }
0x114: {  	v11, _, _ =	vpop (xrf1);
	(xrf1) =	vsort.ascd.msk.f32 $0xffff, v5, v5;
	v5 =	vmin.f32 v7, v8  }
0x115: {  	v6, _, _ =	vpop (xrf1);
	v10 =	vperm.xlane v11, v2  }
0x116: {  	v7 =	vmax.f32 v7, v8;
	v11, _, _ =	vpop (xrf1);
	(xrf1) =	vsort.ascd.msk.f32 $0xffff, v5, v5  }
0x117: {  	(xrf1) =	vsort.ascd.msk.f32 $0xffff, v7, v7;
	v7 =	vmin.f32 v9, v10;
	v8 =	vperm.xlane v11, v2;
	v5, _, _ =	vpop (xrf1)  }
0x118: {  	v9 =	vmax.f32 v9, v10;
	(xrf1) =	vsort.ascd.msk.f32 $0xffff, v7, v7;
	v11, _, _ =	vpop (xrf1)  }
0x119: {  	(xrf1) =	vsort.ascd.msk.f32 $0xffff, v9, v9;
	v9 =	vmin.f32 v6, v8;
	v10 =	vperm.xlane v11, v2  }
0x11a: {  	v6 =	vmax.f32 v6, v8;
	v7, _, _ =	vpop (xrf1);
	(xrf1) =	vsort.ascd.msk.f32 $0xffff, v9, v9  }
0x11b: {  	v11, _, _ =	vpop (xrf1);
	(xrf1) =	vsort.ascd.msk.f32 $0xffff, v6, v6;
	v6 =	vmin.f32 v5, v10  }
0x11c: {  	v8, _, _ =	vpop (xrf1);
	v9 =	vperm.xlane v11, v2  }
0x11d: {  	v5 =	vmax.f32 v5, v10;
	v11, _, _ =	vpop (xrf1);
	(xrf1) =	vsort.ascd.msk.f32 $0xffff, v6, v6  }
0x11e: {  	v6, _, _ =	vpop (xrf1);
	(xrf1) =	vsort.ascd.msk.f32 $0xffff, v5, v5;
	v5 =	vmin.f32 v7, v9  }
0x11f: {  	v10 =	vperm.xlane v11, v2;
	v7 =	vmax.f32 v7, v9;
	v11, _, _ =	vpop (xrf1);
	(xrf1) =	vsort.ascd.msk.f32 $0xffff, v5, v5  }
0x120: {  	(xrf1) =	vsort.ascd.msk.f32 $0xffff, v7, v7;
	v7 =	vperm.xlane v11, v2  }
0x121: {  	v5 =	vmin.f32 v8, v10;
	v8 =	vmax.f32 v8, v10  }
0x122: {  	(xrf1) =	vsort.ascd.msk.f32 $0xffff, v5, v5;
	v5 =	vmin.f32 v6, v7  }
0x123: {  	(xrf1) =	vsort.ascd.msk.f32 $0xffff, v8, v8;
	v6 =	vmax.f32 v6, v7  }
0x124: {  	v8, _, _ =	vpop (xrf1);
	(xrf1) =	vsort.ascd.msk.f32 $0xffff, v5, v5  }
0x125: {  	v5, _, _ =	vpop (xrf1);
	(xrf1) =	vsort.ascd.msk.f32 $0xffff, v6, v6  }
0x126: {  	v6, _, _ =	vpop (xrf1)  }
0x127: {  	v7, _, _ =	vpop (xrf1)  }
0x128: {  	v9, _, _ =	vpop (xrf1)  }
0x129: {  	v10, _, _ =	vpop (xrf1)  }
0x12a: {  	v11, _, _ =	vpop (xrf1)  }
0x12b: {  	v6 =	vperm.xlane v6, v2;
	v12, _, _ =	vpop (xrf1)  }
0x12c: {  	v7 =	vperm.xlane v7, v2;
	v13, _, _ =	vpop (xrf1)  }
0x12d: {  	v14, _, _ =	vpop (xrf1)  }
0x12e: {  	v5 =	vmin.f32 v5, v6;
	v7 =	vmin.f32 v8, v7;
	v15, _, _ =	vpop (xrf1)  }
0x12f: {  	v8 =	vmin.f32 v7, v5;
	v11 =	vperm.xlane v11, v2;
	v12 =	vperm.xlane v12, v2;
	v6, _, _ =	vpop (xrf1)  }
0x130: {  	v5 =	vmax.f32 v7, v5;
	(xrf1) =	vsort.ascd.msk.f32 $0xffff, v8, v8;
	v16, _, _ =	vpop (xrf1)  }
0x131: {  	v8 =	vmin.f32 v9, v12;
	v9 =	vmin.f32 v10, v11;
	v6 =	vperm.xlane v6, v2;
	v7, _, _ =	vpop (xrf1)  }
0x132: {  	(xrf1) =	vsort.ascd.msk.f32 $0xffff, v5, v5;
	v5 =	vmin.f32 v8, v9;
	v11 =	vperm.xlane v15, v2;
	v10, _, _ =	vpop (xrf1)  }
0x133: {  	v8 =	vmax.f32 v8, v9;
	(xrf1) =	vsort.ascd.msk.f32 $0xffff, v5, v5;
	v5 =	vmin.f32 v13, v6;
	v12, _, _ =	vpop (xrf1)  }
0x134: {  	v6 =	vmin.f32 v14, v11;
	v9 =	vperm.xlane v10, v2;
	v10 =	vperm.xlane v12, v2  }
0x135: {  	(xrf1) =	vsort.ascd.msk.f32 $0xffff, v8, v8;
	v8 =	vmin.f32 v5, v6;
	v5 =	vmax.f32 v5, v6  }
0x136: {  	(xrf1) =	vsort.ascd.msk.f32 $0xffff, v8, v8;
	v7 =	vmin.f32 v7, v9;
	v6 =	vmin.f32 v16, v10  }
0x137: {  	(xrf1) =	vsort.ascd.msk.f32 $0xffff, v5, v5;
	v5 =	vmin.f32 v6, v7  }
0x138: {  	v6 =	vmax.f32 v6, v7;
	(xrf1) =	vsort.ascd.msk.f32 $0xffff, v5, v5  }
0x139: {  	(xrf1) =	vsort.ascd.msk.f32 $0xffff, v6, v6;
	_ =	sdelay $0x6  }
0x13a: {  	v5, _, _ =	vpop (xrf1)  }
0x13b: {  	v6, _, _ =	vpop (xrf1)  }
0x13c: {  	v7, _, _ =	vpop (xrf1)  }
0x13d: {  	v8, _, _ =	vpop (xrf1)  }
0x13e: {  	v9, _, _ =	vpop (xrf1)  }
0x13f: {  	v7 =	vperm.xlane v7, v2;
	v10, _, _ =	vpop (xrf1)  }
0x140: {  	v8 =	vperm.xlane v8, v2;
	v11, _, _ =	vpop (xrf1)  }
0x141: {  	v6 =	vmin.f32 v6, v7;
	v12, _, _ =	vpop (xrf1)  }
0x142: {  	v5 =	vmin.f32 v5, v8;
	v7 =	vperm.xlane v11, v2;
	v8 =	vperm.xlane v12, v2  }
0x143: {  	v11 =	vmin.f32 v5, v6;
	v5 =	vmax.f32 v5, v6  }
0x144: {  	(xrf1) =	vsort.ascd.msk.f32 $0xffff, v11, v11;
	v7 =	vmin.f32 v10, v7;
	v6 =	vmin.f32 v9, v8  }
0x145: {  	(xrf1) =	vsort.ascd.msk.f32 $0xffff, v5, v5;
	v5 =	vmin.f32 v6, v7  }
0x146: {  	v6 =	vmax.f32 v6, v7;
	(xrf1) =	vsort.ascd.msk.f32 $0xffff, v5, v5  }
0x147: {  	(xrf1) =	vsort.ascd.msk.f32 $0xffff, v6, v6;
	_ =	sdelay $0xa  }
0x148: {  	v5, _, _ =	vpop (xrf1)  }
0x149: {  	v6, _, _ =	vpop (xrf1)  }
0x14a: {  	v7, _, _ =	vpop (xrf1)  }
0x14b: {  	v8, _, _ =	vpop (xrf1)  }
0x14c: {  	v7 =	vperm.xlane v7, v2;
	v8 =	vperm.xlane v8, v2;
	_ =	sdelay $0x1  }
0x14d: {  	v6 =	vmin.f32 v6, v7;
	v5 =	vmin.f32 v5, v8  }
0x14e: {  	v5 =	vmax.f32 v5, v6  }
0x14f: {  	(xrf1) =	vsort.ascd.msk.f32 $0xffff, v5, v5;
	_ =	sdelay $0x1  }
0x150: {  	[tilespmem:$0x9100] =	vst v3  }
0x151: {  	[tilespmem:$0x9110] =	vst v3  }
0x152: {  	[tilespmem:$0x9120] =	vst v3  }
0x153: {  	[tilespmem:$0x9130] =	vst v3  }
0x154: {  	[tilespmem:$0x9140] =	vst v3  }
0x155: {  	[tilespmem:$0x9150] =	vst v3  }
0x156: {  	[tilespmem:$0x9160] =	vst v3  }
0x157: {  	[tilespmem:$0x9170] =	vst v3  }
0x158: {  	[tilespmem:$0x9180] =	vst v3  }
0x159: {  	[tilespmem:$0x9190] =	vst v3  }
0x15a: {  	[tilespmem:$0x91A0] =	vst v3  }
0x15b: {  	[tilespmem:$0x91B0] =	vst v3  }
0x15c: {  	[tilespmem:$0x91C0] =	vst v3;
	v5, _, _ =	vpop (xrf1)  }
0x15d: {  	[tilespmem:$0x91D0] =	vst v3;
	v5 =	vsel vm0, $0xFF800000, v5  }
0x15e: {  	[tilespmem:$0x91E0] =	vst v3;
	(xrf0) =	vmax.scan.msk.f32 $0xffff, v5  }
0x15f: {  	[tilespmem:$0x91F0] =	vst v3  }
0x160: {  	s23 =	simm.s32 $0x40;
	[tilespmem:$0x9200] =	vst v3  }
0x161: {  	v12 =	vld [tilespmem:s23+$0xFFFFFFC0]  }
0x162: {  	v7 =	vld [tilespmem:s23+$0xFFFFFFD0]  }
0x163: {  	v8 =	vld [tilespmem:s23+$0xFFFFFFE0]  }
0x164: {  	v10 =	vld [tilespmem:s23+$0x0];
	v5, _, _ =	vpop (xrf0)  }
0x165: {  	v9 =	vld [tilespmem:s23+$0xFFFFFFF0];
	v6 =	vbroadcast v5, $0xF  }
0x166: {  	v11 =	vld [tilespmem:s23+$0x10]  }
0x167: {  	vm8 =	vlt.f32 v7, v6  }
0x168: {  	v13 =	vld [tilespmem:s23+$0x30];
	vm7 =	vlt.f32 v8, v6;
	v7 =	vsel vm8, $0x1, v4  }
0x169: {  	v8 =	vld [tilespmem:s23+$0x20];
	v14 =	vsel vm7, $0x1, v4;
	(xrf0) =	vadd.scan.msk.s32 $0xffff, v7  }
0x16a: {  	vm6 =	vlt.f32 v9, v6;
	vm3 =	vlt.f32 v10, v6;
	vm5 =	vlt.f32 v12, v6;
	(xrf0) =	vadd.scan.msk.s32 $0xffff, v14  }
0x16b: {  	vm4 =	vlt.f32 v11, v6;
	v11 =	vmpcnt.ones.xlane vm5;
	v7 =	vsel vm6, $0x1, v4  }
0x16c: {  	v9 =	vsel vm3, $0x1, v4;
	(xrf0) =	vadd.scan.msk.s32 $0xffff, v7;
	v7 =	vimm.s32 $0xFFFFFFFF  }
0x16d: {  	vm1 =	vlt.f32 v13, v6;
	v10 =	vsel vm4, $0x1, v4;
	(xrf0) =	vadd.scan.msk.s32 $0xffff, v9;
	v11 =	vadd.s32 v7, v11  }
0x16e: {  	v9 =	vsel vm5, $0x1, v4;
	vm2 =	vlt.f32 v8, v6;
	v8 =	vmpcnt.ones.xlane vm8;
	(xrf0) =	vadd.scan.msk.s32 $0xffff, v10  }
0x16f: {  	v12 =	vmpcnt.ones.xlane vm7;
	v10 =	vsel vm2, $0x1, v4;
	(xrf0) =	vadd.scan.msk.s32 $0xffff, v9;
	v9 =	vsel vm1, $0x1, v4;
	v13, _, _ =	vpop (xrf0)  }
0x170: {  	v8 =	vadd.s32 v11, v8;
	(xrf0) =	vadd.scan.msk.s32 $0xffff, v10;
	v10 =	vmpcnt.ones.xlane vm6;
	v13 =	vadd.s32 v11, v13;
	v11, _, _ =	vpop (xrf0)  }
0x171: {  	(xrf0) =	vadd.scan.msk.s32 $0xffff, v9;
	v9 =	vadd.s32 v8, v11;
	v8 =	vadd.s32 v8, v12  }
0x172: {  	v14 =	vadd.s32 v8, v10  }
0x173: {  	v11 =	vmpcnt.ones.xlane vm3;
	v12, _, _ =	vpop (xrf0)  }
0x174: {  	v15, _, _ =	vpop (xrf0)  }
0x175: {  	s25 =	simm.s32 $0x10;
	v12 =	vadd.s32 v8, v12;
	v15 =	vadd.s32 v14, v15;
	v11 =	vadd.s32 v14, v11;
	v14, _, _ =	vpop (xrf0)  }
0x176: {  	s26 =	simm.s32 $0x20;
	v18 =	vor.u32 s25, v0;
	s22 =	simm.s32 $0xC0;
	v19 =	vadd.s32 v11, v14;
	v14, _, _ =	vpop (xrf0)  }
0x177: {  	v17 =	vld [tilespmem:s22+$0xFFFFFFD0];
	v16 =	vmpcnt.ones.xlane vm4;
	v22 =	vadd.s32 v7, v14;
	v14 =	vor.u32 s26, v0  }
0x178: {  	s28 =	simm.s32 $0x30;
	v21 =	vld [tilespmem:s22+$0xFFFFFFE0];
	v20 =	vmpcnt.ones.xlane vm2;
	[tilespmem:v13+s13+$0x0] =	vst.idx.msk vm8, v18  }
0x179: {  	v10 =	vld [tilespmem:s22+$0x30];
	v11 =	vadd.s32 v11, v16;
	v18, _, _ =	vpop (xrf0);
	[tilespmem:v9+s13+$0x0] =	vst.idx.msk vm7, v14;
	v9 =	vor.u32 s28, v0  }
0x17a: {  	s24 =	simm.s32 $0x70;
	s29 =	simm.s32 $0x40;
	v23 =	vmpcnt.ones.xlane vm1;
	v13 =	vld [tilespmem:s22+$0xFFFFFFF0];
	v20 =	vadd.s32 v11, v20;
	[tilespmem:v12+s13+$0x0] =	vst.idx.msk vm6, v9;
	v12 =	vadd.s32 v11, v18;
	v14, _, _ =	vpop (xrf0)  }
0x17b: {  	s30 =	simm.s32 $0x50;
	s23 =	simm.s32 $0xF0;
	v8 =	vor.u32 s24, v0;
	v16 =	vld [tilespmem:s22+$0x0];
	v9 =	vor.u32 s29, v0;
	v11 =	vadd.s32 v20, v14  }
0x17c: {  	s24 =	simm.s32 $0x0;
	v7 =	vor.u32 s23, v0;
	[tilespmem:v15+s13+$0x0] =	vst.idx.msk vm3, v9;
	v15 =	vor.u32 s30, v0;
	v14 =	vld [tilespmem:s22+$0x10]  }
0x17d: {  	s31 =	simm.s32 $0x60;
	v18 =	vld [tilespmem:s22+$0xFFFFFFC0];
	v9 =	vadd.s32 v20, v23;
	vm3 =	vlt.f32 v17, v6;
	v20 =	vor.u32 s24, v0;
	[tilespmem:v19+s13+$0x0] =	vst.idx.msk vm4, v15  }
0x17e: {  	s20 =	simm.s32 $0xF0;
	v17 =	vld [tilespmem:s22+$0x20];
	s24 =	simm.s32 $0x8;
	v19 =	vsel vm3, $0x1, v4;
	vm4 =	vlt.f32 v21, v6;
	v15 =	vor.u32 s31, v0;
	[tilespmem:v22+s13+$0x0] =	vst.idx.msk vm5, v20  }
.LBB2_3:
0x17f: {  	s24 =	sadd.s32 $0x8, s24;
	v20 =	vsel vm4, $0x1, v4;
	vm7 =	vlt.f32 v13, v6;
	(xrf0) =	vadd.scan.msk.s32 $0xffff, v19;
	[tilespmem:v12+s13+$0x0] =	vst.idx.msk vm2, v15  }
0x180: {  	s23 =	sadd.s32 $0x80, s23;
	p0 =	slt.u32 s24, $0x78;
	v12 =	vsel vm7, $0x1, v4;
	vm6 =	vlt.f32 v16, v6;
	(xrf0) =	vadd.scan.msk.s32 $0xffff, v20;
	[tilespmem:v11+s13+$0x0] =	vst.idx.msk vm1, v8;
	v8 =	vmovc v7  }
0x181: {  	v7 =	vor.u32 s23, v0;
	v11 =	vsel vm6, $0x1, v4;
	vm8 =	vlt.f32 v14, v6;
	(xrf0) =	vadd.scan.msk.s32 $0xffff, v12  }
0x182: {  	vm1 =	vlt.f32 v10, v6;
	vm5 =	vlt.f32 v18, v6;
	v12 =	vsel vm8, $0x1, v4;
	(xrf0) =	vadd.scan.msk.s32 $0xffff, v11  }
0x183: {  	v10 =	vsel vm5, $0x1, v4;
	v11 =	vmpcnt.ones.xlane vm5;
	vm2 =	vlt.f32 v17, v6;
	(xrf0) =	vadd.scan.msk.s32 $0xffff, v12  }
0x184: {  	v14 =	vsel vm1, $0x1, v4;
	v12 =	vmpcnt.ones.xlane vm3;
	v13 =	vsel vm2, $0x1, v4;
	(xrf0) =	vadd.scan.msk.s32 $0xffff, v10  }
0x185: {  	v15 =	vmpcnt.ones.xlane vm1;
	v10 =	vadd.s32 v9, v11;
	v11 =	vmpcnt.ones.xlane vm4;
	v16, _, _ =	vpop (xrf0);
	(xrf0) =	vadd.scan.msk.s32 $0xffff, v13  }
0x186: {  	v13 =	vadd.s32 v10, v16;
	v10 =	vadd.s32 v10, v12;
	v12 =	vmpcnt.ones.xlane vm7;
	v16, _, _ =	vpop (xrf0);
	(xrf0) =	vadd.scan.msk.s32 $0xffff, v14  }
0x187: {  	v14 =	vadd.s32 v10, v16;
	v10 =	vadd.s32 v10, v11;
	v11 =	vmpcnt.ones.xlane vm6;
	v16, _, _ =	vpop (xrf0)  }
0x188: {  	s22 =	sadd.s32 $0x80, s22;
	v22 =	vmpcnt.ones.xlane vm8;
	v17 =	vadd.s32 v10, v16;
	v12 =	vadd.s32 v10, v12;
	v18, _, _ =	vpop (xrf0)  }
0x189: {  	s25 =	sadd.s32 $0xFFFFFFA0, s20;
	v24 =	vmpcnt.ones.xlane vm2;
	v10 =	vld [tilespmem:s22+$0x30];
	v18 =	vadd.s32 v12, v18;
	v11 =	vadd.s32 v12, v11;
	v19, _, _ =	vpop (xrf0)  }
0x18a: {  	v21 =	vor.u32 s25, v0;
	s25 =	sadd.s32 $0xFFFFFFB0, s20;
	v20 =	vld [tilespmem:s22+$0xFFFFFFD0];
	v19 =	vadd.s32 v11, v19;
	v25 =	vadd.s32 v11, v22;
	v16, _, _ =	vpop (xrf0)  }
0x18b: {  	v22 =	vld [tilespmem:s22+$0xFFFFFFE0];
	v23 =	vadd.s32 v9, v16;
	[tilespmem:v13+s13+$0x0] =	vst.idx.msk vm3, v21;
	v9 =	vor.u32 s25, v0;
	s25 =	sadd.s32 $0xFFFFFFC0, s20;
	v21 =	vadd.s32 v25, v24;
	v12, _, _ =	vpop (xrf0)  }
.Ltmp4:
0x18c: {  	v13 =	vld [tilespmem:s22+$0xFFFFFFF0];
	[tilespmem:v14+s13+$0x0] =	vst.idx.msk vm4, v9;
	v9 =	vor.u32 s25, v0;
	s25 =	sadd.s32 $0xFFFFFFD0, s20;
	v12 =	vadd.s32 v25, v12;
	v11, _, _ =	vpop (xrf0);
	(pc) =	sbr.rel @p0 .LBB2_3-.Ltmp4, $4  }
0x18d: {  	v16 =	vld [tilespmem:s22+$0x0];
	[tilespmem:v17+s13+$0x0] =	vst.idx.msk vm7, v9;
	v17 =	vor.u32 s25, v0;
	s25 =	sadd.s32 $0xFFFFFFE0, s20;
	v11 =	vadd.s32 v21, v11;
	v9 =	vadd.s32 v21, v15  }
0x18e: {  	s26 =	sadd.s32 $0xFFFFFF90, s20;
	v14 =	vld [tilespmem:s22+$0x10];
	[tilespmem:v18+s13+$0x0] =	vst.idx.msk vm6, v17;
	v15 =	vor.u32 s25, v0  }
0x18f: {  	s25 =	sadd.s32 $0xFFFFFFF0, s20;
	s20 =	smov.u32 s23;
	v18 =	vld [tilespmem:s22+$0xFFFFFFC0];
	vm3 =	vlt.f32 v20, v6;
	v20 =	vor.u32 s26, v0;
	[tilespmem:v19+s13+$0x0] =	vst.idx.msk vm8, v15  }
0x190: {  	v15 =	vor.u32 s25, v0;
	v19 =	vsel vm3, $0x1, v4;
	vm4 =	vlt.f32 v22, v6;
	v17 =	vld [tilespmem:s22+$0x20];
	[tilespmem:v23+s13+$0x0] =	vst.idx.msk vm5, v20  }
0x191: {  	_ =	sdelay $0x2  }
0x192: {  	vm5 =	vlt.f32 v18, v6  }
0x193: {  	v37 =	vsel vm4, $0x1, v4;
	vm7 =	vlt.f32 v13, v6;
	v38 =	vmpcnt.ones.xlane vm5  }
0x194: {  	v39 =	vmpcnt.ones.xlane vm3;
	v22 =	vmpcnt.ones.xlane vm4;
	vm10 =	vlt.f32 v10, v6  }
0x195: {  	v20 =	vsel vm7, $0x1, v4;
	vm6 =	vlt.f32 v16, v6;
	v13 =	vadd.s32 v9, v38  }
0x196: {  	(xrf0) =	vadd.scan.msk.s32 $0xffff, v19;
	v41 =	vmpcnt.ones.xlane vm7;
	v21 =	vsel vm6, $0x1, v4;
	v40 =	vadd.s32 v13, v39  }
0x197: {  	(xrf0) =	vadd.scan.msk.s32 $0xffff, v37;
	vm8 =	vlt.f32 v14, v6;
	v44 =	vmpcnt.ones.xlane vm6;
	v43 =	vadd.s32 v40, v22  }
0x198: {  	(xrf0) =	vadd.scan.msk.s32 $0xffff, v20;
	v45 =	vmpcnt.ones.xlane vm8;
	vm9 =	vlt.f32 v17, v6;
	v16 =	vadd.s32 v43, v41  }
0x199: {  	v42 =	vsel vm8, $0x1, v4;
	(xrf0) =	vadd.scan.msk.s32 $0xffff, v21;
	v46 =	vmpcnt.ones.xlane vm9;
	v6 =	vadd.s32 v16, v44  }
0x19a: {  	v48 =	vmpcnt.ones.xlane vm10;
	v47 =	vsel vm5, $0x1, v4;
	(xrf0) =	vadd.scan.msk.s32 $0xffff, v42;
	v17 =	vadd.s32 v6, v45  }
0x19b: {  	v49 =	vsel vm9, $0x1, v4;
	(xrf0) =	vadd.scan.msk.s32 $0xffff, v47;
	v10 =	vadd.s32 v17, v46  }
0x19c: {  	v50 =	vsel vm10, $0x1, v4;
	v51, _, _ =	vpop (xrf0);
	(xrf0) =	vadd.scan.msk.s32 $0xffff, v49;
	v18 =	vadd.s32 v10, v48  }
0x19d: {  	v52, _, _ =	vpop (xrf0);
	(xrf0) =	vadd.scan.msk.s32 $0xffff, v50;
	v18 =	vxor.u32 $0x80000000, v18  }
0x19e: {  	v53, _, _ =	vpop (xrf0);
	(xrf0) =	vmax.scan.msk.u32 $0xffff, v18  }
0x19f: {  	v54, _, _ =	vpop (xrf0)  }
0x1a0: {  	v23, _, _ =	vpop (xrf0)  }
0x1a1: {  	v24, _, _ =	vpop (xrf0)  }
0x1a2: {  	v25, _, _ =	vpop (xrf0)  }
0x1a3: {  	v26, _, _ =	vpop (xrf0)  }
0x1a4: {  	v27, _, _ =	vpop (xrf0)  }
0x1a5: {  	(v2sf) =	vpush v27, $0xF;
	_ =	sdelay $0x9  }
0x1a6: {  	v13 =	vadd.s32 v13, v51  }
0x1a7: {  	v14 =	vadd.s32 v40, v52  }
0x1a8: {  	v19 =	vadd.s32 v43, v53  }
0x1a9: {  	[tilespmem:v12+s13+$0x0] =	vst.idx.msk vm2, v15;
	s22 =	sadd.s32 $0xFFFFFFA0, s20;
	v55 =	vadd.s32 v16, v54  }
0x1aa: {  	[tilespmem:v11+s13+$0x0] =	vst.idx.msk vm1, v8;
	s25 =	sadd.s32 $0xFFFFFFB0, s20;
	s26 =	sadd.s32 $0xFFFFFFC0, s20;
	v56 =	vor.u32 s22, v0;
	v6 =	vadd.s32 v6, v23  }
0x1ab: {  	v58 =	vor.u32 s25, v0;
	v59 =	vor.u32 s26, v0;
	v57 =	vadd.s32 v9, v24;
	[tilespmem:v13+s13+$0x0] =	vst.idx.msk vm3, v56;
	s26 =	spop (v2sf)  }
0x1ac: {  	s28 =	sadd.s32 $0xFFFFFFD0, s20;
	[tilespmem:v14+s13+$0x0] =	vst.idx.msk vm4, v58;
	v60 =	vadd.s32 v17, v25;
	s31 =	sadd.s32 $0x7FFFFF00, s26  }
0x1ad: {  	s29 =	sadd.s32 $0xFFFFFFE0, s20;
	v61 =	vor.u32 s28, v0;
	[tilespmem:v19+s13+$0x0] =	vst.idx.msk vm7, v59;
	v10 =	vadd.s32 v10, v26;
	p0 =	sgt.u32 s31, $0xFFFFFF7E  }
.Ltmp5:
0x1ae: {  	s23 =	sadd.s32 $0xFFFFFF90, s20;
	v62 =	vor.u32 s29, v0;
	[tilespmem:v55+s13+$0x0] =	vst.idx.msk vm6, v61;
	(pc) =	sbr.rel @p0 .LBB2_9-.Ltmp5, $4  }
0x1af: {  	s30 =	sadd.s32 $0xFFFFFFF0, s20;
	v63 =	vor.u32 s23, v0;
	[tilespmem:v6+s13+$0x0] =	vst.idx.msk vm8, v62  }
0x1b0: {  	v6 =	vor.u32 s30, v0;
	[tilespmem:v57+s13+$0x0] =	vst.idx.msk vm5, v63  }
0x1b1: {  	[tilespmem:v60+s13+$0x0] =	vst.idx.msk vm9, v6  }
0x1b2: {  	[tilespmem:v10+s13+$0x0] =	vst.idx.msk vm10, v7  }
0x1b3: {  	(v2sf) =	vpush v5, $0xF;
	_ =	sdelay $0xd  }
0x1b4: {  	s20 =	simm.f32 $0.0e+00  }
0x1b5: {  	s22 =	simm.f32 $+Inf;
	s24 =	simm.s32 $0x0;
	s23 =	spop (v2sf)  }
.LBB2_6:
0x1b6: {  	[tilespmem:$0x9100] =	vst v3  }
0x1b7: {  	[tilespmem:$0x9110] =	vst v3  }
0x1b8: {  	[tilespmem:$0x9120] =	vst v3  }
0x1b9: {  	[tilespmem:$0x9130] =	vst v3  }
0x1ba: {  	[tilespmem:$0x9140] =	vst v3  }
0x1bb: {  	[tilespmem:$0x9150] =	vst v3  }
0x1bc: {  	[tilespmem:$0x9160] =	vst v3  }
0x1bd: {  	[tilespmem:$0x9170] =	vst v3  }
0x1be: {  	[tilespmem:$0x9180] =	vst v3  }
0x1bf: {  	[tilespmem:$0x9190] =	vst v3  }
0x1c0: {  	[tilespmem:$0x91A0] =	vst v3  }
0x1c1: {  	[tilespmem:$0x91B0] =	vst v3  }
0x1c2: {  	[tilespmem:$0x91C0] =	vst v3  }
0x1c3: {  	s25 =	sadd.s32 $0x80000001, s26;
	[tilespmem:$0x91D0] =	vst v3  }
0x1c4: {  	[tilespmem:$0x91E0] =	vst v3;
	p0 =	sgt.s32 s25, $0x100;
	p1 =	slt.s32 s25, $0x80  }
0x1c5: {  	[tilespmem:$0x91F0] =	vst v3;
	s20 =	smov.u32 @p1 s23;
	s22 =	smov.u32 @p0 s23  }
0x1c6: {  	s28 =	smul.f32 $2.500000000e-01, s23;
	[tilespmem:$0x9200] =	vst v3;
	s29 =	simm.s32 $0x40;
	s30 =	sadd.f32 s22, s20  }
0x1c7: {  	s25 =	smul.f32 $4.000000000e+00, s23;
	v6 =	vld [tilespmem:s29+$0xFFFFFFD0]  }
0x1c8: {  	v7 =	vld [tilespmem:s29+$0xFFFFFFE0];
	p0 =	seq.f32 s20, $0.0e+00;
	s23 =	smul.f32 $5.000000000e-01, s30  }
0x1c9: {  	v8 =	vld [tilespmem:s29+$0xFFFFFFF0];
	p1 =	seq.f32 s22, $+Inf  }
0x1ca: {  	v9 =	vld [tilespmem:s29+$0x0];
	s23 =	smov.u32 @p0 s28  }
0x1cb: {  	v11 =	vld [tilespmem:s29+$0xFFFFFFC0];
	s23 =	smov.u32 @p1 s25  }
0x1cc: {  	v10 =	vld [tilespmem:s29+$0x10];
	v5 =	vmov s23  }
0x1cd: {  	vm8 =	vlt.f32 v6, v5  }
0x1ce: {  	v12 =	vld [tilespmem:s29+$0x30];
	vm7 =	vlt.f32 v7, v5;
	v6 =	vsel vm8, $0x1, v4  }
0x1cf: {  	v7 =	vld [tilespmem:s29+$0x20];
	v13 =	vsel vm7, $0x1, v4;
	(xrf0) =	vadd.scan.msk.s32 $0xffff, v6  }
0x1d0: {  	vm6 =	vlt.f32 v8, v5;
	vm3 =	vlt.f32 v9, v5;
	vm5 =	vlt.f32 v11, v5;
	(xrf0) =	vadd.scan.msk.s32 $0xffff, v13  }
0x1d1: {  	vm4 =	vlt.f32 v10, v5;
	v10 =	vmpcnt.ones.xlane vm5;
	v6 =	vsel vm6, $0x1, v4  }
0x1d2: {  	v8 =	vsel vm3, $0x1, v4;
	(xrf0) =	vadd.scan.msk.s32 $0xffff, v6;
	v6 =	vimm.s32 $0xFFFFFFFF  }
0x1d3: {  	vm1 =	vlt.f32 v12, v5;
	v9 =	vsel vm4, $0x1, v4;
	(xrf0) =	vadd.scan.msk.s32 $0xffff, v8;
	v10 =	vadd.s32 v6, v10  }
0x1d4: {  	v8 =	vsel vm5, $0x1, v4;
	vm2 =	vlt.f32 v7, v5;
	v7 =	vmpcnt.ones.xlane vm8;
	(xrf0) =	vadd.scan.msk.s32 $0xffff, v9  }
0x1d5: {  	v11 =	vmpcnt.ones.xlane vm7;
	v9 =	vsel vm2, $0x1, v4;
	(xrf0) =	vadd.scan.msk.s32 $0xffff, v8;
	v8 =	vsel vm1, $0x1, v4;
	v12, _, _ =	vpop (xrf0)  }
0x1d6: {  	v7 =	vadd.s32 v10, v7;
	(xrf0) =	vadd.scan.msk.s32 $0xffff, v9;
	v9 =	vmpcnt.ones.xlane vm6;
	v12 =	vadd.s32 v10, v12;
	v10, _, _ =	vpop (xrf0)  }
0x1d7: {  	(xrf0) =	vadd.scan.msk.s32 $0xffff, v8;
	v8 =	vadd.s32 v7, v10;
	v7 =	vadd.s32 v7, v11  }
0x1d8: {  	v13 =	vadd.s32 v7, v9  }
0x1d9: {  	v10 =	vmpcnt.ones.xlane vm3;
	v11, _, _ =	vpop (xrf0)  }
0x1da: {  	v14, _, _ =	vpop (xrf0)  }
0x1db: {  	s31 =	simm.s32 $0x70;
	s30 =	simm.s32 $0x10;
	v11 =	vadd.s32 v7, v11;
	v14 =	vadd.s32 v13, v14;
	v10 =	vadd.s32 v13, v10;
	v13, _, _ =	vpop (xrf0)  }
0x1dc: {  	s26 =	simm.s32 $0xC0;
	v17 =	vor.u32 s30, v0;
	v7 =	vor.u32 s31, v0;
	s31 =	simm.s32 $0x20;
	v18 =	vadd.s32 v10, v13;
	v13, _, _ =	vpop (xrf0)  }
0x1dd: {  	v16 =	vld [tilespmem:s26+$0xFFFFFFD0];
	v15 =	vmpcnt.ones.xlane vm4;
	v21 =	vadd.s32 v6, v13;
	v13 =	vor.u32 s31, v0  }
0x1de: {  	v20 =	vld [tilespmem:s26+$0xFFFFFFE0];
	s30 =	simm.s32 $0x30;
	v19 =	vmpcnt.ones.xlane vm2;
	[tilespmem:v12+s13+$0x0] =	vst.idx.msk vm8, v17  }
0x1df: {  	v9 =	vld [tilespmem:s26+$0x30];
	v10 =	vadd.s32 v10, v15;
	v17, _, _ =	vpop (xrf0);
	[tilespmem:v8+s13+$0x0] =	vst.idx.msk vm7, v13;
	v8 =	vor.u32 s30, v0  }
0x1e0: {  	v12 =	vld [tilespmem:s26+$0xFFFFFFF0];
	s31 =	simm.s32 $0x40;
	v19 =	vadd.s32 v10, v19;
	[tilespmem:v11+s13+$0x0] =	vst.idx.msk vm6, v8;
	v11 =	vadd.s32 v10, v17;
	v13, _, _ =	vpop (xrf0)  }
0x1e1: {  	s28 =	simm.s32 $0xF0;
	v22 =	vmpcnt.ones.xlane vm1;
	v15 =	vld [tilespmem:s26+$0x0];
	s30 =	simm.s32 $0x50;
	v8 =	vor.u32 s31, v0;
	v10 =	vadd.s32 v19, v13  }
0x1e2: {  	s29 =	simm.s32 $0x0;
	v6 =	vor.u32 s28, v0;
	[tilespmem:v14+s13+$0x0] =	vst.idx.msk vm3, v8;
	v14 =	vor.u32 s30, v0;
	v13 =	vld [tilespmem:s26+$0x10]  }
0x1e3: {  	v17 =	vld [tilespmem:s26+$0xFFFFFFC0];
	s31 =	simm.s32 $0x60;
	v8 =	vadd.s32 v19, v22;
	vm3 =	vlt.f32 v16, v5;
	v19 =	vor.u32 s29, v0;
	[tilespmem:v18+s13+$0x0] =	vst.idx.msk vm4, v14  }
0x1e4: {  	s25 =	simm.s32 $0xF0;
	v16 =	vld [tilespmem:s26+$0x20];
	s29 =	simm.s32 $0x8;
	v18 =	vsel vm3, $0x1, v4;
	vm4 =	vlt.f32 v20, v5;
	v14 =	vor.u32 s31, v0;
	[tilespmem:v21+s13+$0x0] =	vst.idx.msk vm5, v19  }
.LBB2_7:
0x1e5: {  	s29 =	sadd.s32 $0x8, s29;
	v19 =	vsel vm4, $0x1, v4;
	vm7 =	vlt.f32 v12, v5;
	(xrf0) =	vadd.scan.msk.s32 $0xffff, v18;
	[tilespmem:v11+s13+$0x0] =	vst.idx.msk vm2, v14  }
0x1e6: {  	s28 =	sadd.s32 $0x80, s28;
	p0 =	slt.u32 s29, $0x78;
	v11 =	vsel vm7, $0x1, v4;
	vm6 =	vlt.f32 v15, v5;
	(xrf0) =	vadd.scan.msk.s32 $0xffff, v19;
	[tilespmem:v10+s13+$0x0] =	vst.idx.msk vm1, v7;
	v7 =	vmovc v6  }
0x1e7: {  	v6 =	vor.u32 s28, v0;
	v10 =	vsel vm6, $0x1, v4;
	vm8 =	vlt.f32 v13, v5;
	(xrf0) =	vadd.scan.msk.s32 $0xffff, v11  }
0x1e8: {  	vm1 =	vlt.f32 v9, v5;
	vm5 =	vlt.f32 v17, v5;
	v11 =	vsel vm8, $0x1, v4;
	(xrf0) =	vadd.scan.msk.s32 $0xffff, v10  }
0x1e9: {  	v9 =	vsel vm5, $0x1, v4;
	v10 =	vmpcnt.ones.xlane vm5;
	vm2 =	vlt.f32 v16, v5;
	(xrf0) =	vadd.scan.msk.s32 $0xffff, v11  }
0x1ea: {  	v13 =	vsel vm1, $0x1, v4;
	v11 =	vmpcnt.ones.xlane vm3;
	v12 =	vsel vm2, $0x1, v4;
	(xrf0) =	vadd.scan.msk.s32 $0xffff, v9  }
0x1eb: {  	v14 =	vmpcnt.ones.xlane vm1;
	v9 =	vadd.s32 v8, v10;
	v10 =	vmpcnt.ones.xlane vm4;
	v15, _, _ =	vpop (xrf0);
	(xrf0) =	vadd.scan.msk.s32 $0xffff, v12  }
0x1ec: {  	v12 =	vadd.s32 v9, v15;
	v9 =	vadd.s32 v9, v11;
	v11 =	vmpcnt.ones.xlane vm7;
	v15, _, _ =	vpop (xrf0);
	(xrf0) =	vadd.scan.msk.s32 $0xffff, v13  }
0x1ed: {  	v13 =	vadd.s32 v9, v15;
	v9 =	vadd.s32 v9, v10;
	v10 =	vmpcnt.ones.xlane vm6;
	v15, _, _ =	vpop (xrf0)  }
0x1ee: {  	s26 =	sadd.s32 $0x80, s26;
	v21 =	vmpcnt.ones.xlane vm8;
	v16 =	vadd.s32 v9, v15;
	v11 =	vadd.s32 v9, v11;
	v17, _, _ =	vpop (xrf0)  }
0x1ef: {  	s30 =	sadd.s32 $0xFFFFFFA0, s25;
	v23 =	vmpcnt.ones.xlane vm2;
	v9 =	vld [tilespmem:s26+$0x30];
	v17 =	vadd.s32 v11, v17;
	v10 =	vadd.s32 v11, v10;
	v18, _, _ =	vpop (xrf0)  }
0x1f0: {  	v20 =	vor.u32 s30, v0;
	s30 =	sadd.s32 $0xFFFFFFB0, s25;
	v19 =	vld [tilespmem:s26+$0xFFFFFFD0];
	v18 =	vadd.s32 v10, v18;
	v24 =	vadd.s32 v10, v21;
	v15, _, _ =	vpop (xrf0)  }
0x1f1: {  	v21 =	vld [tilespmem:s26+$0xFFFFFFE0];
	v22 =	vadd.s32 v8, v15;
	[tilespmem:v12+s13+$0x0] =	vst.idx.msk vm3, v20;
	v8 =	vor.u32 s30, v0;
	s30 =	sadd.s32 $0xFFFFFFC0, s25;
	v20 =	vadd.s32 v24, v23;
	v11, _, _ =	vpop (xrf0)  }
.Ltmp6:
0x1f2: {  	v12 =	vld [tilespmem:s26+$0xFFFFFFF0];
	[tilespmem:v13+s13+$0x0] =	vst.idx.msk vm4, v8;
	v8 =	vor.u32 s30, v0;
	s30 =	sadd.s32 $0xFFFFFFD0, s25;
	v11 =	vadd.s32 v24, v11;
	v10, _, _ =	vpop (xrf0);
	(pc) =	sbr.rel @p0 .LBB2_7-.Ltmp6, $4  }
0x1f3: {  	v15 =	vld [tilespmem:s26+$0x0];
	[tilespmem:v16+s13+$0x0] =	vst.idx.msk vm7, v8;
	v16 =	vor.u32 s30, v0;
	s30 =	sadd.s32 $0xFFFFFFE0, s25;
	v10 =	vadd.s32 v20, v10;
	v8 =	vadd.s32 v20, v14  }
0x1f4: {  	s31 =	sadd.s32 $0xFFFFFF90, s25;
	v13 =	vld [tilespmem:s26+$0x10];
	[tilespmem:v17+s13+$0x0] =	vst.idx.msk vm6, v16;
	v14 =	vor.u32 s30, v0  }
0x1f5: {  	s30 =	sadd.s32 $0xFFFFFFF0, s25;
	s25 =	smov.u32 s28;
	v17 =	vld [tilespmem:s26+$0xFFFFFFC0];
	vm3 =	vlt.f32 v19, v5;
	v19 =	vor.u32 s31, v0;
	[tilespmem:v18+s13+$0x0] =	vst.idx.msk vm8, v14  }
0x1f6: {  	v14 =	vor.u32 s30, v0;
	v18 =	vsel vm3, $0x1, v4;
	vm4 =	vlt.f32 v21, v5;
	v16 =	vld [tilespmem:s26+$0x20];
	[tilespmem:v22+s13+$0x0] =	vst.idx.msk vm5, v19  }
0x1f7: {  	_ =	sdelay $0x2  }
0x1f8: {  	vm5 =	vlt.f32 v17, v5  }
0x1f9: {  	v42 =	vsel vm4, $0x1, v4;
	vm8 =	vlt.f32 v12, v5;
	v43 =	vmpcnt.ones.xlane vm5  }
0x1fa: {  	v44 =	vmpcnt.ones.xlane vm3;
	v21 =	vmpcnt.ones.xlane vm4;
	vm9 =	vlt.f32 v9, v5  }
0x1fb: {  	v19 =	vsel vm8, $0x1, v4;
	vm6 =	vlt.f32 v15, v5;
	v12 =	vadd.s32 v8, v43  }
0x1fc: {  	(xrf0) =	vadd.scan.msk.s32 $0xffff, v18;
	v46 =	vmpcnt.ones.xlane vm8;
	v20 =	vsel vm6, $0x1, v4;
	v45 =	vadd.s32 v12, v44  }
0x1fd: {  	(xrf0) =	vadd.scan.msk.s32 $0xffff, v42;
	vm7 =	vlt.f32 v13, v5;
	v49 =	vmpcnt.ones.xlane vm6;
	v48 =	vadd.s32 v45, v21  }
0x1fe: {  	(xrf0) =	vadd.scan.msk.s32 $0xffff, v19;
	v50 =	vmpcnt.ones.xlane vm7;
	vm10 =	vlt.f32 v16, v5;
	v15 =	vadd.s32 v48, v46  }
0x1ff: {  	v47 =	vsel vm7, $0x1, v4;
	(xrf0) =	vadd.scan.msk.s32 $0xffff, v20;
	v51 =	vmpcnt.ones.xlane vm10;
	v5 =	vadd.s32 v15, v49  }
0x200: {  	v53 =	vmpcnt.ones.xlane vm9;
	v52 =	vsel vm5, $0x1, v4;
	(xrf0) =	vadd.scan.msk.s32 $0xffff, v47;
	v16 =	vadd.s32 v5, v50  }
0x201: {  	v54 =	vsel vm10, $0x1, v4;
	(xrf0) =	vadd.scan.msk.s32 $0xffff, v52;
	v9 =	vadd.s32 v16, v51  }
0x202: {  	v55 =	vsel vm9, $0x1, v4;
	v56, _, _ =	vpop (xrf0);
	(xrf0) =	vadd.scan.msk.s32 $0xffff, v54;
	v17 =	vadd.s32 v9, v53  }
0x203: {  	v57, _, _ =	vpop (xrf0);
	(xrf0) =	vadd.scan.msk.s32 $0xffff, v55;
	v17 =	vxor.u32 $0x80000000, v17  }
0x204: {  	v58, _, _ =	vpop (xrf0);
	(xrf0) =	vmax.scan.msk.u32 $0xffff, v17  }
0x205: {  	v59, _, _ =	vpop (xrf0)  }
0x206: {  	v22, _, _ =	vpop (xrf0)  }
0x207: {  	v23, _, _ =	vpop (xrf0)  }
0x208: {  	v24, _, _ =	vpop (xrf0)  }
0x209: {  	v25, _, _ =	vpop (xrf0)  }
0x20a: {  	v26, _, _ =	vpop (xrf0)  }
0x20b: {  	(v2sf) =	vpush v26, $0xF;
	_ =	sdelay $0xb  }
0x20c: {  	v12 =	vadd.s32 v12, v56  }
0x20d: {  	v13 =	vadd.s32 v45, v57  }
0x20e: {  	s26 =	sadd.s32 $0xFFFFFFA0, s25;
	v18 =	vadd.s32 v48, v58  }
0x20f: {  	[tilespmem:v10+s13+$0x0] =	vst.idx.msk vm1, v7;
	v7 =	vor.u32 s26, v0;
	v60 =	vadd.s32 v15, v59;
	s26 =	spop (v2sf)  }
0x210: {  	[tilespmem:v11+s13+$0x0] =	vst.idx.msk vm2, v14;
	s31 =	sadd.s32 $0xFFFFFFB0, s25;
	v5 =	vadd.s32 v5, v22;
	s30 =	sadd.s32 $0x7FFFFF00, s26  }
0x211: {  	s28 =	sadd.s32 $0xFFFFFFC0, s25;
	v61 =	vadd.s32 v8, v23;
	[tilespmem:v12+s13+$0x0] =	vst.idx.msk vm3, v7;
	v7 =	vor.u32 s31, v0;
	p0 =	sgt.u32 s30, $0xFFFFFF7E  }
0x212: {  	s29 =	sadd.s32 $0xFFFFFFD0, s25;
	[tilespmem:v13+s13+$0x0] =	vst.idx.msk vm4, v7;
	v7 =	vor.u32 s28, v0;
	v62 =	vadd.s32 v16, v24;
	p1 =	slt.u32 @!p0 s24, $0x17  }
0x213: {  	s28 =	sadd.s32 $0xFFFFFFE0, s25;
	[tilespmem:v18+s13+$0x0] =	vst.idx.msk vm8, v7;
	v7 =	vor.u32 s29, v0;
	v9 =	vadd.s32 v9, v25;
	p0 =	por p0, !p1  }
.Ltmp7:
0x214: {  	s29 =	sadd.s32 $0xFFFFFF90, s25;
	[tilespmem:v60+s13+$0x0] =	vst.idx.msk vm6, v7;
	v7 =	vor.u32 s28, v0;
	(pc) =	sbr.rel @!p0 .LBB2_6-.Ltmp7, $4  }
0x215: {  	s31 =	sadd.s32 $0xFFFFFFF0, s25;
	v63 =	vor.u32 s29, v0;
	[tilespmem:v5+s13+$0x0] =	vst.idx.msk vm7, v7  }
0x216: {  	v5 =	vor.u32 s31, v0;
	[tilespmem:v61+s13+$0x0] =	vst.idx.msk vm5, v63  }
0x217: {  	[tilespmem:v62+s13+$0x0] =	vst.idx.msk vm10, v5  }
0x218: {  	[tilespmem:v9+s13+$0x0] =	vst.idx.msk vm9, v6;
	s24 =	sadd.s32 $0x1, s24  }
.LBB2_9:
0x219: {  	v5 =	vld [tilespmem:$0x9100]  }
0x21a: {  	v6 =	vld [tilespmem:$0x9110]  }
0x21b: {  	v7 =	vld [tilespmem:$0x9120]  }
0x21c: {  	v8 =	vld [tilespmem:$0x9130]  }
0x21d: {  	v9 =	vld [tilespmem:$0x9140]  }
0x21e: {  	v10 =	vld [tilespmem:$0x9150]  }
0x21f: {  	v11 =	vld [tilespmem:$0x9160]  }
0x220: {  	v12 =	vld [tilespmem:$0x9170]  }
0x221: {  	v13 =	vld [tilespmem:$0x9180]  }
0x222: {  	v14 =	vld [tilespmem:$0x9190]  }
0x223: {  	v15 =	vld [tilespmem:$0x91A0]  }
0x224: {  	v16 =	vld [tilespmem:$0x91B0]  }
0x225: {  	v17 =	vld.idx.msk [tilespmem:v5+s2+$0x0], $0xffff  }
0x226: {  	v18 =	vld.idx.msk [tilespmem:v6+s2+$0x0], $0xffff  }
0x227: {  	v19 =	vld [tilespmem:$0x91C0]  }
0x228: {  	v20 =	vld.idx.msk [tilespmem:v7+s2+$0x0], $0xffff  }
0x229: {  	v21 =	vld.idx.msk [tilespmem:v8+s2+$0x0], $0xffff  }
0x22a: {  	v22 =	vld [tilespmem:$0x91D0];
	(xrf1) =	vsort.ascd.msk.f32 $0xffff, v17, v5  }
0x22b: {  	v5 =	vld.idx.msk [tilespmem:v9+s2+$0x0], $0xffff;
	(xrf1) =	vsort.ascd.msk.f32 $0xffff, v18, v6  }
0x22c: {  	v6 =	vld.idx.msk [tilespmem:v10+s2+$0x0], $0xffff  }
0x22d: {  	v17 =	vld [tilespmem:$0x91E0];
	(xrf1) =	vsort.ascd.msk.f32 $0xffff, v20, v7  }
0x22e: {  	v7 =	vld.idx.msk [tilespmem:v11+s2+$0x0], $0xffff;
	(xrf1) =	vsort.ascd.msk.f32 $0xffff, v21, v8  }
0x22f: {  	v8 =	vld.idx.msk [tilespmem:v12+s2+$0x0], $0xffff  }
0x230: {  	v18 =	vld [tilespmem:$0x91F0];
	(xrf1) =	vsort.ascd.msk.f32 $0xffff, v5, v9  }
0x231: {  	v5 =	vld.idx.msk [tilespmem:v13+s2+$0x0], $0xffff;
	(xrf1) =	vsort.ascd.msk.f32 $0xffff, v6, v10  }
0x232: {  	v6 =	vld.idx.msk [tilespmem:v14+s2+$0x0], $0xffff  }
0x233: {  	v9 =	vld.idx.msk [tilespmem:v15+s2+$0x0], $0xffff;
	(xrf1) =	vsort.ascd.msk.f32 $0xffff, v7, v11  }
0x234: {  	v7 =	vld.idx.msk [tilespmem:v16+s2+$0x0], $0xffff;
	(xrf1) =	vsort.ascd.msk.f32 $0xffff, v8, v12  }
0x235: {  	v8 =	vld.idx.msk [tilespmem:v19+s2+$0x0], $0xffff  }
0x236: {  	v10 =	vld.idx.msk [tilespmem:v22+s2+$0x0], $0xffff;
	(xrf1) =	vsort.ascd.msk.f32 $0xffff, v5, v13  }
0x237: {  	v5 =	vld.idx.msk [tilespmem:v17+s2+$0x0], $0xffff;
	(xrf1) =	vsort.ascd.msk.f32 $0xffff, v6, v14  }
0x238: {  	v6 =	vld.idx.msk [tilespmem:v18+s2+$0x0], $0xffff;
	v11, v12, _ =	vpop (xrf1);
	(xrf1) =	vsort.ascd.msk.f32 $0xffff, v9, v15  }
0x239: {  	v9, v13, _ =	vpop (xrf1);
	(xrf1) =	vsort.ascd.msk.f32 $0xffff, v7, v16  }
0x23a: {  	(xrf1) =	vsort.ascd.msk.f32 $0xffff, v8, v19;
	v7 =	vperm.xlane v9, v2  }
0x23b: {  	v8, v9, _ =	vpop (xrf1);
	(xrf1) =	vsort.ascd.msk.f32 $0xffff, v10, v22  }
0x23c: {  	v10, v14, _ =	vpop (xrf1);
	(xrf1) =	vsort.ascd.msk.f32 $0xffff, v5, v17;
	v5 =	vperm.xlane v13, v2;
	vm1 =	vle.f32 v11, v7  }
0x23d: {  	(xrf1) =	vsort.ascd.msk.f32 $0xffff, v6, v18;
	v6 =	vsel vm1, v11, v7;
	v10 =	vperm.xlane v10, v2  }
0x23e: {  	v13, v15, _ =	vpop (xrf1);
	v7 =	vsel vm1, v7, v11;
	v16 =	vsel vm1, v12, v5;
	v5 =	vsel vm1, v5, v12  }
0x23f: {  	v11, v12, _ =	vpop (xrf1);
	(xrf1) =	vsort.ascd.msk.f32 $0xffff, v6, v16;
	v6 =	vperm.xlane v14, v2;
	vm1 =	vle.f32 v8, v10  }
0x240: {  	(xrf1) =	vsort.ascd.msk.f32 $0xffff, v7, v5;
	v5 =	vsel vm1, v8, v10;
	v7 =	vperm.xlane v11, v2  }
0x241: {  	v11, v14, _ =	vpop (xrf1);
	v8 =	vsel vm1, v10, v8;
	v16 =	vsel vm1, v9, v6;
	v6 =	vsel vm1, v6, v9  }
0x242: {  	v9, v10, _ =	vpop (xrf1);
	(xrf1) =	vsort.ascd.msk.f32 $0xffff, v5, v16;
	v5 =	vperm.xlane v12, v2;
	vm1 =	vle.f32 v13, v7  }
0x243: {  	(xrf1) =	vsort.ascd.msk.f32 $0xffff, v8, v6;
	v6 =	vsel vm1, v13, v7;
	v8 =	vperm.xlane v9, v2  }
0x244: {  	v7 =	vsel vm1, v7, v13;
	v16 =	vsel vm1, v15, v5;
	v5 =	vsel vm1, v5, v15  }
0x245: {  	v9, v12, _ =	vpop (xrf1);
	(xrf1) =	vsort.ascd.msk.f32 $0xffff, v6, v16;
	v6 =	vperm.xlane v10, v2;
	vm1 =	vle.f32 v11, v8  }
0x246: {  	v13, v15, _ =	vpop (xrf1);
	(xrf1) =	vsort.ascd.msk.f32 $0xffff, v7, v5;
	v5 =	vsel vm1, v11, v8  }
0x247: {  	v7 =	vperm.xlane v13, v2;
	v8 =	vsel vm1, v8, v11;
	v16 =	vsel vm1, v14, v6  }
0x248: {  	v10, v13, _ =	vpop (xrf1);
	v6 =	vsel vm1, v6, v14;
	(xrf1) =	vsort.ascd.msk.f32 $0xffff, v5, v16;
	v5 =	vperm.xlane v15, v2  }
0x249: {  	v11, v14, _ =	vpop (xrf1);
	vm1 =	vle.f32 v9, v7;
	(xrf1) =	vsort.ascd.msk.f32 $0xffff, v8, v6  }
0x24a: {  	v6 =	vsel vm1, v9, v7;
	v8 =	vperm.xlane v11, v2;
	v16 =	vsel vm1, v12, v5  }
0x24b: {  	(xrf1) =	vsort.ascd.msk.f32 $0xffff, v6, v16;
	v6 =	vperm.xlane v14, v2  }
0x24c: {  	v11, v15, _ =	vpop (xrf1);
	v7 =	vsel vm1, v7, v9;
	v5 =	vsel vm1, v5, v12;
	vm1 =	vle.f32 v10, v8  }
0x24d: {  	v9, v12, _ =	vpop (xrf1);
	v16 =	vsel vm1, v13, v6  }
0x24e: {  	(xrf1) =	vsort.ascd.msk.f32 $0xffff, v7, v5;
	v7 =	vperm.xlane v9, v2  }
0x24f: {  	v5 =	vsel vm1, v10, v8;
	v9, v14, _ =	vpop (xrf1);
	v8 =	vsel vm1, v8, v10;
	v6 =	vsel vm1, v6, v13  }
0x250: {  	v10, v13, _ =	vpop (xrf1);
	(xrf1) =	vsort.ascd.msk.f32 $0xffff, v5, v16;
	v5 =	vperm.xlane v12, v2;
	vm1 =	vle.f32 v11, v7  }
0x251: {  	v12, v16, _ =	vpop (xrf1);
	(xrf1) =	vsort.ascd.msk.f32 $0xffff, v8, v6;
	v6 =	vsel vm1, v11, v7;
	v8 =	vperm.xlane v10, v2  }
0x252: {  	v18 =	vsel vm1, v15, v5;
	v5 =	vsel vm1, v5, v15;
	v7 =	vsel vm1, v7, v11;
	v10, v17, _ =	vpop (xrf1)  }
0x253: {  	v11 =	vperm.xlane v13, v2;
	(xrf1) =	vsort.ascd.msk.f32 $0xffff, v6, v18;
	v13, v19, _ =	vpop (xrf1);
	vm1 =	vle.f32 v9, v8  }
0x254: {  	(xrf1) =	vsort.ascd.msk.f32 $0xffff, v7, v5;
	v6, v15, _ =	vpop (xrf1);
	v5 =	vsel vm1, v9, v8  }
0x255: {  	v7 =	vsel vm1, v14, v11;
	v8 =	vsel vm1, v8, v9;
	v6 =	vperm.xlane v6, v2  }
0x256: {  	v9 =	vsel vm1, v11, v14;
	(xrf1) =	vsort.ascd.msk.f32 $0xffff, v5, v7;
	v5 =	vperm.xlane v13, v2  }
0x257: {  	v7 =	vperm.xlane v15, v2;
	(xrf1) =	vsort.ascd.msk.f32 $0xffff, v8, v9;
	vm1 =	vle.f32 v12, v6  }
0x258: {  	v8 =	vperm.xlane v19, v2;
	vm2 =	vle.f32 v10, v5;
	v9 =	vsel vm1, v12, v6  }
0x259: {  	v11 =	vsel vm1, v16, v7;
	v6 =	vsel vm1, v6, v12;
	v12 =	vsel vm2, v10, v5  }
0x25a: {  	v7 =	vsel vm1, v7, v16;
	v15 =	vsel vm2, v17, v8;
	vm1 =	vle.f32 v9, v12  }
0x25b: {  	v5 =	vsel vm2, v5, v10;
	v18 =	vsel vm1, v9, v12;
	v19 =	vsel vm1, v11, v15  }
0x25c: {  	v13, v14, _ =	vpop (xrf1);
	v9 =	vsel vm1, v12, v9;
	v11 =	vsel vm1, v15, v11;
	(xrf1) =	vsort.ascd.msk.f32 $0xffff, v18, v19  }
0x25d: {  	v10, v16, _ =	vpop (xrf1);
	v8 =	vsel vm2, v8, v17;
	vm1 =	vle.f32 v6, v5;
	(xrf1) =	vsort.ascd.msk.f32 $0xffff, v9, v11  }
0x25e: {  	v12, v20, _ =	vpop (xrf1);
	v9 =	vsel vm1, v6, v5;
	v11 =	vsel vm1, v7, v8;
	v5 =	vsel vm1, v5, v6  }
0x25f: {  	v7 =	vsel vm1, v8, v7;
	v8 =	vperm.xlane v12, v2;
	(xrf1) =	vsort.ascd.msk.f32 $0xffff, v9, v11;
	v15, v18, _ =	vpop (xrf1)  }
0x260: {  	(xrf1) =	vsort.ascd.msk.f32 $0xffff, v5, v7;
	v6 =	vperm.xlane v15, v2  }
0x261: {  	v7 =	vperm.xlane v20, v2;
	vm2 =	vle.f32 v10, v8;
	v5 =	vperm.xlane v18, v2  }
0x262: {  	v12 =	vsel vm2, v10, v8;
	v8 =	vsel vm2, v8, v10;
	vm1 =	vle.f32 v13, v6  }
0x263: {  	v9 =	vsel vm1, v13, v6;
	v11 =	vsel vm1, v14, v5;
	v6 =	vsel vm1, v6, v13  }
0x264: {  	v5 =	vsel vm1, v5, v14;
	v14 =	vsel vm2, v16, v7;
	vm1 =	vle.f32 v9, v12  }
0x265: {  	v13, v15, _ =	vpop (xrf1);
	v10 =	vsel vm1, v9, v12;
	v19 =	vsel vm1, v11, v14;
	v9 =	vsel vm1, v12, v9  }
0x266: {  	v17, v18, _ =	vpop (xrf1);
	v11 =	vsel vm1, v14, v11;
	vm1 =	vle.f32 v6, v8;
	(xrf1) =	vsort.ascd.msk.f32 $0xffff, v10, v19  }
0x267: {  	v7 =	vsel vm2, v7, v16;
	v20, v31, _ =	vpop (xrf1);
	(xrf1) =	vsort.ascd.msk.f32 $0xffff, v9, v11;
	v9 =	vsel vm1, v6, v8  }
0x268: {  	v11 =	vsel vm1, v5, v7;
	v6 =	vsel vm1, v8, v6;
	v5 =	vsel vm1, v7, v5;
	v10, v12, _ =	vpop (xrf1)  }
0x269: {  	v7 =	vperm.xlane v20, v2;
	(xrf1) =	vsort.ascd.msk.f32 $0xffff, v9, v11;
	v10 =	vperm.xlane v10, v2  }
0x26a: {  	v8 =	vperm.xlane v12, v2;
	(xrf1) =	vsort.ascd.msk.f32 $0xffff, v6, v5  }
0x26b: {  	v5 =	vperm.xlane v31, v2;
	vm2 =	vle.f32 v17, v7;
	vm1 =	vle.f32 v13, v10  }
0x26c: {  	v11 =	vsel vm2, v17, v7;
	v6 =	vsel vm1, v13, v10;
	v9 =	vsel vm1, v15, v8  }
0x26d: {  	v10 =	vsel vm1, v10, v13;
	v8 =	vsel vm1, v8, v15;
	vm1 =	vle.f32 v6, v11  }
0x26e: {  	v7 =	vsel vm2, v7, v17;
	v17 =	vsel vm1, v6, v11  }
0x26f: {  	v12 =	vsel vm2, v18, v5;
	v13, v14, _ =	vpop (xrf1)  }
0x270: {  	v5 =	vsel vm2, v5, v18;
	v15, v16, _ =	vpop (xrf1);
	v18 =	vsel vm1, v9, v12;
	v6 =	vsel vm1, v11, v6  }
0x271: {  	v11, v19, _ =	vpop (xrf1);
	v9 =	vsel vm1, v12, v9;
	vm1 =	vle.f32 v10, v7;
	(xrf1) =	vsort.ascd.msk.f32 $0xffff, v17, v18  }
0x272: {  	v12, v17, _ =	vpop (xrf1);
	(xrf1) =	vsort.ascd.msk.f32 $0xffff, v6, v9;
	v6 =	vsel vm1, v10, v7;
	v9 =	vsel vm1, v8, v5  }
0x273: {  	v7 =	vsel vm1, v7, v10;
	v5 =	vsel vm1, v5, v8;
	v8 =	vperm.xlane v12, v2  }
0x274: {  	(xrf1) =	vsort.ascd.msk.f32 $0xffff, v6, v9;
	v6 =	vperm.xlane v11, v2;
	v9 =	vperm.xlane v17, v2  }
0x275: {  	v10, v11, _ =	vpop (xrf1);
	(xrf1) =	vsort.ascd.msk.f32 $0xffff, v7, v5;
	v5 =	vperm.xlane v19, v2;
	vm1 =	vle.f32 v13, v8  }
0x276: {  	vm2 =	vle.f32 v15, v6;
	v17 =	vsel vm1, v13, v8;
	v18 =	vsel vm1, v14, v9  }
0x277: {  	v7, v12, _ =	vpop (xrf1);
	v8 =	vsel vm1, v8, v13;
	v9 =	vsel vm1, v9, v14;
	v13 =	vsel vm2, v15, v6  }
0x278: {  	v19, v20, _ =	vpop (xrf1);
	v33 =	vsel vm2, v16, v5;
	v6 =	vsel vm2, v6, v15;
	vm1 =	vle.f32 v17, v13  }
0x279: {  	v5 =	vsel vm2, v5, v16;
	v14, v32, _ =	vpop (xrf1);
	v25 =	vsel vm1, v18, v33;
	v18 =	vsel vm1, v33, v18  }
0x27a: {  	v15, v23, _ =	vpop (xrf1);
	v24 =	vsel vm1, v17, v13;
	v13 =	vsel vm1, v13, v17;
	vm1 =	vle.f32 v8, v6  }
0x27b: {  	v17, v26, _ =	vpop (xrf1);
	(xrf1) =	vsort.ascd.msk.f32 $0xffff, v24, v25;
	v36 =	vsel vm1, v9, v5  }
0x27c: {  	v5 =	vsel vm1, v5, v9;
	v34, v35, _ =	vpop (xrf1);
	(xrf1) =	vsort.ascd.msk.f32 $0xffff, v13, v18;
	v13 =	vsel vm1, v8, v6  }
0x27d: {  	v6 =	vsel vm1, v6, v8;
	(xrf1) =	vsort.ascd.msk.f32 $0xffff, v13, v36;
	v9 =	vperm.xlane v34, v2;
	v16, v18, _ =	vpop (xrf1)  }
0x27e: {  	(xrf1) =	vsort.ascd.msk.f32 $0xffff, v6, v5;
	v5 =	vperm.xlane v17, v2;
	v8 =	vperm.xlane v16, v2  }
0x27f: {  	v6 =	vperm.xlane v15, v2;
	v15 =	vperm.xlane v35, v2  }
0x280: {  	v17 =	vperm.xlane v23, v2;
	v13 =	vperm.xlane v18, v2;
	vm1 =	vle.f32 v10, v8  }
0x281: {  	v16 =	vperm.xlane v26, v2;
	vm2 =	vle.f32 v7, v9;
	v18 =	vsel vm1, v10, v8  }
0x282: {  	v37 =	vsel vm1, v11, v13;
	v8 =	vsel vm1, v8, v10;
	v10 =	vsel vm1, v13, v11  }
0x283: {  	v11 =	vsel vm2, v7, v9;
	v13 =	vsel vm2, v12, v15;
	v7 =	vsel vm2, v9, v7  }
0x284: {  	v9 =	vsel vm2, v15, v12;
	vm1 =	vle.f32 v19, v5;
	vm2 =	vle.f32 v14, v6  }
0x285: {  	v12 =	vsel vm1, v19, v5;
	v15 =	vsel vm1, v20, v16;
	v5 =	vsel vm1, v5, v19  }
0x286: {  	v16 =	vsel vm1, v16, v20;
	v19 =	vsel vm2, v14, v6;
	v20 =	vsel vm2, v32, v17  }
0x287: {  	v6 =	vsel vm2, v6, v14;
	v14 =	vsel vm2, v17, v32;
	vm1 =	vle.f32 v18, v12  }
0x288: {  	vm2 =	vle.f32 v11, v19;
	v17 =	vsel vm1, v18, v12;
	v38 =	vsel vm1, v37, v15  }
0x289: {  	v12 =	vsel vm1, v12, v18;
	v18 =	vsel vm2, v11, v19;
	v15 =	vsel vm1, v15, v37  }
0x28a: {  	v39 =	vsel vm2, v13, v20;
	v11 =	vsel vm2, v19, v11;
	vm1 =	vle.f32 v17, v18  }
0x28b: {  	v19 =	vsel vm1, v17, v18;
	v40 =	vsel vm1, v38, v39;
	v17 =	vsel vm1, v18, v17  }
0x28c: {  	v18 =	vsel vm1, v39, v38;
	vm1 =	vle.f32 v12, v11;
	(xrf1) =	vsort.ascd.msk.f32 $0xffff, v19, v40  }
0x28d: {  	(xrf1) =	vsort.ascd.msk.f32 $0xffff, v17, v18;
	v17 =	vsel vm1, v12, v11  }
0x28e: {  	v13 =	vsel vm2, v20, v13  }
0x28f: {  	vm2 =	vle.f32 v7, v6;
	v18 =	vsel vm1, v15, v13;
	v11 =	vsel vm1, v11, v12  }
0x290: {  	v13 =	vsel vm1, v13, v15;
	vm1 =	vle.f32 v8, v5;
	v12, v19, _ =	vpop (xrf1);
	(xrf1) =	vsort.ascd.msk.f32 $0xffff, v17, v18  }
0x291: {  	v20 =	vsel vm1, v10, v16;
	v10 =	vsel vm1, v16, v10;
	v15, v17, _ =	vpop (xrf1);
	(xrf1) =	vsort.ascd.msk.f32 $0xffff, v11, v13  }
0x292: {  	v11 =	vsel vm1, v8, v5;
	v5 =	vsel vm1, v5, v8;
	v8 =	vsel vm2, v7, v6  }
0x293: {  	v16 =	vsel vm2, v9, v14;
	v6 =	vsel vm2, v6, v7;
	v13, v18, _ =	vpop (xrf1);
	vm1 =	vle.f32 v11, v8  }
0x294: {  	v21, v22, _ =	vpop (xrf1);
	v7 =	vsel vm1, v11, v8;
	v8 =	vsel vm1, v8, v11;
	v11 =	vsel vm1, v16, v20  }
0x295: {  	v43 =	vsel vm1, v20, v16;
	vm1 =	vle.f32 v5, v6;
	v42, v41, _ =	vpop (xrf1)  }
0x296: {  	v9 =	vsel vm2, v14, v9;
	(xrf1) =	vsort.ascd.msk.f32 $0xffff, v7, v43;
	v14 =	vsel vm1, v5, v6;
	v44, v27, _ =	vpop (xrf1)  }
0x297: {  	v20 =	vsel vm1, v10, v9;
	v5 =	vsel vm1, v6, v5;
	v6 =	vsel vm1, v9, v10;
	v7, v16, _ =	vpop (xrf1)  }
0x298: {  	(xrf1) =	vsort.ascd.msk.f32 $0xffff, v8, v11;
	v10 =	vperm.xlane v42, v2;
	v9 =	vperm.xlane v44, v2;
	v8, v11, _ =	vpop (xrf1)  }
0x299: {  	(xrf1) =	vsort.ascd.msk.f32 $0xffff, v14, v20;
	v14 =	vperm.xlane v41, v2;
	v8 =	vperm.xlane v8, v2  }
0x29a: {  	v7 =	vperm.xlane v7, v2;
	(xrf1) =	vsort.ascd.msk.f32 $0xffff, v5, v6;
	v5 =	vperm.xlane v11, v2  }
0x29b: {  	v6 =	vperm.xlane v16, v2;
	v11 =	vperm.xlane v27, v2;
	vm1 =	vle.f32 v12, v8  }
0x29c: {  	vm2 =	vle.f32 v15, v7;
	v16 =	vsel vm1, v12, v8;
	v20 =	vsel vm1, v19, v5  }
0x29d: {  	v8 =	vsel vm1, v8, v12;
	v5 =	vsel vm1, v5, v19;
	v12 =	vsel vm2, v15, v7  }
0x29e: {  	v19 =	vsel vm2, v17, v6;
	v7 =	vsel vm2, v7, v15;
	vm1 =	vle.f32 v13, v9  }
0x29f: {  	v6 =	vsel vm2, v6, v17;
	v15 =	vsel vm1, v13, v9;
	v17 =	vsel vm1, v18, v11  }
0x2a0: {  	v9 =	vsel vm1, v9, v13;
	v11 =	vsel vm1, v11, v18;
	vm1 =	vle.f32 v21, v10  }
0x2a1: {  	v13 =	vsel vm1, v21, v10;
	v18 =	vsel vm1, v22, v14;
	vm2 =	vle.f32 v16, v15  }
0x2a2: {  	v10 =	vsel vm1, v10, v21;
	v14 =	vsel vm1, v14, v22;
	vm3 =	vle.f32 v12, v13  }
0x2a3: {  	v45 =	vsel vm2, v16, v15;
	v15 =	vsel vm2, v15, v16;
	v16 =	vsel vm3, v12, v13  }
0x2a4: {  	v46 =	vsel vm2, v20, v17;
	v17 =	vsel vm2, v17, v20;
	vm2 =	vle.f32 v45, v16  }
0x2a5: {  	v20 =	vsel vm3, v19, v18;
	v12 =	vsel vm3, v13, v12;
	v13 =	vsel vm2, v45, v16  }
0x2a6: {  	v47 =	vsel vm2, v46, v20;
	v16 =	vsel vm2, v16, v45;
	v20 =	vsel vm2, v20, v46  }
0x2a7: {  	vm2 =	vle.f32 v15, v12;
	(xrf1) =	vsort.ascd.msk.f32 $0xffff, v13, v47;
	v13 =	vsel vm3, v18, v19  }
0x2a8: {  	(xrf1) =	vsort.ascd.msk.f32 $0xffff, v16, v20;
	v16 =	vsel vm2, v15, v12;
	v18 =	vsel vm2, v17, v13  }
0x2a9: {  	v12 =	vsel vm2, v12, v15;
	v13 =	vsel vm2, v13, v17;
	(xrf1) =	vsort.ascd.msk.f32 $0xffff, v16, v18  }
0x2aa: {  	vm1 =	vle.f32 v7, v10;
	vm2 =	vle.f32 v8, v9;
	(xrf1) =	vsort.ascd.msk.f32 $0xffff, v12, v13  }
0x2ab: {  	v12 =	vsel vm2, v8, v9;
	v13 =	vsel vm2, v5, v11;
	v8 =	vsel vm2, v9, v8  }
0x2ac: {  	v5 =	vsel vm2, v11, v5;
	v9 =	vsel vm1, v7, v10;
	v11 =	vsel vm1, v6, v14  }
0x2ad: {  	v7 =	vsel vm1, v10, v7;
	v6 =	vsel vm1, v14, v6;
	vm1 =	vle.f32 v12, v9  }
0x2ae: {  	v10 =	vsel vm1, v12, v9;
	v14 =	vsel vm1, v13, v11;
	v9 =	vsel vm1, v9, v12  }
0x2af: {  	v11 =	vsel vm1, v11, v13;
	vm1 =	vle.f32 v8, v7;
	(xrf1) =	vsort.ascd.msk.f32 $0xffff, v10, v14  }
0x2b0: {  	(xrf1) =	vsort.ascd.msk.f32 $0xffff, v9, v11;
	v9 =	vsel vm1, v8, v7;
	v7 =	vsel vm1, v7, v8  }
0x2b1: {  	v10 =	vsel vm1, v5, v6;
	v5 =	vsel vm1, v6, v5  }
0x2b2: {  	v11, v12, _ =	vpop (xrf1);
	(xrf1) =	vsort.ascd.msk.f32 $0xffff, v9, v10  }
0x2b3: {  	v6, v8, _ =	vpop (xrf1);
	(xrf1) =	vsort.ascd.msk.f32 $0xffff, v7, v5  }
0x2b4: {  	v5, v7, _ =	vpop (xrf1)  }
0x2b5: {  	v9, v10, _ =	vpop (xrf1)  }
0x2b6: {  	v13, v14, _ =	vpop (xrf1)  }
0x2b7: {  	v15, v16, _ =	vpop (xrf1)  }
0x2b8: {  	v17, v18, _ =	vpop (xrf1)  }
0x2b9: {  	v19, v20, _ =	vpop (xrf1)  }
0x2ba: {  	v48, v49, _ =	vpop (xrf1)  }
0x2bb: {  	v50, v51, _ =	vpop (xrf1)  }
0x2bc: {  	v21 =	vperm.xlane v48, v2;
	v52, v53, _ =	vpop (xrf1)  }
0x2bd: {  	v22 =	vperm.xlane v49, v2;
	v23 =	vperm.xlane v50, v2;
	v54, v28, _ =	vpop (xrf1)  }
0x2be: {  	v24 =	vperm.xlane v51, v2;
	v25 =	vperm.xlane v52, v2;
	v29, v30, _ =	vpop (xrf1)  }
0x2bf: {  	v26 =	vperm.xlane v53, v2;
	v27 =	vperm.xlane v54, v2;
	v31, v32, _ =	vpop (xrf1)  }
0x2c0: {  	v28 =	vperm.xlane v28, v2;
	v29 =	vperm.xlane v29, v2;
	v33, v34, _ =	vpop (xrf1)  }
0x2c1: {  	v30 =	vperm.xlane v30, v2;
	v35, v36, _ =	vpop (xrf1);
	v33 =	vperm.xlane v33, v2  }
0x2c2: {  	v31 =	vperm.xlane v31, v2;
	v35 =	vperm.xlane v35, v2  }
0x2c3: {  	v32 =	vperm.xlane v32, v2;
	v34 =	vperm.xlane v34, v2;
	vm2 =	vle.f32 v6, v33  }
0x2c4: {  	v36 =	vperm.xlane v36, v2;
	vm1 =	vle.f32 v11, v35;
	v6 =	vsel vm2, v6, v33  }
0x2c5: {  	v8 =	vsel vm2, v8, v34;
	vm2 =	vle.f32 v9, v29;
	v11 =	vsel vm1, v11, v35  }
0x2c6: {  	v12 =	vsel vm1, v12, v36;
	vm1 =	vle.f32 v5, v31;
	v9 =	vsel vm2, v9, v29  }
0x2c7: {  	v10 =	vsel vm2, v10, v30;
	vm2 =	vle.f32 v15, v25;
	v5 =	vsel vm1, v5, v31  }
0x2c8: {  	v7 =	vsel vm1, v7, v32;
	vm1 =	vle.f32 v13, v27;
	v15 =	vsel vm2, v15, v25  }
0x2c9: {  	v16 =	vsel vm2, v16, v26;
	vm2 =	vle.f32 v19, v21;
	v13 =	vsel vm1, v13, v27  }
0x2ca: {  	v14 =	vsel vm1, v14, v28;
	vm1 =	vle.f32 v17, v23;
	v19 =	vsel vm2, v19, v21  }
0x2cb: {  	v17 =	vsel vm1, v17, v23;
	v18 =	vsel vm1, v18, v24;
	vm1 =	vle.f32 v11, v13  }
0x2cc: {  	v20 =	vsel vm2, v20, v22;
	v55 =	vsel vm1, v11, v13;
	v56 =	vsel vm1, v12, v14  }
0x2cd: {  	v11 =	vsel vm1, v13, v11;
	v12 =	vsel vm1, v14, v12;
	vm1 =	vle.f32 v6, v15  }
0x2ce: {  	vm2 =	vle.f32 v5, v17;
	v13 =	vsel vm1, v6, v15;
	v14 =	vsel vm1, v8, v16  }
0x2cf: {  	v6 =	vsel vm1, v15, v6;
	v8 =	vsel vm1, v16, v8;
	v15 =	vsel vm2, v5, v17  }
0x2d0: {  	v16 =	vsel vm2, v7, v18;
	v5 =	vsel vm2, v17, v5;
	vm1 =	vle.f32 v9, v19  }
0x2d1: {  	v7 =	vsel vm2, v18, v7;
	v17 =	vsel vm1, v9, v19;
	v18 =	vsel vm1, v10, v20  }
0x2d2: {  	v9 =	vsel vm1, v19, v9;
	vm2 =	vle.f32 v55, v15;
	vm3 =	vle.f32 v13, v17  }
0x2d3: {  	v10 =	vsel vm1, v20, v10;
	v19 =	vsel vm2, v55, v15;
	v20 =	vsel vm3, v13, v17  }
0x2d4: {  	v57 =	vsel vm2, v56, v16;
	v58 =	vsel vm3, v14, v18;
	vm1 =	vle.f32 v19, v20  }
0x2d5: {  	v15 =	vsel vm2, v15, v55;
	v59 =	vsel vm1, v19, v20;
	v60 =	vsel vm1, v57, v58  }
0x2d6: {  	v16 =	vsel vm2, v16, v56;
	vm2 =	vle.f32 v6, v9;
	(xrf1) =	vsort.ascd.msk.f32 $0xffff, v59, v60  }
0x2d7: {  	v13 =	vsel vm3, v17, v13;
	v17 =	vsel vm1, v20, v19;
	v19 =	vsel vm1, v58, v57  }
0x2d8: {  	v14 =	vsel vm3, v18, v14;
	vm1 =	vle.f32 v15, v13;
	(xrf1) =	vsort.ascd.msk.f32 $0xffff, v17, v19  }
0x2d9: {  	v18 =	vsel vm1, v16, v14;
	v14 =	vsel vm1, v14, v16;
	v17 =	vsel vm1, v15, v13  }
0x2da: {  	v13 =	vsel vm1, v13, v15;
	vm1 =	vle.f32 v11, v5;
	(xrf1) =	vsort.ascd.msk.f32 $0xffff, v17, v18  }
0x2db: {  	(xrf1) =	vsort.ascd.msk.f32 $0xffff, v13, v14;
	v13 =	vsel vm1, v11, v5;
	v14 =	vsel vm2, v6, v9  }
0x2dc: {  	v16 =	vsel vm2, v8, v10;
	v15 =	vsel vm1, v12, v7;
	vm3 =	vle.f32 v13, v14  }
0x2dd: {  	v17 =	vsel vm3, v13, v14;
	v18 =	vsel vm3, v15, v16  }
0x2de: {  	v8 =	vsel vm2, v10, v8;
	v5 =	vsel vm1, v5, v11;
	(xrf1) =	vsort.ascd.msk.f32 $0xffff, v17, v18  }
0x2df: {  	v6 =	vsel vm2, v9, v6;
	v9 =	vsel vm3, v14, v13;
	v11 =	vsel vm3, v16, v15  }
0x2e0: {  	v7 =	vsel vm1, v7, v12;
	vm1 =	vle.f32 v5, v6;
	(xrf1) =	vsort.ascd.msk.f32 $0xffff, v9, v11  }
0x2e1: {  	v10 =	vsel vm1, v7, v8;
	v9 =	vsel vm1, v5, v6  }
0x2e2: {  	v5 =	vsel vm1, v6, v5;
	v6 =	vsel vm1, v8, v7;
	(xrf1) =	vsort.ascd.msk.f32 $0xffff, v9, v10;
	_ =	sdelay $0x1  }
0x2e3: {  	s20 =	sshll.u32 s19, $0x8;
	(xrf1) =	vsort.ascd.msk.f32 $0xffff, v5, v6;
	v7, v8, _ =	vpop (xrf1)  }
0x2e4: {  	[tilespmem:s20+$0x5100] =	vst v7  }
0x2e5: {  	v5, v6, _ =	vpop (xrf1);
	[tilespmem:s20+$0x1100] =	vst v8  }
0x2e6: {  	[tilespmem:s20+$0x5110] =	vst v5  }
0x2e7: {  	v5, v7, _ =	vpop (xrf1);
	[tilespmem:s20+$0x1110] =	vst v6  }
0x2e8: {  	[tilespmem:s20+$0x5120] =	vst v5  }
0x2e9: {  	v5, v6, _ =	vpop (xrf1);
	[tilespmem:s20+$0x1120] =	vst v7  }
0x2ea: {  	[tilespmem:s20+$0x5130] =	vst v5  }
0x2eb: {  	[tilespmem:s20+$0x1130] =	vst v6;
	v5, v7, _ =	vpop (xrf1)  }
0x2ec: {  	[tilespmem:s20+$0x5140] =	vst v5  }
0x2ed: {  	v5, v6, _ =	vpop (xrf1);
	[tilespmem:s20+$0x1140] =	vst v7  }
0x2ee: {  	[tilespmem:s20+$0x5150] =	vst v5  }
0x2ef: {  	v5, v7, _ =	vpop (xrf1);
	[tilespmem:s20+$0x1150] =	vst v6  }
0x2f0: {  	[tilespmem:s20+$0x5160] =	vst v5  }
0x2f1: {  	s21 =	smin.u32 s21, $0x7D;
	v5, v6, _ =	vpop (xrf1);
	[tilespmem:s20+$0x1160] =	vst v7  }
0x2f2: {  	s21 =	sadd.s32 $0x2, s21;
	[tilespmem:s20+$0x5170] =	vst v5  }
0x2f3: {  	s22 =	sadd.s32 s4, s21;
	s21 =	sshll.u32 s21, $0x4;
	[tilespmem:s20+$0x1170] =	vst v6  }
0x2f4: {  	s22 =	sshll.u32 s22, $0x8;
	s21 =	sand.u32 $0x70, s21;
	_ =	swait.ge [sflag:s14], $0x800  }
0x2f5: {  	s22 =	sand.u32 $0x1FF800, s22;
	s21 =	sadd.s32 s3, s21;
	[sflag:s14] =	ssyncset.done $0x0  }
0x2f6: {  	s21 =	sadd.s32 s22, s21;
	[sflag:s14] =	ssyncadd.s32 $0xFFFFF800  }
0x2f7: {  	[tilespmem:s2], [sflag:$0x1] =	stream.strided.gather [hbm4b:s21+s9], $0x800, s10, s9, $0x38;
	[tilespmem:$0x9980] =	vst v63  }
0x2f8: {  	v5 =	vld [tilespmem:$0x8B8]  }
0x2f9: {  	v6 =	vld [tilespmem:$0x938]  }
0x2fa: {  	v7 =	vld [tilespmem:$0x9B8]  }
0x2fb: {  	v8 =	vld [tilespmem:$0xA38];
	_ =	sdelay $0x1  }
0x2fc: {  	v9 =	vld [tilespmem:$0xAB8];
	(xrf1) =	vsort.ascd.msk.f32 $0xffff, v5, v5  }
0x2fd: {  	v10 =	vld [tilespmem:$0xB38];
	(xrf1) =	vsort.ascd.msk.f32 $0xffff, v6, v6  }
0x2fe: {  	v5 =	vld [tilespmem:$0xBB8];
	(xrf1) =	vsort.ascd.msk.f32 $0xffff, v7, v7  }
0x2ff: {  	v6 =	vld [tilespmem:$0xC38];
	(xrf1) =	vsort.ascd.msk.f32 $0xffff, v8, v8  }
0x300: {  	v7 =	vld [tilespmem:$0xCB8]  }
0x301: {  	v8 =	vld [tilespmem:$0xD38];
	(xrf1) =	vsort.ascd.msk.f32 $0xffff, v9, v9  }
0x302: {  	(xrf1) =	vsort.ascd.msk.f32 $0xffff, v10, v10  }
0x303: {  	v9 =	vld [tilespmem:$0xDB8];
	(xrf1) =	vsort.ascd.msk.f32 $0xffff, v5, v5  }
0x304: {  	v10 =	vld [tilespmem:$0xE38];
	(xrf1) =	vsort.ascd.msk.f32 $0xffff, v6, v6  }
0x305: {  	v5 =	vld [tilespmem:$0xEB8];
	(xrf1) =	vsort.ascd.msk.f32 $0xffff, v7, v7  }
0x306: {  	v6 =	vld [tilespmem:$0xF38];
	(xrf1) =	vsort.ascd.msk.f32 $0xffff, v8, v8  }
0x307: {  	v7 =	vld [tilespmem:$0xFB8]  }
0x308: {  	v8 =	vld [tilespmem:$0x1038];
	(xrf1) =	vsort.ascd.msk.f32 $0xffff, v9, v9  }
0x309: {  	(xrf1) =	vsort.ascd.msk.f32 $0xffff, v10, v10  }
0x30a: {  	(xrf1) =	vsort.ascd.msk.f32 $0xffff, v5, v5;
	v5, _, _ =	vpop (xrf1)  }
0x30b: {  	(xrf1) =	vsort.ascd.msk.f32 $0xffff, v6, v6;
	v6, _, _ =	vpop (xrf1)  }
0x30c: {  	(xrf1) =	vsort.ascd.msk.f32 $0xffff, v7, v7;
	v7, _, _ =	vpop (xrf1);
	v6 =	vperm.xlane v6, v2  }
0x30d: {  	(xrf1) =	vsort.ascd.msk.f32 $0xffff, v8, v8;
	v8, _, _ =	vpop (xrf1)  }
0x30e: {  	v10 =	vmin.f32 v5, v6;
	v8 =	vperm.xlane v8, v2  }
0x30f: {  	v9, _, _ =	vpop (xrf1);
	v5 =	vmax.f32 v5, v6;
	(xrf1) =	vsort.ascd.msk.f32 $0xffff, v10, v10  }
0x310: {  	v11, _, _ =	vpop (xrf1);
	(xrf1) =	vsort.ascd.msk.f32 $0xffff, v5, v5;
	v5 =	vmin.f32 v7, v8  }
0x311: {  	v6, _, _ =	vpop (xrf1);
	v10 =	vperm.xlane v11, v2  }
0x312: {  	v7 =	vmax.f32 v7, v8;
	v11, _, _ =	vpop (xrf1);
	(xrf1) =	vsort.ascd.msk.f32 $0xffff, v5, v5  }
0x313: {  	(xrf1) =	vsort.ascd.msk.f32 $0xffff, v7, v7;
	v7 =	vmin.f32 v9, v10;
	v8 =	vperm.xlane v11, v2;
	v5, _, _ =	vpop (xrf1)  }
0x314: {  	v9 =	vmax.f32 v9, v10;
	(xrf1) =	vsort.ascd.msk.f32 $0xffff, v7, v7;
	v11, _, _ =	vpop (xrf1)  }
0x315: {  	(xrf1) =	vsort.ascd.msk.f32 $0xffff, v9, v9;
	v9 =	vmin.f32 v6, v8;
	v10 =	vperm.xlane v11, v2  }
0x316: {  	v6 =	vmax.f32 v6, v8;
	v7, _, _ =	vpop (xrf1);
	(xrf1) =	vsort.ascd.msk.f32 $0xffff, v9, v9  }
0x317: {  	v11, _, _ =	vpop (xrf1);
	(xrf1) =	vsort.ascd.msk.f32 $0xffff, v6, v6;
	v6 =	vmin.f32 v5, v10  }
0x318: {  	v8, _, _ =	vpop (xrf1);
	v9 =	vperm.xlane v11, v2  }
0x319: {  	v5 =	vmax.f32 v5, v10;
	v11, _, _ =	vpop (xrf1);
	(xrf1) =	vsort.ascd.msk.f32 $0xffff, v6, v6  }
0x31a: {  	v6, _, _ =	vpop (xrf1);
	(xrf1) =	vsort.ascd.msk.f32 $0xffff, v5, v5;
	v5 =	vmin.f32 v7, v9  }
0x31b: {  	v10 =	vperm.xlane v11, v2;
	v7 =	vmax.f32 v7, v9;
	v11, _, _ =	vpop (xrf1);
	(xrf1) =	vsort.ascd.msk.f32 $0xffff, v5, v5  }
0x31c: {  	(xrf1) =	vsort.ascd.msk.f32 $0xffff, v7, v7;
	v7 =	vperm.xlane v11, v2  }
0x31d: {  	v5 =	vmin.f32 v8, v10;
	v8 =	vmax.f32 v8, v10  }
0x31e: {  	(xrf1) =	vsort.ascd.msk.f32 $0xffff, v5, v5;
	v5 =	vmin.f32 v6, v7  }
0x31f: {  	(xrf1) =	vsort.ascd.msk.f32 $0xffff, v8, v8;
	v6 =	vmax.f32 v6, v7  }
0x320: {  	v8, _, _ =	vpop (xrf1);
	(xrf1) =	vsort.ascd.msk.f32 $0xffff, v5, v5  }
0x321: {  	v5, _, _ =	vpop (xrf1);
	(xrf1) =	vsort.ascd.msk.f32 $0xffff, v6, v6  }
0x322: {  	v6, _, _ =	vpop (xrf1)  }
0x323: {  	v7, _, _ =	vpop (xrf1)  }
0x324: {  	v9, _, _ =	vpop (xrf1)  }
0x325: {  	v10, _, _ =	vpop (xrf1)  }
0x326: {  	v11, _, _ =	vpop (xrf1)  }
0x327: {  	v6 =	vperm.xlane v6, v2;
	v12, _, _ =	vpop (xrf1)  }
0x328: {  	v7 =	vperm.xlane v7, v2;
	v13, _, _ =	vpop (xrf1)  }
0x329: {  	v14, _, _ =	vpop (xrf1)  }
0x32a: {  	v5 =	vmin.f32 v5, v6;
	v7 =	vmin.f32 v8, v7;
	v15, _, _ =	vpop (xrf1)  }
0x32b: {  	v8 =	vmin.f32 v7, v5;
	v11 =	vperm.xlane v11, v2;
	v12 =	vperm.xlane v12, v2;
	v6, _, _ =	vpop (xrf1)  }
0x32c: {  	v5 =	vmax.f32 v7, v5;
	(xrf1) =	vsort.ascd.msk.f32 $0xffff, v8, v8;
	v16, _, _ =	vpop (xrf1)  }
0x32d: {  	v8 =	vmin.f32 v9, v12;
	v9 =	vmin.f32 v10, v11;
	v6 =	vperm.xlane v6, v2;
	v7, _, _ =	vpop (xrf1)  }
0x32e: {  	(xrf1) =	vsort.ascd.msk.f32 $0xffff, v5, v5;
	v5 =	vmin.f32 v8, v9;
	v11 =	vperm.xlane v15, v2;
	v10, _, _ =	vpop (xrf1)  }
0x32f: {  	v8 =	vmax.f32 v8, v9;
	(xrf1) =	vsort.ascd.msk.f32 $0xffff, v5, v5;
	v5 =	vmin.f32 v13, v6;
	v12, _, _ =	vpop (xrf1)  }
0x330: {  	v6 =	vmin.f32 v14, v11;
	v9 =	vperm.xlane v10, v2;
	v10 =	vperm.xlane v12, v2  }
0x331: {  	(xrf1) =	vsort.ascd.msk.f32 $0xffff, v8, v8;
	v8 =	vmin.f32 v5, v6;
	v5 =	vmax.f32 v5, v6  }
0x332: {  	(xrf1) =	vsort.ascd.msk.f32 $0xffff, v8, v8;
	v7 =	vmin.f32 v7, v9;
	v6 =	vmin.f32 v16, v10  }
0x333: {  	(xrf1) =	vsort.ascd.msk.f32 $0xffff, v5, v5;
	v5 =	vmin.f32 v6, v7  }
0x334: {  	v6 =	vmax.f32 v6, v7;
	(xrf1) =	vsort.ascd.msk.f32 $0xffff, v5, v5  }
0x335: {  	(xrf1) =	vsort.ascd.msk.f32 $0xffff, v6, v6;
	_ =	sdelay $0x6  }
0x336: {  	v5, _, _ =	vpop (xrf1)  }
0x337: {  	v6, _, _ =	vpop (xrf1)  }
0x338: {  	v7, _, _ =	vpop (xrf1)  }
0x339: {  	v8, _, _ =	vpop (xrf1)  }
0x33a: {  	v9, _, _ =	vpop (xrf1)  }
0x33b: {  	v7 =	vperm.xlane v7, v2;
	v10, _, _ =	vpop (xrf1)  }
0x33c: {  	v8 =	vperm.xlane v8, v2;
	v11, _, _ =	vpop (xrf1)  }
0x33d: {  	v6 =	vmin.f32 v6, v7;
	v12, _, _ =	vpop (xrf1)  }
0x33e: {  	v5 =	vmin.f32 v5, v8;
	v7 =	vperm.xlane v11, v2;
	v8 =	vperm.xlane v12, v2  }
0x33f: {  	v11 =	vmin.f32 v5, v6;
	v5 =	vmax.f32 v5, v6  }
0x340: {  	(xrf1) =	vsort.ascd.msk.f32 $0xffff, v11, v11;
	v7 =	vmin.f32 v10, v7;
	v6 =	vmin.f32 v9, v8  }
0x341: {  	(xrf1) =	vsort.ascd.msk.f32 $0xffff, v5, v5;
	v5 =	vmin.f32 v6, v7  }
0x342: {  	v6 =	vmax.f32 v6, v7;
	(xrf1) =	vsort.ascd.msk.f32 $0xffff, v5, v5  }
0x343: {  	(xrf1) =	vsort.ascd.msk.f32 $0xffff, v6, v6;
	_ =	sdelay $0xa  }
0x344: {  	v5, _, _ =	vpop (xrf1)  }
0x345: {  	v6, _, _ =	vpop (xrf1)  }
0x346: {  	v7, _, _ =	vpop (xrf1)  }
0x347: {  	v8, _, _ =	vpop (xrf1)  }
0x348: {  	v7 =	vperm.xlane v7, v2;
	v8 =	vperm.xlane v8, v2;
	_ =	sdelay $0x1  }
0x349: {  	v6 =	vmin.f32 v6, v7;
	v5 =	vmin.f32 v5, v8  }
0x34a: {  	v5 =	vmax.f32 v5, v6  }
0x34b: {  	(xrf1) =	vsort.ascd.msk.f32 $0xffff, v5, v5;
	_ =	sdelay $0x1  }
0x34c: {  	[tilespmem:$0x9100] =	vst v3  }
0x34d: {  	[tilespmem:$0x9110] =	vst v3  }
0x34e: {  	[tilespmem:$0x9120] =	vst v3  }
0x34f: {  	[tilespmem:$0x9130] =	vst v3  }
0x350: {  	[tilespmem:$0x9140] =	vst v3  }
0x351: {  	[tilespmem:$0x9150] =	vst v3  }
0x352: {  	[tilespmem:$0x9160] =	vst v3  }
0x353: {  	[tilespmem:$0x9170] =	vst v3  }
0x354: {  	[tilespmem:$0x9180] =	vst v3  }
0x355: {  	[tilespmem:$0x9190] =	vst v3  }
0x356: {  	[tilespmem:$0x91A0] =	vst v3  }
0x357: {  	[tilespmem:$0x91B0] =	vst v3  }
0x358: {  	[tilespmem:$0x91C0] =	vst v3;
	v5, _, _ =	vpop (xrf1)  }
0x359: {  	[tilespmem:$0x91D0] =	vst v3;
	v5 =	vsel vm0, $0xFF800000, v5  }
0x35a: {  	[tilespmem:$0x91E0] =	vst v3;
	(xrf0) =	vmax.scan.msk.f32 $0xffff, v5  }
0x35b: {  	[tilespmem:$0x91F0] =	vst v3  }
0x35c: {  	s23 =	simm.s32 $0x8C0;
	[tilespmem:$0x9200] =	vst v3  }
0x35d: {  	v12 =	vld [tilespmem:s23+$0xFFFFFFC0]  }
0x35e: {  	v7 =	vld [tilespmem:s23+$0xFFFFFFD0]  }
0x35f: {  	v8 =	vld [tilespmem:s23+$0xFFFFFFE0]  }
0x360: {  	v10 =	vld [tilespmem:s23+$0x0];
	v5, _, _ =	vpop (xrf0)  }
0x361: {  	v9 =	vld [tilespmem:s23+$0xFFFFFFF0];
	v6 =	vbroadcast v5, $0xF  }
0x362: {  	v11 =	vld [tilespmem:s23+$0x10]  }
0x363: {  	vm8 =	vlt.f32 v7, v6  }
0x364: {  	v13 =	vld [tilespmem:s23+$0x30];
	vm7 =	vlt.f32 v8, v6;
	v7 =	vsel vm8, $0x1, v4  }
0x365: {  	v8 =	vld [tilespmem:s23+$0x20];
	v14 =	vsel vm7, $0x1, v4;
	(xrf0) =	vadd.scan.msk.s32 $0xffff, v7  }
0x366: {  	vm6 =	vlt.f32 v9, v6;
	vm3 =	vlt.f32 v10, v6;
	vm5 =	vlt.f32 v12, v6;
	(xrf0) =	vadd.scan.msk.s32 $0xffff, v14  }
0x367: {  	vm4 =	vlt.f32 v11, v6;
	v11 =	vmpcnt.ones.xlane vm5;
	v7 =	vsel vm6, $0x1, v4  }
0x368: {  	v9 =	vsel vm3, $0x1, v4;
	(xrf0) =	vadd.scan.msk.s32 $0xffff, v7;
	v7 =	vimm.s32 $0xFFFFFFFF  }
0x369: {  	vm1 =	vlt.f32 v13, v6;
	v10 =	vsel vm4, $0x1, v4;
	(xrf0) =	vadd.scan.msk.s32 $0xffff, v9;
	v11 =	vadd.s32 v7, v11  }
0x36a: {  	v9 =	vsel vm5, $0x1, v4;
	vm2 =	vlt.f32 v8, v6;
	v8 =	vmpcnt.ones.xlane vm8;
	(xrf0) =	vadd.scan.msk.s32 $0xffff, v10  }
0x36b: {  	v12 =	vmpcnt.ones.xlane vm7;
	v10 =	vsel vm2, $0x1, v4;
	(xrf0) =	vadd.scan.msk.s32 $0xffff, v9;
	v9 =	vsel vm1, $0x1, v4;
	v13, _, _ =	vpop (xrf0)  }
0x36c: {  	v8 =	vadd.s32 v11, v8;
	(xrf0) =	vadd.scan.msk.s32 $0xffff, v10;
	v10 =	vmpcnt.ones.xlane vm6;
	v13 =	vadd.s32 v11, v13;
	v11, _, _ =	vpop (xrf0)  }
0x36d: {  	(xrf0) =	vadd.scan.msk.s32 $0xffff, v9;
	v9 =	vadd.s32 v8, v11;
	v8 =	vadd.s32 v8, v12  }
0x36e: {  	v14 =	vadd.s32 v8, v10  }
0x36f: {  	v11 =	vmpcnt.ones.xlane vm3;
	v12, _, _ =	vpop (xrf0)  }
0x370: {  	v15, _, _ =	vpop (xrf0)  }
0x371: {  	s25 =	simm.s32 $0x10;
	v12 =	vadd.s32 v8, v12;
	v16 =	vadd.s32 v14, v15;
	v11 =	vadd.s32 v14, v11;
	v14, _, _ =	vpop (xrf0)  }
0x372: {  	s26 =	simm.s32 $0x20;
	s22 =	simm.s32 $0x940;
	v18 =	vor.u32 s25, v0;
	v19 =	vadd.s32 v11, v14;
	v14, _, _ =	vpop (xrf0)  }
0x373: {  	v17 =	vld [tilespmem:s22+$0xFFFFFFD0];
	v15 =	vmpcnt.ones.xlane vm4;
	v62 =	vadd.s32 v7, v14;
	v14 =	vor.u32 s26, v0  }
0x374: {  	s28 =	simm.s32 $0x30;
	v61 =	vld [tilespmem:s22+$0xFFFFFFE0];
	v20 =	vmpcnt.ones.xlane vm2;
	[tilespmem:v13+s13+$0x0] =	vst.idx.msk vm8, v18  }
0x375: {  	v10 =	vld [tilespmem:s22+$0x30];
	v11 =	vadd.s32 v11, v15;
	v18, _, _ =	vpop (xrf0);
	[tilespmem:v9+s13+$0x0] =	vst.idx.msk vm7, v14;
	v9 =	vor.u32 s28, v0  }
0x376: {  	s24 =	simm.s32 $0x70;
	s29 =	simm.s32 $0x40;
	v63 =	vmpcnt.ones.xlane vm1;
	v13 =	vld [tilespmem:s22+$0xFFFFFFF0];
	v20 =	vadd.s32 v11, v20;
	[tilespmem:v12+s13+$0x0] =	vst.idx.msk vm6, v9;
	v12 =	vadd.s32 v11, v18;
	v14, _, _ =	vpop (xrf0)  }
0x377: {  	s30 =	simm.s32 $0x50;
	s23 =	simm.s32 $0xF0;
	v8 =	vor.u32 s24, v0;
	v15 =	vld [tilespmem:s22+$0x0];
	v9 =	vor.u32 s29, v0;
	v11 =	vadd.s32 v20, v14  }
0x378: {  	s24 =	simm.s32 $0x0;
	v7 =	vor.u32 s23, v0;
	[tilespmem:v16+s13+$0x0] =	vst.idx.msk vm3, v9;
	v16 =	vor.u32 s30, v0;
	v14 =	vld [tilespmem:s22+$0x10]  }
0x379: {  	s31 =	simm.s32 $0x60;
	v18 =	vld [tilespmem:s22+$0xFFFFFFC0];
	v9 =	vadd.s32 v20, v63;
	vm3 =	vlt.f32 v17, v6;
	v20 =	vor.u32 s24, v0;
	[tilespmem:v19+s13+$0x0] =	vst.idx.msk vm4, v16  }
0x37a: {  	s21 =	simm.s32 $0xF0;
	v17 =	vld [tilespmem:s22+$0x20];
	s24 =	simm.s32 $0x8;
	v19 =	vsel vm3, $0x1, v4;
	vm4 =	vlt.f32 v61, v6;
	v16 =	vor.u32 s31, v0;
	[tilespmem:v62+s13+$0x0] =	vst.idx.msk vm5, v20  }
.LBB2_10:
0x37b: {  	s24 =	sadd.s32 $0x8, s24;
	v20 =	vsel vm4, $0x1, v4;
	vm7 =	vlt.f32 v13, v6;
	(xrf0) =	vadd.scan.msk.s32 $0xffff, v19;
	[tilespmem:v12+s13+$0x0] =	vst.idx.msk vm2, v16  }
0x37c: {  	s23 =	sadd.s32 $0x80, s23;
	p0 =	slt.u32 s24, $0x78;
	v12 =	vsel vm7, $0x1, v4;
	vm6 =	vlt.f32 v15, v6;
	(xrf0) =	vadd.scan.msk.s32 $0xffff, v20;
	[tilespmem:v11+s13+$0x0] =	vst.idx.msk vm1, v8;
	v8 =	vmovc v7  }
0x37d: {  	v7 =	vor.u32 s23, v0;
	v11 =	vsel vm6, $0x1, v4;
	vm8 =	vlt.f32 v14, v6;
	(xrf0) =	vadd.scan.msk.s32 $0xffff, v12  }
0x37e: {  	vm1 =	vlt.f32 v10, v6;
	vm5 =	vlt.f32 v18, v6;
	v12 =	vsel vm8, $0x1, v4;
	(xrf0) =	vadd.scan.msk.s32 $0xffff, v11  }
0x37f: {  	v10 =	vsel vm5, $0x1, v4;
	v11 =	vmpcnt.ones.xlane vm5;
	vm2 =	vlt.f32 v17, v6;
	(xrf0) =	vadd.scan.msk.s32 $0xffff, v12  }
0x380: {  	v14 =	vsel vm1, $0x1, v4;
	v12 =	vmpcnt.ones.xlane vm3;
	v13 =	vsel vm2, $0x1, v4;
	(xrf0) =	vadd.scan.msk.s32 $0xffff, v10  }
0x381: {  	v16 =	vmpcnt.ones.xlane vm1;
	v10 =	vadd.s32 v9, v11;
	v11 =	vmpcnt.ones.xlane vm4;
	v15, _, _ =	vpop (xrf0);
	(xrf0) =	vadd.scan.msk.s32 $0xffff, v13  }
0x382: {  	v13 =	vadd.s32 v10, v15;
	v10 =	vadd.s32 v10, v12;
	v12 =	vmpcnt.ones.xlane vm7;
	v15, _, _ =	vpop (xrf0);
	(xrf0) =	vadd.scan.msk.s32 $0xffff, v14  }
0x383: {  	v14 =	vadd.s32 v10, v15;
	v10 =	vadd.s32 v10, v11;
	v11 =	vmpcnt.ones.xlane vm6;
	v15, _, _ =	vpop (xrf0)  }
0x384: {  	s22 =	sadd.s32 $0x80, s22;
	v22 =	vmpcnt.ones.xlane vm8;
	v17 =	vadd.s32 v10, v15;
	v12 =	vadd.s32 v10, v12;
	v18, _, _ =	vpop (xrf0)  }
0x385: {  	s25 =	sadd.s32 $0xFFFFFFA0, s21;
	v24 =	vmpcnt.ones.xlane vm2;
	v10 =	vld [tilespmem:s22+$0x30];
	v18 =	vadd.s32 v12, v18;
	v11 =	vadd.s32 v12, v11;
	v19, _, _ =	vpop (xrf0)  }
0x386: {  	v21 =	vor.u32 s25, v0;
	s25 =	sadd.s32 $0xFFFFFFB0, s21;
	v20 =	vld [tilespmem:s22+$0xFFFFFFD0];
	v19 =	vadd.s32 v11, v19;
	v25 =	vadd.s32 v11, v22;
	v15, _, _ =	vpop (xrf0)  }
0x387: {  	v22 =	vld [tilespmem:s22+$0xFFFFFFE0];
	v23 =	vadd.s32 v9, v15;
	[tilespmem:v13+s13+$0x0] =	vst.idx.msk vm3, v21;
	v9 =	vor.u32 s25, v0;
	s25 =	sadd.s32 $0xFFFFFFC0, s21;
	v21 =	vadd.s32 v25, v24;
	v12, _, _ =	vpop (xrf0)  }
.Ltmp8:
0x388: {  	v13 =	vld [tilespmem:s22+$0xFFFFFFF0];
	[tilespmem:v14+s13+$0x0] =	vst.idx.msk vm4, v9;
	v9 =	vor.u32 s25, v0;
	s25 =	sadd.s32 $0xFFFFFFD0, s21;
	v12 =	vadd.s32 v25, v12;
	v11, _, _ =	vpop (xrf0);
	(pc) =	sbr.rel @p0 .LBB2_10-.Ltmp8, $4  }
0x389: {  	v15 =	vld [tilespmem:s22+$0x0];
	[tilespmem:v17+s13+$0x0] =	vst.idx.msk vm7, v9;
	v17 =	vor.u32 s25, v0;
	s25 =	sadd.s32 $0xFFFFFFE0, s21;
	v11 =	vadd.s32 v21, v11;
	v9 =	vadd.s32 v21, v16  }
0x38a: {  	s26 =	sadd.s32 $0xFFFFFF90, s21;
	v14 =	vld [tilespmem:s22+$0x10];
	[tilespmem:v18+s13+$0x0] =	vst.idx.msk vm6, v17;
	v16 =	vor.u32 s25, v0  }
0x38b: {  	s25 =	sadd.s32 $0xFFFFFFF0, s21;
	s21 =	smov.u32 s23;
	v18 =	vld [tilespmem:s22+$0xFFFFFFC0];
	vm3 =	vlt.f32 v20, v6;
	v20 =	vor.u32 s26, v0;
	[tilespmem:v19+s13+$0x0] =	vst.idx.msk vm8, v16  }
0x38c: {  	v16 =	vor.u32 s25, v0;
	v19 =	vsel vm3, $0x1, v4;
	vm4 =	vlt.f32 v22, v6;
	v17 =	vld [tilespmem:s22+$0x20];
	[tilespmem:v23+s13+$0x0] =	vst.idx.msk vm5, v20  }
0x38d: {  	_ =	sdelay $0x2  }
0x38e: {  	vm5 =	vlt.f32 v18, v6  }
0x38f: {  	v37 =	vsel vm4, $0x1, v4;
	vm7 =	vlt.f32 v13, v6;
	v38 =	vmpcnt.ones.xlane vm5  }
0x390: {  	v39 =	vmpcnt.ones.xlane vm3;
	v22 =	vmpcnt.ones.xlane vm4;
	vm10 =	vlt.f32 v10, v6  }
0x391: {  	v20 =	vsel vm7, $0x1, v4;
	vm6 =	vlt.f32 v15, v6;
	v13 =	vadd.s32 v9, v38  }
0x392: {  	(xrf0) =	vadd.scan.msk.s32 $0xffff, v19;
	v41 =	vmpcnt.ones.xlane vm7;
	v21 =	vsel vm6, $0x1, v4;
	v40 =	vadd.s32 v13, v39  }
0x393: {  	(xrf0) =	vadd.scan.msk.s32 $0xffff, v37;
	vm8 =	vlt.f32 v14, v6;
	v44 =	vmpcnt.ones.xlane vm6;
	v43 =	vadd.s32 v40, v22  }
0x394: {  	(xrf0) =	vadd.scan.msk.s32 $0xffff, v20;
	v45 =	vmpcnt.ones.xlane vm8;
	vm9 =	vlt.f32 v17, v6;
	v15 =	vadd.s32 v43, v41  }
0x395: {  	v42 =	vsel vm8, $0x1, v4;
	(xrf0) =	vadd.scan.msk.s32 $0xffff, v21;
	v46 =	vmpcnt.ones.xlane vm9;
	v6 =	vadd.s32 v15, v44  }
0x396: {  	v48 =	vmpcnt.ones.xlane vm10;
	v47 =	vsel vm5, $0x1, v4;
	(xrf0) =	vadd.scan.msk.s32 $0xffff, v42;
	v17 =	vadd.s32 v6, v45  }
0x397: {  	v49 =	vsel vm9, $0x1, v4;
	(xrf0) =	vadd.scan.msk.s32 $0xffff, v47;
	v10 =	vadd.s32 v17, v46  }
0x398: {  	v50 =	vsel vm10, $0x1, v4;
	v51, _, _ =	vpop (xrf0);
	(xrf0) =	vadd.scan.msk.s32 $0xffff, v49;
	v18 =	vadd.s32 v10, v48  }
0x399: {  	v52, _, _ =	vpop (xrf0);
	(xrf0) =	vadd.scan.msk.s32 $0xffff, v50;
	v18 =	vxor.u32 $0x80000000, v18  }
0x39a: {  	v53, _, _ =	vpop (xrf0);
	(xrf0) =	vmax.scan.msk.u32 $0xffff, v18  }
0x39b: {  	v54, _, _ =	vpop (xrf0)  }
0x39c: {  	v23, _, _ =	vpop (xrf0)  }
0x39d: {  	v24, _, _ =	vpop (xrf0)  }
0x39e: {  	v25, _, _ =	vpop (xrf0)  }
0x39f: {  	v26, _, _ =	vpop (xrf0)  }
0x3a0: {  	v27, _, _ =	vpop (xrf0)  }
0x3a1: {  	(v2sf) =	vpush v27, $0xF;
	_ =	sdelay $0x9  }
0x3a2: {  	v13 =	vadd.s32 v13, v51  }
0x3a3: {  	v14 =	vadd.s32 v40, v52  }
0x3a4: {  	v19 =	vadd.s32 v43, v53  }
0x3a5: {  	[tilespmem:v12+s13+$0x0] =	vst.idx.msk vm2, v16;
	s22 =	sadd.s32 $0xFFFFFFA0, s21;
	v55 =	vadd.s32 v15, v54  }
0x3a6: {  	[tilespmem:v11+s13+$0x0] =	vst.idx.msk vm1, v8;
	s25 =	sadd.s32 $0xFFFFFFB0, s21;
	s26 =	sadd.s32 $0xFFFFFFC0, s21;
	v56 =	vor.u32 s22, v0;
	v6 =	vadd.s32 v6, v23  }
0x3a7: {  	v58 =	vor.u32 s25, v0;
	v59 =	vor.u32 s26, v0;
	v57 =	vadd.s32 v9, v24;
	[tilespmem:v13+s13+$0x0] =	vst.idx.msk vm3, v56;
	s26 =	spop (v2sf)  }
0x3a8: {  	s28 =	sadd.s32 $0xFFFFFFD0, s21;
	[tilespmem:v14+s13+$0x0] =	vst.idx.msk vm4, v58;
	v60 =	vadd.s32 v17, v25;
	s31 =	sadd.s32 $0x7FFFFF00, s26  }
0x3a9: {  	s29 =	sadd.s32 $0xFFFFFFE0, s21;
	v61 =	vor.u32 s28, v0;
	[tilespmem:v19+s13+$0x0] =	vst.idx.msk vm7, v59;
	v10 =	vadd.s32 v10, v26;
	p0 =	sgt.u32 s31, $0xFFFFFF7E  }
.Ltmp9:
0x3aa: {  	s23 =	sadd.s32 $0xFFFFFF90, s21;
	v62 =	vor.u32 s29, v0;
	[tilespmem:v55+s13+$0x0] =	vst.idx.msk vm6, v61;
	(pc) =	sbr.rel @p0 .LBB2_16-.Ltmp9, $4  }
0x3ab: {  	s30 =	sadd.s32 $0xFFFFFFF0, s21;
	v63 =	vor.u32 s23, v0;
	[tilespmem:v6+s13+$0x0] =	vst.idx.msk vm8, v62  }
0x3ac: {  	v6 =	vor.u32 s30, v0;
	[tilespmem:v57+s13+$0x0] =	vst.idx.msk vm5, v63  }
0x3ad: {  	[tilespmem:v60+s13+$0x0] =	vst.idx.msk vm9, v6  }
0x3ae: {  	[tilespmem:v10+s13+$0x0] =	vst.idx.msk vm10, v7  }
0x3af: {  	(v2sf) =	vpush v5, $0xF;
	_ =	sdelay $0xd  }
0x3b0: {  	s21 =	simm.f32 $0.0e+00  }
0x3b1: {  	s22 =	simm.f32 $+Inf;
	s24 =	simm.s32 $0x0;
	s23 =	spop (v2sf)  }
.LBB2_13:
0x3b2: {  	[tilespmem:$0x9100] =	vst v3  }
0x3b3: {  	[tilespmem:$0x9110] =	vst v3  }
0x3b4: {  	[tilespmem:$0x9120] =	vst v3  }
0x3b5: {  	[tilespmem:$0x9130] =	vst v3  }
0x3b6: {  	[tilespmem:$0x9140] =	vst v3  }
0x3b7: {  	[tilespmem:$0x9150] =	vst v3  }
0x3b8: {  	[tilespmem:$0x9160] =	vst v3  }
0x3b9: {  	[tilespmem:$0x9170] =	vst v3  }
0x3ba: {  	[tilespmem:$0x9180] =	vst v3  }
0x3bb: {  	[tilespmem:$0x9190] =	vst v3  }
0x3bc: {  	[tilespmem:$0x91A0] =	vst v3  }
0x3bd: {  	[tilespmem:$0x91B0] =	vst v3  }
0x3be: {  	[tilespmem:$0x91C0] =	vst v3  }
0x3bf: {  	s25 =	sadd.s32 $0x80000001, s26;
	[tilespmem:$0x91D0] =	vst v3  }
0x3c0: {  	[tilespmem:$0x91E0] =	vst v3;
	p0 =	sgt.s32 s25, $0x100;
	p1 =	slt.s32 s25, $0x80  }
0x3c1: {  	[tilespmem:$0x91F0] =	vst v3;
	s21 =	smov.u32 @p1 s23;
	s22 =	smov.u32 @p0 s23  }
0x3c2: {  	s28 =	smul.f32 $2.500000000e-01, s23;
	[tilespmem:$0x9200] =	vst v3;
	s29 =	simm.s32 $0x8C0;
	s30 =	sadd.f32 s22, s21  }
0x3c3: {  	s25 =	smul.f32 $4.000000000e+00, s23;
	v6 =	vld [tilespmem:s29+$0xFFFFFFD0]  }
0x3c4: {  	v7 =	vld [tilespmem:s29+$0xFFFFFFE0];
	p0 =	seq.f32 s21, $0.0e+00;
	s23 =	smul.f32 $5.000000000e-01, s30  }
0x3c5: {  	v8 =	vld [tilespmem:s29+$0xFFFFFFF0];
	p1 =	seq.f32 s22, $+Inf  }
0x3c6: {  	v9 =	vld [tilespmem:s29+$0x0];
	s23 =	smov.u32 @p0 s28  }
0x3c7: {  	v11 =	vld [tilespmem:s29+$0xFFFFFFC0];
	s23 =	smov.u32 @p1 s25  }
0x3c8: {  	v10 =	vld [tilespmem:s29+$0x10];
	v5 =	vmov s23  }
0x3c9: {  	vm8 =	vlt.f32 v6, v5  }
0x3ca: {  	v12 =	vld [tilespmem:s29+$0x30];
	vm7 =	vlt.f32 v7, v5;
	v6 =	vsel vm8, $0x1, v4  }
0x3cb: {  	v7 =	vld [tilespmem:s29+$0x20];
	v13 =	vsel vm7, $0x1, v4;
	(xrf0) =	vadd.scan.msk.s32 $0xffff, v6  }
0x3cc: {  	vm6 =	vlt.f32 v8, v5;
	vm3 =	vlt.f32 v9, v5;
	vm5 =	vlt.f32 v11, v5;
	(xrf0) =	vadd.scan.msk.s32 $0xffff, v13  }
0x3cd: {  	vm4 =	vlt.f32 v10, v5;
	v10 =	vmpcnt.ones.xlane vm5;
	v6 =	vsel vm6, $0x1, v4  }
0x3ce: {  	v8 =	vsel vm3, $0x1, v4;
	(xrf0) =	vadd.scan.msk.s32 $0xffff, v6;
	v6 =	vimm.s32 $0xFFFFFFFF  }
0x3cf: {  	vm1 =	vlt.f32 v12, v5;
	v9 =	vsel vm4, $0x1, v4;
	(xrf0) =	vadd.scan.msk.s32 $0xffff, v8;
	v10 =	vadd.s32 v6, v10  }
0x3d0: {  	v8 =	vsel vm5, $0x1, v4;
	vm2 =	vlt.f32 v7, v5;
	v7 =	vmpcnt.ones.xlane vm8;
	(xrf0) =	vadd.scan.msk.s32 $0xffff, v9  }
0x3d1: {  	v11 =	vmpcnt.ones.xlane vm7;
	v9 =	vsel vm2, $0x1, v4;
	(xrf0) =	vadd.scan.msk.s32 $0xffff, v8;
	v8 =	vsel vm1, $0x1, v4;
	v12, _, _ =	vpop (xrf0)  }
0x3d2: {  	v7 =	vadd.s32 v10, v7;
	(xrf0) =	vadd.scan.msk.s32 $0xffff, v9;
	v9 =	vmpcnt.ones.xlane vm6;
	v12 =	vadd.s32 v10, v12;
	v10, _, _ =	vpop (xrf0)  }
0x3d3: {  	(xrf0) =	vadd.scan.msk.s32 $0xffff, v8;
	v8 =	vadd.s32 v7, v10;
	v7 =	vadd.s32 v7, v11  }
0x3d4: {  	v13 =	vadd.s32 v7, v9  }
0x3d5: {  	v10 =	vmpcnt.ones.xlane vm3;
	v11, _, _ =	vpop (xrf0)  }
0x3d6: {  	v14, _, _ =	vpop (xrf0)  }
0x3d7: {  	s31 =	simm.s32 $0x70;
	s30 =	simm.s32 $0x10;
	v11 =	vadd.s32 v7, v11;
	v14 =	vadd.s32 v13, v14;
	v10 =	vadd.s32 v13, v10;
	v13, _, _ =	vpop (xrf0)  }
0x3d8: {  	s26 =	simm.s32 $0x940;
	v17 =	vor.u32 s30, v0;
	v7 =	vor.u32 s31, v0;
	s31 =	simm.s32 $0x20;
	v18 =	vadd.s32 v10, v13;
	v13, _, _ =	vpop (xrf0)  }
0x3d9: {  	v16 =	vld [tilespmem:s26+$0xFFFFFFD0];
	v15 =	vmpcnt.ones.xlane vm4;
	v21 =	vadd.s32 v6, v13;
	v13 =	vor.u32 s31, v0  }
0x3da: {  	v20 =	vld [tilespmem:s26+$0xFFFFFFE0];
	s30 =	simm.s32 $0x30;
	v19 =	vmpcnt.ones.xlane vm2;
	[tilespmem:v12+s13+$0x0] =	vst.idx.msk vm8, v17  }
0x3db: {  	v9 =	vld [tilespmem:s26+$0x30];
	v10 =	vadd.s32 v10, v15;
	v17, _, _ =	vpop (xrf0);
	[tilespmem:v8+s13+$0x0] =	vst.idx.msk vm7, v13;
	v8 =	vor.u32 s30, v0  }
0x3dc: {  	v12 =	vld [tilespmem:s26+$0xFFFFFFF0];
	s31 =	simm.s32 $0x40;
	v19 =	vadd.s32 v10, v19;
	[tilespmem:v11+s13+$0x0] =	vst.idx.msk vm6, v8;
	v11 =	vadd.s32 v10, v17;
	v13, _, _ =	vpop (xrf0)  }
0x3dd: {  	s28 =	simm.s32 $0xF0;
	v22 =	vmpcnt.ones.xlane vm1;
	v15 =	vld [tilespmem:s26+$0x0];
	s30 =	simm.s32 $0x50;
	v8 =	vor.u32 s31, v0;
	v10 =	vadd.s32 v19, v13  }
0x3de: {  	s29 =	simm.s32 $0x0;
	v6 =	vor.u32 s28, v0;
	[tilespmem:v14+s13+$0x0] =	vst.idx.msk vm3, v8;
	v14 =	vor.u32 s30, v0;
	v13 =	vld [tilespmem:s26+$0x10]  }
0x3df: {  	v17 =	vld [tilespmem:s26+$0xFFFFFFC0];
	s31 =	simm.s32 $0x60;
	v8 =	vadd.s32 v19, v22;
	vm3 =	vlt.f32 v16, v5;
	v19 =	vor.u32 s29, v0;
	[tilespmem:v18+s13+$0x0] =	vst.idx.msk vm4, v14  }
0x3e0: {  	s25 =	simm.s32 $0xF0;
	v16 =	vld [tilespmem:s26+$0x20];
	s29 =	simm.s32 $0x8;
	v18 =	vsel vm3, $0x1, v4;
	vm4 =	vlt.f32 v20, v5;
	v14 =	vor.u32 s31, v0;
	[tilespmem:v21+s13+$0x0] =	vst.idx.msk vm5, v19  }
.LBB2_14:
0x3e1: {  	s29 =	sadd.s32 $0x8, s29;
	v19 =	vsel vm4, $0x1, v4;
	vm7 =	vlt.f32 v12, v5;
	(xrf0) =	vadd.scan.msk.s32 $0xffff, v18;
	[tilespmem:v11+s13+$0x0] =	vst.idx.msk vm2, v14  }
0x3e2: {  	s28 =	sadd.s32 $0x80, s28;
	p0 =	slt.u32 s29, $0x78;
	v11 =	vsel vm7, $0x1, v4;
	vm6 =	vlt.f32 v15, v5;
	(xrf0) =	vadd.scan.msk.s32 $0xffff, v19;
	[tilespmem:v10+s13+$0x0] =	vst.idx.msk vm1, v7;
	v7 =	vmovc v6  }
0x3e3: {  	v6 =	vor.u32 s28, v0;
	v10 =	vsel vm6, $0x1, v4;
	vm8 =	vlt.f32 v13, v5;
	(xrf0) =	vadd.scan.msk.s32 $0xffff, v11  }
0x3e4: {  	vm1 =	vlt.f32 v9, v5;
	vm5 =	vlt.f32 v17, v5;
	v11 =	vsel vm8, $0x1, v4;
	(xrf0) =	vadd.scan.msk.s32 $0xffff, v10  }
0x3e5: {  	v9 =	vsel vm5, $0x1, v4;
	v10 =	vmpcnt.ones.xlane vm5;
	vm2 =	vlt.f32 v16, v5;
	(xrf0) =	vadd.scan.msk.s32 $0xffff, v11  }
0x3e6: {  	v13 =	vsel vm1, $0x1, v4;
	v11 =	vmpcnt.ones.xlane vm3;
	v12 =	vsel vm2, $0x1, v4;
	(xrf0) =	vadd.scan.msk.s32 $0xffff, v9  }
0x3e7: {  	v14 =	vmpcnt.ones.xlane vm1;
	v9 =	vadd.s32 v8, v10;
	v10 =	vmpcnt.ones.xlane vm4;
	v15, _, _ =	vpop (xrf0);
	(xrf0) =	vadd.scan.msk.s32 $0xffff, v12  }
0x3e8: {  	v12 =	vadd.s32 v9, v15;
	v9 =	vadd.s32 v9, v11;
	v11 =	vmpcnt.ones.xlane vm7;
	v15, _, _ =	vpop (xrf0);
	(xrf0) =	vadd.scan.msk.s32 $0xffff, v13  }
0x3e9: {  	v13 =	vadd.s32 v9, v15;
	v9 =	vadd.s32 v9, v10;
	v10 =	vmpcnt.ones.xlane vm6;
	v15, _, _ =	vpop (xrf0)  }
0x3ea: {  	s26 =	sadd.s32 $0x80, s26;
	v21 =	vmpcnt.ones.xlane vm8;
	v16 =	vadd.s32 v9, v15;
	v11 =	vadd.s32 v9, v11;
	v17, _, _ =	vpop (xrf0)  }
0x3eb: {  	s30 =	sadd.s32 $0xFFFFFFA0, s25;
	v23 =	vmpcnt.ones.xlane vm2;
	v9 =	vld [tilespmem:s26+$0x30];
	v17 =	vadd.s32 v11, v17;
	v10 =	vadd.s32 v11, v10;
	v18, _, _ =	vpop (xrf0)  }
0x3ec: {  	v20 =	vor.u32 s30, v0;
	s30 =	sadd.s32 $0xFFFFFFB0, s25;
	v19 =	vld [tilespmem:s26+$0xFFFFFFD0];
	v18 =	vadd.s32 v10, v18;
	v24 =	vadd.s32 v10, v21;
	v15, _, _ =	vpop (xrf0)  }
0x3ed: {  	v21 =	vld [tilespmem:s26+$0xFFFFFFE0];
	v22 =	vadd.s32 v8, v15;
	[tilespmem:v12+s13+$0x0] =	vst.idx.msk vm3, v20;
	v8 =	vor.u32 s30, v0;
	s30 =	sadd.s32 $0xFFFFFFC0, s25;
	v20 =	vadd.s32 v24, v23;
	v11, _, _ =	vpop (xrf0)  }
.Ltmp10:
0x3ee: {  	v12 =	vld [tilespmem:s26+$0xFFFFFFF0];
	[tilespmem:v13+s13+$0x0] =	vst.idx.msk vm4, v8;
	v8 =	vor.u32 s30, v0;
	s30 =	sadd.s32 $0xFFFFFFD0, s25;
	v11 =	vadd.s32 v24, v11;
	v10, _, _ =	vpop (xrf0);
	(pc) =	sbr.rel @p0 .LBB2_14-.Ltmp10, $4  }
0x3ef: {  	v15 =	vld [tilespmem:s26+$0x0];
	[tilespmem:v16+s13+$0x0] =	vst.idx.msk vm7, v8;
	v16 =	vor.u32 s30, v0;
	s30 =	sadd.s32 $0xFFFFFFE0, s25;
	v10 =	vadd.s32 v20, v10;
	v8 =	vadd.s32 v20, v14  }
0x3f0: {  	s31 =	sadd.s32 $0xFFFFFF90, s25;
	v13 =	vld [tilespmem:s26+$0x10];
	[tilespmem:v17+s13+$0x0] =	vst.idx.msk vm6, v16;
	v14 =	vor.u32 s30, v0  }
0x3f1: {  	s30 =	sadd.s32 $0xFFFFFFF0, s25;
	s25 =	smov.u32 s28;
	v17 =	vld [tilespmem:s26+$0xFFFFFFC0];
	vm3 =	vlt.f32 v19, v5;
	v19 =	vor.u32 s31, v0;
	[tilespmem:v18+s13+$0x0] =	vst.idx.msk vm8, v14  }
0x3f2: {  	v14 =	vor.u32 s30, v0;
	v18 =	vsel vm3, $0x1, v4;
	vm4 =	vlt.f32 v21, v5;
	v16 =	vld [tilespmem:s26+$0x20];
	[tilespmem:v22+s13+$0x0] =	vst.idx.msk vm5, v19  }
0x3f3: {  	_ =	sdelay $0x2  }
0x3f4: {  	vm5 =	vlt.f32 v17, v5  }
0x3f5: {  	v42 =	vsel vm4, $0x1, v4;
	vm8 =	vlt.f32 v12, v5;
	v43 =	vmpcnt.ones.xlane vm5  }
0x3f6: {  	v44 =	vmpcnt.ones.xlane vm3;
	v21 =	vmpcnt.ones.xlane vm4;
	vm9 =	vlt.f32 v9, v5  }
0x3f7: {  	v19 =	vsel vm8, $0x1, v4;
	vm6 =	vlt.f32 v15, v5;
	v12 =	vadd.s32 v8, v43  }
0x3f8: {  	(xrf0) =	vadd.scan.msk.s32 $0xffff, v18;
	v46 =	vmpcnt.ones.xlane vm8;
	v20 =	vsel vm6, $0x1, v4;
	v45 =	vadd.s32 v12, v44  }
0x3f9: {  	(xrf0) =	vadd.scan.msk.s32 $0xffff, v42;
	vm7 =	vlt.f32 v13, v5;
	v49 =	vmpcnt.ones.xlane vm6;
	v48 =	vadd.s32 v45, v21  }
0x3fa: {  	(xrf0) =	vadd.scan.msk.s32 $0xffff, v19;
	v50 =	vmpcnt.ones.xlane vm7;
	vm10 =	vlt.f32 v16, v5;
	v15 =	vadd.s32 v48, v46  }
0x3fb: {  	v47 =	vsel vm7, $0x1, v4;
	(xrf0) =	vadd.scan.msk.s32 $0xffff, v20;
	v51 =	vmpcnt.ones.xlane vm10;
	v5 =	vadd.s32 v15, v49  }
0x3fc: {  	v53 =	vmpcnt.ones.xlane vm9;
	v52 =	vsel vm5, $0x1, v4;
	(xrf0) =	vadd.scan.msk.s32 $0xffff, v47;
	v16 =	vadd.s32 v5, v50  }
0x3fd: {  	v54 =	vsel vm10, $0x1, v4;
	(xrf0) =	vadd.scan.msk.s32 $0xffff, v52;
	v9 =	vadd.s32 v16, v51  }
0x3fe: {  	v55 =	vsel vm9, $0x1, v4;
	v56, _, _ =	vpop (xrf0);
	(xrf0) =	vadd.scan.msk.s32 $0xffff, v54;
	v17 =	vadd.s32 v9, v53  }
0x3ff: {  	v57, _, _ =	vpop (xrf0);
	(xrf0) =	vadd.scan.msk.s32 $0xffff, v55;
	v17 =	vxor.u32 $0x80000000, v17  }
0x400: {  	v58, _, _ =	vpop (xrf0);
	(xrf0) =	vmax.scan.msk.u32 $0xffff, v17  }
0x401: {  	v59, _, _ =	vpop (xrf0)  }
0x402: {  	v22, _, _ =	vpop (xrf0)  }
0x403: {  	v23, _, _ =	vpop (xrf0)  }
0x404: {  	v24, _, _ =	vpop (xrf0)  }
0x405: {  	v25, _, _ =	vpop (xrf0)  }
0x406: {  	v26, _, _ =	vpop (xrf0)  }
0x407: {  	(v2sf) =	vpush v26, $0xF;
	_ =	sdelay $0xb  }
0x408: {  	v12 =	vadd.s32 v12, v56  }
0x409: {  	v13 =	vadd.s32 v45, v57  }
0x40a: {  	s26 =	sadd.s32 $0xFFFFFFA0, s25;
	v18 =	vadd.s32 v48, v58  }
0x40b: {  	[tilespmem:v10+s13+$0x0] =	vst.idx.msk vm1, v7;
	v7 =	vor.u32 s26, v0;
	v60 =	vadd.s32 v15, v59;
	s26 =	spop (v2sf)  }
0x40c: {  	[tilespmem:v11+s13+$0x0] =	vst.idx.msk vm2, v14;
	s31 =	sadd.s32 $0xFFFFFFB0, s25;
	v5 =	vadd.s32 v5, v22;
	s30 =	sadd.s32 $0x7FFFFF00, s26  }
0x40d: {  	s28 =	sadd.s32 $0xFFFFFFC0, s25;
	v61 =	vadd.s32 v8, v23;
	[tilespmem:v12+s13+$0x0] =	vst.idx.msk vm3, v7;
	v7 =	vor.u32 s31, v0;
	p0 =	sgt.u32 s30, $0xFFFFFF7E  }
0x40e: {  	s29 =	sadd.s32 $0xFFFFFFD0, s25;
	[tilespmem:v13+s13+$0x0] =	vst.idx.msk vm4, v7;
	v7 =	vor.u32 s28, v0;
	v62 =	vadd.s32 v16, v24;
	p1 =	slt.u32 @!p0 s24, $0x17  }
0x40f: {  	s28 =	sadd.s32 $0xFFFFFFE0, s25;
	[tilespmem:v18+s13+$0x0] =	vst.idx.msk vm8, v7;
	v7 =	vor.u32 s29, v0;
	v9 =	vadd.s32 v9, v25;
	p0 =	por p0, !p1  }
.Ltmp11:
0x410: {  	s29 =	sadd.s32 $0xFFFFFF90, s25;
	[tilespmem:v60+s13+$0x0] =	vst.idx.msk vm6, v7;
	v7 =	vor.u32 s28, v0;
	(pc) =	sbr.rel @!p0 .LBB2_13-.Ltmp11, $4  }
.Ltmp12:
0x411: {  	s31 =	sadd.s32 $0xFFFFFFF0, s25;
	v63 =	vor.u32 s29, v0;
	[tilespmem:v5+s13+$0x0] =	vst.idx.msk vm7, v7;
	(pc) =	sbr.rel @p0 .LBB2_16-.Ltmp12, $4  }
0x412: {  	v5 =	vor.u32 s31, v0;
	[tilespmem:v61+s13+$0x0] =	vst.idx.msk vm5, v63  }
0x413: {  	[tilespmem:v62+s13+$0x0] =	vst.idx.msk vm10, v5  }
0x414: {  	[tilespmem:v9+s13+$0x0] =	vst.idx.msk vm9, v6;
	s24 =	sadd.s32 $0x1, s24  }
0x415: {  	_ = 	snop  }
.LBB2_18:
0x416: {  	_ =	sfence.sel $0x180000  }
0x417: {  	[bflag:$0x0] =	sbarrier.arrive $0xFFFF  }
0x418: {  	p0 =	sne.s32 s1, $0x0;
	_ =	strace $0x90000047  }
0x419: {  	s0 =	sadd.s32 @!p0 $0x100000, s0;
	[bflag:$0x2] =	sbarrier.arrive $0xFFFF  }
0x41a: {  	[sflag:s0] =	ssyncadd.tile.s32 @!p0 $0x1;
	_ =	shalt  }
.Lfunc_end2:
_tile_overlayer_lowered:
.L_overlay_start_2:
0x41b: {  	(tag) =	ssettag $0x2  }
0x41c: {  	s0 =	rddreg [dreg:$0x0];
	s2 =	stileid.u32  }
0x41d: {  	s1 =	rddreg [dreg:$0x1];
	p0 =	sne.s32 s2, $0x0  }
0x41e: {  	s3 =	rddreg [dreg:$0x2];
	[bflag:$0x3] =	sbarrier.arrive $0xFFFF;
	s2 =	simm.s32 @!p0 $0x1C03  }
0x41f: {  	[timem:s3], [sflag:s2] =	dma.local @!p0 [hbm:s0], s1  }
0x420: {  	s0 =	simm.s32 @!p0 $0x3  }
0x421: {  	_ =	swait.ge @!p0 [sflag:s0], s1  }
0x422: {  	s1 =	ssub.s32 @!p0 $0x0, s1;
	[sflag:s0] =	ssyncset.done @!p0 $0x0  }
0x423: {  	[sflag:s0] =	ssyncadd.s32 @!p0 s1  }
0x424: {  	[bflag:$0x3] =	sbarrier.arrive $0xFFFF  }
0x425: {  	_ =	shalt  }

</sc_bundles>
